<compile_context>
chip_gen: v7x
topology: tpu7x:2x2x1
jax: 0.10.2.dev20260603
libtpu: 0.0.44.dev20260713+nightly
codegen_flags: <defaults>
</compile_context>

<pallas_src>
import functools

import jax
import jax.numpy as jnp
from jax import lax
from jax.experimental import pallas as pl
from jax.experimental.pallas import tpu as pltpu
from jax.experimental.pallas import tpu_sc as plsc

N_NODES = 10000
IN_CH = 128
F = 16
N_EDGES = 320000
N_IDX = 2048

NC = 2
NS = 16
NW = NC * NS

NODES_PAD = 10240
SLAB = NODES_PAD // NS
CB = 128
TOT_CH = 2560
E_PAD = TOT_CH * CB
CHW = TOT_CH // NW
IDX_PW = N_IDX // NW
NBUF = 8

_f32 = jnp.float32



def _mm1_body(x_ref, w_ref, o_ref):
    i = pl.program_id(0)
    acc = jnp.dot(x_ref[...], w_ref[...], preferred_element_type=_f32)
    rows = i * _BM + lax.broadcasted_iota(jnp.int32, (_BM, 1), 0)
    o_ref[...] = jnp.where(rows < N_NODES, acc, 0.0)


_BM = 1024

_mm1 = pl.pallas_call(
    _mm1_body,
    grid=(NODES_PAD // _BM,),
    in_specs=[
        pl.BlockSpec((_BM, IN_CH), lambda i: (i, 0)),
        pl.BlockSpec((IN_CH, F), lambda i: (0, 0)),
    ],
    out_specs=pl.BlockSpec((_BM, F), lambda i: (i, 0)),
    out_shape=jax.ShapeDtypeStruct((NODES_PAD, F), _f32),
)



_mesh = plsc.VectorSubcoreMesh(core_axis_name="c", subcore_axis_name="s")


_SC_OUT = (
    jax.ShapeDtypeStruct((NODES_PAD, F), _f32),
    jax.ShapeDtypeStruct((NODES_PAD, F), _f32),
)

_SC_SCRATCH = [
    pltpu.VMEM((CHW, CB), jnp.int32),
    pltpu.VMEM((CHW, CB), jnp.int32),
    pltpu.VMEM((NBUF, CB, F), _f32),
    pltpu.VMEM_SHARED((NODES_PAD, F), _f32),
    pltpu.VMEM_SHARED((NODES_PAD, F), _f32),
] + [pltpu.SemaphoreType.DMA] * (NBUF + 2)


def _scatter_phase(src_v, dst_v, rows_v, acc_sh, tbl_sh, gsems, c, s):
    plsc.subcore_barrier()

    for b in range(NBUF):
        pltpu.async_copy(tbl_sh.at[src_v.at[b]], rows_v.at[b], gsems[b])

    def _group(gi, _):
        for b in range(NBUF):
            j = gi * NBUF + b
            pltpu.make_async_copy(
                tbl_sh.at[src_v.at[j]], rows_v.at[b], gsems[b]).wait()
            pltpu.sync_copy(rows_v.at[b], acc_sh.at[dst_v.at[j]],
                            add=True)

            @pl.when(j + NBUF < CHW)
            def _prefetch():
                pltpu.async_copy(
                    tbl_sh.at[src_v.at[j + NBUF]], rows_v.at[b], gsems[b])
        return 0
    lax.fori_loop(0, CHW // NBUF, _group, 0)
    plsc.subcore_barrier()


@functools.partial(
    pl.kernel,
    out_type=_SC_OUT,
    mesh=_mesh,
    scratch_types=_SC_SCRATCH,
    compiler_params=pltpu.CompilerParams(use_tc_tiling_on_sc=False),
)
def _edge_scatter1(hw_hbm, ei_hbm, zeros_hbm, outa_hbm, outb_hbm,
                   src_v, dst_v, rows_v, acc_sh, tbl_sh, *gsems):
    c = lax.axis_index("c")
    s = lax.axis_index("s")
    base = (c * NS + s) * CHW
    dz = pltpu.async_copy(zeros_hbm, acc_sh.at[pl.ds(s * SLAB, SLAB)],
                          gsems[0])
    dt = pltpu.async_copy(hw_hbm.at[pl.ds(s * SLAB, SLAB)],
                          tbl_sh.at[pl.ds(s * SLAB, SLAB)], gsems[1])
    ds_ = pltpu.async_copy(ei_hbm.at[0, pl.ds(base, CHW)], src_v, gsems[2])
    dd = pltpu.async_copy(ei_hbm.at[1, pl.ds(base, CHW)], dst_v, gsems[3])
    dz.wait(); dt.wait(); ds_.wait(); dd.wait()
    _scatter_phase(src_v, dst_v, rows_v, acc_sh, tbl_sh, gsems, c, s)

    @pl.when(c == 0)
    def _exa():
        pltpu.sync_copy(acc_sh.at[pl.ds(s * SLAB, SLAB)],
                        outa_hbm.at[pl.ds(s * SLAB, SLAB)])

    @pl.when(c == 1)
    def _exb():
        pltpu.sync_copy(acc_sh.at[pl.ds(s * SLAB, SLAB)],
                        outb_hbm.at[pl.ds(s * SLAB, SLAB)])


@functools.partial(
    pl.kernel,
    out_type=jax.ShapeDtypeStruct((NC, N_IDX, F), _f32),
    mesh=_mesh,
    scratch_types=_SC_SCRATCH + [
        pltpu.VMEM((SLAB, F), _f32),
        pltpu.VMEM((SLAB, F), _f32),
        pltpu.VMEM((F, F), _f32),
    ],
    compiler_params=pltpu.CompilerParams(use_tc_tiling_on_sc=False),
)
def _edge_scatter2(h1a_hbm, h1b_hbm, w2_hbm, ei_hbm, zeros_hbm, idx_hbm,
                   outg_hbm,
                   src_v, dst_v, rows_v, acc_sh, tbl_sh, *rest):
    gsems = rest[:NBUF + 2]
    va_v, vb_v, w2_v = rest[NBUF + 2:]
    c = lax.axis_index("c")
    s = lax.axis_index("s")
    base = (c * NS + s) * CHW
    da = pltpu.async_copy(h1a_hbm.at[pl.ds(s * SLAB, SLAB)], va_v, gsems[0])
    db = pltpu.async_copy(h1b_hbm.at[pl.ds(s * SLAB, SLAB)], vb_v, gsems[1])
    dw = pltpu.async_copy(w2_hbm, w2_v, gsems[2])
    dz = pltpu.async_copy(zeros_hbm, acc_sh.at[pl.ds(s * SLAB, SLAB)],
                          gsems[3])
    ds_ = pltpu.async_copy(ei_hbm.at[0, pl.ds(base, CHW)], src_v, gsems[4])
    dd = pltpu.async_copy(ei_hbm.at[1, pl.ds(base, CHW)], dst_v, gsems[5])
    da.wait(); db.wait(); dw.wait()

    w2rows = [w2_v[k] for k in range(F)]
    kvecs = [jnp.full((F,), k, jnp.int32) for k in range(F)]

    def _one(r):
        h = jnp.maximum(va_v[r] + vb_v[r], 0.0)
        parts = []
        for p in range(4):
            acc = h[kvecs[4 * p]] * w2rows[4 * p]
            for k in range(4 * p + 1, 4 * p + 4):
                acc = acc + h[kvecs[k]] * w2rows[k]
            parts.append(acc)
        va_v[r] = (parts[0] + parts[1]) + (parts[2] + parts[3])

    def _row(r4, _):
        for u in range(4):
            _one(r4 * 4 + u)
        return 0
    lax.fori_loop(0, SLAB // 4, _row, 0)
    pltpu.sync_copy(va_v, tbl_sh.at[pl.ds(s * SLAB, SLAB)])
    dz.wait(); ds_.wait(); dd.wait()

    _scatter_phase(src_v, dst_v, rows_v, acc_sh, tbl_sh, gsems, c, s)

    ipt = N_IDX // NS
    pltpu.sync_copy(idx_hbm.at[pl.ds(s * ipt, ipt)], src_v.at[0])
    pltpu.async_copy(acc_sh.at[src_v.at[0]], rows_v.at[0],
                     gsems[0]).wait()
    pltpu.sync_copy(rows_v.at[0], outg_hbm.at[c, pl.ds(s * ipt, ipt)])



def _sum2_body(g_ref, o_ref):
    o_ref[...] = g_ref[0] + g_ref[1]


_sum2 = pl.pallas_call(
    _sum2_body,
    out_shape=jax.ShapeDtypeStruct((N_IDX, F), _f32),
)



def kernel(x, edge_index, index, W1, W2):
    pad = jnp.full((2, E_PAD - N_EDGES), N_NODES, jnp.int64)
    ei3 = jnp.concatenate([edge_index, pad], axis=1) \
             .astype(jnp.int32).reshape(2, TOT_CH, CB)
    idx32 = index.astype(jnp.int32)
    zeros_slab = jnp.zeros((SLAB, F), _f32)

    hw1 = _mm1(x, W1)
    h1a, h1b = _edge_scatter1(hw1, ei3, zeros_slab)
    g2 = _edge_scatter2(h1a, h1b, W2, ei3, zeros_slab, idx32)
    return _sum2(g2)

# --- scband reference (transcript-rebuilt; emitter-appended) ---
"""Pipeline reference for scband-gcna-41480794145156 (READ-ONLY COPY).

The authoritative reference and input builder live on the scoring server;
editing this copy changes nothing except your own understanding.
"""

import jax, jax.numpy as jnp
import numpy as np

N_NODES = 10000
IN_CH = 128
HIDDEN = 16
OUT_CH = 16
N_EDGES = 320000
N_IDX = 2048

def setup_inputs(seed: int = 0) -> dict:
    key = jax.random.key(seed)
    k1, k2, k3, k4, k5 = jax.random.split(key, 5)
    x = jax.random.normal(k1, (N_NODES, IN_CH), dtype=jnp.float32)
    edge_index = jax.random.randint(k2, (2, N_EDGES), 0, N_NODES, dtype=jnp.int64)
    index = jax.random.randint(k3, (N_IDX,), 0, N_NODES, dtype=jnp.int64)
    W1 = jax.random.normal(k4, (IN_CH, HIDDEN), dtype=jnp.float32) * (1.0 / np.sqrt(IN_CH))
    W2 = jax.random.normal(k5, (HIDDEN, OUT_CH), dtype=jnp.float32) * (1.0 / np.sqrt(HIDDEN))
    return {"x": x, "edge_index": edge_index, "index": index, "W1": W1, "W2": W2}

def _graph_conv(h, edge_index, W):
    # GraphConvAttribute: adj @ (h @ W), adj given as sparse edge list (src -> dst)
    src = edge_index[0]
    dst = edge_index[1]
    hw = h @ W
    msgs = jnp.take(hw, src, axis=0)
    return jax.ops.segment_sum(msgs, dst, num_segments=N_NODES)

def reference(x, edge_index, index, W1, W2):
    h = _graph_conv(x, edge_index, W1)
    h = jax.nn.relu(h)
    # Dropout is identity at inference time
    h = _graph_conv(h, edge_index, W2)
    out = jnp.take(h, index, axis=0)  # Gather()([h, index])
    return out

if __name__ == "__main__":
    import jax
    _d = setup_inputs()
    print(jax.jit(kernel)(*tuple(_d.values())))

</pallas_src>

<mosaic_0001>
#map = affine_map<(d0, d1) -> (0, 0)>
#map1 = affine_map<(d0, d1) -> (0, 0, 0)>
module attributes {stable_mosaic.version = 14 : i64} {
  func.func @_edge_scatter1(%arg0: i32, %arg1: i32, %arg2: memref<10240x16xf32, #tpu.memory_space<hbm>>, %arg3: memref<2x2560x128xi32, #tpu.memory_space<hbm>>, %arg4: memref<640x16xf32, #tpu.memory_space<hbm>>, %arg5: memref<10240x16xf32, #tpu.memory_space<hbm>>, %arg6: memref<10240x16xf32, #tpu.memory_space<hbm>>, %arg7: memref<80x128xi32, #tpu.memory_space<vmem>>, %arg8: memref<80x128xi32, #tpu.memory_space<vmem>>, %arg9: memref<8x128x16xf32, #tpu.memory_space<vmem>>, %arg10: memref<10240x16xf32, #tpu.memory_space<vmem_shared>>, %arg11: memref<10240x16xf32, #tpu.memory_space<vmem_shared>>, %arg12: memref<!tpu.dma_semaphore, #tpu.memory_space<semaphore_mem>>, %arg13: memref<!tpu.dma_semaphore, #tpu.memory_space<semaphore_mem>>, %arg14: memref<!tpu.dma_semaphore, #tpu.memory_space<semaphore_mem>>, %arg15: memref<!tpu.dma_semaphore, #tpu.memory_space<semaphore_mem>>, %arg16: memref<!tpu.dma_semaphore, #tpu.memory_space<semaphore_mem>>, %arg17: memref<!tpu.dma_semaphore, #tpu.memory_space<semaphore_mem>>, %arg18: memref<!tpu.dma_semaphore, #tpu.memory_space<semaphore_mem>>, %arg19: memref<!tpu.dma_semaphore, #tpu.memory_space<semaphore_mem>>, %arg20: memref<!tpu.dma_semaphore, #tpu.memory_space<semaphore_mem>>, %arg21: memref<!tpu.dma_semaphore, #tpu.memory_space<semaphore_mem>>) attributes {dimension_semantics = [#tpu.dimension_semantics<core_parallel>, #tpu.dimension_semantics<subcore_parallel>], iteration_bounds = array<i64: 2, 16>, scalar_prefetch = 0 : i64, scratch_operands = 15 : i64, tpu.core_type = #tpu.core_type<sc_vector_subcore>, window_params = [{transform_indices = #map}, {transform_indices = #map1}, {transform_indices = #map}, {transform_indices = #map}, {transform_indices = #map}]} {
    %mul3A = arith.constant 16 : i32
    %mul3A_0 = arith.muli %arg0, %mul3A : i32
    %add3A = arith.addi %mul3A_0, %arg1 : i32
    %mul3A_1 = arith.constant 80 : i32
    %mul3A_2 = arith.muli %add3A, %mul3A_1 : i32
    %mul3A_3 = arith.constant 640 : i32
    %mul3A_4 = arith.muli %arg1, %mul3A_3 : i32
    %dma_start3A = arith.constant 0 : i32
    %dma_start3A_5 = tpu.memref_slice %arg10[%mul3A_4, %dma_start3A] : memref<10240x16xf32, #tpu.memory_space<vmem_shared>> -> memref<640x16xf32, #tpu.memory_space<vmem_shared>>
    tpu.enqueue_dma source(%arg4 : memref<640x16xf32, #tpu.memory_space<hbm>>) target(%dma_start3A_5 : memref<640x16xf32, #tpu.memory_space<vmem_shared>>) target_semaphore(%arg12 : memref<!tpu.dma_semaphore, #tpu.memory_space<semaphore_mem>>)
    %mul3A_6 = arith.constant 640 : i32
    %mul3A_7 = arith.muli %arg1, %mul3A_6 : i32
    %mul3A_8 = arith.constant 640 : i32
    %mul3A_9 = arith.muli %arg1, %mul3A_8 : i32
    %dma_start3A_10 = arith.constant 0 : i32
    %dma_start3A_11 = tpu.memref_slice %arg11[%mul3A_9, %dma_start3A_10] : memref<10240x16xf32, #tpu.memory_space<vmem_shared>> -> memref<640x16xf32, #tpu.memory_space<vmem_shared>>
    %dma_start3A_12 = arith.constant 0 : i32
    %dma_start3A_13 = tpu.memref_slice %arg2[%mul3A_7, %dma_start3A_12] : memref<10240x16xf32, #tpu.memory_space<hbm>> -> memref<640x16xf32, #tpu.memory_space<hbm>>
    tpu.enqueue_dma source(%dma_start3A_13 : memref<640x16xf32, #tpu.memory_space<hbm>>) target(%dma_start3A_11 : memref<640x16xf32, #tpu.memory_space<vmem_shared>>) target_semaphore(%arg13 : memref<!tpu.dma_semaphore, #tpu.memory_space<semaphore_mem>>)
    %dma_start3A_14 = arith.constant 0 : i32
    %dma_start3A_15 = arith.constant 0 : i32
    %dma_start3A_16 = tpu.memref_slice %arg3[%dma_start3A_14, %mul3A_2, %dma_start3A_15] : memref<2x2560x128xi32, #tpu.memory_space<hbm>> -> memref<1x80x128xi32, #tpu.memory_space<hbm>>
    %dma_start3A_17 = tpu.memref_squeeze %dma_start3A_16 : memref<1x80x128xi32, #tpu.memory_space<hbm>> -> memref<80x128xi32, #tpu.memory_space<hbm>>
    %dma_start3A_18 = arith.constant 0 : i32
    %dma_start3A_19 = tpu.memref_slice %arg3[%dma_start3A_14, %mul3A_2, %dma_start3A_18] : memref<2x2560x128xi32, #tpu.memory_space<hbm>> -> memref<1x80x128xi32, #tpu.memory_space<hbm>>
    %dma_start3A_20 = tpu.memref_squeeze %dma_start3A_19 : memref<1x80x128xi32, #tpu.memory_space<hbm>> -> memref<80x128xi32, #tpu.memory_space<hbm>>
    tpu.enqueue_dma source(%dma_start3A_20 : memref<80x128xi32, #tpu.memory_space<hbm>>) target(%arg7 : memref<80x128xi32, #tpu.memory_space<vmem>>) target_semaphore(%arg14 : memref<!tpu.dma_semaphore, #tpu.memory_space<semaphore_mem>>)
    %dma_start3A_21 = arith.constant 1 : i32
    %dma_start3A_22 = arith.constant 0 : i32
    %dma_start3A_23 = tpu.memref_slice %arg3[%dma_start3A_21, %mul3A_2, %dma_start3A_22] : memref<2x2560x128xi32, #tpu.memory_space<hbm>> -> memref<1x80x128xi32, #tpu.memory_space<hbm>>
    %dma_start3A_24 = tpu.memref_squeeze %dma_start3A_23 : memref<1x80x128xi32, #tpu.memory_space<hbm>> -> memref<80x128xi32, #tpu.memory_space<hbm>>
    %dma_start3A_25 = arith.constant 0 : i32
    %dma_start3A_26 = tpu.memref_slice %arg3[%dma_start3A_21, %mul3A_2, %dma_start3A_25] : memref<2x2560x128xi32, #tpu.memory_space<hbm>> -> memref<1x80x128xi32, #tpu.memory_space<hbm>>
    %dma_start3A_27 = tpu.memref_squeeze %dma_start3A_26 : memref<1x80x128xi32, #tpu.memory_space<hbm>> -> memref<80x128xi32, #tpu.memory_space<hbm>>
    tpu.enqueue_dma source(%dma_start3A_27 : memref<80x128xi32, #tpu.memory_space<hbm>>) target(%arg8 : memref<80x128xi32, #tpu.memory_space<vmem>>) target_semaphore(%arg15 : memref<!tpu.dma_semaphore, #tpu.memory_space<semaphore_mem>>)
    %dma_wait3A = arith.constant 0 : i32
    %dma_wait3A_28 = tpu.memref_slice %arg10[%mul3A_4, %dma_wait3A] : memref<10240x16xf32, #tpu.memory_space<vmem_shared>> -> memref<640x16xf32, #tpu.memory_space<vmem_shared>>
    tpu.wait_dma2 semaphore(%arg12 : memref<!tpu.dma_semaphore, #tpu.memory_space<semaphore_mem>>) src(%arg4 : memref<640x16xf32, #tpu.memory_space<hbm>>) dst(%dma_wait3A_28 : memref<640x16xf32, #tpu.memory_space<vmem_shared>>)
    %dma_wait3A_29 = arith.constant 0 : i32
    %dma_wait3A_30 = tpu.memref_slice %arg11[%mul3A_9, %dma_wait3A_29] : memref<10240x16xf32, #tpu.memory_space<vmem_shared>> -> memref<640x16xf32, #tpu.memory_space<vmem_shared>>
    %dma_wait3A_31 = arith.constant 0 : i32
    %dma_wait3A_32 = tpu.memref_slice %arg2[%mul3A_7, %dma_wait3A_31] : memref<10240x16xf32, #tpu.memory_space<hbm>> -> memref<640x16xf32, #tpu.memory_space<hbm>>
    tpu.wait_dma2 semaphore(%arg13 : memref<!tpu.dma_semaphore, #tpu.memory_space<semaphore_mem>>) src(%dma_wait3A_32 : memref<640x16xf32, #tpu.memory_space<hbm>>) dst(%dma_wait3A_30 : memref<640x16xf32, #tpu.memory_space<vmem_shared>>)
    %dma_wait3A_33 = arith.constant 0 : i32
    %dma_wait3A_34 = arith.constant 0 : i32
    %dma_wait3A_35 = tpu.memref_slice %arg3[%dma_wait3A_33, %mul3A_2, %dma_wait3A_34] : memref<2x2560x128xi32, #tpu.memory_space<hbm>> -> memref<1x80x128xi32, #tpu.memory_space<hbm>>
    %dma_wait3A_36 = tpu.memref_squeeze %dma_wait3A_35 : memref<1x80x128xi32, #tpu.memory_space<hbm>> -> memref<80x128xi32, #tpu.memory_space<hbm>>
    %dma_wait3A_37 = arith.constant 0 : i32
    %dma_wait3A_38 = tpu.memref_slice %arg3[%dma_wait3A_33, %mul3A_2, %dma_wait3A_37] : memref<2x2560x128xi32, #tpu.memory_space<hbm>> -> memref<1x80x128xi32, #tpu.memory_space<hbm>>
    %dma_wait3A_39 = tpu.memref_squeeze %dma_wait3A_38 : memref<1x80x128xi32, #tpu.memory_space<hbm>> -> memref<80x128xi32, #tpu.memory_space<hbm>>
    tpu.wait_dma2 semaphore(%arg14 : memref<!tpu.dma_semaphore, #tpu.memory_space<semaphore_mem>>) src(%dma_wait3A_39 : memref<80x128xi32, #tpu.memory_space<hbm>>) dst(%arg7 : memref<80x128xi32, #tpu.memory_space<vmem>>)
    %dma_wait3A_40 = arith.constant 1 : i32
    %dma_wait3A_41 = arith.constant 0 : i32
    %dma_wait3A_42 = tpu.memref_slice %arg3[%dma_wait3A_40, %mul3A_2, %dma_wait3A_41] : memref<2x2560x128xi32, #tpu.memory_space<hbm>> -> memref<1x80x128xi32, #tpu.memory_space<hbm>>
    %dma_wait3A_43 = tpu.memref_squeeze %dma_wait3A_42 : memref<1x80x128xi32, #tpu.memory_space<hbm>> -> memref<80x128xi32, #tpu.memory_space<hbm>>
    %dma_wait3A_44 = arith.constant 0 : i32
    %dma_wait3A_45 = tpu.memref_slice %arg3[%dma_wait3A_40, %mul3A_2, %dma_wait3A_44] : memref<2x2560x128xi32, #tpu.memory_space<hbm>> -> memref<1x80x128xi32, #tpu.memory_space<hbm>>
    %dma_wait3A_46 = tpu.memref_squeeze %dma_wait3A_45 : memref<1x80x128xi32, #tpu.memory_space<hbm>> -> memref<80x128xi32, #tpu.memory_space<hbm>>
    tpu.wait_dma2 semaphore(%arg15 : memref<!tpu.dma_semaphore, #tpu.memory_space<semaphore_mem>>) src(%dma_wait3A_46 : memref<80x128xi32, #tpu.memory_space<hbm>>) dst(%arg8 : memref<80x128xi32, #tpu.memory_space<vmem>>)
    %barrier3A = arith.constant 0 : index
    tpu.barrier barrier_id(%barrier3A)
    %dma_start3A_47 = arith.constant 0 : i32
    %dma_start3A_48 = arith.constant 0 : i32
    %dma_start3A_49 = arith.constant 0 : i32
    %dma_start3A_50 = arith.constant 0 : i32
    %dma_start3A_51 = tpu.memref_slice %arg9[%dma_start3A_48, %dma_start3A_49, %dma_start3A_50] : memref<8x128x16xf32, #tpu.memory_space<vmem>> -> memref<1x128x16xf32, #tpu.memory_space<vmem>>
    %dma_start3A_52 = tpu.memref_squeeze %dma_start3A_51 : memref<1x128x16xf32, #tpu.memory_space<vmem>> -> memref<128x16xf32, #tpu.memory_space<vmem>>
    %dma_start3A_53 = arith.constant 0 : i32
    %dma_start3A_54 = tpu.memref_slice %arg7[%dma_start3A_47, %dma_start3A_53] : memref<80x128xi32, #tpu.memory_space<vmem>> -> memref<1x128xi32, #tpu.memory_space<vmem>>
    %dma_start3A_55 = tpu.memref_squeeze %dma_start3A_54 : memref<1x128xi32, #tpu.memory_space<vmem>> -> memref<128xi32, #tpu.memory_space<vmem>>
    %dma_start3A_56 = arith.constant 0 : i32
    %dma_start3A_57 = arith.constant 0 : i32
    %dma_start3A_58 = tpu.memref_slice %arg11[%dma_start3A_56, %dma_start3A_57] : memref<10240x16xf32, #tpu.memory_space<vmem_shared>> -> memref<10240x16xf32, #tpu.memory_space<vmem_shared>>
    tpu.enqueue_indirect_dma source(%dma_start3A_58 : memref<10240x16xf32, #tpu.memory_space<vmem_shared>>) target(%dma_start3A_52 : memref<128x16xf32, #tpu.memory_space<vmem>>) offsets(%dma_start3A_55 : memref<128xi32, #tpu.memory_space<vmem>>) semaphore(%arg12 : memref<!tpu.dma_semaphore, #tpu.memory_space<semaphore_mem>>)
    %dma_start3A_59 = arith.constant 1 : i32
    %dma_start3A_60 = arith.constant 1 : i32
    %dma_start3A_61 = arith.constant 0 : i32
    %dma_start3A_62 = arith.constant 0 : i32
    %dma_start3A_63 = tpu.memref_slice %arg9[%dma_start3A_60, %dma_start3A_61, %dma_start3A_62] : memref<8x128x16xf32, #tpu.memory_space<vmem>> -> memref<1x128x16xf32, #tpu.memory_space<vmem>>
    %dma_start3A_64 = tpu.memref_squeeze %dma_start3A_63 : memref<1x128x16xf32, #tpu.memory_space<vmem>> -> memref<128x16xf32, #tpu.memory_space<vmem>>
    %dma_start3A_65 = arith.constant 0 : i32
    %dma_start3A_66 = tpu.memref_slice %arg7[%dma_start3A_59, %dma_start3A_65] : memref<80x128xi32, #tpu.memory_space<vmem>> -> memref<1x128xi32, #tpu.memory_space<vmem>>
    %dma_start3A_67 = tpu.memref_squeeze %dma_start3A_66 : memref<1x128xi32, #tpu.memory_space<vmem>> -> memref<128xi32, #tpu.memory_space<vmem>>
    %dma_start3A_68 = arith.constant 0 : i32
    %dma_start3A_69 = arith.constant 0 : i32
    %dma_start3A_70 = tpu.memref_slice %arg11[%dma_start3A_68, %dma_start3A_69] : memref<10240x16xf32, #tpu.memory_space<vmem_shared>> -> memref<10240x16xf32, #tpu.memory_space<vmem_shared>>
    tpu.enqueue_indirect_dma source(%dma_start3A_70 : memref<10240x16xf32, #tpu.memory_space<vmem_shared>>) target(%dma_start3A_64 : memref<128x16xf32, #tpu.memory_space<vmem>>) offsets(%dma_start3A_67 : memref<128xi32, #tpu.memory_space<vmem>>) semaphore(%arg13 : memref<!tpu.dma_semaphore, #tpu.memory_space<semaphore_mem>>)
    %dma_start3A_71 = arith.constant 2 : i32
    %dma_start3A_72 = arith.constant 2 : i32
    %dma_start3A_73 = arith.constant 0 : i32
    %dma_start3A_74 = arith.constant 0 : i32
    %dma_start3A_75 = tpu.memref_slice %arg9[%dma_start3A_72, %dma_start3A_73, %dma_start3A_74] : memref<8x128x16xf32, #tpu.memory_space<vmem>> -> memref<1x128x16xf32, #tpu.memory_space<vmem>>
    %dma_start3A_76 = tpu.memref_squeeze %dma_start3A_75 : memref<1x128x16xf32, #tpu.memory_space<vmem>> -> memref<128x16xf32, #tpu.memory_space<vmem>>
    %dma_start3A_77 = arith.constant 0 : i32
    %dma_start3A_78 = tpu.memref_slice %arg7[%dma_start3A_71, %dma_start3A_77] : memref<80x128xi32, #tpu.memory_space<vmem>> -> memref<1x128xi32, #tpu.memory_space<vmem>>
    %dma_start3A_79 = tpu.memref_squeeze %dma_start3A_78 : memref<1x128xi32, #tpu.memory_space<vmem>> -> memref<128xi32, #tpu.memory_space<vmem>>
    %dma_start3A_80 = arith.constant 0 : i32
    %dma_start3A_81 = arith.constant 0 : i32
    %dma_start3A_82 = tpu.memref_slice %arg11[%dma_start3A_80, %dma_start3A_81] : memref<10240x16xf32, #tpu.memory_space<vmem_shared>> -> memref<10240x16xf32, #tpu.memory_space<vmem_shared>>
    tpu.enqueue_indirect_dma source(%dma_start3A_82 : memref<10240x16xf32, #tpu.memory_space<vmem_shared>>) target(%dma_start3A_76 : memref<128x16xf32, #tpu.memory_space<vmem>>) offsets(%dma_start3A_79 : memref<128xi32, #tpu.memory_space<vmem>>) semaphore(%arg14 : memref<!tpu.dma_semaphore, #tpu.memory_space<semaphore_mem>>)
    %dma_start3A_83 = arith.constant 3 : i32
    %dma_start3A_84 = arith.constant 3 : i32
    %dma_start3A_85 = arith.constant 0 : i32
    %dma_start3A_86 = arith.constant 0 : i32
    %dma_start3A_87 = tpu.memref_slice %arg9[%dma_start3A_84, %dma_start3A_85, %dma_start3A_86] : memref<8x128x16xf32, #tpu.memory_space<vmem>> -> memref<1x128x16xf32, #tpu.memory_space<vmem>>
    %dma_start3A_88 = tpu.memref_squeeze %dma_start3A_87 : memref<1x128x16xf32, #tpu.memory_space<vmem>> -> memref<128x16xf32, #tpu.memory_space<vmem>>
    %dma_start3A_89 = arith.constant 0 : i32
    %dma_start3A_90 = tpu.memref_slice %arg7[%dma_start3A_83, %dma_start3A_89] : memref<80x128xi32, #tpu.memory_space<vmem>> -> memref<1x128xi32, #tpu.memory_space<vmem>>
    %dma_start3A_91 = tpu.memref_squeeze %dma_start3A_90 : memref<1x128xi32, #tpu.memory_space<vmem>> -> memref<128xi32, #tpu.memory_space<vmem>>
    %dma_start3A_92 = arith.constant 0 : i32
    %dma_start3A_93 = arith.constant 0 : i32
    %dma_start3A_94 = tpu.memref_slice %arg11[%dma_start3A_92, %dma_start3A_93] : memref<10240x16xf32, #tpu.memory_space<vmem_shared>> -> memref<10240x16xf32, #tpu.memory_space<vmem_shared>>
    tpu.enqueue_indirect_dma source(%dma_start3A_94 : memref<10240x16xf32, #tpu.memory_space<vmem_shared>>) target(%dma_start3A_88 : memref<128x16xf32, #tpu.memory_space<vmem>>) offsets(%dma_start3A_91 : memref<128xi32, #tpu.memory_space<vmem>>) semaphore(%arg15 : memref<!tpu.dma_semaphore, #tpu.memory_space<semaphore_mem>>)
    %dma_start3A_95 = arith.constant 4 : i32
    %dma_start3A_96 = arith.constant 4 : i32
    %dma_start3A_97 = arith.constant 0 : i32
    %dma_start3A_98 = arith.constant 0 : i32
    %dma_start3A_99 = tpu.memref_slice %arg9[%dma_start3A_96, %dma_start3A_97, %dma_start3A_98] : memref<8x128x16xf32, #tpu.memory_space<vmem>> -> memref<1x128x16xf32, #tpu.memory_space<vmem>>
    %dma_start3A_100 = tpu.memref_squeeze %dma_start3A_99 : memref<1x128x16xf32, #tpu.memory_space<vmem>> -> memref<128x16xf32, #tpu.memory_space<vmem>>
    %dma_start3A_101 = arith.constant 0 : i32
    %dma_start3A_102 = tpu.memref_slice %arg7[%dma_start3A_95, %dma_start3A_101] : memref<80x128xi32, #tpu.memory_space<vmem>> -> memref<1x128xi32, #tpu.memory_space<vmem>>
    %dma_start3A_103 = tpu.memref_squeeze %dma_start3A_102 : memref<1x128xi32, #tpu.memory_space<vmem>> -> memref<128xi32, #tpu.memory_space<vmem>>
    %dma_start3A_104 = arith.constant 0 : i32
    %dma_start3A_105 = arith.constant 0 : i32
    %dma_start3A_106 = tpu.memref_slice %arg11[%dma_start3A_104, %dma_start3A_105] : memref<10240x16xf32, #tpu.memory_space<vmem_shared>> -> memref<10240x16xf32, #tpu.memory_space<vmem_shared>>
    tpu.enqueue_indirect_dma source(%dma_start3A_106 : memref<10240x16xf32, #tpu.memory_space<vmem_shared>>) target(%dma_start3A_100 : memref<128x16xf32, #tpu.memory_space<vmem>>) offsets(%dma_start3A_103 : memref<128xi32, #tpu.memory_space<vmem>>) semaphore(%arg16 : memref<!tpu.dma_semaphore, #tpu.memory_space<semaphore_mem>>)
    %dma_start3A_107 = arith.constant 5 : i32
    %dma_start3A_108 = arith.constant 5 : i32
    %dma_start3A_109 = arith.constant 0 : i32
    %dma_start3A_110 = arith.constant 0 : i32
    %dma_start3A_111 = tpu.memref_slice %arg9[%dma_start3A_108, %dma_start3A_109, %dma_start3A_110] : memref<8x128x16xf32, #tpu.memory_space<vmem>> -> memref<1x128x16xf32, #tpu.memory_space<vmem>>
    %dma_start3A_112 = tpu.memref_squeeze %dma_start3A_111 : memref<1x128x16xf32, #tpu.memory_space<vmem>> -> memref<128x16xf32, #tpu.memory_space<vmem>>
    %dma_start3A_113 = arith.constant 0 : i32
    %dma_start3A_114 = tpu.memref_slice %arg7[%dma_start3A_107, %dma_start3A_113] : memref<80x128xi32, #tpu.memory_space<vmem>> -> memref<1x128xi32, #tpu.memory_space<vmem>>
    %dma_start3A_115 = tpu.memref_squeeze %dma_start3A_114 : memref<1x128xi32, #tpu.memory_space<vmem>> -> memref<128xi32, #tpu.memory_space<vmem>>
    %dma_start3A_116 = arith.constant 0 : i32
    %dma_start3A_117 = arith.constant 0 : i32
    %dma_start3A_118 = tpu.memref_slice %arg11[%dma_start3A_116, %dma_start3A_117] : memref<10240x16xf32, #tpu.memory_space<vmem_shared>> -> memref<10240x16xf32, #tpu.memory_space<vmem_shared>>
    tpu.enqueue_indirect_dma source(%dma_start3A_118 : memref<10240x16xf32, #tpu.memory_space<vmem_shared>>) target(%dma_start3A_112 : memref<128x16xf32, #tpu.memory_space<vmem>>) offsets(%dma_start3A_115 : memref<128xi32, #tpu.memory_space<vmem>>) semaphore(%arg17 : memref<!tpu.dma_semaphore, #tpu.memory_space<semaphore_mem>>)
    %dma_start3A_119 = arith.constant 6 : i32
    %dma_start3A_120 = arith.constant 6 : i32
    %dma_start3A_121 = arith.constant 0 : i32
    %dma_start3A_122 = arith.constant 0 : i32
    %dma_start3A_123 = tpu.memref_slice %arg9[%dma_start3A_120, %dma_start3A_121, %dma_start3A_122] : memref<8x128x16xf32, #tpu.memory_space<vmem>> -> memref<1x128x16xf32, #tpu.memory_space<vmem>>
    %dma_start3A_124 = tpu.memref_squeeze %dma_start3A_123 : memref<1x128x16xf32, #tpu.memory_space<vmem>> -> memref<128x16xf32, #tpu.memory_space<vmem>>
    %dma_start3A_125 = arith.constant 0 : i32
    %dma_start3A_126 = tpu.memref_slice %arg7[%dma_start3A_119, %dma_start3A_125] : memref<80x128xi32, #tpu.memory_space<vmem>> -> memref<1x128xi32, #tpu.memory_space<vmem>>
    %dma_start3A_127 = tpu.memref_squeeze %dma_start3A_126 : memref<1x128xi32, #tpu.memory_space<vmem>> -> memref<128xi32, #tpu.memory_space<vmem>>
    %dma_start3A_128 = arith.constant 0 : i32
    %dma_start3A_129 = arith.constant 0 : i32
    %dma_start3A_130 = tpu.memref_slice %arg11[%dma_start3A_128, %dma_start3A_129] : memref<10240x16xf32, #tpu.memory_space<vmem_shared>> -> memref<10240x16xf32, #tpu.memory_space<vmem_shared>>
    tpu.enqueue_indirect_dma source(%dma_start3A_130 : memref<10240x16xf32, #tpu.memory_space<vmem_shared>>) target(%dma_start3A_124 : memref<128x16xf32, #tpu.memory_space<vmem>>) offsets(%dma_start3A_127 : memref<128xi32, #tpu.memory_space<vmem>>) semaphore(%arg18 : memref<!tpu.dma_semaphore, #tpu.memory_space<semaphore_mem>>)
    %dma_start3A_131 = arith.constant 7 : i32
    %dma_start3A_132 = arith.constant 7 : i32
    %dma_start3A_133 = arith.constant 0 : i32
    %dma_start3A_134 = arith.constant 0 : i32
    %dma_start3A_135 = tpu.memref_slice %arg9[%dma_start3A_132, %dma_start3A_133, %dma_start3A_134] : memref<8x128x16xf32, #tpu.memory_space<vmem>> -> memref<1x128x16xf32, #tpu.memory_space<vmem>>
    %dma_start3A_136 = tpu.memref_squeeze %dma_start3A_135 : memref<1x128x16xf32, #tpu.memory_space<vmem>> -> memref<128x16xf32, #tpu.memory_space<vmem>>
    %dma_start3A_137 = arith.constant 0 : i32
    %dma_start3A_138 = tpu.memref_slice %arg7[%dma_start3A_131, %dma_start3A_137] : memref<80x128xi32, #tpu.memory_space<vmem>> -> memref<1x128xi32, #tpu.memory_space<vmem>>
    %dma_start3A_139 = tpu.memref_squeeze %dma_start3A_138 : memref<1x128xi32, #tpu.memory_space<vmem>> -> memref<128xi32, #tpu.memory_space<vmem>>
    %dma_start3A_140 = arith.constant 0 : i32
    %dma_start3A_141 = arith.constant 0 : i32
    %dma_start3A_142 = tpu.memref_slice %arg11[%dma_start3A_140, %dma_start3A_141] : memref<10240x16xf32, #tpu.memory_space<vmem_shared>> -> memref<10240x16xf32, #tpu.memory_space<vmem_shared>>
    tpu.enqueue_indirect_dma source(%dma_start3A_142 : memref<10240x16xf32, #tpu.memory_space<vmem_shared>>) target(%dma_start3A_136 : memref<128x16xf32, #tpu.memory_space<vmem>>) offsets(%dma_start3A_139 : memref<128xi32, #tpu.memory_space<vmem>>) semaphore(%arg19 : memref<!tpu.dma_semaphore, #tpu.memory_space<semaphore_mem>>)
    %scan3A = arith.constant 0 : i32
    %scan3A_143 = arith.constant 0 : i32
    %scan3A_144 = arith.constant 10 : i32
    %scan3A_145 = arith.addi %scan3A_143, %scan3A_144 : i32
    %scan3A_146 = arith.constant 1 : i32
    %scan3A_147 = scf.for %scan3A_157 = %scan3A_143 to %scan3A_145 step %scan3A_146 iter_args(%scan3A_158 = %scan3A) -> (i32)  : i32 {
      %mul3A_159 = arith.constant 8 : i32
      %mul3A_160 = arith.muli %scan3A_157, %mul3A_159 : i32
      %add3A_161 = arith.constant 0 : i32
      %add3A_162 = arith.addi %mul3A_160, %add3A_161 : i32
      %dma_wait3A_163 = arith.constant 0 : i32
      %dma_wait3A_164 = arith.constant 0 : i32
      %dma_wait3A_165 = arith.constant 0 : i32
      %dma_wait3A_166 = tpu.memref_slice %arg9[%dma_wait3A_163, %dma_wait3A_164, %dma_wait3A_165] : memref<8x128x16xf32, #tpu.memory_space<vmem>> -> memref<1x128x16xf32, #tpu.memory_space<vmem>>
      %dma_wait3A_167 = tpu.memref_squeeze %dma_wait3A_166 : memref<1x128x16xf32, #tpu.memory_space<vmem>> -> memref<128x16xf32, #tpu.memory_space<vmem>>
      %dma_wait3A_168 = arith.constant 0 : i32
      %dma_wait3A_169 = tpu.memref_slice %arg7[%add3A_162, %dma_wait3A_168] : memref<80x128xi32, #tpu.memory_space<vmem>> -> memref<1x128xi32, #tpu.memory_space<vmem>>
      %dma_wait3A_170 = tpu.memref_squeeze %dma_wait3A_169 : memref<1x128xi32, #tpu.memory_space<vmem>> -> memref<128xi32, #tpu.memory_space<vmem>>
      %dma_wait3A_171 = arith.constant 0 : i32
      %dma_wait3A_172 = arith.constant 0 : i32
      %dma_wait3A_173 = tpu.memref_slice %arg11[%dma_wait3A_171, %dma_wait3A_172] : memref<10240x16xf32, #tpu.memory_space<vmem_shared>> -> memref<10240x16xf32, #tpu.memory_space<vmem_shared>>
      tpu.wait_indirect_dma semaphore(%arg12 : memref<!tpu.dma_semaphore, #tpu.memory_space<semaphore_mem>>) src(%dma_wait3A_173 : memref<10240x16xf32, #tpu.memory_space<vmem_shared>>) dst(%dma_wait3A_167 : memref<128x16xf32, #tpu.memory_space<vmem>>)
      %run_scoped3A = arith.constant 0 : i32
      "tpu.region"() ({
        %run_scoped3A_342 = tpu.sem_alloc : memref<!tpu.dma_semaphore, #tpu.memory_space<semaphore_mem>>
        %dma_start3A_343 = arith.constant 0 : i32
        %dma_start3A_344 = arith.constant 0 : i32
        %dma_start3A_345 = tpu.memref_slice %arg9[%run_scoped3A, %dma_start3A_343, %dma_start3A_344] : memref<8x128x16xf32, #tpu.memory_space<vmem>> -> memref<1x128x16xf32, #tpu.memory_space<vmem>>
        %dma_start3A_346 = tpu.memref_squeeze %dma_start3A_345 : memref<1x128x16xf32, #tpu.memory_space<vmem>> -> memref<128x16xf32, #tpu.memory_space<vmem>>
        %dma_start3A_347 = arith.constant 0 : i32
        %dma_start3A_348 = tpu.memref_slice %arg8[%add3A_162, %dma_start3A_347] : memref<80x128xi32, #tpu.memory_space<vmem>> -> memref<1x128xi32, #tpu.memory_space<vmem>>
        %dma_start3A_349 = tpu.memref_squeeze %dma_start3A_348 : memref<1x128xi32, #tpu.memory_space<vmem>> -> memref<128xi32, #tpu.memory_space<vmem>>
        %dma_start3A_350 = arith.constant 0 : i32
        %dma_start3A_351 = arith.constant 0 : i32
        %dma_start3A_352 = tpu.memref_slice %arg10[%dma_start3A_350, %dma_start3A_351] : memref<10240x16xf32, #tpu.memory_space<vmem_shared>> -> memref<10240x16xf32, #tpu.memory_space<vmem_shared>>
        tpu.enqueue_indirect_dma source(%dma_start3A_346 : memref<128x16xf32, #tpu.memory_space<vmem>>) target(%dma_start3A_352 : memref<10240x16xf32, #tpu.memory_space<vmem_shared>>) offsets(%dma_start3A_349 : memref<128xi32, #tpu.memory_space<vmem>>) semaphore(%run_scoped3A_342 : memref<!tpu.dma_semaphore, #tpu.memory_space<semaphore_mem>>) {add = true}
        %dma_wait3A_353 = arith.constant 0 : i32
        %dma_wait3A_354 = arith.constant 0 : i32
        %dma_wait3A_355 = tpu.memref_slice %arg9[%run_scoped3A, %dma_wait3A_353, %dma_wait3A_354] : memref<8x128x16xf32, #tpu.memory_space<vmem>> -> memref<1x128x16xf32, #tpu.memory_space<vmem>>
        %dma_wait3A_356 = tpu.memref_squeeze %dma_wait3A_355 : memref<1x128x16xf32, #tpu.memory_space<vmem>> -> memref<128x16xf32, #tpu.memory_space<vmem>>
        %dma_wait3A_357 = arith.constant 0 : i32
        %dma_wait3A_358 = tpu.memref_slice %arg8[%add3A_162, %dma_wait3A_357] : memref<80x128xi32, #tpu.memory_space<vmem>> -> memref<1x128xi32, #tpu.memory_space<vmem>>
        %dma_wait3A_359 = tpu.memref_squeeze %dma_wait3A_358 : memref<1x128xi32, #tpu.memory_space<vmem>> -> memref<128xi32, #tpu.memory_space<vmem>>
        %dma_wait3A_360 = arith.constant 0 : i32
        %dma_wait3A_361 = arith.constant 0 : i32
        %dma_wait3A_362 = tpu.memref_slice %arg10[%dma_wait3A_360, %dma_wait3A_361] : memref<10240x16xf32, #tpu.memory_space<vmem_shared>> -> memref<10240x16xf32, #tpu.memory_space<vmem_shared>>
        tpu.wait_indirect_dma semaphore(%run_scoped3A_342 : memref<!tpu.dma_semaphore, #tpu.memory_space<semaphore_mem>>) src(%dma_wait3A_356 : memref<128x16xf32, #tpu.memory_space<vmem>>) dst(%dma_wait3A_362 : memref<10240x16xf32, #tpu.memory_space<vmem_shared>>)
        tpu.yield
      }) : () -> ()
      %add3A_174 = arith.constant 8 : i32
      %add3A_175 = arith.addi %add3A_162, %add3A_174 : i32
      %lt3A = arith.constant 80 : i32
      %lt3A_176 = arith.cmpi slt, %add3A_175, %lt3A : i32
      %convert_element_type3A_177 = arith.extui %lt3A_176 : i1 to i32
      %cond3A_178 = arith.constant 0 : i32
      %cond3A_179 = arith.cmpi ne, %convert_element_type3A_177, %cond3A_178 : i32
      scf.if %cond3A_179 {
        %add3A_342 = arith.constant 8 : i32
        %add3A_343 = arith.addi %add3A_162, %add3A_342 : i32
        %dma_start3A_344 = arith.constant 0 : i32
        %dma_start3A_345 = arith.constant 0 : i32
        %dma_start3A_346 = arith.constant 0 : i32
        %dma_start3A_347 = tpu.memref_slice %arg9[%dma_start3A_344, %dma_start3A_345, %dma_start3A_346] : memref<8x128x16xf32, #tpu.memory_space<vmem>> -> memref<1x128x16xf32, #tpu.memory_space<vmem>>
        %dma_start3A_348 = tpu.memref_squeeze %dma_start3A_347 : memref<1x128x16xf32, #tpu.memory_space<vmem>> -> memref<128x16xf32, #tpu.memory_space<vmem>>
        %dma_start3A_349 = arith.constant 0 : i32
        %dma_start3A_350 = tpu.memref_slice %arg7[%add3A_343, %dma_start3A_349] : memref<80x128xi32, #tpu.memory_space<vmem>> -> memref<1x128xi32, #tpu.memory_space<vmem>>
        %dma_start3A_351 = tpu.memref_squeeze %dma_start3A_350 : memref<1x128xi32, #tpu.memory_space<vmem>> -> memref<128xi32, #tpu.memory_space<vmem>>
        %dma_start3A_352 = arith.constant 0 : i32
        %dma_start3A_353 = arith.constant 0 : i32
        %dma_start3A_354 = tpu.memref_slice %arg11[%dma_start3A_352, %dma_start3A_353] : memref<10240x16xf32, #tpu.memory_space<vmem_shared>> -> memref<10240x16xf32, #tpu.memory_space<vmem_shared>>
        tpu.enqueue_indirect_dma source(%dma_start3A_354 : memref<10240x16xf32, #tpu.memory_space<vmem_shared>>) target(%dma_start3A_348 : memref<128x16xf32, #tpu.memory_space<vmem>>) offsets(%dma_start3A_351 : memref<128xi32, #tpu.memory_space<vmem>>) semaphore(%arg12 : memref<!tpu.dma_semaphore, #tpu.memory_space<semaphore_mem>>)
      } else {
      }
      %mul3A_180 = arith.constant 8 : i32
      %mul3A_181 = arith.muli %scan3A_157, %mul3A_180 : i32
      %add3A_182 = arith.constant 1 : i32
      %add3A_183 = arith.addi %mul3A_181, %add3A_182 : i32
      %dma_wait3A_184 = arith.constant 1 : i32
      %dma_wait3A_185 = arith.constant 0 : i32
      %dma_wait3A_186 = arith.constant 0 : i32
      %dma_wait3A_187 = tpu.memref_slice %arg9[%dma_wait3A_184, %dma_wait3A_185, %dma_wait3A_186] : memref<8x128x16xf32, #tpu.memory_space<vmem>> -> memref<1x128x16xf32, #tpu.memory_space<vmem>>
      %dma_wait3A_188 = tpu.memref_squeeze %dma_wait3A_187 : memref<1x128x16xf32, #tpu.memory_space<vmem>> -> memref<128x16xf32, #tpu.memory_space<vmem>>
      %dma_wait3A_189 = arith.constant 0 : i32
      %dma_wait3A_190 = tpu.memref_slice %arg7[%add3A_183, %dma_wait3A_189] : memref<80x128xi32, #tpu.memory_space<vmem>> -> memref<1x128xi32, #tpu.memory_space<vmem>>
      %dma_wait3A_191 = tpu.memref_squeeze %dma_wait3A_190 : memref<1x128xi32, #tpu.memory_space<vmem>> -> memref<128xi32, #tpu.memory_space<vmem>>
      %dma_wait3A_192 = arith.constant 0 : i32
      %dma_wait3A_193 = arith.constant 0 : i32
      %dma_wait3A_194 = tpu.memref_slice %arg11[%dma_wait3A_192, %dma_wait3A_193] : memref<10240x16xf32, #tpu.memory_space<vmem_shared>> -> memref<10240x16xf32, #tpu.memory_space<vmem_shared>>
      tpu.wait_indirect_dma semaphore(%arg13 : memref<!tpu.dma_semaphore, #tpu.memory_space<semaphore_mem>>) src(%dma_wait3A_194 : memref<10240x16xf32, #tpu.memory_space<vmem_shared>>) dst(%dma_wait3A_188 : memref<128x16xf32, #tpu.memory_space<vmem>>)
      %run_scoped3A_195 = arith.constant 1 : i32
      "tpu.region"() ({
        %run_scoped3A_342 = tpu.sem_alloc : memref<!tpu.dma_semaphore, #tpu.memory_space<semaphore_mem>>
        %dma_start3A_343 = arith.constant 0 : i32
        %dma_start3A_344 = arith.constant 0 : i32
        %dma_start3A_345 = tpu.memref_slice %arg9[%run_scoped3A_195, %dma_start3A_343, %dma_start3A_344] : memref<8x128x16xf32, #tpu.memory_space<vmem>> -> memref<1x128x16xf32, #tpu.memory_space<vmem>>
        %dma_start3A_346 = tpu.memref_squeeze %dma_start3A_345 : memref<1x128x16xf32, #tpu.memory_space<vmem>> -> memref<128x16xf32, #tpu.memory_space<vmem>>
        %dma_start3A_347 = arith.constant 0 : i32
        %dma_start3A_348 = tpu.memref_slice %arg8[%add3A_183, %dma_start3A_347] : memref<80x128xi32, #tpu.memory_space<vmem>> -> memref<1x128xi32, #tpu.memory_space<vmem>>
        %dma_start3A_349 = tpu.memref_squeeze %dma_start3A_348 : memref<1x128xi32, #tpu.memory_space<vmem>> -> memref<128xi32, #tpu.memory_space<vmem>>
        %dma_start3A_350 = arith.constant 0 : i32
        %dma_start3A_351 = arith.constant 0 : i32
        %dma_start3A_352 = tpu.memref_slice %arg10[%dma_start3A_350, %dma_start3A_351] : memref<10240x16xf32, #tpu.memory_space<vmem_shared>> -> memref<10240x16xf32, #tpu.memory_space<vmem_shared>>
        tpu.enqueue_indirect_dma source(%dma_start3A_346 : memref<128x16xf32, #tpu.memory_space<vmem>>) target(%dma_start3A_352 : memref<10240x16xf32, #tpu.memory_space<vmem_shared>>) offsets(%dma_start3A_349 : memref<128xi32, #tpu.memory_space<vmem>>) semaphore(%run_scoped3A_342 : memref<!tpu.dma_semaphore, #tpu.memory_space<semaphore_mem>>) {add = true}
        %dma_wait3A_353 = arith.constant 0 : i32
        %dma_wait3A_354 = arith.constant 0 : i32
        %dma_wait3A_355 = tpu.memref_slice %arg9[%run_scoped3A_195, %dma_wait3A_353, %dma_wait3A_354] : memref<8x128x16xf32, #tpu.memory_space<vmem>> -> memref<1x128x16xf32, #tpu.memory_space<vmem>>
        %dma_wait3A_356 = tpu.memref_squeeze %dma_wait3A_355 : memref<1x128x16xf32, #tpu.memory_space<vmem>> -> memref<128x16xf32, #tpu.memory_space<vmem>>
        %dma_wait3A_357 = arith.constant 0 : i32
        %dma_wait3A_358 = tpu.memref_slice %arg8[%add3A_183, %dma_wait3A_357] : memref<80x128xi32, #tpu.memory_space<vmem>> -> memref<1x128xi32, #tpu.memory_space<vmem>>
        %dma_wait3A_359 = tpu.memref_squeeze %dma_wait3A_358 : memref<1x128xi32, #tpu.memory_space<vmem>> -> memref<128xi32, #tpu.memory_space<vmem>>
        %dma_wait3A_360 = arith.constant 0 : i32
        %dma_wait3A_361 = arith.constant 0 : i32
        %dma_wait3A_362 = tpu.memref_slice %arg10[%dma_wait3A_360, %dma_wait3A_361] : memref<10240x16xf32, #tpu.memory_space<vmem_shared>> -> memref<10240x16xf32, #tpu.memory_space<vmem_shared>>
        tpu.wait_indirect_dma semaphore(%run_scoped3A_342 : memref<!tpu.dma_semaphore, #tpu.memory_space<semaphore_mem>>) src(%dma_wait3A_356 : memref<128x16xf32, #tpu.memory_space<vmem>>) dst(%dma_wait3A_362 : memref<10240x16xf32, #tpu.memory_space<vmem_shared>>)
        tpu.yield
      }) : () -> ()
      %add3A_196 = arith.constant 8 : i32
      %add3A_197 = arith.addi %add3A_183, %add3A_196 : i32
      %lt3A_198 = arith.constant 80 : i32
      %lt3A_199 = arith.cmpi slt, %add3A_197, %lt3A_198 : i32
      %convert_element_type3A_200 = arith.extui %lt3A_199 : i1 to i32
      %cond3A_201 = arith.constant 0 : i32
      %cond3A_202 = arith.cmpi ne, %convert_element_type3A_200, %cond3A_201 : i32
      scf.if %cond3A_202 {
        %add3A_342 = arith.constant 8 : i32
        %add3A_343 = arith.addi %add3A_183, %add3A_342 : i32
        %dma_start3A_344 = arith.constant 1 : i32
        %dma_start3A_345 = arith.constant 0 : i32
        %dma_start3A_346 = arith.constant 0 : i32
        %dma_start3A_347 = tpu.memref_slice %arg9[%dma_start3A_344, %dma_start3A_345, %dma_start3A_346] : memref<8x128x16xf32, #tpu.memory_space<vmem>> -> memref<1x128x16xf32, #tpu.memory_space<vmem>>
        %dma_start3A_348 = tpu.memref_squeeze %dma_start3A_347 : memref<1x128x16xf32, #tpu.memory_space<vmem>> -> memref<128x16xf32, #tpu.memory_space<vmem>>
        %dma_start3A_349 = arith.constant 0 : i32
        %dma_start3A_350 = tpu.memref_slice %arg7[%add3A_343, %dma_start3A_349] : memref<80x128xi32, #tpu.memory_space<vmem>> -> memref<1x128xi32, #tpu.memory_space<vmem>>
        %dma_start3A_351 = tpu.memref_squeeze %dma_start3A_350 : memref<1x128xi32, #tpu.memory_space<vmem>> -> memref<128xi32, #tpu.memory_space<vmem>>
        %dma_start3A_352 = arith.constant 0 : i32
        %dma_start3A_353 = arith.constant 0 : i32
        %dma_start3A_354 = tpu.memref_slice %arg11[%dma_start3A_352, %dma_start3A_353] : memref<10240x16xf32, #tpu.memory_space<vmem_shared>> -> memref<10240x16xf32, #tpu.memory_space<vmem_shared>>
        tpu.enqueue_indirect_dma source(%dma_start3A_354 : memref<10240x16xf32, #tpu.memory_space<vmem_shared>>) target(%dma_start3A_348 : memref<128x16xf32, #tpu.memory_space<vmem>>) offsets(%dma_start3A_351 : memref<128xi32, #tpu.memory_space<vmem>>) semaphore(%arg13 : memref<!tpu.dma_semaphore, #tpu.memory_space<semaphore_mem>>)
      } else {
      }
      %mul3A_203 = arith.constant 8 : i32
      %mul3A_204 = arith.muli %scan3A_157, %mul3A_203 : i32
      %add3A_205 = arith.constant 2 : i32
      %add3A_206 = arith.addi %mul3A_204, %add3A_205 : i32
      %dma_wait3A_207 = arith.constant 2 : i32
      %dma_wait3A_208 = arith.constant 0 : i32
      %dma_wait3A_209 = arith.constant 0 : i32
      %dma_wait3A_210 = tpu.memref_slice %arg9[%dma_wait3A_207, %dma_wait3A_208, %dma_wait3A_209] : memref<8x128x16xf32, #tpu.memory_space<vmem>> -> memref<1x128x16xf32, #tpu.memory_space<vmem>>
      %dma_wait3A_211 = tpu.memref_squeeze %dma_wait3A_210 : memref<1x128x16xf32, #tpu.memory_space<vmem>> -> memref<128x16xf32, #tpu.memory_space<vmem>>
      %dma_wait3A_212 = arith.constant 0 : i32
      %dma_wait3A_213 = tpu.memref_slice %arg7[%add3A_206, %dma_wait3A_212] : memref<80x128xi32, #tpu.memory_space<vmem>> -> memref<1x128xi32, #tpu.memory_space<vmem>>
      %dma_wait3A_214 = tpu.memref_squeeze %dma_wait3A_213 : memref<1x128xi32, #tpu.memory_space<vmem>> -> memref<128xi32, #tpu.memory_space<vmem>>
      %dma_wait3A_215 = arith.constant 0 : i32
      %dma_wait3A_216 = arith.constant 0 : i32
      %dma_wait3A_217 = tpu.memref_slice %arg11[%dma_wait3A_215, %dma_wait3A_216] : memref<10240x16xf32, #tpu.memory_space<vmem_shared>> -> memref<10240x16xf32, #tpu.memory_space<vmem_shared>>
      tpu.wait_indirect_dma semaphore(%arg14 : memref<!tpu.dma_semaphore, #tpu.memory_space<semaphore_mem>>) src(%dma_wait3A_217 : memref<10240x16xf32, #tpu.memory_space<vmem_shared>>) dst(%dma_wait3A_211 : memref<128x16xf32, #tpu.memory_space<vmem>>)
      %run_scoped3A_218 = arith.constant 2 : i32
      "tpu.region"() ({
        %run_scoped3A_342 = tpu.sem_alloc : memref<!tpu.dma_semaphore, #tpu.memory_space<semaphore_mem>>
        %dma_start3A_343 = arith.constant 0 : i32
        %dma_start3A_344 = arith.constant 0 : i32
        %dma_start3A_345 = tpu.memref_slice %arg9[%run_scoped3A_218, %dma_start3A_343, %dma_start3A_344] : memref<8x128x16xf32, #tpu.memory_space<vmem>> -> memref<1x128x16xf32, #tpu.memory_space<vmem>>
        %dma_start3A_346 = tpu.memref_squeeze %dma_start3A_345 : memref<1x128x16xf32, #tpu.memory_space<vmem>> -> memref<128x16xf32, #tpu.memory_space<vmem>>
        %dma_start3A_347 = arith.constant 0 : i32
        %dma_start3A_348 = tpu.memref_slice %arg8[%add3A_206, %dma_start3A_347] : memref<80x128xi32, #tpu.memory_space<vmem>> -> memref<1x128xi32, #tpu.memory_space<vmem>>
        %dma_start3A_349 = tpu.memref_squeeze %dma_start3A_348 : memref<1x128xi32, #tpu.memory_space<vmem>> -> memref<128xi32, #tpu.memory_space<vmem>>
        %dma_start3A_350 = arith.constant 0 : i32
        %dma_start3A_351 = arith.constant 0 : i32
        %dma_start3A_352 = tpu.memref_slice %arg10[%dma_start3A_350, %dma_start3A_351] : memref<10240x16xf32, #tpu.memory_space<vmem_shared>> -> memref<10240x16xf32, #tpu.memory_space<vmem_shared>>
        tpu.enqueue_indirect_dma source(%dma_start3A_346 : memref<128x16xf32, #tpu.memory_space<vmem>>) target(%dma_start3A_352 : memref<10240x16xf32, #tpu.memory_space<vmem_shared>>) offsets(%dma_start3A_349 : memref<128xi32, #tpu.memory_space<vmem>>) semaphore(%run_scoped3A_342 : memref<!tpu.dma_semaphore, #tpu.memory_space<semaphore_mem>>) {add = true}
        %dma_wait3A_353 = arith.constant 0 : i32
        %dma_wait3A_354 = arith.constant 0 : i32
        %dma_wait3A_355 = tpu.memref_slice %arg9[%run_scoped3A_218, %dma_wait3A_353, %dma_wait3A_354] : memref<8x128x16xf32, #tpu.memory_space<vmem>> -> memref<1x128x16xf32, #tpu.memory_space<vmem>>
        %dma_wait3A_356 = tpu.memref_squeeze %dma_wait3A_355 : memref<1x128x16xf32, #tpu.memory_space<vmem>> -> memref<128x16xf32, #tpu.memory_space<vmem>>
        %dma_wait3A_357 = arith.constant 0 : i32
        %dma_wait3A_358 = tpu.memref_slice %arg8[%add3A_206, %dma_wait3A_357] : memref<80x128xi32, #tpu.memory_space<vmem>> -> memref<1x128xi32, #tpu.memory_space<vmem>>
        %dma_wait3A_359 = tpu.memref_squeeze %dma_wait3A_358 : memref<1x128xi32, #tpu.memory_space<vmem>> -> memref<128xi32, #tpu.memory_space<vmem>>
        %dma_wait3A_360 = arith.constant 0 : i32
        %dma_wait3A_361 = arith.constant 0 : i32
        %dma_wait3A_362 = tpu.memref_slice %arg10[%dma_wait3A_360, %dma_wait3A_361] : memref<10240x16xf32, #tpu.memory_space<vmem_shared>> -> memref<10240x16xf32, #tpu.memory_space<vmem_shared>>
        tpu.wait_indirect_dma semaphore(%run_scoped3A_342 : memref<!tpu.dma_semaphore, #tpu.memory_space<semaphore_mem>>) src(%dma_wait3A_356 : memref<128x16xf32, #tpu.memory_space<vmem>>) dst(%dma_wait3A_362 : memref<10240x16xf32, #tpu.memory_space<vmem_shared>>)
        tpu.yield
      }) : () -> ()
      %add3A_219 = arith.constant 8 : i32
      %add3A_220 = arith.addi %add3A_206, %add3A_219 : i32
      %lt3A_221 = arith.constant 80 : i32
      %lt3A_222 = arith.cmpi slt, %add3A_220, %lt3A_221 : i32
      %convert_element_type3A_223 = arith.extui %lt3A_222 : i1 to i32
      %cond3A_224 = arith.constant 0 : i32
      %cond3A_225 = arith.cmpi ne, %convert_element_type3A_223, %cond3A_224 : i32
      scf.if %cond3A_225 {
        %add3A_342 = arith.constant 8 : i32
        %add3A_343 = arith.addi %add3A_206, %add3A_342 : i32
        %dma_start3A_344 = arith.constant 2 : i32
        %dma_start3A_345 = arith.constant 0 : i32
        %dma_start3A_346 = arith.constant 0 : i32
        %dma_start3A_347 = tpu.memref_slice %arg9[%dma_start3A_344, %dma_start3A_345, %dma_start3A_346] : memref<8x128x16xf32, #tpu.memory_space<vmem>> -> memref<1x128x16xf32, #tpu.memory_space<vmem>>
        %dma_start3A_348 = tpu.memref_squeeze %dma_start3A_347 : memref<1x128x16xf32, #tpu.memory_space<vmem>> -> memref<128x16xf32, #tpu.memory_space<vmem>>
        %dma_start3A_349 = arith.constant 0 : i32
        %dma_start3A_350 = tpu.memref_slice %arg7[%add3A_343, %dma_start3A_349] : memref<80x128xi32, #tpu.memory_space<vmem>> -> memref<1x128xi32, #tpu.memory_space<vmem>>
        %dma_start3A_351 = tpu.memref_squeeze %dma_start3A_350 : memref<1x128xi32, #tpu.memory_space<vmem>> -> memref<128xi32, #tpu.memory_space<vmem>>
        %dma_start3A_352 = arith.constant 0 : i32
        %dma_start3A_353 = arith.constant 0 : i32
        %dma_start3A_354 = tpu.memref_slice %arg11[%dma_start3A_352, %dma_start3A_353] : memref<10240x16xf32, #tpu.memory_space<vmem_shared>> -> memref<10240x16xf32, #tpu.memory_space<vmem_shared>>
        tpu.enqueue_indirect_dma source(%dma_start3A_354 : memref<10240x16xf32, #tpu.memory_space<vmem_shared>>) target(%dma_start3A_348 : memref<128x16xf32, #tpu.memory_space<vmem>>) offsets(%dma_start3A_351 : memref<128xi32, #tpu.memory_space<vmem>>) semaphore(%arg14 : memref<!tpu.dma_semaphore, #tpu.memory_space<semaphore_mem>>)
      } else {
      }
      %mul3A_226 = arith.constant 8 : i32
      %mul3A_227 = arith.muli %scan3A_157, %mul3A_226 : i32
      %add3A_228 = arith.constant 3 : i32
      %add3A_229 = arith.addi %mul3A_227, %add3A_228 : i32
      %dma_wait3A_230 = arith.constant 3 : i32
      %dma_wait3A_231 = arith.constant 0 : i32
      %dma_wait3A_232 = arith.constant 0 : i32
      %dma_wait3A_233 = tpu.memref_slice %arg9[%dma_wait3A_230, %dma_wait3A_231, %dma_wait3A_232] : memref<8x128x16xf32, #tpu.memory_space<vmem>> -> memref<1x128x16xf32, #tpu.memory_space<vmem>>
      %dma_wait3A_234 = tpu.memref_squeeze %dma_wait3A_233 : memref<1x128x16xf32, #tpu.memory_space<vmem>> -> memref<128x16xf32, #tpu.memory_space<vmem>>
      %dma_wait3A_235 = arith.constant 0 : i32
      %dma_wait3A_236 = tpu.memref_slice %arg7[%add3A_229, %dma_wait3A_235] : memref<80x128xi32, #tpu.memory_space<vmem>> -> memref<1x128xi32, #tpu.memory_space<vmem>>
      %dma_wait3A_237 = tpu.memref_squeeze %dma_wait3A_236 : memref<1x128xi32, #tpu.memory_space<vmem>> -> memref<128xi32, #tpu.memory_space<vmem>>
      %dma_wait3A_238 = arith.constant 0 : i32
      %dma_wait3A_239 = arith.constant 0 : i32
      %dma_wait3A_240 = tpu.memref_slice %arg11[%dma_wait3A_238, %dma_wait3A_239] : memref<10240x16xf32, #tpu.memory_space<vmem_shared>> -> memref<10240x16xf32, #tpu.memory_space<vmem_shared>>
      tpu.wait_indirect_dma semaphore(%arg15 : memref<!tpu.dma_semaphore, #tpu.memory_space<semaphore_mem>>) src(%dma_wait3A_240 : memref<10240x16xf32, #tpu.memory_space<vmem_shared>>) dst(%dma_wait3A_234 : memref<128x16xf32, #tpu.memory_space<vmem>>)
      %run_scoped3A_241 = arith.constant 3 : i32
      "tpu.region"() ({
        %run_scoped3A_342 = tpu.sem_alloc : memref<!tpu.dma_semaphore, #tpu.memory_space<semaphore_mem>>
        %dma_start3A_343 = arith.constant 0 : i32
        %dma_start3A_344 = arith.constant 0 : i32
        %dma_start3A_345 = tpu.memref_slice %arg9[%run_scoped3A_241, %dma_start3A_343, %dma_start3A_344] : memref<8x128x16xf32, #tpu.memory_space<vmem>> -> memref<1x128x16xf32, #tpu.memory_space<vmem>>
        %dma_start3A_346 = tpu.memref_squeeze %dma_start3A_345 : memref<1x128x16xf32, #tpu.memory_space<vmem>> -> memref<128x16xf32, #tpu.memory_space<vmem>>
        %dma_start3A_347 = arith.constant 0 : i32
        %dma_start3A_348 = tpu.memref_slice %arg8[%add3A_229, %dma_start3A_347] : memref<80x128xi32, #tpu.memory_space<vmem>> -> memref<1x128xi32, #tpu.memory_space<vmem>>
        %dma_start3A_349 = tpu.memref_squeeze %dma_start3A_348 : memref<1x128xi32, #tpu.memory_space<vmem>> -> memref<128xi32, #tpu.memory_space<vmem>>
        %dma_start3A_350 = arith.constant 0 : i32
        %dma_start3A_351 = arith.constant 0 : i32
        %dma_start3A_352 = tpu.memref_slice %arg10[%dma_start3A_350, %dma_start3A_351] : memref<10240x16xf32, #tpu.memory_space<vmem_shared>> -> memref<10240x16xf32, #tpu.memory_space<vmem_shared>>
        tpu.enqueue_indirect_dma source(%dma_start3A_346 : memref<128x16xf32, #tpu.memory_space<vmem>>) target(%dma_start3A_352 : memref<10240x16xf32, #tpu.memory_space<vmem_shared>>) offsets(%dma_start3A_349 : memref<128xi32, #tpu.memory_space<vmem>>) semaphore(%run_scoped3A_342 : memref<!tpu.dma_semaphore, #tpu.memory_space<semaphore_mem>>) {add = true}
        %dma_wait3A_353 = arith.constant 0 : i32
        %dma_wait3A_354 = arith.constant 0 : i32
        %dma_wait3A_355 = tpu.memref_slice %arg9[%run_scoped3A_241, %dma_wait3A_353, %dma_wait3A_354] : memref<8x128x16xf32, #tpu.memory_space<vmem>> -> memref<1x128x16xf32, #tpu.memory_space<vmem>>
        %dma_wait3A_356 = tpu.memref_squeeze %dma_wait3A_355 : memref<1x128x16xf32, #tpu.memory_space<vmem>> -> memref<128x16xf32, #tpu.memory_space<vmem>>
        %dma_wait3A_357 = arith.constant 0 : i32
        %dma_wait3A_358 = tpu.memref_slice %arg8[%add3A_229, %dma_wait3A_357] : memref<80x128xi32, #tpu.memory_space<vmem>> -> memref<1x128xi32, #tpu.memory_space<vmem>>
        %dma_wait3A_359 = tpu.memref_squeeze %dma_wait3A_358 : memref<1x128xi32, #tpu.memory_space<vmem>> -> memref<128xi32, #tpu.memory_space<vmem>>
        %dma_wait3A_360 = arith.constant 0 : i32
        %dma_wait3A_361 = arith.constant 0 : i32
        %dma_wait3A_362 = tpu.memref_slice %arg10[%dma_wait3A_360, %dma_wait3A_361] : memref<10240x16xf32, #tpu.memory_space<vmem_shared>> -> memref<10240x16xf32, #tpu.memory_space<vmem_shared>>
        tpu.wait_indirect_dma semaphore(%run_scoped3A_342 : memref<!tpu.dma_semaphore, #tpu.memory_space<semaphore_mem>>) src(%dma_wait3A_356 : memref<128x16xf32, #tpu.memory_space<vmem>>) dst(%dma_wait3A_362 : memref<10240x16xf32, #tpu.memory_space<vmem_shared>>)
        tpu.yield
      }) : () -> ()
      %add3A_242 = arith.constant 8 : i32
      %add3A_243 = arith.addi %add3A_229, %add3A_242 : i32
      %lt3A_244 = arith.constant 80 : i32
      %lt3A_245 = arith.cmpi slt, %add3A_243, %lt3A_244 : i32
      %convert_element_type3A_246 = arith.extui %lt3A_245 : i1 to i32
      %cond3A_247 = arith.constant 0 : i32
      %cond3A_248 = arith.cmpi ne, %convert_element_type3A_246, %cond3A_247 : i32
      scf.if %cond3A_248 {
        %add3A_342 = arith.constant 8 : i32
        %add3A_343 = arith.addi %add3A_229, %add3A_342 : i32
        %dma_start3A_344 = arith.constant 3 : i32
        %dma_start3A_345 = arith.constant 0 : i32
        %dma_start3A_346 = arith.constant 0 : i32
        %dma_start3A_347 = tpu.memref_slice %arg9[%dma_start3A_344, %dma_start3A_345, %dma_start3A_346] : memref<8x128x16xf32, #tpu.memory_space<vmem>> -> memref<1x128x16xf32, #tpu.memory_space<vmem>>
        %dma_start3A_348 = tpu.memref_squeeze %dma_start3A_347 : memref<1x128x16xf32, #tpu.memory_space<vmem>> -> memref<128x16xf32, #tpu.memory_space<vmem>>
        %dma_start3A_349 = arith.constant 0 : i32
        %dma_start3A_350 = tpu.memref_slice %arg7[%add3A_343, %dma_start3A_349] : memref<80x128xi32, #tpu.memory_space<vmem>> -> memref<1x128xi32, #tpu.memory_space<vmem>>
        %dma_start3A_351 = tpu.memref_squeeze %dma_start3A_350 : memref<1x128xi32, #tpu.memory_space<vmem>> -> memref<128xi32, #tpu.memory_space<vmem>>
        %dma_start3A_352 = arith.constant 0 : i32
        %dma_start3A_353 = arith.constant 0 : i32
        %dma_start3A_354 = tpu.memref_slice %arg11[%dma_start3A_352, %dma_start3A_353] : memref<10240x16xf32, #tpu.memory_space<vmem_shared>> -> memref<10240x16xf32, #tpu.memory_space<vmem_shared>>
        tpu.enqueue_indirect_dma source(%dma_start3A_354 : memref<10240x16xf32, #tpu.memory_space<vmem_shared>>) target(%dma_start3A_348 : memref<128x16xf32, #tpu.memory_space<vmem>>) offsets(%dma_start3A_351 : memref<128xi32, #tpu.memory_space<vmem>>) semaphore(%arg15 : memref<!tpu.dma_semaphore, #tpu.memory_space<semaphore_mem>>)
      } else {
      }
      %mul3A_249 = arith.constant 8 : i32
      %mul3A_250 = arith.muli %scan3A_157, %mul3A_249 : i32
      %add3A_251 = arith.constant 4 : i32
      %add3A_252 = arith.addi %mul3A_250, %add3A_251 : i32
      %dma_wait3A_253 = arith.constant 4 : i32
      %dma_wait3A_254 = arith.constant 0 : i32
      %dma_wait3A_255 = arith.constant 0 : i32
      %dma_wait3A_256 = tpu.memref_slice %arg9[%dma_wait3A_253, %dma_wait3A_254, %dma_wait3A_255] : memref<8x128x16xf32, #tpu.memory_space<vmem>> -> memref<1x128x16xf32, #tpu.memory_space<vmem>>
      %dma_wait3A_257 = tpu.memref_squeeze %dma_wait3A_256 : memref<1x128x16xf32, #tpu.memory_space<vmem>> -> memref<128x16xf32, #tpu.memory_space<vmem>>
      %dma_wait3A_258 = arith.constant 0 : i32
      %dma_wait3A_259 = tpu.memref_slice %arg7[%add3A_252, %dma_wait3A_258] : memref<80x128xi32, #tpu.memory_space<vmem>> -> memref<1x128xi32, #tpu.memory_space<vmem>>
      %dma_wait3A_260 = tpu.memref_squeeze %dma_wait3A_259 : memref<1x128xi32, #tpu.memory_space<vmem>> -> memref<128xi32, #tpu.memory_space<vmem>>
      %dma_wait3A_261 = arith.constant 0 : i32
      %dma_wait3A_262 = arith.constant 0 : i32
      %dma_wait3A_263 = tpu.memref_slice %arg11[%dma_wait3A_261, %dma_wait3A_262] : memref<10240x16xf32, #tpu.memory_space<vmem_shared>> -> memref<10240x16xf32, #tpu.memory_space<vmem_shared>>
      tpu.wait_indirect_dma semaphore(%arg16 : memref<!tpu.dma_semaphore, #tpu.memory_space<semaphore_mem>>) src(%dma_wait3A_263 : memref<10240x16xf32, #tpu.memory_space<vmem_shared>>) dst(%dma_wait3A_257 : memref<128x16xf32, #tpu.memory_space<vmem>>)
      %run_scoped3A_264 = arith.constant 4 : i32
      "tpu.region"() ({
        %run_scoped3A_342 = tpu.sem_alloc : memref<!tpu.dma_semaphore, #tpu.memory_space<semaphore_mem>>
        %dma_start3A_343 = arith.constant 0 : i32
        %dma_start3A_344 = arith.constant 0 : i32
        %dma_start3A_345 = tpu.memref_slice %arg9[%run_scoped3A_264, %dma_start3A_343, %dma_start3A_344] : memref<8x128x16xf32, #tpu.memory_space<vmem>> -> memref<1x128x16xf32, #tpu.memory_space<vmem>>
        %dma_start3A_346 = tpu.memref_squeeze %dma_start3A_345 : memref<1x128x16xf32, #tpu.memory_space<vmem>> -> memref<128x16xf32, #tpu.memory_space<vmem>>
        %dma_start3A_347 = arith.constant 0 : i32
        %dma_start3A_348 = tpu.memref_slice %arg8[%add3A_252, %dma_start3A_347] : memref<80x128xi32, #tpu.memory_space<vmem>> -> memref<1x128xi32, #tpu.memory_space<vmem>>
        %dma_start3A_349 = tpu.memref_squeeze %dma_start3A_348 : memref<1x128xi32, #tpu.memory_space<vmem>> -> memref<128xi32, #tpu.memory_space<vmem>>
        %dma_start3A_350 = arith.constant 0 : i32
        %dma_start3A_351 = arith.constant 0 : i32
        %dma_start3A_352 = tpu.memref_slice %arg10[%dma_start3A_350, %dma_start3A_351] : memref<10240x16xf32, #tpu.memory_space<vmem_shared>> -> memref<10240x16xf32, #tpu.memory_space<vmem_shared>>
        tpu.enqueue_indirect_dma source(%dma_start3A_346 : memref<128x16xf32, #tpu.memory_space<vmem>>) target(%dma_start3A_352 : memref<10240x16xf32, #tpu.memory_space<vmem_shared>>) offsets(%dma_start3A_349 : memref<128xi32, #tpu.memory_space<vmem>>) semaphore(%run_scoped3A_342 : memref<!tpu.dma_semaphore, #tpu.memory_space<semaphore_mem>>) {add = true}
        %dma_wait3A_353 = arith.constant 0 : i32
        %dma_wait3A_354 = arith.constant 0 : i32
        %dma_wait3A_355 = tpu.memref_slice %arg9[%run_scoped3A_264, %dma_wait3A_353, %dma_wait3A_354] : memref<8x128x16xf32, #tpu.memory_space<vmem>> -> memref<1x128x16xf32, #tpu.memory_space<vmem>>
        %dma_wait3A_356 = tpu.memref_squeeze %dma_wait3A_355 : memref<1x128x16xf32, #tpu.memory_space<vmem>> -> memref<128x16xf32, #tpu.memory_space<vmem>>
        %dma_wait3A_357 = arith.constant 0 : i32
        %dma_wait3A_358 = tpu.memref_slice %arg8[%add3A_252, %dma_wait3A_357] : memref<80x128xi32, #tpu.memory_space<vmem>> -> memref<1x128xi32, #tpu.memory_space<vmem>>
        %dma_wait3A_359 = tpu.memref_squeeze %dma_wait3A_358 : memref<1x128xi32, #tpu.memory_space<vmem>> -> memref<128xi32, #tpu.memory_space<vmem>>
        %dma_wait3A_360 = arith.constant 0 : i32
        %dma_wait3A_361 = arith.constant 0 : i32
        %dma_wait3A_362 = tpu.memref_slice %arg10[%dma_wait3A_360, %dma_wait3A_361] : memref<10240x16xf32, #tpu.memory_space<vmem_shared>> -> memref<10240x16xf32, #tpu.memory_space<vmem_shared>>
        tpu.wait_indirect_dma semaphore(%run_scoped3A_342 : memref<!tpu.dma_semaphore, #tpu.memory_space<semaphore_mem>>) src(%dma_wait3A_356 : memref<128x16xf32, #tpu.memory_space<vmem>>) dst(%dma_wait3A_362 : memref<10240x16xf32, #tpu.memory_space<vmem_shared>>)
        tpu.yield
      }) : () -> ()
      %add3A_265 = arith.constant 8 : i32
      %add3A_266 = arith.addi %add3A_252, %add3A_265 : i32
      %lt3A_267 = arith.constant 80 : i32
      %lt3A_268 = arith.cmpi slt, %add3A_266, %lt3A_267 : i32
      %convert_element_type3A_269 = arith.extui %lt3A_268 : i1 to i32
      %cond3A_270 = arith.constant 0 : i32
      %cond3A_271 = arith.cmpi ne, %convert_element_type3A_269, %cond3A_270 : i32
      scf.if %cond3A_271 {
        %add3A_342 = arith.constant 8 : i32
        %add3A_343 = arith.addi %add3A_252, %add3A_342 : i32
        %dma_start3A_344 = arith.constant 4 : i32
        %dma_start3A_345 = arith.constant 0 : i32
        %dma_start3A_346 = arith.constant 0 : i32
        %dma_start3A_347 = tpu.memref_slice %arg9[%dma_start3A_344, %dma_start3A_345, %dma_start3A_346] : memref<8x128x16xf32, #tpu.memory_space<vmem>> -> memref<1x128x16xf32, #tpu.memory_space<vmem>>
        %dma_start3A_348 = tpu.memref_squeeze %dma_start3A_347 : memref<1x128x16xf32, #tpu.memory_space<vmem>> -> memref<128x16xf32, #tpu.memory_space<vmem>>
        %dma_start3A_349 = arith.constant 0 : i32
        %dma_start3A_350 = tpu.memref_slice %arg7[%add3A_343, %dma_start3A_349] : memref<80x128xi32, #tpu.memory_space<vmem>> -> memref<1x128xi32, #tpu.memory_space<vmem>>
        %dma_start3A_351 = tpu.memref_squeeze %dma_start3A_350 : memref<1x128xi32, #tpu.memory_space<vmem>> -> memref<128xi32, #tpu.memory_space<vmem>>
        %dma_start3A_352 = arith.constant 0 : i32
        %dma_start3A_353 = arith.constant 0 : i32
        %dma_start3A_354 = tpu.memref_slice %arg11[%dma_start3A_352, %dma_start3A_353] : memref<10240x16xf32, #tpu.memory_space<vmem_shared>> -> memref<10240x16xf32, #tpu.memory_space<vmem_shared>>
        tpu.enqueue_indirect_dma source(%dma_start3A_354 : memref<10240x16xf32, #tpu.memory_space<vmem_shared>>) target(%dma_start3A_348 : memref<128x16xf32, #tpu.memory_space<vmem>>) offsets(%dma_start3A_351 : memref<128xi32, #tpu.memory_space<vmem>>) semaphore(%arg16 : memref<!tpu.dma_semaphore, #tpu.memory_space<semaphore_mem>>)
      } else {
      }
      %mul3A_272 = arith.constant 8 : i32
      %mul3A_273 = arith.muli %scan3A_157, %mul3A_272 : i32
      %add3A_274 = arith.constant 5 : i32
      %add3A_275 = arith.addi %mul3A_273, %add3A_274 : i32
      %dma_wait3A_276 = arith.constant 5 : i32
      %dma_wait3A_277 = arith.constant 0 : i32
      %dma_wait3A_278 = arith.constant 0 : i32
      %dma_wait3A_279 = tpu.memref_slice %arg9[%dma_wait3A_276, %dma_wait3A_277, %dma_wait3A_278] : memref<8x128x16xf32, #tpu.memory_space<vmem>> -> memref<1x128x16xf32, #tpu.memory_space<vmem>>
      %dma_wait3A_280 = tpu.memref_squeeze %dma_wait3A_279 : memref<1x128x16xf32, #tpu.memory_space<vmem>> -> memref<128x16xf32, #tpu.memory_space<vmem>>
      %dma_wait3A_281 = arith.constant 0 : i32
      %dma_wait3A_282 = tpu.memref_slice %arg7[%add3A_275, %dma_wait3A_281] : memref<80x128xi32, #tpu.memory_space<vmem>> -> memref<1x128xi32, #tpu.memory_space<vmem>>
      %dma_wait3A_283 = tpu.memref_squeeze %dma_wait3A_282 : memref<1x128xi32, #tpu.memory_space<vmem>> -> memref<128xi32, #tpu.memory_space<vmem>>
      %dma_wait3A_284 = arith.constant 0 : i32
      %dma_wait3A_285 = arith.constant 0 : i32
      %dma_wait3A_286 = tpu.memref_slice %arg11[%dma_wait3A_284, %dma_wait3A_285] : memref<10240x16xf32, #tpu.memory_space<vmem_shared>> -> memref<10240x16xf32, #tpu.memory_space<vmem_shared>>
      tpu.wait_indirect_dma semaphore(%arg17 : memref<!tpu.dma_semaphore, #tpu.memory_space<semaphore_mem>>) src(%dma_wait3A_286 : memref<10240x16xf32, #tpu.memory_space<vmem_shared>>) dst(%dma_wait3A_280 : memref<128x16xf32, #tpu.memory_space<vmem>>)
      %run_scoped3A_287 = arith.constant 5 : i32
      "tpu.region"() ({
        %run_scoped3A_342 = tpu.sem_alloc : memref<!tpu.dma_semaphore, #tpu.memory_space<semaphore_mem>>
        %dma_start3A_343 = arith.constant 0 : i32
        %dma_start3A_344 = arith.constant 0 : i32
        %dma_start3A_345 = tpu.memref_slice %arg9[%run_scoped3A_287, %dma_start3A_343, %dma_start3A_344] : memref<8x128x16xf32, #tpu.memory_space<vmem>> -> memref<1x128x16xf32, #tpu.memory_space<vmem>>
        %dma_start3A_346 = tpu.memref_squeeze %dma_start3A_345 : memref<1x128x16xf32, #tpu.memory_space<vmem>> -> memref<128x16xf32, #tpu.memory_space<vmem>>
        %dma_start3A_347 = arith.constant 0 : i32
        %dma_start3A_348 = tpu.memref_slice %arg8[%add3A_275, %dma_start3A_347] : memref<80x128xi32, #tpu.memory_space<vmem>> -> memref<1x128xi32, #tpu.memory_space<vmem>>
        %dma_start3A_349 = tpu.memref_squeeze %dma_start3A_348 : memref<1x128xi32, #tpu.memory_space<vmem>> -> memref<128xi32, #tpu.memory_space<vmem>>
        %dma_start3A_350 = arith.constant 0 : i32
        %dma_start3A_351 = arith.constant 0 : i32
        %dma_start3A_352 = tpu.memref_slice %arg10[%dma_start3A_350, %dma_start3A_351] : memref<10240x16xf32, #tpu.memory_space<vmem_shared>> -> memref<10240x16xf32, #tpu.memory_space<vmem_shared>>
        tpu.enqueue_indirect_dma source(%dma_start3A_346 : memref<128x16xf32, #tpu.memory_space<vmem>>) target(%dma_start3A_352 : memref<10240x16xf32, #tpu.memory_space<vmem_shared>>) offsets(%dma_start3A_349 : memref<128xi32, #tpu.memory_space<vmem>>) semaphore(%run_scoped3A_342 : memref<!tpu.dma_semaphore, #tpu.memory_space<semaphore_mem>>) {add = true}
        %dma_wait3A_353 = arith.constant 0 : i32
        %dma_wait3A_354 = arith.constant 0 : i32
        %dma_wait3A_355 = tpu.memref_slice %arg9[%run_scoped3A_287, %dma_wait3A_353, %dma_wait3A_354] : memref<8x128x16xf32, #tpu.memory_space<vmem>> -> memref<1x128x16xf32, #tpu.memory_space<vmem>>
        %dma_wait3A_356 = tpu.memref_squeeze %dma_wait3A_355 : memref<1x128x16xf32, #tpu.memory_space<vmem>> -> memref<128x16xf32, #tpu.memory_space<vmem>>
        %dma_wait3A_357 = arith.constant 0 : i32
        %dma_wait3A_358 = tpu.memref_slice %arg8[%add3A_275, %dma_wait3A_357] : memref<80x128xi32, #tpu.memory_space<vmem>> -> memref<1x128xi32, #tpu.memory_space<vmem>>
        %dma_wait3A_359 = tpu.memref_squeeze %dma_wait3A_358 : memref<1x128xi32, #tpu.memory_space<vmem>> -> memref<128xi32, #tpu.memory_space<vmem>>
        %dma_wait3A_360 = arith.constant 0 : i32
        %dma_wait3A_361 = arith.constant 0 : i32
        %dma_wait3A_362 = tpu.memref_slice %arg10[%dma_wait3A_360, %dma_wait3A_361] : memref<10240x16xf32, #tpu.memory_space<vmem_shared>> -> memref<10240x16xf32, #tpu.memory_space<vmem_shared>>
        tpu.wait_indirect_dma semaphore(%run_scoped3A_342 : memref<!tpu.dma_semaphore, #tpu.memory_space<semaphore_mem>>) src(%dma_wait3A_356 : memref<128x16xf32, #tpu.memory_space<vmem>>) dst(%dma_wait3A_362 : memref<10240x16xf32, #tpu.memory_space<vmem_shared>>)
        tpu.yield
      }) : () -> ()
      %add3A_288 = arith.constant 8 : i32
      %add3A_289 = arith.addi %add3A_275, %add3A_288 : i32
      %lt3A_290 = arith.constant 80 : i32
      %lt3A_291 = arith.cmpi slt, %add3A_289, %lt3A_290 : i32
      %convert_element_type3A_292 = arith.extui %lt3A_291 : i1 to i32
      %cond3A_293 = arith.constant 0 : i32
      %cond3A_294 = arith.cmpi ne, %convert_element_type3A_292, %cond3A_293 : i32
      scf.if %cond3A_294 {
        %add3A_342 = arith.constant 8 : i32
        %add3A_343 = arith.addi %add3A_275, %add3A_342 : i32
        %dma_start3A_344 = arith.constant 5 : i32
        %dma_start3A_345 = arith.constant 0 : i32
        %dma_start3A_346 = arith.constant 0 : i32
        %dma_start3A_347 = tpu.memref_slice %arg9[%dma_start3A_344, %dma_start3A_345, %dma_start3A_346] : memref<8x128x16xf32, #tpu.memory_space<vmem>> -> memref<1x128x16xf32, #tpu.memory_space<vmem>>
        %dma_start3A_348 = tpu.memref_squeeze %dma_start3A_347 : memref<1x128x16xf32, #tpu.memory_space<vmem>> -> memref<128x16xf32, #tpu.memory_space<vmem>>
        %dma_start3A_349 = arith.constant 0 : i32
        %dma_start3A_350 = tpu.memref_slice %arg7[%add3A_343, %dma_start3A_349] : memref<80x128xi32, #tpu.memory_space<vmem>> -> memref<1x128xi32, #tpu.memory_space<vmem>>
        %dma_start3A_351 = tpu.memref_squeeze %dma_start3A_350 : memref<1x128xi32, #tpu.memory_space<vmem>> -> memref<128xi32, #tpu.memory_space<vmem>>
        %dma_start3A_352 = arith.constant 0 : i32
        %dma_start3A_353 = arith.constant 0 : i32
        %dma_start3A_354 = tpu.memref_slice %arg11[%dma_start3A_352, %dma_start3A_353] : memref<10240x16xf32, #tpu.memory_space<vmem_shared>> -> memref<10240x16xf32, #tpu.memory_space<vmem_shared>>
        tpu.enqueue_indirect_dma source(%dma_start3A_354 : memref<10240x16xf32, #tpu.memory_space<vmem_shared>>) target(%dma_start3A_348 : memref<128x16xf32, #tpu.memory_space<vmem>>) offsets(%dma_start3A_351 : memref<128xi32, #tpu.memory_space<vmem>>) semaphore(%arg17 : memref<!tpu.dma_semaphore, #tpu.memory_space<semaphore_mem>>)
      } else {
      }
      %mul3A_295 = arith.constant 8 : i32
      %mul3A_296 = arith.muli %scan3A_157, %mul3A_295 : i32
      %add3A_297 = arith.constant 6 : i32
      %add3A_298 = arith.addi %mul3A_296, %add3A_297 : i32
      %dma_wait3A_299 = arith.constant 6 : i32
      %dma_wait3A_300 = arith.constant 0 : i32
      %dma_wait3A_301 = arith.constant 0 : i32
      %dma_wait3A_302 = tpu.memref_slice %arg9[%dma_wait3A_299, %dma_wait3A_300, %dma_wait3A_301] : memref<8x128x16xf32, #tpu.memory_space<vmem>> -> memref<1x128x16xf32, #tpu.memory_space<vmem>>
      %dma_wait3A_303 = tpu.memref_squeeze %dma_wait3A_302 : memref<1x128x16xf32, #tpu.memory_space<vmem>> -> memref<128x16xf32, #tpu.memory_space<vmem>>
      %dma_wait3A_304 = arith.constant 0 : i32
      %dma_wait3A_305 = tpu.memref_slice %arg7[%add3A_298, %dma_wait3A_304] : memref<80x128xi32, #tpu.memory_space<vmem>> -> memref<1x128xi32, #tpu.memory_space<vmem>>
      %dma_wait3A_306 = tpu.memref_squeeze %dma_wait3A_305 : memref<1x128xi32, #tpu.memory_space<vmem>> -> memref<128xi32, #tpu.memory_space<vmem>>
      %dma_wait3A_307 = arith.constant 0 : i32
      %dma_wait3A_308 = arith.constant 0 : i32
      %dma_wait3A_309 = tpu.memref_slice %arg11[%dma_wait3A_307, %dma_wait3A_308] : memref<10240x16xf32, #tpu.memory_space<vmem_shared>> -> memref<10240x16xf32, #tpu.memory_space<vmem_shared>>
      tpu.wait_indirect_dma semaphore(%arg18 : memref<!tpu.dma_semaphore, #tpu.memory_space<semaphore_mem>>) src(%dma_wait3A_309 : memref<10240x16xf32, #tpu.memory_space<vmem_shared>>) dst(%dma_wait3A_303 : memref<128x16xf32, #tpu.memory_space<vmem>>)
      %run_scoped3A_310 = arith.constant 6 : i32
      "tpu.region"() ({
        %run_scoped3A_342 = tpu.sem_alloc : memref<!tpu.dma_semaphore, #tpu.memory_space<semaphore_mem>>
        %dma_start3A_343 = arith.constant 0 : i32
        %dma_start3A_344 = arith.constant 0 : i32
        %dma_start3A_345 = tpu.memref_slice %arg9[%run_scoped3A_310, %dma_start3A_343, %dma_start3A_344] : memref<8x128x16xf32, #tpu.memory_space<vmem>> -> memref<1x128x16xf32, #tpu.memory_space<vmem>>
        %dma_start3A_346 = tpu.memref_squeeze %dma_start3A_345 : memref<1x128x16xf32, #tpu.memory_space<vmem>> -> memref<128x16xf32, #tpu.memory_space<vmem>>
        %dma_start3A_347 = arith.constant 0 : i32
        %dma_start3A_348 = tpu.memref_slice %arg8[%add3A_298, %dma_start3A_347] : memref<80x128xi32, #tpu.memory_space<vmem>> -> memref<1x128xi32, #tpu.memory_space<vmem>>
        %dma_start3A_349 = tpu.memref_squeeze %dma_start3A_348 : memref<1x128xi32, #tpu.memory_space<vmem>> -> memref<128xi32, #tpu.memory_space<vmem>>
        %dma_start3A_350 = arith.constant 0 : i32
        %dma_start3A_351 = arith.constant 0 : i32
        %dma_start3A_352 = tpu.memref_slice %arg10[%dma_start3A_350, %dma_start3A_351] : memref<10240x16xf32, #tpu.memory_space<vmem_shared>> -> memref<10240x16xf32, #tpu.memory_space<vmem_shared>>
        tpu.enqueue_indirect_dma source(%dma_start3A_346 : memref<128x16xf32, #tpu.memory_space<vmem>>) target(%dma_start3A_352 : memref<10240x16xf32, #tpu.memory_space<vmem_shared>>) offsets(%dma_start3A_349 : memref<128xi32, #tpu.memory_space<vmem>>) semaphore(%run_scoped3A_342 : memref<!tpu.dma_semaphore, #tpu.memory_space<semaphore_mem>>) {add = true}
        %dma_wait3A_353 = arith.constant 0 : i32
        %dma_wait3A_354 = arith.constant 0 : i32
        %dma_wait3A_355 = tpu.memref_slice %arg9[%run_scoped3A_310, %dma_wait3A_353, %dma_wait3A_354] : memref<8x128x16xf32, #tpu.memory_space<vmem>> -> memref<1x128x16xf32, #tpu.memory_space<vmem>>
        %dma_wait3A_356 = tpu.memref_squeeze %dma_wait3A_355 : memref<1x128x16xf32, #tpu.memory_space<vmem>> -> memref<128x16xf32, #tpu.memory_space<vmem>>
        %dma_wait3A_357 = arith.constant 0 : i32
        %dma_wait3A_358 = tpu.memref_slice %arg8[%add3A_298, %dma_wait3A_357] : memref<80x128xi32, #tpu.memory_space<vmem>> -> memref<1x128xi32, #tpu.memory_space<vmem>>
        %dma_wait3A_359 = tpu.memref_squeeze %dma_wait3A_358 : memref<1x128xi32, #tpu.memory_space<vmem>> -> memref<128xi32, #tpu.memory_space<vmem>>
        %dma_wait3A_360 = arith.constant 0 : i32
        %dma_wait3A_361 = arith.constant 0 : i32
        %dma_wait3A_362 = tpu.memref_slice %arg10[%dma_wait3A_360, %dma_wait3A_361] : memref<10240x16xf32, #tpu.memory_space<vmem_shared>> -> memref<10240x16xf32, #tpu.memory_space<vmem_shared>>
        tpu.wait_indirect_dma semaphore(%run_scoped3A_342 : memref<!tpu.dma_semaphore, #tpu.memory_space<semaphore_mem>>) src(%dma_wait3A_356 : memref<128x16xf32, #tpu.memory_space<vmem>>) dst(%dma_wait3A_362 : memref<10240x16xf32, #tpu.memory_space<vmem_shared>>)
        tpu.yield
      }) : () -> ()
      %add3A_311 = arith.constant 8 : i32
      %add3A_312 = arith.addi %add3A_298, %add3A_311 : i32
      %lt3A_313 = arith.constant 80 : i32
      %lt3A_314 = arith.cmpi slt, %add3A_312, %lt3A_313 : i32
      %convert_element_type3A_315 = arith.extui %lt3A_314 : i1 to i32
      %cond3A_316 = arith.constant 0 : i32
      %cond3A_317 = arith.cmpi ne, %convert_element_type3A_315, %cond3A_316 : i32
      scf.if %cond3A_317 {
        %add3A_342 = arith.constant 8 : i32
        %add3A_343 = arith.addi %add3A_298, %add3A_342 : i32
        %dma_start3A_344 = arith.constant 6 : i32
        %dma_start3A_345 = arith.constant 0 : i32
        %dma_start3A_346 = arith.constant 0 : i32
        %dma_start3A_347 = tpu.memref_slice %arg9[%dma_start3A_344, %dma_start3A_345, %dma_start3A_346] : memref<8x128x16xf32, #tpu.memory_space<vmem>> -> memref<1x128x16xf32, #tpu.memory_space<vmem>>
        %dma_start3A_348 = tpu.memref_squeeze %dma_start3A_347 : memref<1x128x16xf32, #tpu.memory_space<vmem>> -> memref<128x16xf32, #tpu.memory_space<vmem>>
        %dma_start3A_349 = arith.constant 0 : i32
        %dma_start3A_350 = tpu.memref_slice %arg7[%add3A_343, %dma_start3A_349] : memref<80x128xi32, #tpu.memory_space<vmem>> -> memref<1x128xi32, #tpu.memory_space<vmem>>
        %dma_start3A_351 = tpu.memref_squeeze %dma_start3A_350 : memref<1x128xi32, #tpu.memory_space<vmem>> -> memref<128xi32, #tpu.memory_space<vmem>>
        %dma_start3A_352 = arith.constant 0 : i32
        %dma_start3A_353 = arith.constant 0 : i32
        %dma_start3A_354 = tpu.memref_slice %arg11[%dma_start3A_352, %dma_start3A_353] : memref<10240x16xf32, #tpu.memory_space<vmem_shared>> -> memref<10240x16xf32, #tpu.memory_space<vmem_shared>>
        tpu.enqueue_indirect_dma source(%dma_start3A_354 : memref<10240x16xf32, #tpu.memory_space<vmem_shared>>) target(%dma_start3A_348 : memref<128x16xf32, #tpu.memory_space<vmem>>) offsets(%dma_start3A_351 : memref<128xi32, #tpu.memory_space<vmem>>) semaphore(%arg18 : memref<!tpu.dma_semaphore, #tpu.memory_space<semaphore_mem>>)
      } else {
      }
      %mul3A_318 = arith.constant 8 : i32
      %mul3A_319 = arith.muli %scan3A_157, %mul3A_318 : i32
      %add3A_320 = arith.constant 7 : i32
      %add3A_321 = arith.addi %mul3A_319, %add3A_320 : i32
      %dma_wait3A_322 = arith.constant 7 : i32
      %dma_wait3A_323 = arith.constant 0 : i32
      %dma_wait3A_324 = arith.constant 0 : i32
      %dma_wait3A_325 = tpu.memref_slice %arg9[%dma_wait3A_322, %dma_wait3A_323, %dma_wait3A_324] : memref<8x128x16xf32, #tpu.memory_space<vmem>> -> memref<1x128x16xf32, #tpu.memory_space<vmem>>
      %dma_wait3A_326 = tpu.memref_squeeze %dma_wait3A_325 : memref<1x128x16xf32, #tpu.memory_space<vmem>> -> memref<128x16xf32, #tpu.memory_space<vmem>>
      %dma_wait3A_327 = arith.constant 0 : i32
      %dma_wait3A_328 = tpu.memref_slice %arg7[%add3A_321, %dma_wait3A_327] : memref<80x128xi32, #tpu.memory_space<vmem>> -> memref<1x128xi32, #tpu.memory_space<vmem>>
      %dma_wait3A_329 = tpu.memref_squeeze %dma_wait3A_328 : memref<1x128xi32, #tpu.memory_space<vmem>> -> memref<128xi32, #tpu.memory_space<vmem>>
      %dma_wait3A_330 = arith.constant 0 : i32
      %dma_wait3A_331 = arith.constant 0 : i32
      %dma_wait3A_332 = tpu.memref_slice %arg11[%dma_wait3A_330, %dma_wait3A_331] : memref<10240x16xf32, #tpu.memory_space<vmem_shared>> -> memref<10240x16xf32, #tpu.memory_space<vmem_shared>>
      tpu.wait_indirect_dma semaphore(%arg19 : memref<!tpu.dma_semaphore, #tpu.memory_space<semaphore_mem>>) src(%dma_wait3A_332 : memref<10240x16xf32, #tpu.memory_space<vmem_shared>>) dst(%dma_wait3A_326 : memref<128x16xf32, #tpu.memory_space<vmem>>)
      %run_scoped3A_333 = arith.constant 7 : i32
      "tpu.region"() ({
        %run_scoped3A_342 = tpu.sem_alloc : memref<!tpu.dma_semaphore, #tpu.memory_space<semaphore_mem>>
        %dma_start3A_343 = arith.constant 0 : i32
        %dma_start3A_344 = arith.constant 0 : i32
        %dma_start3A_345 = tpu.memref_slice %arg9[%run_scoped3A_333, %dma_start3A_343, %dma_start3A_344] : memref<8x128x16xf32, #tpu.memory_space<vmem>> -> memref<1x128x16xf32, #tpu.memory_space<vmem>>
        %dma_start3A_346 = tpu.memref_squeeze %dma_start3A_345 : memref<1x128x16xf32, #tpu.memory_space<vmem>> -> memref<128x16xf32, #tpu.memory_space<vmem>>
        %dma_start3A_347 = arith.constant 0 : i32
        %dma_start3A_348 = tpu.memref_slice %arg8[%add3A_321, %dma_start3A_347] : memref<80x128xi32, #tpu.memory_space<vmem>> -> memref<1x128xi32, #tpu.memory_space<vmem>>
        %dma_start3A_349 = tpu.memref_squeeze %dma_start3A_348 : memref<1x128xi32, #tpu.memory_space<vmem>> -> memref<128xi32, #tpu.memory_space<vmem>>
        %dma_start3A_350 = arith.constant 0 : i32
        %dma_start3A_351 = arith.constant 0 : i32
        %dma_start3A_352 = tpu.memref_slice %arg10[%dma_start3A_350, %dma_start3A_351] : memref<10240x16xf32, #tpu.memory_space<vmem_shared>> -> memref<10240x16xf32, #tpu.memory_space<vmem_shared>>
        tpu.enqueue_indirect_dma source(%dma_start3A_346 : memref<128x16xf32, #tpu.memory_space<vmem>>) target(%dma_start3A_352 : memref<10240x16xf32, #tpu.memory_space<vmem_shared>>) offsets(%dma_start3A_349 : memref<128xi32, #tpu.memory_space<vmem>>) semaphore(%run_scoped3A_342 : memref<!tpu.dma_semaphore, #tpu.memory_space<semaphore_mem>>) {add = true}
        %dma_wait3A_353 = arith.constant 0 : i32
        %dma_wait3A_354 = arith.constant 0 : i32
        %dma_wait3A_355 = tpu.memref_slice %arg9[%run_scoped3A_333, %dma_wait3A_353, %dma_wait3A_354] : memref<8x128x16xf32, #tpu.memory_space<vmem>> -> memref<1x128x16xf32, #tpu.memory_space<vmem>>
        %dma_wait3A_356 = tpu.memref_squeeze %dma_wait3A_355 : memref<1x128x16xf32, #tpu.memory_space<vmem>> -> memref<128x16xf32, #tpu.memory_space<vmem>>
        %dma_wait3A_357 = arith.constant 0 : i32
        %dma_wait3A_358 = tpu.memref_slice %arg8[%add3A_321, %dma_wait3A_357] : memref<80x128xi32, #tpu.memory_space<vmem>> -> memref<1x128xi32, #tpu.memory_space<vmem>>
        %dma_wait3A_359 = tpu.memref_squeeze %dma_wait3A_358 : memref<1x128xi32, #tpu.memory_space<vmem>> -> memref<128xi32, #tpu.memory_space<vmem>>
        %dma_wait3A_360 = arith.constant 0 : i32
        %dma_wait3A_361 = arith.constant 0 : i32
        %dma_wait3A_362 = tpu.memref_slice %arg10[%dma_wait3A_360, %dma_wait3A_361] : memref<10240x16xf32, #tpu.memory_space<vmem_shared>> -> memref<10240x16xf32, #tpu.memory_space<vmem_shared>>
        tpu.wait_indirect_dma semaphore(%run_scoped3A_342 : memref<!tpu.dma_semaphore, #tpu.memory_space<semaphore_mem>>) src(%dma_wait3A_356 : memref<128x16xf32, #tpu.memory_space<vmem>>) dst(%dma_wait3A_362 : memref<10240x16xf32, #tpu.memory_space<vmem_shared>>)
        tpu.yield
      }) : () -> ()
      %add3A_334 = arith.constant 8 : i32
      %add3A_335 = arith.addi %add3A_321, %add3A_334 : i32
      %lt3A_336 = arith.constant 80 : i32
      %lt3A_337 = arith.cmpi slt, %add3A_335, %lt3A_336 : i32
      %convert_element_type3A_338 = arith.extui %lt3A_337 : i1 to i32
      %cond3A_339 = arith.constant 0 : i32
      %cond3A_340 = arith.cmpi ne, %convert_element_type3A_338, %cond3A_339 : i32
      scf.if %cond3A_340 {
        %add3A_342 = arith.constant 8 : i32
        %add3A_343 = arith.addi %add3A_321, %add3A_342 : i32
        %dma_start3A_344 = arith.constant 7 : i32
        %dma_start3A_345 = arith.constant 0 : i32
        %dma_start3A_346 = arith.constant 0 : i32
        %dma_start3A_347 = tpu.memref_slice %arg9[%dma_start3A_344, %dma_start3A_345, %dma_start3A_346] : memref<8x128x16xf32, #tpu.memory_space<vmem>> -> memref<1x128x16xf32, #tpu.memory_space<vmem>>
        %dma_start3A_348 = tpu.memref_squeeze %dma_start3A_347 : memref<1x128x16xf32, #tpu.memory_space<vmem>> -> memref<128x16xf32, #tpu.memory_space<vmem>>
        %dma_start3A_349 = arith.constant 0 : i32
        %dma_start3A_350 = tpu.memref_slice %arg7[%add3A_343, %dma_start3A_349] : memref<80x128xi32, #tpu.memory_space<vmem>> -> memref<1x128xi32, #tpu.memory_space<vmem>>
        %dma_start3A_351 = tpu.memref_squeeze %dma_start3A_350 : memref<1x128xi32, #tpu.memory_space<vmem>> -> memref<128xi32, #tpu.memory_space<vmem>>
        %dma_start3A_352 = arith.constant 0 : i32
        %dma_start3A_353 = arith.constant 0 : i32
        %dma_start3A_354 = tpu.memref_slice %arg11[%dma_start3A_352, %dma_start3A_353] : memref<10240x16xf32, #tpu.memory_space<vmem_shared>> -> memref<10240x16xf32, #tpu.memory_space<vmem_shared>>
        tpu.enqueue_indirect_dma source(%dma_start3A_354 : memref<10240x16xf32, #tpu.memory_space<vmem_shared>>) target(%dma_start3A_348 : memref<128x16xf32, #tpu.memory_space<vmem>>) offsets(%dma_start3A_351 : memref<128xi32, #tpu.memory_space<vmem>>) semaphore(%arg19 : memref<!tpu.dma_semaphore, #tpu.memory_space<semaphore_mem>>)
      } else {
      }
      %scan3A_341 = arith.constant 0 : i32
      scf.yield %scan3A_341 : i32
    }
    %scan3A_148 = arith.constant 10 : i32
    %barrier3A_149 = arith.constant 0 : index
    tpu.barrier barrier_id(%barrier3A_149)
    %eq3A = arith.constant 0 : i32
    %eq3A_150 = arith.cmpi eq, %arg0, %eq3A : i32
    %convert_element_type3A = arith.extui %eq3A_150 : i1 to i32
    %cond3A = arith.constant 0 : i32
    %cond3A_151 = arith.cmpi ne, %convert_element_type3A, %cond3A : i32
    scf.if %cond3A_151 {
      %mul3A_157 = arith.constant 640 : i32
      %mul3A_158 = arith.muli %arg1, %mul3A_157 : i32
      %mul3A_159 = arith.constant 640 : i32
      %mul3A_160 = arith.muli %arg1, %mul3A_159 : i32
      "tpu.region"() ({
        %run_scoped3A = tpu.sem_alloc : memref<!tpu.dma_semaphore, #tpu.memory_space<semaphore_mem>>
        %dma_start3A_161 = arith.constant 0 : i32
        %dma_start3A_162 = tpu.memref_slice %arg5[%mul3A_160, %dma_start3A_161] : memref<10240x16xf32, #tpu.memory_space<hbm>> -> memref<640x16xf32, #tpu.memory_space<hbm>>
        %dma_start3A_163 = arith.constant 0 : i32
        %dma_start3A_164 = tpu.memref_slice %arg10[%mul3A_158, %dma_start3A_163] : memref<10240x16xf32, #tpu.memory_space<vmem_shared>> -> memref<640x16xf32, #tpu.memory_space<vmem_shared>>
        tpu.enqueue_dma source(%dma_start3A_164 : memref<640x16xf32, #tpu.memory_space<vmem_shared>>) target(%dma_start3A_162 : memref<640x16xf32, #tpu.memory_space<hbm>>) target_semaphore(%run_scoped3A : memref<!tpu.dma_semaphore, #tpu.memory_space<semaphore_mem>>)
        %dma_wait3A_165 = arith.constant 0 : i32
        %dma_wait3A_166 = tpu.memref_slice %arg5[%mul3A_160, %dma_wait3A_165] : memref<10240x16xf32, #tpu.memory_space<hbm>> -> memref<640x16xf32, #tpu.memory_space<hbm>>
        %dma_wait3A_167 = arith.constant 0 : i32
        %dma_wait3A_168 = tpu.memref_slice %arg10[%mul3A_158, %dma_wait3A_167] : memref<10240x16xf32, #tpu.memory_space<vmem_shared>> -> memref<640x16xf32, #tpu.memory_space<vmem_shared>>
        tpu.wait_dma2 semaphore(%run_scoped3A : memref<!tpu.dma_semaphore, #tpu.memory_space<semaphore_mem>>) src(%dma_wait3A_168 : memref<640x16xf32, #tpu.memory_space<vmem_shared>>) dst(%dma_wait3A_166 : memref<640x16xf32, #tpu.memory_space<hbm>>)
        tpu.yield
      }) : () -> ()
    } else {
    }
    %eq3A_152 = arith.constant 1 : i32
    %eq3A_153 = arith.cmpi eq, %arg0, %eq3A_152 : i32
    %convert_element_type3A_154 = arith.extui %eq3A_153 : i1 to i32
    %cond3A_155 = arith.constant 0 : i32
    %cond3A_156 = arith.cmpi ne, %convert_element_type3A_154, %cond3A_155 : i32
    scf.if %cond3A_156 {
      %mul3A_157 = arith.constant 640 : i32
      %mul3A_158 = arith.muli %arg1, %mul3A_157 : i32
      %mul3A_159 = arith.constant 640 : i32
      %mul3A_160 = arith.muli %arg1, %mul3A_159 : i32
      "tpu.region"() ({
        %run_scoped3A = tpu.sem_alloc : memref<!tpu.dma_semaphore, #tpu.memory_space<semaphore_mem>>
        %dma_start3A_161 = arith.constant 0 : i32
        %dma_start3A_162 = tpu.memref_slice %arg6[%mul3A_160, %dma_start3A_161] : memref<10240x16xf32, #tpu.memory_space<hbm>> -> memref<640x16xf32, #tpu.memory_space<hbm>>
        %dma_start3A_163 = arith.constant 0 : i32
        %dma_start3A_164 = tpu.memref_slice %arg10[%mul3A_158, %dma_start3A_163] : memref<10240x16xf32, #tpu.memory_space<vmem_shared>> -> memref<640x16xf32, #tpu.memory_space<vmem_shared>>
        tpu.enqueue_dma source(%dma_start3A_164 : memref<640x16xf32, #tpu.memory_space<vmem_shared>>) target(%dma_start3A_162 : memref<640x16xf32, #tpu.memory_space<hbm>>) target_semaphore(%run_scoped3A : memref<!tpu.dma_semaphore, #tpu.memory_space<semaphore_mem>>)
        %dma_wait3A_165 = arith.constant 0 : i32
        %dma_wait3A_166 = tpu.memref_slice %arg6[%mul3A_160, %dma_wait3A_165] : memref<10240x16xf32, #tpu.memory_space<hbm>> -> memref<640x16xf32, #tpu.memory_space<hbm>>
        %dma_wait3A_167 = arith.constant 0 : i32
        %dma_wait3A_168 = tpu.memref_slice %arg10[%mul3A_158, %dma_wait3A_167] : memref<10240x16xf32, #tpu.memory_space<vmem_shared>> -> memref<640x16xf32, #tpu.memory_space<vmem_shared>>
        tpu.wait_dma2 semaphore(%run_scoped3A : memref<!tpu.dma_semaphore, #tpu.memory_space<semaphore_mem>>) src(%dma_wait3A_168 : memref<640x16xf32, #tpu.memory_space<vmem_shared>>) dst(%dma_wait3A_166 : memref<640x16xf32, #tpu.memory_space<hbm>>)
        tpu.yield
      }) : () -> ()
    } else {
    }
    return
  }
}

#map = affine_map<(d0, d1) -> (0, 0)>
#map1 = affine_map<(d0, d1) -> (0, 0, 0)>
#map2 = affine_map<(d0, d1) -> (0)>
module attributes {stable_mosaic.version = 14 : i64} {
  func.func @_edge_scatter2(%arg0: i32, %arg1: i32, %arg2: memref<10240x16xf32, #tpu.memory_space<hbm>>, %arg3: memref<10240x16xf32, #tpu.memory_space<hbm>>, %arg4: memref<16x16xf32, #tpu.memory_space<hbm>>, %arg5: memref<2x2560x128xi32, #tpu.memory_space<hbm>>, %arg6: memref<640x16xf32, #tpu.memory_space<hbm>>, %arg7: memref<2048xi32, #tpu.memory_space<hbm>>, %arg8: memref<2x2048x16xf32, #tpu.memory_space<hbm>>, %arg9: memref<80x128xi32, #tpu.memory_space<vmem>>, %arg10: memref<80x128xi32, #tpu.memory_space<vmem>>, %arg11: memref<8x128x16xf32, #tpu.memory_space<vmem>>, %arg12: memref<10240x16xf32, #tpu.memory_space<vmem_shared>>, %arg13: memref<10240x16xf32, #tpu.memory_space<vmem_shared>>, %arg14: memref<!tpu.dma_semaphore, #tpu.memory_space<semaphore_mem>>, %arg15: memref<!tpu.dma_semaphore, #tpu.memory_space<semaphore_mem>>, %arg16: memref<!tpu.dma_semaphore, #tpu.memory_space<semaphore_mem>>, %arg17: memref<!tpu.dma_semaphore, #tpu.memory_space<semaphore_mem>>, %arg18: memref<!tpu.dma_semaphore, #tpu.memory_space<semaphore_mem>>, %arg19: memref<!tpu.dma_semaphore, #tpu.memory_space<semaphore_mem>>, %arg20: memref<!tpu.dma_semaphore, #tpu.memory_space<semaphore_mem>>, %arg21: memref<!tpu.dma_semaphore, #tpu.memory_space<semaphore_mem>>, %arg22: memref<!tpu.dma_semaphore, #tpu.memory_space<semaphore_mem>>, %arg23: memref<!tpu.dma_semaphore, #tpu.memory_space<semaphore_mem>>, %arg24: memref<640x16xf32, #tpu.memory_space<vmem>>, %arg25: memref<640x16xf32, #tpu.memory_space<vmem>>, %arg26: memref<16x16xf32, #tpu.memory_space<vmem>>) attributes {dimension_semantics = [#tpu.dimension_semantics<core_parallel>, #tpu.dimension_semantics<subcore_parallel>], iteration_bounds = array<i64: 2, 16>, scalar_prefetch = 0 : i64, scratch_operands = 18 : i64, tpu.core_type = #tpu.core_type<sc_vector_subcore>, window_params = [{transform_indices = #map}, {transform_indices = #map}, {transform_indices = #map}, {transform_indices = #map1}, {transform_indices = #map}, {transform_indices = #map2}, {transform_indices = #map1}]} {
    %mul3A = arith.constant 16 : i32
    %mul3A_0 = arith.muli %arg0, %mul3A : i32
    %add3A = arith.addi %mul3A_0, %arg1 : i32
    %mul3A_1 = arith.constant 80 : i32
    %mul3A_2 = arith.muli %add3A, %mul3A_1 : i32
    %mul3A_3 = arith.constant 640 : i32
    %mul3A_4 = arith.muli %arg1, %mul3A_3 : i32
    %dma_start3A = arith.constant 0 : i32
    %dma_start3A_5 = tpu.memref_slice %arg2[%mul3A_4, %dma_start3A] : memref<10240x16xf32, #tpu.memory_space<hbm>> -> memref<640x16xf32, #tpu.memory_space<hbm>>
    %dma_start3A_6 = arith.constant 0 : i32
    %dma_start3A_7 = tpu.memref_slice %arg2[%mul3A_4, %dma_start3A_6] : memref<10240x16xf32, #tpu.memory_space<hbm>> -> memref<640x16xf32, #tpu.memory_space<hbm>>
    tpu.enqueue_dma source(%dma_start3A_7 : memref<640x16xf32, #tpu.memory_space<hbm>>) target(%arg24 : memref<640x16xf32, #tpu.memory_space<vmem>>) target_semaphore(%arg14 : memref<!tpu.dma_semaphore, #tpu.memory_space<semaphore_mem>>)
    %mul3A_8 = arith.constant 640 : i32
    %mul3A_9 = arith.muli %arg1, %mul3A_8 : i32
    %dma_start3A_10 = arith.constant 0 : i32
    %dma_start3A_11 = tpu.memref_slice %arg3[%mul3A_9, %dma_start3A_10] : memref<10240x16xf32, #tpu.memory_space<hbm>> -> memref<640x16xf32, #tpu.memory_space<hbm>>
    %dma_start3A_12 = arith.constant 0 : i32
    %dma_start3A_13 = tpu.memref_slice %arg3[%mul3A_9, %dma_start3A_12] : memref<10240x16xf32, #tpu.memory_space<hbm>> -> memref<640x16xf32, #tpu.memory_space<hbm>>
    tpu.enqueue_dma source(%dma_start3A_13 : memref<640x16xf32, #tpu.memory_space<hbm>>) target(%arg25 : memref<640x16xf32, #tpu.memory_space<vmem>>) target_semaphore(%arg15 : memref<!tpu.dma_semaphore, #tpu.memory_space<semaphore_mem>>)
    tpu.enqueue_dma source(%arg4 : memref<16x16xf32, #tpu.memory_space<hbm>>) target(%arg26 : memref<16x16xf32, #tpu.memory_space<vmem>>) target_semaphore(%arg16 : memref<!tpu.dma_semaphore, #tpu.memory_space<semaphore_mem>>)
    %mul3A_14 = arith.constant 640 : i32
    %mul3A_15 = arith.muli %arg1, %mul3A_14 : i32
    %dma_start3A_16 = arith.constant 0 : i32
    %dma_start3A_17 = tpu.memref_slice %arg12[%mul3A_15, %dma_start3A_16] : memref<10240x16xf32, #tpu.memory_space<vmem_shared>> -> memref<640x16xf32, #tpu.memory_space<vmem_shared>>
    tpu.enqueue_dma source(%arg6 : memref<640x16xf32, #tpu.memory_space<hbm>>) target(%dma_start3A_17 : memref<640x16xf32, #tpu.memory_space<vmem_shared>>) target_semaphore(%arg17 : memref<!tpu.dma_semaphore, #tpu.memory_space<semaphore_mem>>)
    %dma_start3A_18 = arith.constant 0 : i32
    %dma_start3A_19 = arith.constant 0 : i32
    %dma_start3A_20 = tpu.memref_slice %arg5[%dma_start3A_18, %mul3A_2, %dma_start3A_19] : memref<2x2560x128xi32, #tpu.memory_space<hbm>> -> memref<1x80x128xi32, #tpu.memory_space<hbm>>
    %dma_start3A_21 = tpu.memref_squeeze %dma_start3A_20 : memref<1x80x128xi32, #tpu.memory_space<hbm>> -> memref<80x128xi32, #tpu.memory_space<hbm>>
    %dma_start3A_22 = arith.constant 0 : i32
    %dma_start3A_23 = tpu.memref_slice %arg5[%dma_start3A_18, %mul3A_2, %dma_start3A_22] : memref<2x2560x128xi32, #tpu.memory_space<hbm>> -> memref<1x80x128xi32, #tpu.memory_space<hbm>>
    %dma_start3A_24 = tpu.memref_squeeze %dma_start3A_23 : memref<1x80x128xi32, #tpu.memory_space<hbm>> -> memref<80x128xi32, #tpu.memory_space<hbm>>
    tpu.enqueue_dma source(%dma_start3A_24 : memref<80x128xi32, #tpu.memory_space<hbm>>) target(%arg9 : memref<80x128xi32, #tpu.memory_space<vmem>>) target_semaphore(%arg18 : memref<!tpu.dma_semaphore, #tpu.memory_space<semaphore_mem>>)
    %dma_start3A_25 = arith.constant 1 : i32
    %dma_start3A_26 = arith.constant 0 : i32
    %dma_start3A_27 = tpu.memref_slice %arg5[%dma_start3A_25, %mul3A_2, %dma_start3A_26] : memref<2x2560x128xi32, #tpu.memory_space<hbm>> -> memref<1x80x128xi32, #tpu.memory_space<hbm>>
    %dma_start3A_28 = tpu.memref_squeeze %dma_start3A_27 : memref<1x80x128xi32, #tpu.memory_space<hbm>> -> memref<80x128xi32, #tpu.memory_space<hbm>>
    %dma_start3A_29 = arith.constant 0 : i32
    %dma_start3A_30 = tpu.memref_slice %arg5[%dma_start3A_25, %mul3A_2, %dma_start3A_29] : memref<2x2560x128xi32, #tpu.memory_space<hbm>> -> memref<1x80x128xi32, #tpu.memory_space<hbm>>
    %dma_start3A_31 = tpu.memref_squeeze %dma_start3A_30 : memref<1x80x128xi32, #tpu.memory_space<hbm>> -> memref<80x128xi32, #tpu.memory_space<hbm>>
    tpu.enqueue_dma source(%dma_start3A_31 : memref<80x128xi32, #tpu.memory_space<hbm>>) target(%arg10 : memref<80x128xi32, #tpu.memory_space<vmem>>) target_semaphore(%arg19 : memref<!tpu.dma_semaphore, #tpu.memory_space<semaphore_mem>>)
    %dma_wait3A = arith.constant 0 : i32
    %dma_wait3A_32 = tpu.memref_slice %arg2[%mul3A_4, %dma_wait3A] : memref<10240x16xf32, #tpu.memory_space<hbm>> -> memref<640x16xf32, #tpu.memory_space<hbm>>
    %dma_wait3A_33 = arith.constant 0 : i32
    %dma_wait3A_34 = tpu.memref_slice %arg2[%mul3A_4, %dma_wait3A_33] : memref<10240x16xf32, #tpu.memory_space<hbm>> -> memref<640x16xf32, #tpu.memory_space<hbm>>
    tpu.wait_dma2 semaphore(%arg14 : memref<!tpu.dma_semaphore, #tpu.memory_space<semaphore_mem>>) src(%dma_wait3A_34 : memref<640x16xf32, #tpu.memory_space<hbm>>) dst(%arg24 : memref<640x16xf32, #tpu.memory_space<vmem>>)
    %dma_wait3A_35 = arith.constant 0 : i32
    %dma_wait3A_36 = tpu.memref_slice %arg3[%mul3A_9, %dma_wait3A_35] : memref<10240x16xf32, #tpu.memory_space<hbm>> -> memref<640x16xf32, #tpu.memory_space<hbm>>
    %dma_wait3A_37 = arith.constant 0 : i32
    %dma_wait3A_38 = tpu.memref_slice %arg3[%mul3A_9, %dma_wait3A_37] : memref<10240x16xf32, #tpu.memory_space<hbm>> -> memref<640x16xf32, #tpu.memory_space<hbm>>
    tpu.wait_dma2 semaphore(%arg15 : memref<!tpu.dma_semaphore, #tpu.memory_space<semaphore_mem>>) src(%dma_wait3A_38 : memref<640x16xf32, #tpu.memory_space<hbm>>) dst(%arg25 : memref<640x16xf32, #tpu.memory_space<vmem>>)
    tpu.wait_dma2 semaphore(%arg16 : memref<!tpu.dma_semaphore, #tpu.memory_space<semaphore_mem>>) src(%arg4 : memref<16x16xf32, #tpu.memory_space<hbm>>) dst(%arg26 : memref<16x16xf32, #tpu.memory_space<vmem>>)
    %get3A = arith.constant 0 : i32
    %get3A_39 = arith.index_cast %get3A : i32 to index
    %get3A_40 = arith.constant 0 : index
    %get3A_41 = tpu.vector_load %arg26[%get3A_39, %get3A_40] {strides = array<i32>} : memref<16x16xf32, #tpu.memory_space<vmem>>, vector<1x16xf32>,
    %get3A_42 = vector.shape_cast %get3A_41 : vector<1x16xf32> to vector<16xf32>
    %get3A_43 = arith.constant 1 : i32
    %get3A_44 = arith.index_cast %get3A_43 : i32 to index
    %get3A_45 = arith.constant 0 : index
    %get3A_46 = tpu.vector_load %arg26[%get3A_44, %get3A_45] {strides = array<i32>} : memref<16x16xf32, #tpu.memory_space<vmem>>, vector<1x16xf32>,
    %get3A_47 = vector.shape_cast %get3A_46 : vector<1x16xf32> to vector<16xf32>
    %get3A_48 = arith.constant 2 : i32
    %get3A_49 = arith.index_cast %get3A_48 : i32 to index
    %get3A_50 = arith.constant 0 : index
    %get3A_51 = tpu.vector_load %arg26[%get3A_49, %get3A_50] {strides = array<i32>} : memref<16x16xf32, #tpu.memory_space<vmem>>, vector<1x16xf32>,
    %get3A_52 = vector.shape_cast %get3A_51 : vector<1x16xf32> to vector<16xf32>
    %get3A_53 = arith.constant 3 : i32
    %get3A_54 = arith.index_cast %get3A_53 : i32 to index
    %get3A_55 = arith.constant 0 : index
    %get3A_56 = tpu.vector_load %arg26[%get3A_54, %get3A_55] {strides = array<i32>} : memref<16x16xf32, #tpu.memory_space<vmem>>, vector<1x16xf32>,
    %get3A_57 = vector.shape_cast %get3A_56 : vector<1x16xf32> to vector<16xf32>
    %get3A_58 = arith.constant 4 : i32
    %get3A_59 = arith.index_cast %get3A_58 : i32 to index
    %get3A_60 = arith.constant 0 : index
    %get3A_61 = tpu.vector_load %arg26[%get3A_59, %get3A_60] {strides = array<i32>} : memref<16x16xf32, #tpu.memory_space<vmem>>, vector<1x16xf32>,
    %get3A_62 = vector.shape_cast %get3A_61 : vector<1x16xf32> to vector<16xf32>
    %get3A_63 = arith.constant 5 : i32
    %get3A_64 = arith.index_cast %get3A_63 : i32 to index
    %get3A_65 = arith.constant 0 : index
    %get3A_66 = tpu.vector_load %arg26[%get3A_64, %get3A_65] {strides = array<i32>} : memref<16x16xf32, #tpu.memory_space<vmem>>, vector<1x16xf32>,
    %get3A_67 = vector.shape_cast %get3A_66 : vector<1x16xf32> to vector<16xf32>
    %get3A_68 = arith.constant 6 : i32
    %get3A_69 = arith.index_cast %get3A_68 : i32 to index
    %get3A_70 = arith.constant 0 : index
    %get3A_71 = tpu.vector_load %arg26[%get3A_69, %get3A_70] {strides = array<i32>} : memref<16x16xf32, #tpu.memory_space<vmem>>, vector<1x16xf32>,
    %get3A_72 = vector.shape_cast %get3A_71 : vector<1x16xf32> to vector<16xf32>
    %get3A_73 = arith.constant 7 : i32
    %get3A_74 = arith.index_cast %get3A_73 : i32 to index
    %get3A_75 = arith.constant 0 : index
    %get3A_76 = tpu.vector_load %arg26[%get3A_74, %get3A_75] {strides = array<i32>} : memref<16x16xf32, #tpu.memory_space<vmem>>, vector<1x16xf32>,
    %get3A_77 = vector.shape_cast %get3A_76 : vector<1x16xf32> to vector<16xf32>
    %get3A_78 = arith.constant 8 : i32
    %get3A_79 = arith.index_cast %get3A_78 : i32 to index
    %get3A_80 = arith.constant 0 : index
    %get3A_81 = tpu.vector_load %arg26[%get3A_79, %get3A_80] {strides = array<i32>} : memref<16x16xf32, #tpu.memory_space<vmem>>, vector<1x16xf32>,
    %get3A_82 = vector.shape_cast %get3A_81 : vector<1x16xf32> to vector<16xf32>
    %get3A_83 = arith.constant 9 : i32
    %get3A_84 = arith.index_cast %get3A_83 : i32 to index
    %get3A_85 = arith.constant 0 : index
    %get3A_86 = tpu.vector_load %arg26[%get3A_84, %get3A_85] {strides = array<i32>} : memref<16x16xf32, #tpu.memory_space<vmem>>, vector<1x16xf32>,
    %get3A_87 = vector.shape_cast %get3A_86 : vector<1x16xf32> to vector<16xf32>
    %get3A_88 = arith.constant 10 : i32
    %get3A_89 = arith.index_cast %get3A_88 : i32 to index
    %get3A_90 = arith.constant 0 : index
    %get3A_91 = tpu.vector_load %arg26[%get3A_89, %get3A_90] {strides = array<i32>} : memref<16x16xf32, #tpu.memory_space<vmem>>, vector<1x16xf32>,
    %get3A_92 = vector.shape_cast %get3A_91 : vector<1x16xf32> to vector<16xf32>
    %get3A_93 = arith.constant 11 : i32
    %get3A_94 = arith.index_cast %get3A_93 : i32 to index
    %get3A_95 = arith.constant 0 : index
    %get3A_96 = tpu.vector_load %arg26[%get3A_94, %get3A_95] {strides = array<i32>} : memref<16x16xf32, #tpu.memory_space<vmem>>, vector<1x16xf32>,
    %get3A_97 = vector.shape_cast %get3A_96 : vector<1x16xf32> to vector<16xf32>
    %get3A_98 = arith.constant 12 : i32
    %get3A_99 = arith.index_cast %get3A_98 : i32 to index
    %get3A_100 = arith.constant 0 : index
    %get3A_101 = tpu.vector_load %arg26[%get3A_99, %get3A_100] {strides = array<i32>} : memref<16x16xf32, #tpu.memory_space<vmem>>, vector<1x16xf32>,
    %get3A_102 = vector.shape_cast %get3A_101 : vector<1x16xf32> to vector<16xf32>
    %get3A_103 = arith.constant 13 : i32
    %get3A_104 = arith.index_cast %get3A_103 : i32 to index
    %get3A_105 = arith.constant 0 : index
    %get3A_106 = tpu.vector_load %arg26[%get3A_104, %get3A_105] {strides = array<i32>} : memref<16x16xf32, #tpu.memory_space<vmem>>, vector<1x16xf32>,
    %get3A_107 = vector.shape_cast %get3A_106 : vector<1x16xf32> to vector<16xf32>
    %get3A_108 = arith.constant 14 : i32
    %get3A_109 = arith.index_cast %get3A_108 : i32 to index
    %get3A_110 = arith.constant 0 : index
    %get3A_111 = tpu.vector_load %arg26[%get3A_109, %get3A_110] {strides = array<i32>} : memref<16x16xf32, #tpu.memory_space<vmem>>, vector<1x16xf32>,
    %get3A_112 = vector.shape_cast %get3A_111 : vector<1x16xf32> to vector<16xf32>
    %get3A_113 = arith.constant 15 : i32
    %get3A_114 = arith.index_cast %get3A_113 : i32 to index
    %get3A_115 = arith.constant 0 : index
    %get3A_116 = tpu.vector_load %arg26[%get3A_114, %get3A_115] {strides = array<i32>} : memref<16x16xf32, #tpu.memory_space<vmem>>, vector<1x16xf32>,
    %get3A_117 = vector.shape_cast %get3A_116 : vector<1x16xf32> to vector<16xf32>
    %broadcast_in_dim3A = arith.constant 0 : i32
    %broadcast_in_dim3A_118 = vector.broadcast %broadcast_in_dim3A : i32 to vector<16xi32>
    %broadcast_in_dim3A_119 = arith.constant 1 : i32
    %broadcast_in_dim3A_120 = vector.broadcast %broadcast_in_dim3A_119 : i32 to vector<16xi32>
    %broadcast_in_dim3A_121 = arith.constant 2 : i32
    %broadcast_in_dim3A_122 = vector.broadcast %broadcast_in_dim3A_121 : i32 to vector<16xi32>
    %broadcast_in_dim3A_123 = arith.constant 3 : i32
    %broadcast_in_dim3A_124 = vector.broadcast %broadcast_in_dim3A_123 : i32 to vector<16xi32>
    %broadcast_in_dim3A_125 = arith.constant 4 : i32
    %broadcast_in_dim3A_126 = vector.broadcast %broadcast_in_dim3A_125 : i32 to vector<16xi32>
    %broadcast_in_dim3A_127 = arith.constant 5 : i32
    %broadcast_in_dim3A_128 = vector.broadcast %broadcast_in_dim3A_127 : i32 to vector<16xi32>
    %broadcast_in_dim3A_129 = arith.constant 6 : i32
    %broadcast_in_dim3A_130 = vector.broadcast %broadcast_in_dim3A_129 : i32 to vector<16xi32>
    %broadcast_in_dim3A_131 = arith.constant 7 : i32
    %broadcast_in_dim3A_132 = vector.broadcast %broadcast_in_dim3A_131 : i32 to vector<16xi32>
    %broadcast_in_dim3A_133 = arith.constant 8 : i32
    %broadcast_in_dim3A_134 = vector.broadcast %broadcast_in_dim3A_133 : i32 to vector<16xi32>
    %broadcast_in_dim3A_135 = arith.constant 9 : i32
    %broadcast_in_dim3A_136 = vector.broadcast %broadcast_in_dim3A_135 : i32 to vector<16xi32>
    %broadcast_in_dim3A_137 = arith.constant 10 : i32
    %broadcast_in_dim3A_138 = vector.broadcast %broadcast_in_dim3A_137 : i32 to vector<16xi32>
    %broadcast_in_dim3A_139 = arith.constant 11 : i32
    %broadcast_in_dim3A_140 = vector.broadcast %broadcast_in_dim3A_139 : i32 to vector<16xi32>
    %broadcast_in_dim3A_141 = arith.constant 12 : i32
    %broadcast_in_dim3A_142 = vector.broadcast %broadcast_in_dim3A_141 : i32 to vector<16xi32>
    %broadcast_in_dim3A_143 = arith.constant 13 : i32
    %broadcast_in_dim3A_144 = vector.broadcast %broadcast_in_dim3A_143 : i32 to vector<16xi32>
    %broadcast_in_dim3A_145 = arith.constant 14 : i32
    %broadcast_in_dim3A_146 = vector.broadcast %broadcast_in_dim3A_145 : i32 to vector<16xi32>
    %broadcast_in_dim3A_147 = arith.constant 15 : i32
    %broadcast_in_dim3A_148 = vector.broadcast %broadcast_in_dim3A_147 : i32 to vector<16xi32>
    %scan3A = arith.constant 0 : i32
    %scan3A_149 = arith.constant 0 : i32
    %scan3A_150 = arith.constant 160 : i32
    %scan3A_151 = arith.addi %scan3A_149, %scan3A_150 : i32
    %scan3A_152 = arith.constant 1 : i32
    %scan3A_153 = scf.for %scan3A_306 = %scan3A_149 to %scan3A_151 step %scan3A_152 iter_args(%scan3A_307 = %scan3A) -> (i32)  : i32 {
      %mul3A_308 = arith.constant 4 : i32
      %mul3A_309 = arith.muli %scan3A_306, %mul3A_308 : i32
      %add3A_310 = arith.constant 0 : i32
      %add3A_311 = arith.addi %mul3A_309, %add3A_310 : i32
      %get3A_312 = arith.index_cast %add3A_311 : i32 to index
      %get3A_313 = arith.constant 0 : index
      %get3A_314 = tpu.vector_load %arg24[%get3A_312, %get3A_313] {strides = array<i32>} : memref<640x16xf32, #tpu.memory_space<vmem>>, vector<1x16xf32>,
      %get3A_315 = vector.shape_cast %get3A_314 : vector<1x16xf32> to vector<16xf32>
      %get3A_316 = arith.index_cast %add3A_311 : i32 to index
      %get3A_317 = arith.constant 0 : index
      %get3A_318 = tpu.vector_load %arg25[%get3A_316, %get3A_317] {strides = array<i32>} : memref<640x16xf32, #tpu.memory_space<vmem>>, vector<1x16xf32>,
      %get3A_319 = vector.shape_cast %get3A_318 : vector<1x16xf32> to vector<16xf32>
      %add3A_320 = arith.addf %get3A_315, %get3A_319 : vector<16xf32>
      %max3A = arith.constant 0.000000e+00 : f32
      %max3A_321 = vector.broadcast %max3A : f32 to vector<16xf32>
      %max3A_322 = arith.maximumf %add3A_320, %max3A_321 : vector<16xf32>
      %lt3A = arith.constant 0 : i32
      %lt3A_323 = vector.broadcast %lt3A : i32 to vector<16xi32>
      %lt3A_324 = arith.cmpi slt, %broadcast_in_dim3A_118, %lt3A_323 : vector<16xi32>
      %add3A_325 = arith.constant 16 : i32
      %add3A_326 = vector.broadcast %add3A_325 : i32 to vector<16xi32>
      %add3A_327 = arith.addi %broadcast_in_dim3A_118, %add3A_326 : vector<16xi32>
      %select_n3A = arith.select %lt3A_324, %add3A_327, %broadcast_in_dim3A_118 : vector<16xi1>, vector<16xi32>
      %broadcast_in_dim3A_328 = vector.shape_cast %select_n3A : vector<16xi32> to vector<16x1xi32>
      %gather3A = vector.shape_cast %broadcast_in_dim3A_328 : vector<16x1xi32> to vector<16xi32>
      %gather3A_329 = tpu.dynamic_gather %max3A_322[%gather3A] in [0] : vector<16xf32>, vector<16xi32> -> vector<16xf32>
      %mul3A_330 = arith.mulf %gather3A_329, %get3A_42 : vector<16xf32>
      %lt3A_331 = arith.constant 0 : i32
      %lt3A_332 = vector.broadcast %lt3A_331 : i32 to vector<16xi32>
      %lt3A_333 = arith.cmpi slt, %broadcast_in_dim3A_120, %lt3A_332 : vector<16xi32>
      %add3A_334 = arith.constant 16 : i32
      %add3A_335 = vector.broadcast %add3A_334 : i32 to vector<16xi32>
      %add3A_336 = arith.addi %broadcast_in_dim3A_120, %add3A_335 : vector<16xi32>
      %select_n3A_337 = arith.select %lt3A_333, %add3A_336, %broadcast_in_dim3A_120 : vector<16xi1>, vector<16xi32>
      %broadcast_in_dim3A_338 = vector.shape_cast %select_n3A_337 : vector<16xi32> to vector<16x1xi32>
      %gather3A_339 = vector.shape_cast %broadcast_in_dim3A_338 : vector<16x1xi32> to vector<16xi32>
      %gather3A_340 = tpu.dynamic_gather %max3A_322[%gather3A_339] in [0] : vector<16xf32>, vector<16xi32> -> vector<16xf32>
      %mul3A_341 = arith.mulf %gather3A_340, %get3A_47 : vector<16xf32>
      %add3A_342 = arith.addf %mul3A_330, %mul3A_341 : vector<16xf32>
      %lt3A_343 = arith.constant 0 : i32
      %lt3A_344 = vector.broadcast %lt3A_343 : i32 to vector<16xi32>
      %lt3A_345 = arith.cmpi slt, %broadcast_in_dim3A_122, %lt3A_344 : vector<16xi32>
      %add3A_346 = arith.constant 16 : i32
      %add3A_347 = vector.broadcast %add3A_346 : i32 to vector<16xi32>
      %add3A_348 = arith.addi %broadcast_in_dim3A_122, %add3A_347 : vector<16xi32>
      %select_n3A_349 = arith.select %lt3A_345, %add3A_348, %broadcast_in_dim3A_122 : vector<16xi1>, vector<16xi32>
      %broadcast_in_dim3A_350 = vector.shape_cast %select_n3A_349 : vector<16xi32> to vector<16x1xi32>
      %gather3A_351 = vector.shape_cast %broadcast_in_dim3A_350 : vector<16x1xi32> to vector<16xi32>
      %gather3A_352 = tpu.dynamic_gather %max3A_322[%gather3A_351] in [0] : vector<16xf32>, vector<16xi32> -> vector<16xf32>
      %mul3A_353 = arith.mulf %gather3A_352, %get3A_52 : vector<16xf32>
      %add3A_354 = arith.addf %add3A_342, %mul3A_353 : vector<16xf32>
      %lt3A_355 = arith.constant 0 : i32
      %lt3A_356 = vector.broadcast %lt3A_355 : i32 to vector<16xi32>
      %lt3A_357 = arith.cmpi slt, %broadcast_in_dim3A_124, %lt3A_356 : vector<16xi32>
      %add3A_358 = arith.constant 16 : i32
      %add3A_359 = vector.broadcast %add3A_358 : i32 to vector<16xi32>
      %add3A_360 = arith.addi %broadcast_in_dim3A_124, %add3A_359 : vector<16xi32>
      %select_n3A_361 = arith.select %lt3A_357, %add3A_360, %broadcast_in_dim3A_124 : vector<16xi1>, vector<16xi32>
      %broadcast_in_dim3A_362 = vector.shape_cast %select_n3A_361 : vector<16xi32> to vector<16x1xi32>
      %gather3A_363 = vector.shape_cast %broadcast_in_dim3A_362 : vector<16x1xi32> to vector<16xi32>
      %gather3A_364 = tpu.dynamic_gather %max3A_322[%gather3A_363] in [0] : vector<16xf32>, vector<16xi32> -> vector<16xf32>
      %mul3A_365 = arith.mulf %gather3A_364, %get3A_57 : vector<16xf32>
      %add3A_366 = arith.addf %add3A_354, %mul3A_365 : vector<16xf32>
      %lt3A_367 = arith.constant 0 : i32
      %lt3A_368 = vector.broadcast %lt3A_367 : i32 to vector<16xi32>
      %lt3A_369 = arith.cmpi slt, %broadcast_in_dim3A_126, %lt3A_368 : vector<16xi32>
      %add3A_370 = arith.constant 16 : i32
      %add3A_371 = vector.broadcast %add3A_370 : i32 to vector<16xi32>
      %add3A_372 = arith.addi %broadcast_in_dim3A_126, %add3A_371 : vector<16xi32>
      %select_n3A_373 = arith.select %lt3A_369, %add3A_372, %broadcast_in_dim3A_126 : vector<16xi1>, vector<16xi32>
      %broadcast_in_dim3A_374 = vector.shape_cast %select_n3A_373 : vector<16xi32> to vector<16x1xi32>
      %gather3A_375 = vector.shape_cast %broadcast_in_dim3A_374 : vector<16x1xi32> to vector<16xi32>
      %gather3A_376 = tpu.dynamic_gather %max3A_322[%gather3A_375] in [0] : vector<16xf32>, vector<16xi32> -> vector<16xf32>
      %mul3A_377 = arith.mulf %gather3A_376, %get3A_62 : vector<16xf32>
      %lt3A_378 = arith.constant 0 : i32
      %lt3A_379 = vector.broadcast %lt3A_378 : i32 to vector<16xi32>
      %lt3A_380 = arith.cmpi slt, %broadcast_in_dim3A_128, %lt3A_379 : vector<16xi32>
      %add3A_381 = arith.constant 16 : i32
      %add3A_382 = vector.broadcast %add3A_381 : i32 to vector<16xi32>
      %add3A_383 = arith.addi %broadcast_in_dim3A_128, %add3A_382 : vector<16xi32>
      %select_n3A_384 = arith.select %lt3A_380, %add3A_383, %broadcast_in_dim3A_128 : vector<16xi1>, vector<16xi32>
      %broadcast_in_dim3A_385 = vector.shape_cast %select_n3A_384 : vector<16xi32> to vector<16x1xi32>
      %gather3A_386 = vector.shape_cast %broadcast_in_dim3A_385 : vector<16x1xi32> to vector<16xi32>
      %gather3A_387 = tpu.dynamic_gather %max3A_322[%gather3A_386] in [0] : vector<16xf32>, vector<16xi32> -> vector<16xf32>
      %mul3A_388 = arith.mulf %gather3A_387, %get3A_67 : vector<16xf32>
      %add3A_389 = arith.addf %mul3A_377, %mul3A_388 : vector<16xf32>
      %lt3A_390 = arith.constant 0 : i32
      %lt3A_391 = vector.broadcast %lt3A_390 : i32 to vector<16xi32>
      %lt3A_392 = arith.cmpi slt, %broadcast_in_dim3A_130, %lt3A_391 : vector<16xi32>
      %add3A_393 = arith.constant 16 : i32
      %add3A_394 = vector.broadcast %add3A_393 : i32 to vector<16xi32>
      %add3A_395 = arith.addi %broadcast_in_dim3A_130, %add3A_394 : vector<16xi32>
      %select_n3A_396 = arith.select %lt3A_392, %add3A_395, %broadcast_in_dim3A_130 : vector<16xi1>, vector<16xi32>
      %broadcast_in_dim3A_397 = vector.shape_cast %select_n3A_396 : vector<16xi32> to vector<16x1xi32>
      %gather3A_398 = vector.shape_cast %broadcast_in_dim3A_397 : vector<16x1xi32> to vector<16xi32>
      %gather3A_399 = tpu.dynamic_gather %max3A_322[%gather3A_398] in [0] : vector<16xf32>, vector<16xi32> -> vector<16xf32>
      %mul3A_400 = arith.mulf %gather3A_399, %get3A_72 : vector<16xf32>
      %add3A_401 = arith.addf %add3A_389, %mul3A_400 : vector<16xf32>
      %lt3A_402 = arith.constant 0 : i32
      %lt3A_403 = vector.broadcast %lt3A_402 : i32 to vector<16xi32>
      %lt3A_404 = arith.cmpi slt, %broadcast_in_dim3A_132, %lt3A_403 : vector<16xi32>
      %add3A_405 = arith.constant 16 : i32
      %add3A_406 = vector.broadcast %add3A_405 : i32 to vector<16xi32>
      %add3A_407 = arith.addi %broadcast_in_dim3A_132, %add3A_406 : vector<16xi32>
      %select_n3A_408 = arith.select %lt3A_404, %add3A_407, %broadcast_in_dim3A_132 : vector<16xi1>, vector<16xi32>
      %broadcast_in_dim3A_409 = vector.shape_cast %select_n3A_408 : vector<16xi32> to vector<16x1xi32>
      %gather3A_410 = vector.shape_cast %broadcast_in_dim3A_409 : vector<16x1xi32> to vector<16xi32>
      %gather3A_411 = tpu.dynamic_gather %max3A_322[%gather3A_410] in [0] : vector<16xf32>, vector<16xi32> -> vector<16xf32>
      %mul3A_412 = arith.mulf %gather3A_411, %get3A_77 : vector<16xf32>
      %add3A_413 = arith.addf %add3A_401, %mul3A_412 : vector<16xf32>
      %lt3A_414 = arith.constant 0 : i32
      %lt3A_415 = vector.broadcast %lt3A_414 : i32 to vector<16xi32>
      %lt3A_416 = arith.cmpi slt, %broadcast_in_dim3A_134, %lt3A_415 : vector<16xi32>
      %add3A_417 = arith.constant 16 : i32
      %add3A_418 = vector.broadcast %add3A_417 : i32 to vector<16xi32>
      %add3A_419 = arith.addi %broadcast_in_dim3A_134, %add3A_418 : vector<16xi32>
      %select_n3A_420 = arith.select %lt3A_416, %add3A_419, %broadcast_in_dim3A_134 : vector<16xi1>, vector<16xi32>
      %broadcast_in_dim3A_421 = vector.shape_cast %select_n3A_420 : vector<16xi32> to vector<16x1xi32>
      %gather3A_422 = vector.shape_cast %broadcast_in_dim3A_421 : vector<16x1xi32> to vector<16xi32>
      %gather3A_423 = tpu.dynamic_gather %max3A_322[%gather3A_422] in [0] : vector<16xf32>, vector<16xi32> -> vector<16xf32>
      %mul3A_424 = arith.mulf %gather3A_423, %get3A_82 : vector<16xf32>
      %lt3A_425 = arith.constant 0 : i32
      %lt3A_426 = vector.broadcast %lt3A_425 : i32 to vector<16xi32>
      %lt3A_427 = arith.cmpi slt, %broadcast_in_dim3A_136, %lt3A_426 : vector<16xi32>
      %add3A_428 = arith.constant 16 : i32
      %add3A_429 = vector.broadcast %add3A_428 : i32 to vector<16xi32>
      %add3A_430 = arith.addi %broadcast_in_dim3A_136, %add3A_429 : vector<16xi32>
      %select_n3A_431 = arith.select %lt3A_427, %add3A_430, %broadcast_in_dim3A_136 : vector<16xi1>, vector<16xi32>
      %broadcast_in_dim3A_432 = vector.shape_cast %select_n3A_431 : vector<16xi32> to vector<16x1xi32>
      %gather3A_433 = vector.shape_cast %broadcast_in_dim3A_432 : vector<16x1xi32> to vector<16xi32>
      %gather3A_434 = tpu.dynamic_gather %max3A_322[%gather3A_433] in [0] : vector<16xf32>, vector<16xi32> -> vector<16xf32>
      %mul3A_435 = arith.mulf %gather3A_434, %get3A_87 : vector<16xf32>
      %add3A_436 = arith.addf %mul3A_424, %mul3A_435 : vector<16xf32>
      %lt3A_437 = arith.constant 0 : i32
      %lt3A_438 = vector.broadcast %lt3A_437 : i32 to vector<16xi32>
      %lt3A_439 = arith.cmpi slt, %broadcast_in_dim3A_138, %lt3A_438 : vector<16xi32>
      %add3A_440 = arith.constant 16 : i32
      %add3A_441 = vector.broadcast %add3A_440 : i32 to vector<16xi32>
      %add3A_442 = arith.addi %broadcast_in_dim3A_138, %add3A_441 : vector<16xi32>
      %select_n3A_443 = arith.select %lt3A_439, %add3A_442, %broadcast_in_dim3A_138 : vector<16xi1>, vector<16xi32>
      %broadcast_in_dim3A_444 = vector.shape_cast %select_n3A_443 : vector<16xi32> to vector<16x1xi32>
      %gather3A_445 = vector.shape_cast %broadcast_in_dim3A_444 : vector<16x1xi32> to vector<16xi32>
      %gather3A_446 = tpu.dynamic_gather %max3A_322[%gather3A_445] in [0] : vector<16xf32>, vector<16xi32> -> vector<16xf32>
      %mul3A_447 = arith.mulf %gather3A_446, %get3A_92 : vector<16xf32>
      %add3A_448 = arith.addf %add3A_436, %mul3A_447 : vector<16xf32>
      %lt3A_449 = arith.constant 0 : i32
      %lt3A_450 = vector.broadcast %lt3A_449 : i32 to vector<16xi32>
      %lt3A_451 = arith.cmpi slt, %broadcast_in_dim3A_140, %lt3A_450 : vector<16xi32>
      %add3A_452 = arith.constant 16 : i32
      %add3A_453 = vector.broadcast %add3A_452 : i32 to vector<16xi32>
      %add3A_454 = arith.addi %broadcast_in_dim3A_140, %add3A_453 : vector<16xi32>
      %select_n3A_455 = arith.select %lt3A_451, %add3A_454, %broadcast_in_dim3A_140 : vector<16xi1>, vector<16xi32>
      %broadcast_in_dim3A_456 = vector.shape_cast %select_n3A_455 : vector<16xi32> to vector<16x1xi32>
      %gather3A_457 = vector.shape_cast %broadcast_in_dim3A_456 : vector<16x1xi32> to vector<16xi32>
      %gather3A_458 = tpu.dynamic_gather %max3A_322[%gather3A_457] in [0] : vector<16xf32>, vector<16xi32> -> vector<16xf32>
      %mul3A_459 = arith.mulf %gather3A_458, %get3A_97 : vector<16xf32>
      %add3A_460 = arith.addf %add3A_448, %mul3A_459 : vector<16xf32>
      %lt3A_461 = arith.constant 0 : i32
      %lt3A_462 = vector.broadcast %lt3A_461 : i32 to vector<16xi32>
      %lt3A_463 = arith.cmpi slt, %broadcast_in_dim3A_142, %lt3A_462 : vector<16xi32>
      %add3A_464 = arith.constant 16 : i32
      %add3A_465 = vector.broadcast %add3A_464 : i32 to vector<16xi32>
      %add3A_466 = arith.addi %broadcast_in_dim3A_142, %add3A_465 : vector<16xi32>
      %select_n3A_467 = arith.select %lt3A_463, %add3A_466, %broadcast_in_dim3A_142 : vector<16xi1>, vector<16xi32>
      %broadcast_in_dim3A_468 = vector.shape_cast %select_n3A_467 : vector<16xi32> to vector<16x1xi32>
      %gather3A_469 = vector.shape_cast %broadcast_in_dim3A_468 : vector<16x1xi32> to vector<16xi32>
      %gather3A_470 = tpu.dynamic_gather %max3A_322[%gather3A_469] in [0] : vector<16xf32>, vector<16xi32> -> vector<16xf32>
      %mul3A_471 = arith.mulf %gather3A_470, %get3A_102 : vector<16xf32>
      %lt3A_472 = arith.constant 0 : i32
      %lt3A_473 = vector.broadcast %lt3A_472 : i32 to vector<16xi32>
      %lt3A_474 = arith.cmpi slt, %broadcast_in_dim3A_144, %lt3A_473 : vector<16xi32>
      %add3A_475 = arith.constant 16 : i32
      %add3A_476 = vector.broadcast %add3A_475 : i32 to vector<16xi32>
      %add3A_477 = arith.addi %broadcast_in_dim3A_144, %add3A_476 : vector<16xi32>
      %select_n3A_478 = arith.select %lt3A_474, %add3A_477, %broadcast_in_dim3A_144 : vector<16xi1>, vector<16xi32>
      %broadcast_in_dim3A_479 = vector.shape_cast %select_n3A_478 : vector<16xi32> to vector<16x1xi32>
      %gather3A_480 = vector.shape_cast %broadcast_in_dim3A_479 : vector<16x1xi32> to vector<16xi32>
      %gather3A_481 = tpu.dynamic_gather %max3A_322[%gather3A_480] in [0] : vector<16xf32>, vector<16xi32> -> vector<16xf32>
      %mul3A_482 = arith.mulf %gather3A_481, %get3A_107 : vector<16xf32>
      %add3A_483 = arith.addf %mul3A_471, %mul3A_482 : vector<16xf32>
      %lt3A_484 = arith.constant 0 : i32
      %lt3A_485 = vector.broadcast %lt3A_484 : i32 to vector<16xi32>
      %lt3A_486 = arith.cmpi slt, %broadcast_in_dim3A_146, %lt3A_485 : vector<16xi32>
      %add3A_487 = arith.constant 16 : i32
      %add3A_488 = vector.broadcast %add3A_487 : i32 to vector<16xi32>
      %add3A_489 = arith.addi %broadcast_in_dim3A_146, %add3A_488 : vector<16xi32>
      %select_n3A_490 = arith.select %lt3A_486, %add3A_489, %broadcast_in_dim3A_146 : vector<16xi1>, vector<16xi32>
      %broadcast_in_dim3A_491 = vector.shape_cast %select_n3A_490 : vector<16xi32> to vector<16x1xi32>
      %gather3A_492 = vector.shape_cast %broadcast_in_dim3A_491 : vector<16x1xi32> to vector<16xi32>
      %gather3A_493 = tpu.dynamic_gather %max3A_322[%gather3A_492] in [0] : vector<16xf32>, vector<16xi32> -> vector<16xf32>
      %mul3A_494 = arith.mulf %gather3A_493, %get3A_112 : vector<16xf32>
      %add3A_495 = arith.addf %add3A_483, %mul3A_494 : vector<16xf32>
      %lt3A_496 = arith.constant 0 : i32
      %lt3A_497 = vector.broadcast %lt3A_496 : i32 to vector<16xi32>
      %lt3A_498 = arith.cmpi slt, %broadcast_in_dim3A_148, %lt3A_497 : vector<16xi32>
      %add3A_499 = arith.constant 16 : i32
      %add3A_500 = vector.broadcast %add3A_499 : i32 to vector<16xi32>
      %add3A_501 = arith.addi %broadcast_in_dim3A_148, %add3A_500 : vector<16xi32>
      %select_n3A_502 = arith.select %lt3A_498, %add3A_501, %broadcast_in_dim3A_148 : vector<16xi1>, vector<16xi32>
      %broadcast_in_dim3A_503 = vector.shape_cast %select_n3A_502 : vector<16xi32> to vector<16x1xi32>
      %gather3A_504 = vector.shape_cast %broadcast_in_dim3A_503 : vector<16x1xi32> to vector<16xi32>
      %gather3A_505 = tpu.dynamic_gather %max3A_322[%gather3A_504] in [0] : vector<16xf32>, vector<16xi32> -> vector<16xf32>
      %mul3A_506 = arith.mulf %gather3A_505, %get3A_117 : vector<16xf32>
      %add3A_507 = arith.addf %add3A_495, %mul3A_506 : vector<16xf32>
      %add3A_508 = arith.addf %add3A_366, %add3A_413 : vector<16xf32>
      %add3A_509 = arith.addf %add3A_460, %add3A_507 : vector<16xf32>
      %add3A_510 = arith.addf %add3A_508, %add3A_509 : vector<16xf32>
      %swap3A = arith.index_cast %add3A_311 : i32 to index
      %swap3A_511 = arith.constant 0 : index
      %swap3A_512 = tpu.vector_load %arg24[%swap3A, %swap3A_511] {strides = array<i32>} : memref<640x16xf32, #tpu.memory_space<vmem>>, vector<1x16xf32>,
      %swap3A_513 = vector.shape_cast %swap3A_512 : vector<1x16xf32> to vector<16xf32>
      %swap3A_514 = vector.shape_cast %add3A_510 : vector<16xf32> to vector<1x16xf32>
      tpu.vector_store %arg24[%swap3A, %swap3A_511], %swap3A_514 {strides = array<i32>} : memref<640x16xf32, #tpu.memory_space<vmem>>, vector<1x16xf32>,
      %mul3A_515 = arith.constant 4 : i32
      %mul3A_516 = arith.muli %scan3A_306, %mul3A_515 : i32
      %add3A_517 = arith.constant 1 : i32
      %add3A_518 = arith.addi %mul3A_516, %add3A_517 : i32
      %get3A_519 = arith.index_cast %add3A_518 : i32 to index
      %get3A_520 = arith.constant 0 : index
      %get3A_521 = tpu.vector_load %arg24[%get3A_519, %get3A_520] {strides = array<i32>} : memref<640x16xf32, #tpu.memory_space<vmem>>, vector<1x16xf32>,
      %get3A_522 = vector.shape_cast %get3A_521 : vector<1x16xf32> to vector<16xf32>
      %get3A_523 = arith.index_cast %add3A_518 : i32 to index
      %get3A_524 = arith.constant 0 : index
      %get3A_525 = tpu.vector_load %arg25[%get3A_523, %get3A_524] {strides = array<i32>} : memref<640x16xf32, #tpu.memory_space<vmem>>, vector<1x16xf32>,
      %get3A_526 = vector.shape_cast %get3A_525 : vector<1x16xf32> to vector<16xf32>
      %add3A_527 = arith.addf %get3A_522, %get3A_526 : vector<16xf32>
      %max3A_528 = arith.constant 0.000000e+00 : f32
      %max3A_529 = vector.broadcast %max3A_528 : f32 to vector<16xf32>
      %max3A_530 = arith.maximumf %add3A_527, %max3A_529 : vector<16xf32>
      %lt3A_531 = arith.constant 0 : i32
      %lt3A_532 = vector.broadcast %lt3A_531 : i32 to vector<16xi32>
      %lt3A_533 = arith.cmpi slt, %broadcast_in_dim3A_118, %lt3A_532 : vector<16xi32>
      %add3A_534 = arith.constant 16 : i32
      %add3A_535 = vector.broadcast %add3A_534 : i32 to vector<16xi32>
      %add3A_536 = arith.addi %broadcast_in_dim3A_118, %add3A_535 : vector<16xi32>
      %select_n3A_537 = arith.select %lt3A_533, %add3A_536, %broadcast_in_dim3A_118 : vector<16xi1>, vector<16xi32>
      %broadcast_in_dim3A_538 = vector.shape_cast %select_n3A_537 : vector<16xi32> to vector<16x1xi32>
      %gather3A_539 = vector.shape_cast %broadcast_in_dim3A_538 : vector<16x1xi32> to vector<16xi32>
      %gather3A_540 = tpu.dynamic_gather %max3A_530[%gather3A_539] in [0] : vector<16xf32>, vector<16xi32> -> vector<16xf32>
      %mul3A_541 = arith.mulf %gather3A_540, %get3A_42 : vector<16xf32>
      %lt3A_542 = arith.constant 0 : i32
      %lt3A_543 = vector.broadcast %lt3A_542 : i32 to vector<16xi32>
      %lt3A_544 = arith.cmpi slt, %broadcast_in_dim3A_120, %lt3A_543 : vector<16xi32>
      %add3A_545 = arith.constant 16 : i32
      %add3A_546 = vector.broadcast %add3A_545 : i32 to vector<16xi32>
      %add3A_547 = arith.addi %broadcast_in_dim3A_120, %add3A_546 : vector<16xi32>
      %select_n3A_548 = arith.select %lt3A_544, %add3A_547, %broadcast_in_dim3A_120 : vector<16xi1>, vector<16xi32>
      %broadcast_in_dim3A_549 = vector.shape_cast %select_n3A_548 : vector<16xi32> to vector<16x1xi32>
      %gather3A_550 = vector.shape_cast %broadcast_in_dim3A_549 : vector<16x1xi32> to vector<16xi32>
      %gather3A_551 = tpu.dynamic_gather %max3A_530[%gather3A_550] in [0] : vector<16xf32>, vector<16xi32> -> vector<16xf32>
      %mul3A_552 = arith.mulf %gather3A_551, %get3A_47 : vector<16xf32>
      %add3A_553 = arith.addf %mul3A_541, %mul3A_552 : vector<16xf32>
      %lt3A_554 = arith.constant 0 : i32
      %lt3A_555 = vector.broadcast %lt3A_554 : i32 to vector<16xi32>
      %lt3A_556 = arith.cmpi slt, %broadcast_in_dim3A_122, %lt3A_555 : vector<16xi32>
      %add3A_557 = arith.constant 16 : i32
      %add3A_558 = vector.broadcast %add3A_557 : i32 to vector<16xi32>
      %add3A_559 = arith.addi %broadcast_in_dim3A_122, %add3A_558 : vector<16xi32>
      %select_n3A_560 = arith.select %lt3A_556, %add3A_559, %broadcast_in_dim3A_122 : vector<16xi1>, vector<16xi32>
      %broadcast_in_dim3A_561 = vector.shape_cast %select_n3A_560 : vector<16xi32> to vector<16x1xi32>
      %gather3A_562 = vector.shape_cast %broadcast_in_dim3A_561 : vector<16x1xi32> to vector<16xi32>
      %gather3A_563 = tpu.dynamic_gather %max3A_530[%gather3A_562] in [0] : vector<16xf32>, vector<16xi32> -> vector<16xf32>
      %mul3A_564 = arith.mulf %gather3A_563, %get3A_52 : vector<16xf32>
      %add3A_565 = arith.addf %add3A_553, %mul3A_564 : vector<16xf32>
      %lt3A_566 = arith.constant 0 : i32
      %lt3A_567 = vector.broadcast %lt3A_566 : i32 to vector<16xi32>
      %lt3A_568 = arith.cmpi slt, %broadcast_in_dim3A_124, %lt3A_567 : vector<16xi32>
      %add3A_569 = arith.constant 16 : i32
      %add3A_570 = vector.broadcast %add3A_569 : i32 to vector<16xi32>
      %add3A_571 = arith.addi %broadcast_in_dim3A_124, %add3A_570 : vector<16xi32>
      %select_n3A_572 = arith.select %lt3A_568, %add3A_571, %broadcast_in_dim3A_124 : vector<16xi1>, vector<16xi32>
      %broadcast_in_dim3A_573 = vector.shape_cast %select_n3A_572 : vector<16xi32> to vector<16x1xi32>
      %gather3A_574 = vector.shape_cast %broadcast_in_dim3A_573 : vector<16x1xi32> to vector<16xi32>
      %gather3A_575 = tpu.dynamic_gather %max3A_530[%gather3A_574] in [0] : vector<16xf32>, vector<16xi32> -> vector<16xf32>
      %mul3A_576 = arith.mulf %gather3A_575, %get3A_57 : vector<16xf32>
      %add3A_577 = arith.addf %add3A_565, %mul3A_576 : vector<16xf32>
      %lt3A_578 = arith.constant 0 : i32
      %lt3A_579 = vector.broadcast %lt3A_578 : i32 to vector<16xi32>
      %lt3A_580 = arith.cmpi slt, %broadcast_in_dim3A_126, %lt3A_579 : vector<16xi32>
      %add3A_581 = arith.constant 16 : i32
      %add3A_582 = vector.broadcast %add3A_581 : i32 to vector<16xi32>
      %add3A_583 = arith.addi %broadcast_in_dim3A_126, %add3A_582 : vector<16xi32>
      %select_n3A_584 = arith.select %lt3A_580, %add3A_583, %broadcast_in_dim3A_126 : vector<16xi1>, vector<16xi32>
      %broadcast_in_dim3A_585 = vector.shape_cast %select_n3A_584 : vector<16xi32> to vector<16x1xi32>
      %gather3A_586 = vector.shape_cast %broadcast_in_dim3A_585 : vector<16x1xi32> to vector<16xi32>
      %gather3A_587 = tpu.dynamic_gather %max3A_530[%gather3A_586] in [0] : vector<16xf32>, vector<16xi32> -> vector<16xf32>
      %mul3A_588 = arith.mulf %gather3A_587, %get3A_62 : vector<16xf32>
      %lt3A_589 = arith.constant 0 : i32
      %lt3A_590 = vector.broadcast %lt3A_589 : i32 to vector<16xi32>
      %lt3A_591 = arith.cmpi slt, %broadcast_in_dim3A_128, %lt3A_590 : vector<16xi32>
      %add3A_592 = arith.constant 16 : i32
      %add3A_593 = vector.broadcast %add3A_592 : i32 to vector<16xi32>
      %add3A_594 = arith.addi %broadcast_in_dim3A_128, %add3A_593 : vector<16xi32>
      %select_n3A_595 = arith.select %lt3A_591, %add3A_594, %broadcast_in_dim3A_128 : vector<16xi1>, vector<16xi32>
      %broadcast_in_dim3A_596 = vector.shape_cast %select_n3A_595 : vector<16xi32> to vector<16x1xi32>
      %gather3A_597 = vector.shape_cast %broadcast_in_dim3A_596 : vector<16x1xi32> to vector<16xi32>
      %gather3A_598 = tpu.dynamic_gather %max3A_530[%gather3A_597] in [0] : vector<16xf32>, vector<16xi32> -> vector<16xf32>
      %mul3A_599 = arith.mulf %gather3A_598, %get3A_67 : vector<16xf32>
      %add3A_600 = arith.addf %mul3A_588, %mul3A_599 : vector<16xf32>
      %lt3A_601 = arith.constant 0 : i32
      %lt3A_602 = vector.broadcast %lt3A_601 : i32 to vector<16xi32>
      %lt3A_603 = arith.cmpi slt, %broadcast_in_dim3A_130, %lt3A_602 : vector<16xi32>
      %add3A_604 = arith.constant 16 : i32
      %add3A_605 = vector.broadcast %add3A_604 : i32 to vector<16xi32>
      %add3A_606 = arith.addi %broadcast_in_dim3A_130, %add3A_605 : vector<16xi32>
      %select_n3A_607 = arith.select %lt3A_603, %add3A_606, %broadcast_in_dim3A_130 : vector<16xi1>, vector<16xi32>
      %broadcast_in_dim3A_608 = vector.shape_cast %select_n3A_607 : vector<16xi32> to vector<16x1xi32>
      %gather3A_609 = vector.shape_cast %broadcast_in_dim3A_608 : vector<16x1xi32> to vector<16xi32>
      %gather3A_610 = tpu.dynamic_gather %max3A_530[%gather3A_609] in [0] : vector<16xf32>, vector<16xi32> -> vector<16xf32>
      %mul3A_611 = arith.mulf %gather3A_610, %get3A_72 : vector<16xf32>
      %add3A_612 = arith.addf %add3A_600, %mul3A_611 : vector<16xf32>
      %lt3A_613 = arith.constant 0 : i32
      %lt3A_614 = vector.broadcast %lt3A_613 : i32 to vector<16xi32>
      %lt3A_615 = arith.cmpi slt, %broadcast_in_dim3A_132, %lt3A_614 : vector<16xi32>
      %add3A_616 = arith.constant 16 : i32
      %add3A_617 = vector.broadcast %add3A_616 : i32 to vector<16xi32>
      %add3A_618 = arith.addi %broadcast_in_dim3A_132, %add3A_617 : vector<16xi32>
      %select_n3A_619 = arith.select %lt3A_615, %add3A_618, %broadcast_in_dim3A_132 : vector<16xi1>, vector<16xi32>
      %broadcast_in_dim3A_620 = vector.shape_cast %select_n3A_619 : vector<16xi32> to vector<16x1xi32>
      %gather3A_621 = vector.shape_cast %broadcast_in_dim3A_620 : vector<16x1xi32> to vector<16xi32>
      %gather3A_622 = tpu.dynamic_gather %max3A_530[%gather3A_621] in [0] : vector<16xf32>, vector<16xi32> -> vector<16xf32>
      %mul3A_623 = arith.mulf %gather3A_622, %get3A_77 : vector<16xf32>
      %add3A_624 = arith.addf %add3A_612, %mul3A_623 : vector<16xf32>
      %lt3A_625 = arith.constant 0 : i32
      %lt3A_626 = vector.broadcast %lt3A_625 : i32 to vector<16xi32>
      %lt3A_627 = arith.cmpi slt, %broadcast_in_dim3A_134, %lt3A_626 : vector<16xi32>
      %add3A_628 = arith.constant 16 : i32
      %add3A_629 = vector.broadcast %add3A_628 : i32 to vector<16xi32>
      %add3A_630 = arith.addi %broadcast_in_dim3A_134, %add3A_629 : vector<16xi32>
      %select_n3A_631 = arith.select %lt3A_627, %add3A_630, %broadcast_in_dim3A_134 : vector<16xi1>, vector<16xi32>
      %broadcast_in_dim3A_632 = vector.shape_cast %select_n3A_631 : vector<16xi32> to vector<16x1xi32>
      %gather3A_633 = vector.shape_cast %broadcast_in_dim3A_632 : vector<16x1xi32> to vector<16xi32>
      %gather3A_634 = tpu.dynamic_gather %max3A_530[%gather3A_633] in [0] : vector<16xf32>, vector<16xi32> -> vector<16xf32>
      %mul3A_635 = arith.mulf %gather3A_634, %get3A_82 : vector<16xf32>
      %lt3A_636 = arith.constant 0 : i32
      %lt3A_637 = vector.broadcast %lt3A_636 : i32 to vector<16xi32>
      %lt3A_638 = arith.cmpi slt, %broadcast_in_dim3A_136, %lt3A_637 : vector<16xi32>
      %add3A_639 = arith.constant 16 : i32
      %add3A_640 = vector.broadcast %add3A_639 : i32 to vector<16xi32>
      %add3A_641 = arith.addi %broadcast_in_dim3A_136, %add3A_640 : vector<16xi32>
      %select_n3A_642 = arith.select %lt3A_638, %add3A_641, %broadcast_in_dim3A_136 : vector<16xi1>, vector<16xi32>
      %broadcast_in_dim3A_643 = vector.shape_cast %select_n3A_642 : vector<16xi32> to vector<16x1xi32>
      %gather3A_644 = vector.shape_cast %broadcast_in_dim3A_643 : vector<16x1xi32> to vector<16xi32>
      %gather3A_645 = tpu.dynamic_gather %max3A_530[%gather3A_644] in [0] : vector<16xf32>, vector<16xi32> -> vector<16xf32>
      %mul3A_646 = arith.mulf %gather3A_645, %get3A_87 : vector<16xf32>
      %add3A_647 = arith.addf %mul3A_635, %mul3A_646 : vector<16xf32>
      %lt3A_648 = arith.constant 0 : i32
      %lt3A_649 = vector.broadcast %lt3A_648 : i32 to vector<16xi32>
      %lt3A_650 = arith.cmpi slt, %broadcast_in_dim3A_138, %lt3A_649 : vector<16xi32>
      %add3A_651 = arith.constant 16 : i32
      %add3A_652 = vector.broadcast %add3A_651 : i32 to vector<16xi32>
      %add3A_653 = arith.addi %broadcast_in_dim3A_138, %add3A_652 : vector<16xi32>
      %select_n3A_654 = arith.select %lt3A_650, %add3A_653, %broadcast_in_dim3A_138 : vector<16xi1>, vector<16xi32>
      %broadcast_in_dim3A_655 = vector.shape_cast %select_n3A_654 : vector<16xi32> to vector<16x1xi32>
      %gather3A_656 = vector.shape_cast %broadcast_in_dim3A_655 : vector<16x1xi32> to vector<16xi32>
      %gather3A_657 = tpu.dynamic_gather %max3A_530[%gather3A_656] in [0] : vector<16xf32>, vector<16xi32> -> vector<16xf32>
      %mul3A_658 = arith.mulf %gather3A_657, %get3A_92 : vector<16xf32>
      %add3A_659 = arith.addf %add3A_647, %mul3A_658 : vector<16xf32>
      %lt3A_660 = arith.constant 0 : i32
      %lt3A_661 = vector.broadcast %lt3A_660 : i32 to vector<16xi32>
      %lt3A_662 = arith.cmpi slt, %broadcast_in_dim3A_140, %lt3A_661 : vector<16xi32>
      %add3A_663 = arith.constant 16 : i32
      %add3A_664 = vector.broadcast %add3A_663 : i32 to vector<16xi32>
      %add3A_665 = arith.addi %broadcast_in_dim3A_140, %add3A_664 : vector<16xi32>
      %select_n3A_666 = arith.select %lt3A_662, %add3A_665, %broadcast_in_dim3A_140 : vector<16xi1>, vector<16xi32>
      %broadcast_in_dim3A_667 = vector.shape_cast %select_n3A_666 : vector<16xi32> to vector<16x1xi32>
      %gather3A_668 = vector.shape_cast %broadcast_in_dim3A_667 : vector<16x1xi32> to vector<16xi32>
      %gather3A_669 = tpu.dynamic_gather %max3A_530[%gather3A_668] in [0] : vector<16xf32>, vector<16xi32> -> vector<16xf32>
      %mul3A_670 = arith.mulf %gather3A_669, %get3A_97 : vector<16xf32>
      %add3A_671 = arith.addf %add3A_659, %mul3A_670 : vector<16xf32>
      %lt3A_672 = arith.constant 0 : i32
      %lt3A_673 = vector.broadcast %lt3A_672 : i32 to vector<16xi32>
      %lt3A_674 = arith.cmpi slt, %broadcast_in_dim3A_142, %lt3A_673 : vector<16xi32>
      %add3A_675 = arith.constant 16 : i32
      %add3A_676 = vector.broadcast %add3A_675 : i32 to vector<16xi32>
      %add3A_677 = arith.addi %broadcast_in_dim3A_142, %add3A_676 : vector<16xi32>
      %select_n3A_678 = arith.select %lt3A_674, %add3A_677, %broadcast_in_dim3A_142 : vector<16xi1>, vector<16xi32>
      %broadcast_in_dim3A_679 = vector.shape_cast %select_n3A_678 : vector<16xi32> to vector<16x1xi32>
      %gather3A_680 = vector.shape_cast %broadcast_in_dim3A_679 : vector<16x1xi32> to vector<16xi32>
      %gather3A_681 = tpu.dynamic_gather %max3A_530[%gather3A_680] in [0] : vector<16xf32>, vector<16xi32> -> vector<16xf32>
      %mul3A_682 = arith.mulf %gather3A_681, %get3A_102 : vector<16xf32>
      %lt3A_683 = arith.constant 0 : i32
      %lt3A_684 = vector.broadcast %lt3A_683 : i32 to vector<16xi32>
      %lt3A_685 = arith.cmpi slt, %broadcast_in_dim3A_144, %lt3A_684 : vector<16xi32>
      %add3A_686 = arith.constant 16 : i32
      %add3A_687 = vector.broadcast %add3A_686 : i32 to vector<16xi32>
      %add3A_688 = arith.addi %broadcast_in_dim3A_144, %add3A_687 : vector<16xi32>
      %select_n3A_689 = arith.select %lt3A_685, %add3A_688, %broadcast_in_dim3A_144 : vector<16xi1>, vector<16xi32>
      %broadcast_in_dim3A_690 = vector.shape_cast %select_n3A_689 : vector<16xi32> to vector<16x1xi32>
      %gather3A_691 = vector.shape_cast %broadcast_in_dim3A_690 : vector<16x1xi32> to vector<16xi32>
      %gather3A_692 = tpu.dynamic_gather %max3A_530[%gather3A_691] in [0] : vector<16xf32>, vector<16xi32> -> vector<16xf32>
      %mul3A_693 = arith.mulf %gather3A_692, %get3A_107 : vector<16xf32>
      %add3A_694 = arith.addf %mul3A_682, %mul3A_693 : vector<16xf32>
      %lt3A_695 = arith.constant 0 : i32
      %lt3A_696 = vector.broadcast %lt3A_695 : i32 to vector<16xi32>
      %lt3A_697 = arith.cmpi slt, %broadcast_in_dim3A_146, %lt3A_696 : vector<16xi32>
      %add3A_698 = arith.constant 16 : i32
      %add3A_699 = vector.broadcast %add3A_698 : i32 to vector<16xi32>
      %add3A_700 = arith.addi %broadcast_in_dim3A_146, %add3A_699 : vector<16xi32>
      %select_n3A_701 = arith.select %lt3A_697, %add3A_700, %broadcast_in_dim3A_146 : vector<16xi1>, vector<16xi32>
      %broadcast_in_dim3A_702 = vector.shape_cast %select_n3A_701 : vector<16xi32> to vector<16x1xi32>
      %gather3A_703 = vector.shape_cast %broadcast_in_dim3A_702 : vector<16x1xi32> to vector<16xi32>
      %gather3A_704 = tpu.dynamic_gather %max3A_530[%gather3A_703] in [0] : vector<16xf32>, vector<16xi32> -> vector<16xf32>
      %mul3A_705 = arith.mulf %gather3A_704, %get3A_112 : vector<16xf32>
      %add3A_706 = arith.addf %add3A_694, %mul3A_705 : vector<16xf32>
      %lt3A_707 = arith.constant 0 : i32
      %lt3A_708 = vector.broadcast %lt3A_707 : i32 to vector<16xi32>
      %lt3A_709 = arith.cmpi slt, %broadcast_in_dim3A_148, %lt3A_708 : vector<16xi32>
      %add3A_710 = arith.constant 16 : i32
      %add3A_711 = vector.broadcast %add3A_710 : i32 to vector<16xi32>
      %add3A_712 = arith.addi %broadcast_in_dim3A_148, %add3A_711 : vector<16xi32>
      %select_n3A_713 = arith.select %lt3A_709, %add3A_712, %broadcast_in_dim3A_148 : vector<16xi1>, vector<16xi32>
      %broadcast_in_dim3A_714 = vector.shape_cast %select_n3A_713 : vector<16xi32> to vector<16x1xi32>
      %gather3A_715 = vector.shape_cast %broadcast_in_dim3A_714 : vector<16x1xi32> to vector<16xi32>
      %gather3A_716 = tpu.dynamic_gather %max3A_530[%gather3A_715] in [0] : vector<16xf32>, vector<16xi32> -> vector<16xf32>
      %mul3A_717 = arith.mulf %gather3A_716, %get3A_117 : vector<16xf32>
      %add3A_718 = arith.addf %add3A_706, %mul3A_717 : vector<16xf32>
      %add3A_719 = arith.addf %add3A_577, %add3A_624 : vector<16xf32>
      %add3A_720 = arith.addf %add3A_671, %add3A_718 : vector<16xf32>
      %add3A_721 = arith.addf %add3A_719, %add3A_720 : vector<16xf32>
      %swap3A_722 = arith.index_cast %add3A_518 : i32 to index
      %swap3A_723 = arith.constant 0 : index
      %swap3A_724 = tpu.vector_load %arg24[%swap3A_722, %swap3A_723] {strides = array<i32>} : memref<640x16xf32, #tpu.memory_space<vmem>>, vector<1x16xf32>,
      %swap3A_725 = vector.shape_cast %swap3A_724 : vector<1x16xf32> to vector<16xf32>
      %swap3A_726 = vector.shape_cast %add3A_721 : vector<16xf32> to vector<1x16xf32>
      tpu.vector_store %arg24[%swap3A_722, %swap3A_723], %swap3A_726 {strides = array<i32>} : memref<640x16xf32, #tpu.memory_space<vmem>>, vector<1x16xf32>,
      %mul3A_727 = arith.constant 4 : i32
      %mul3A_728 = arith.muli %scan3A_306, %mul3A_727 : i32
      %add3A_729 = arith.constant 2 : i32
      %add3A_730 = arith.addi %mul3A_728, %add3A_729 : i32
      %get3A_731 = arith.index_cast %add3A_730 : i32 to index
      %get3A_732 = arith.constant 0 : index
      %get3A_733 = tpu.vector_load %arg24[%get3A_731, %get3A_732] {strides = array<i32>} : memref<640x16xf32, #tpu.memory_space<vmem>>, vector<1x16xf32>,
      %get3A_734 = vector.shape_cast %get3A_733 : vector<1x16xf32> to vector<16xf32>
      %get3A_735 = arith.index_cast %add3A_730 : i32 to index
      %get3A_736 = arith.constant 0 : index
      %get3A_737 = tpu.vector_load %arg25[%get3A_735, %get3A_736] {strides = array<i32>} : memref<640x16xf32, #tpu.memory_space<vmem>>, vector<1x16xf32>,
      %get3A_738 = vector.shape_cast %get3A_737 : vector<1x16xf32> to vector<16xf32>
      %add3A_739 = arith.addf %get3A_734, %get3A_738 : vector<16xf32>
      %max3A_740 = arith.constant 0.000000e+00 : f32
      %max3A_741 = vector.broadcast %max3A_740 : f32 to vector<16xf32>
      %max3A_742 = arith.maximumf %add3A_739, %max3A_741 : vector<16xf32>
      %lt3A_743 = arith.constant 0 : i32
      %lt3A_744 = vector.broadcast %lt3A_743 : i32 to vector<16xi32>
      %lt3A_745 = arith.cmpi slt, %broadcast_in_dim3A_118, %lt3A_744 : vector<16xi32>
      %add3A_746 = arith.constant 16 : i32
      %add3A_747 = vector.broadcast %add3A_746 : i32 to vector<16xi32>
      %add3A_748 = arith.addi %broadcast_in_dim3A_118, %add3A_747 : vector<16xi32>
      %select_n3A_749 = arith.select %lt3A_745, %add3A_748, %broadcast_in_dim3A_118 : vector<16xi1>, vector<16xi32>
      %broadcast_in_dim3A_750 = vector.shape_cast %select_n3A_749 : vector<16xi32> to vector<16x1xi32>
      %gather3A_751 = vector.shape_cast %broadcast_in_dim3A_750 : vector<16x1xi32> to vector<16xi32>
      %gather3A_752 = tpu.dynamic_gather %max3A_742[%gather3A_751] in [0] : vector<16xf32>, vector<16xi32> -> vector<16xf32>
      %mul3A_753 = arith.mulf %gather3A_752, %get3A_42 : vector<16xf32>
      %lt3A_754 = arith.constant 0 : i32
      %lt3A_755 = vector.broadcast %lt3A_754 : i32 to vector<16xi32>
      %lt3A_756 = arith.cmpi slt, %broadcast_in_dim3A_120, %lt3A_755 : vector<16xi32>
      %add3A_757 = arith.constant 16 : i32
      %add3A_758 = vector.broadcast %add3A_757 : i32 to vector<16xi32>
      %add3A_759 = arith.addi %broadcast_in_dim3A_120, %add3A_758 : vector<16xi32>
      %select_n3A_760 = arith.select %lt3A_756, %add3A_759, %broadcast_in_dim3A_120 : vector<16xi1>, vector<16xi32>
      %broadcast_in_dim3A_761 = vector.shape_cast %select_n3A_760 : vector<16xi32> to vector<16x1xi32>
      %gather3A_762 = vector.shape_cast %broadcast_in_dim3A_761 : vector<16x1xi32> to vector<16xi32>
      %gather3A_763 = tpu.dynamic_gather %max3A_742[%gather3A_762] in [0] : vector<16xf32>, vector<16xi32> -> vector<16xf32>
      %mul3A_764 = arith.mulf %gather3A_763, %get3A_47 : vector<16xf32>
      %add3A_765 = arith.addf %mul3A_753, %mul3A_764 : vector<16xf32>
      %lt3A_766 = arith.constant 0 : i32
      %lt3A_767 = vector.broadcast %lt3A_766 : i32 to vector<16xi32>
      %lt3A_768 = arith.cmpi slt, %broadcast_in_dim3A_122, %lt3A_767 : vector<16xi32>
      %add3A_769 = arith.constant 16 : i32
      %add3A_770 = vector.broadcast %add3A_769 : i32 to vector<16xi32>
      %add3A_771 = arith.addi %broadcast_in_dim3A_122, %add3A_770 : vector<16xi32>
      %select_n3A_772 = arith.select %lt3A_768, %add3A_771, %broadcast_in_dim3A_122 : vector<16xi1>, vector<16xi32>
      %broadcast_in_dim3A_773 = vector.shape_cast %select_n3A_772 : vector<16xi32> to vector<16x1xi32>
      %gather3A_774 = vector.shape_cast %broadcast_in_dim3A_773 : vector<16x1xi32> to vector<16xi32>
      %gather3A_775 = tpu.dynamic_gather %max3A_742[%gather3A_774] in [0] : vector<16xf32>, vector<16xi32> -> vector<16xf32>
      %mul3A_776 = arith.mulf %gather3A_775, %get3A_52 : vector<16xf32>
      %add3A_777 = arith.addf %add3A_765, %mul3A_776 : vector<16xf32>
      %lt3A_778 = arith.constant 0 : i32
      %lt3A_779 = vector.broadcast %lt3A_778 : i32 to vector<16xi32>
      %lt3A_780 = arith.cmpi slt, %broadcast_in_dim3A_124, %lt3A_779 : vector<16xi32>
      %add3A_781 = arith.constant 16 : i32
      %add3A_782 = vector.broadcast %add3A_781 : i32 to vector<16xi32>
      %add3A_783 = arith.addi %broadcast_in_dim3A_124, %add3A_782 : vector<16xi32>
      %select_n3A_784 = arith.select %lt3A_780, %add3A_783, %broadcast_in_dim3A_124 : vector<16xi1>, vector<16xi32>
      %broadcast_in_dim3A_785 = vector.shape_cast %select_n3A_784 : vector<16xi32> to vector<16x1xi32>
      %gather3A_786 = vector.shape_cast %broadcast_in_dim3A_785 : vector<16x1xi32> to vector<16xi32>
      %gather3A_787 = tpu.dynamic_gather %max3A_742[%gather3A_786] in [0] : vector<16xf32>, vector<16xi32> -> vector<16xf32>
      %mul3A_788 = arith.mulf %gather3A_787, %get3A_57 : vector<16xf32>
      %add3A_789 = arith.addf %add3A_777, %mul3A_788 : vector<16xf32>
      %lt3A_790 = arith.constant 0 : i32
      %lt3A_791 = vector.broadcast %lt3A_790 : i32 to vector<16xi32>
      %lt3A_792 = arith.cmpi slt, %broadcast_in_dim3A_126, %lt3A_791 : vector<16xi32>
      %add3A_793 = arith.constant 16 : i32
      %add3A_794 = vector.broadcast %add3A_793 : i32 to vector<16xi32>
      %add3A_795 = arith.addi %broadcast_in_dim3A_126, %add3A_794 : vector<16xi32>
      %select_n3A_796 = arith.select %lt3A_792, %add3A_795, %broadcast_in_dim3A_126 : vector<16xi1>, vector<16xi32>
      %broadcast_in_dim3A_797 = vector.shape_cast %select_n3A_796 : vector<16xi32> to vector<16x1xi32>
      %gather3A_798 = vector.shape_cast %broadcast_in_dim3A_797 : vector<16x1xi32> to vector<16xi32>
      %gather3A_799 = tpu.dynamic_gather %max3A_742[%gather3A_798] in [0] : vector<16xf32>, vector<16xi32> -> vector<16xf32>
      %mul3A_800 = arith.mulf %gather3A_799, %get3A_62 : vector<16xf32>
      %lt3A_801 = arith.constant 0 : i32
      %lt3A_802 = vector.broadcast %lt3A_801 : i32 to vector<16xi32>
      %lt3A_803 = arith.cmpi slt, %broadcast_in_dim3A_128, %lt3A_802 : vector<16xi32>
      %add3A_804 = arith.constant 16 : i32
      %add3A_805 = vector.broadcast %add3A_804 : i32 to vector<16xi32>
      %add3A_806 = arith.addi %broadcast_in_dim3A_128, %add3A_805 : vector<16xi32>
      %select_n3A_807 = arith.select %lt3A_803, %add3A_806, %broadcast_in_dim3A_128 : vector<16xi1>, vector<16xi32>
      %broadcast_in_dim3A_808 = vector.shape_cast %select_n3A_807 : vector<16xi32> to vector<16x1xi32>
      %gather3A_809 = vector.shape_cast %broadcast_in_dim3A_808 : vector<16x1xi32> to vector<16xi32>
      %gather3A_810 = tpu.dynamic_gather %max3A_742[%gather3A_809] in [0] : vector<16xf32>, vector<16xi32> -> vector<16xf32>
      %mul3A_811 = arith.mulf %gather3A_810, %get3A_67 : vector<16xf32>
      %add3A_812 = arith.addf %mul3A_800, %mul3A_811 : vector<16xf32>
      %lt3A_813 = arith.constant 0 : i32
      %lt3A_814 = vector.broadcast %lt3A_813 : i32 to vector<16xi32>
      %lt3A_815 = arith.cmpi slt, %broadcast_in_dim3A_130, %lt3A_814 : vector<16xi32>
      %add3A_816 = arith.constant 16 : i32
      %add3A_817 = vector.broadcast %add3A_816 : i32 to vector<16xi32>
      %add3A_818 = arith.addi %broadcast_in_dim3A_130, %add3A_817 : vector<16xi32>
      %select_n3A_819 = arith.select %lt3A_815, %add3A_818, %broadcast_in_dim3A_130 : vector<16xi1>, vector<16xi32>
      %broadcast_in_dim3A_820 = vector.shape_cast %select_n3A_819 : vector<16xi32> to vector<16x1xi32>
      %gather3A_821 = vector.shape_cast %broadcast_in_dim3A_820 : vector<16x1xi32> to vector<16xi32>
      %gather3A_822 = tpu.dynamic_gather %max3A_742[%gather3A_821] in [0] : vector<16xf32>, vector<16xi32> -> vector<16xf32>
      %mul3A_823 = arith.mulf %gather3A_822, %get3A_72 : vector<16xf32>
      %add3A_824 = arith.addf %add3A_812, %mul3A_823 : vector<16xf32>
      %lt3A_825 = arith.constant 0 : i32
      %lt3A_826 = vector.broadcast %lt3A_825 : i32 to vector<16xi32>
      %lt3A_827 = arith.cmpi slt, %broadcast_in_dim3A_132, %lt3A_826 : vector<16xi32>
      %add3A_828 = arith.constant 16 : i32
      %add3A_829 = vector.broadcast %add3A_828 : i32 to vector<16xi32>
      %add3A_830 = arith.addi %broadcast_in_dim3A_132, %add3A_829 : vector<16xi32>
      %select_n3A_831 = arith.select %lt3A_827, %add3A_830, %broadcast_in_dim3A_132 : vector<16xi1>, vector<16xi32>
      %broadcast_in_dim3A_832 = vector.shape_cast %select_n3A_831 : vector<16xi32> to vector<16x1xi32>
      %gather3A_833 = vector.shape_cast %broadcast_in_dim3A_832 : vector<16x1xi32> to vector<16xi32>
      %gather3A_834 = tpu.dynamic_gather %max3A_742[%gather3A_833] in [0] : vector<16xf32>, vector<16xi32> -> vector<16xf32>
      %mul3A_835 = arith.mulf %gather3A_834, %get3A_77 : vector<16xf32>
      %add3A_836 = arith.addf %add3A_824, %mul3A_835 : vector<16xf32>
      %lt3A_837 = arith.constant 0 : i32
      %lt3A_838 = vector.broadcast %lt3A_837 : i32 to vector<16xi32>
      %lt3A_839 = arith.cmpi slt, %broadcast_in_dim3A_134, %lt3A_838 : vector<16xi32>
      %add3A_840 = arith.constant 16 : i32
      %add3A_841 = vector.broadcast %add3A_840 : i32 to vector<16xi32>
      %add3A_842 = arith.addi %broadcast_in_dim3A_134, %add3A_841 : vector<16xi32>
      %select_n3A_843 = arith.select %lt3A_839, %add3A_842, %broadcast_in_dim3A_134 : vector<16xi1>, vector<16xi32>
      %broadcast_in_dim3A_844 = vector.shape_cast %select_n3A_843 : vector<16xi32> to vector<16x1xi32>
      %gather3A_845 = vector.shape_cast %broadcast_in_dim3A_844 : vector<16x1xi32> to vector<16xi32>
      %gather3A_846 = tpu.dynamic_gather %max3A_742[%gather3A_845] in [0] : vector<16xf32>, vector<16xi32> -> vector<16xf32>
      %mul3A_847 = arith.mulf %gather3A_846, %get3A_82 : vector<16xf32>
      %lt3A_848 = arith.constant 0 : i32
      %lt3A_849 = vector.broadcast %lt3A_848 : i32 to vector<16xi32>
      %lt3A_850 = arith.cmpi slt, %broadcast_in_dim3A_136, %lt3A_849 : vector<16xi32>
      %add3A_851 = arith.constant 16 : i32
      %add3A_852 = vector.broadcast %add3A_851 : i32 to vector<16xi32>
      %add3A_853 = arith.addi %broadcast_in_dim3A_136, %add3A_852 : vector<16xi32>
      %select_n3A_854 = arith.select %lt3A_850, %add3A_853, %broadcast_in_dim3A_136 : vector<16xi1>, vector<16xi32>
      %broadcast_in_dim3A_855 = vector.shape_cast %select_n3A_854 : vector<16xi32> to vector<16x1xi32>
      %gather3A_856 = vector.shape_cast %broadcast_in_dim3A_855 : vector<16x1xi32> to vector<16xi32>
      %gather3A_857 = tpu.dynamic_gather %max3A_742[%gather3A_856] in [0] : vector<16xf32>, vector<16xi32> -> vector<16xf32>
      %mul3A_858 = arith.mulf %gather3A_857, %get3A_87 : vector<16xf32>
      %add3A_859 = arith.addf %mul3A_847, %mul3A_858 : vector<16xf32>
      %lt3A_860 = arith.constant 0 : i32
      %lt3A_861 = vector.broadcast %lt3A_860 : i32 to vector<16xi32>
      %lt3A_862 = arith.cmpi slt, %broadcast_in_dim3A_138, %lt3A_861 : vector<16xi32>
      %add3A_863 = arith.constant 16 : i32
      %add3A_864 = vector.broadcast %add3A_863 : i32 to vector<16xi32>
      %add3A_865 = arith.addi %broadcast_in_dim3A_138, %add3A_864 : vector<16xi32>
      %select_n3A_866 = arith.select %lt3A_862, %add3A_865, %broadcast_in_dim3A_138 : vector<16xi1>, vector<16xi32>
      %broadcast_in_dim3A_867 = vector.shape_cast %select_n3A_866 : vector<16xi32> to vector<16x1xi32>
      %gather3A_868 = vector.shape_cast %broadcast_in_dim3A_867 : vector<16x1xi32> to vector<16xi32>
      %gather3A_869 = tpu.dynamic_gather %max3A_742[%gather3A_868] in [0] : vector<16xf32>, vector<16xi32> -> vector<16xf32>
      %mul3A_870 = arith.mulf %gather3A_869, %get3A_92 : vector<16xf32>
      %add3A_871 = arith.addf %add3A_859, %mul3A_870 : vector<16xf32>
      %lt3A_872 = arith.constant 0 : i32
      %lt3A_873 = vector.broadcast %lt3A_872 : i32 to vector<16xi32>
      %lt3A_874 = arith.cmpi slt, %broadcast_in_dim3A_140, %lt3A_873 : vector<16xi32>
      %add3A_875 = arith.constant 16 : i32
      %add3A_876 = vector.broadcast %add3A_875 : i32 to vector<16xi32>
      %add3A_877 = arith.addi %broadcast_in_dim3A_140, %add3A_876 : vector<16xi32>
      %select_n3A_878 = arith.select %lt3A_874, %add3A_877, %broadcast_in_dim3A_140 : vector<16xi1>, vector<16xi32>
      %broadcast_in_dim3A_879 = vector.shape_cast %select_n3A_878 : vector<16xi32> to vector<16x1xi32>
      %gather3A_880 = vector.shape_cast %broadcast_in_dim3A_879 : vector<16x1xi32> to vector<16xi32>
      %gather3A_881 = tpu.dynamic_gather %max3A_742[%gather3A_880] in [0] : vector<16xf32>, vector<16xi32> -> vector<16xf32>
      %mul3A_882 = arith.mulf %gather3A_881, %get3A_97 : vector<16xf32>
      %add3A_883 = arith.addf %add3A_871, %mul3A_882 : vector<16xf32>
      %lt3A_884 = arith.constant 0 : i32
      %lt3A_885 = vector.broadcast %lt3A_884 : i32 to vector<16xi32>
      %lt3A_886 = arith.cmpi slt, %broadcast_in_dim3A_142, %lt3A_885 : vector<16xi32>
      %add3A_887 = arith.constant 16 : i32
      %add3A_888 = vector.broadcast %add3A_887 : i32 to vector<16xi32>
      %add3A_889 = arith.addi %broadcast_in_dim3A_142, %add3A_888 : vector<16xi32>
      %select_n3A_890 = arith.select %lt3A_886, %add3A_889, %broadcast_in_dim3A_142 : vector<16xi1>, vector<16xi32>
      %broadcast_in_dim3A_891 = vector.shape_cast %select_n3A_890 : vector<16xi32> to vector<16x1xi32>
      %gather3A_892 = vector.shape_cast %broadcast_in_dim3A_891 : vector<16x1xi32> to vector<16xi32>
      %gather3A_893 = tpu.dynamic_gather %max3A_742[%gather3A_892] in [0] : vector<16xf32>, vector<16xi32> -> vector<16xf32>
      %mul3A_894 = arith.mulf %gather3A_893, %get3A_102 : vector<16xf32>
      %lt3A_895 = arith.constant 0 : i32
      %lt3A_896 = vector.broadcast %lt3A_895 : i32 to vector<16xi32>
      %lt3A_897 = arith.cmpi slt, %broadcast_in_dim3A_144, %lt3A_896 : vector<16xi32>
      %add3A_898 = arith.constant 16 : i32
      %add3A_899 = vector.broadcast %add3A_898 : i32 to vector<16xi32>
      %add3A_900 = arith.addi %broadcast_in_dim3A_144, %add3A_899 : vector<16xi32>
      %select_n3A_901 = arith.select %lt3A_897, %add3A_900, %broadcast_in_dim3A_144 : vector<16xi1>, vector<16xi32>
      %broadcast_in_dim3A_902 = vector.shape_cast %select_n3A_901 : vector<16xi32> to vector<16x1xi32>
      %gather3A_903 = vector.shape_cast %broadcast_in_dim3A_902 : vector<16x1xi32> to vector<16xi32>
      %gather3A_904 = tpu.dynamic_gather %max3A_742[%gather3A_903] in [0] : vector<16xf32>, vector<16xi32> -> vector<16xf32>
      %mul3A_905 = arith.mulf %gather3A_904, %get3A_107 : vector<16xf32>
      %add3A_906 = arith.addf %mul3A_894, %mul3A_905 : vector<16xf32>
      %lt3A_907 = arith.constant 0 : i32
      %lt3A_908 = vector.broadcast %lt3A_907 : i32 to vector<16xi32>
      %lt3A_909 = arith.cmpi slt, %broadcast_in_dim3A_146, %lt3A_908 : vector<16xi32>
      %add3A_910 = arith.constant 16 : i32
      %add3A_911 = vector.broadcast %add3A_910 : i32 to vector<16xi32>
      %add3A_912 = arith.addi %broadcast_in_dim3A_146, %add3A_911 : vector<16xi32>
      %select_n3A_913 = arith.select %lt3A_909, %add3A_912, %broadcast_in_dim3A_146 : vector<16xi1>, vector<16xi32>
      %broadcast_in_dim3A_914 = vector.shape_cast %select_n3A_913 : vector<16xi32> to vector<16x1xi32>
      %gather3A_915 = vector.shape_cast %broadcast_in_dim3A_914 : vector<16x1xi32> to vector<16xi32>
      %gather3A_916 = tpu.dynamic_gather %max3A_742[%gather3A_915] in [0] : vector<16xf32>, vector<16xi32> -> vector<16xf32>
      %mul3A_917 = arith.mulf %gather3A_916, %get3A_112 : vector<16xf32>
      %add3A_918 = arith.addf %add3A_906, %mul3A_917 : vector<16xf32>
      %lt3A_919 = arith.constant 0 : i32
      %lt3A_920 = vector.broadcast %lt3A_919 : i32 to vector<16xi32>
      %lt3A_921 = arith.cmpi slt, %broadcast_in_dim3A_148, %lt3A_920 : vector<16xi32>
      %add3A_922 = arith.constant 16 : i32
      %add3A_923 = vector.broadcast %add3A_922 : i32 to vector<16xi32>
      %add3A_924 = arith.addi %broadcast_in_dim3A_148, %add3A_923 : vector<16xi32>
      %select_n3A_925 = arith.select %lt3A_921, %add3A_924, %broadcast_in_dim3A_148 : vector<16xi1>, vector<16xi32>
      %broadcast_in_dim3A_926 = vector.shape_cast %select_n3A_925 : vector<16xi32> to vector<16x1xi32>
      %gather3A_927 = vector.shape_cast %broadcast_in_dim3A_926 : vector<16x1xi32> to vector<16xi32>
      %gather3A_928 = tpu.dynamic_gather %max3A_742[%gather3A_927] in [0] : vector<16xf32>, vector<16xi32> -> vector<16xf32>
      %mul3A_929 = arith.mulf %gather3A_928, %get3A_117 : vector<16xf32>
      %add3A_930 = arith.addf %add3A_918, %mul3A_929 : vector<16xf32>
      %add3A_931 = arith.addf %add3A_789, %add3A_836 : vector<16xf32>
      %add3A_932 = arith.addf %add3A_883, %add3A_930 : vector<16xf32>
      %add3A_933 = arith.addf %add3A_931, %add3A_932 : vector<16xf32>
      %swap3A_934 = arith.index_cast %add3A_730 : i32 to index
      %swap3A_935 = arith.constant 0 : index
      %swap3A_936 = tpu.vector_load %arg24[%swap3A_934, %swap3A_935] {strides = array<i32>} : memref<640x16xf32, #tpu.memory_space<vmem>>, vector<1x16xf32>,
      %swap3A_937 = vector.shape_cast %swap3A_936 : vector<1x16xf32> to vector<16xf32>
      %swap3A_938 = vector.shape_cast %add3A_933 : vector<16xf32> to vector<1x16xf32>
      tpu.vector_store %arg24[%swap3A_934, %swap3A_935], %swap3A_938 {strides = array<i32>} : memref<640x16xf32, #tpu.memory_space<vmem>>, vector<1x16xf32>,
      %mul3A_939 = arith.constant 4 : i32
      %mul3A_940 = arith.muli %scan3A_306, %mul3A_939 : i32
      %add3A_941 = arith.constant 3 : i32
      %add3A_942 = arith.addi %mul3A_940, %add3A_941 : i32
      %get3A_943 = arith.index_cast %add3A_942 : i32 to index
      %get3A_944 = arith.constant 0 : index
      %get3A_945 = tpu.vector_load %arg24[%get3A_943, %get3A_944] {strides = array<i32>} : memref<640x16xf32, #tpu.memory_space<vmem>>, vector<1x16xf32>,
      %get3A_946 = vector.shape_cast %get3A_945 : vector<1x16xf32> to vector<16xf32>
      %get3A_947 = arith.index_cast %add3A_942 : i32 to index
      %get3A_948 = arith.constant 0 : index
      %get3A_949 = tpu.vector_load %arg25[%get3A_947, %get3A_948] {strides = array<i32>} : memref<640x16xf32, #tpu.memory_space<vmem>>, vector<1x16xf32>,
      %get3A_950 = vector.shape_cast %get3A_949 : vector<1x16xf32> to vector<16xf32>
      %add3A_951 = arith.addf %get3A_946, %get3A_950 : vector<16xf32>
      %max3A_952 = arith.constant 0.000000e+00 : f32
      %max3A_953 = vector.broadcast %max3A_952 : f32 to vector<16xf32>
      %max3A_954 = arith.maximumf %add3A_951, %max3A_953 : vector<16xf32>
      %lt3A_955 = arith.constant 0 : i32
      %lt3A_956 = vector.broadcast %lt3A_955 : i32 to vector<16xi32>
      %lt3A_957 = arith.cmpi slt, %broadcast_in_dim3A_118, %lt3A_956 : vector<16xi32>
      %add3A_958 = arith.constant 16 : i32
      %add3A_959 = vector.broadcast %add3A_958 : i32 to vector<16xi32>
      %add3A_960 = arith.addi %broadcast_in_dim3A_118, %add3A_959 : vector<16xi32>
      %select_n3A_961 = arith.select %lt3A_957, %add3A_960, %broadcast_in_dim3A_118 : vector<16xi1>, vector<16xi32>
      %broadcast_in_dim3A_962 = vector.shape_cast %select_n3A_961 : vector<16xi32> to vector<16x1xi32>
      %gather3A_963 = vector.shape_cast %broadcast_in_dim3A_962 : vector<16x1xi32> to vector<16xi32>
      %gather3A_964 = tpu.dynamic_gather %max3A_954[%gather3A_963] in [0] : vector<16xf32>, vector<16xi32> -> vector<16xf32>
      %mul3A_965 = arith.mulf %gather3A_964, %get3A_42 : vector<16xf32>
      %lt3A_966 = arith.constant 0 : i32
      %lt3A_967 = vector.broadcast %lt3A_966 : i32 to vector<16xi32>
      %lt3A_968 = arith.cmpi slt, %broadcast_in_dim3A_120, %lt3A_967 : vector<16xi32>
      %add3A_969 = arith.constant 16 : i32
      %add3A_970 = vector.broadcast %add3A_969 : i32 to vector<16xi32>
      %add3A_971 = arith.addi %broadcast_in_dim3A_120, %add3A_970 : vector<16xi32>
      %select_n3A_972 = arith.select %lt3A_968, %add3A_971, %broadcast_in_dim3A_120 : vector<16xi1>, vector<16xi32>
      %broadcast_in_dim3A_973 = vector.shape_cast %select_n3A_972 : vector<16xi32> to vector<16x1xi32>
      %gather3A_974 = vector.shape_cast %broadcast_in_dim3A_973 : vector<16x1xi32> to vector<16xi32>
      %gather3A_975 = tpu.dynamic_gather %max3A_954[%gather3A_974] in [0] : vector<16xf32>, vector<16xi32> -> vector<16xf32>
      %mul3A_976 = arith.mulf %gather3A_975, %get3A_47 : vector<16xf32>
      %add3A_977 = arith.addf %mul3A_965, %mul3A_976 : vector<16xf32>
      %lt3A_978 = arith.constant 0 : i32
      %lt3A_979 = vector.broadcast %lt3A_978 : i32 to vector<16xi32>
      %lt3A_980 = arith.cmpi slt, %broadcast_in_dim3A_122, %lt3A_979 : vector<16xi32>
      %add3A_981 = arith.constant 16 : i32
      %add3A_982 = vector.broadcast %add3A_981 : i32 to vector<16xi32>
      %add3A_983 = arith.addi %broadcast_in_dim3A_122, %add3A_982 : vector<16xi32>
      %select_n3A_984 = arith.select %lt3A_980, %add3A_983, %broadcast_in_dim3A_122 : vector<16xi1>, vector<16xi32>
      %broadcast_in_dim3A_985 = vector.shape_cast %select_n3A_984 : vector<16xi32> to vector<16x1xi32>
      %gather3A_986 = vector.shape_cast %broadcast_in_dim3A_985 : vector<16x1xi32> to vector<16xi32>
      %gather3A_987 = tpu.dynamic_gather %max3A_954[%gather3A_986] in [0] : vector<16xf32>, vector<16xi32> -> vector<16xf32>
      %mul3A_988 = arith.mulf %gather3A_987, %get3A_52 : vector<16xf32>
      %add3A_989 = arith.addf %add3A_977, %mul3A_988 : vector<16xf32>
      %lt3A_990 = arith.constant 0 : i32
      %lt3A_991 = vector.broadcast %lt3A_990 : i32 to vector<16xi32>
      %lt3A_992 = arith.cmpi slt, %broadcast_in_dim3A_124, %lt3A_991 : vector<16xi32>
      %add3A_993 = arith.constant 16 : i32
      %add3A_994 = vector.broadcast %add3A_993 : i32 to vector<16xi32>
      %add3A_995 = arith.addi %broadcast_in_dim3A_124, %add3A_994 : vector<16xi32>
      %select_n3A_996 = arith.select %lt3A_992, %add3A_995, %broadcast_in_dim3A_124 : vector<16xi1>, vector<16xi32>
      %broadcast_in_dim3A_997 = vector.shape_cast %select_n3A_996 : vector<16xi32> to vector<16x1xi32>
      %gather3A_998 = vector.shape_cast %broadcast_in_dim3A_997 : vector<16x1xi32> to vector<16xi32>
      %gather3A_999 = tpu.dynamic_gather %max3A_954[%gather3A_998] in [0] : vector<16xf32>, vector<16xi32> -> vector<16xf32>
      %mul3A_1000 = arith.mulf %gather3A_999, %get3A_57 : vector<16xf32>
      %add3A_1001 = arith.addf %add3A_989, %mul3A_1000 : vector<16xf32>
      %lt3A_1002 = arith.constant 0 : i32
      %lt3A_1003 = vector.broadcast %lt3A_1002 : i32 to vector<16xi32>
      %lt3A_1004 = arith.cmpi slt, %broadcast_in_dim3A_126, %lt3A_1003 : vector<16xi32>
      %add3A_1005 = arith.constant 16 : i32
      %add3A_1006 = vector.broadcast %add3A_1005 : i32 to vector<16xi32>
      %add3A_1007 = arith.addi %broadcast_in_dim3A_126, %add3A_1006 : vector<16xi32>
      %select_n3A_1008 = arith.select %lt3A_1004, %add3A_1007, %broadcast_in_dim3A_126 : vector<16xi1>, vector<16xi32>
      %broadcast_in_dim3A_1009 = vector.shape_cast %select_n3A_1008 : vector<16xi32> to vector<16x1xi32>
      %gather3A_1010 = vector.shape_cast %broadcast_in_dim3A_1009 : vector<16x1xi32> to vector<16xi32>
      %gather3A_1011 = tpu.dynamic_gather %max3A_954[%gather3A_1010] in [0] : vector<16xf32>, vector<16xi32> -> vector<16xf32>
      %mul3A_1012 = arith.mulf %gather3A_1011, %get3A_62 : vector<16xf32>
      %lt3A_1013 = arith.constant 0 : i32
      %lt3A_1014 = vector.broadcast %lt3A_1013 : i32 to vector<16xi32>
      %lt3A_1015 = arith.cmpi slt, %broadcast_in_dim3A_128, %lt3A_1014 : vector<16xi32>
      %add3A_1016 = arith.constant 16 : i32
      %add3A_1017 = vector.broadcast %add3A_1016 : i32 to vector<16xi32>
      %add3A_1018 = arith.addi %broadcast_in_dim3A_128, %add3A_1017 : vector<16xi32>
      %select_n3A_1019 = arith.select %lt3A_1015, %add3A_1018, %broadcast_in_dim3A_128 : vector<16xi1>, vector<16xi32>
      %broadcast_in_dim3A_1020 = vector.shape_cast %select_n3A_1019 : vector<16xi32> to vector<16x1xi32>
      %gather3A_1021 = vector.shape_cast %broadcast_in_dim3A_1020 : vector<16x1xi32> to vector<16xi32>
      %gather3A_1022 = tpu.dynamic_gather %max3A_954[%gather3A_1021] in [0] : vector<16xf32>, vector<16xi32> -> vector<16xf32>
      %mul3A_1023 = arith.mulf %gather3A_1022, %get3A_67 : vector<16xf32>
      %add3A_1024 = arith.addf %mul3A_1012, %mul3A_1023 : vector<16xf32>
      %lt3A_1025 = arith.constant 0 : i32
      %lt3A_1026 = vector.broadcast %lt3A_1025 : i32 to vector<16xi32>
      %lt3A_1027 = arith.cmpi slt, %broadcast_in_dim3A_130, %lt3A_1026 : vector<16xi32>
      %add3A_1028 = arith.constant 16 : i32
      %add3A_1029 = vector.broadcast %add3A_1028 : i32 to vector<16xi32>
      %add3A_1030 = arith.addi %broadcast_in_dim3A_130, %add3A_1029 : vector<16xi32>
      %select_n3A_1031 = arith.select %lt3A_1027, %add3A_1030, %broadcast_in_dim3A_130 : vector<16xi1>, vector<16xi32>
      %broadcast_in_dim3A_1032 = vector.shape_cast %select_n3A_1031 : vector<16xi32> to vector<16x1xi32>
      %gather3A_1033 = vector.shape_cast %broadcast_in_dim3A_1032 : vector<16x1xi32> to vector<16xi32>
      %gather3A_1034 = tpu.dynamic_gather %max3A_954[%gather3A_1033] in [0] : vector<16xf32>, vector<16xi32> -> vector<16xf32>
      %mul3A_1035 = arith.mulf %gather3A_1034, %get3A_72 : vector<16xf32>
      %add3A_1036 = arith.addf %add3A_1024, %mul3A_1035 : vector<16xf32>
      %lt3A_1037 = arith.constant 0 : i32
      %lt3A_1038 = vector.broadcast %lt3A_1037 : i32 to vector<16xi32>
      %lt3A_1039 = arith.cmpi slt, %broadcast_in_dim3A_132, %lt3A_1038 : vector<16xi32>
      %add3A_1040 = arith.constant 16 : i32
      %add3A_1041 = vector.broadcast %add3A_1040 : i32 to vector<16xi32>
      %add3A_1042 = arith.addi %broadcast_in_dim3A_132, %add3A_1041 : vector<16xi32>
      %select_n3A_1043 = arith.select %lt3A_1039, %add3A_1042, %broadcast_in_dim3A_132 : vector<16xi1>, vector<16xi32>
      %broadcast_in_dim3A_1044 = vector.shape_cast %select_n3A_1043 : vector<16xi32> to vector<16x1xi32>
      %gather3A_1045 = vector.shape_cast %broadcast_in_dim3A_1044 : vector<16x1xi32> to vector<16xi32>
      %gather3A_1046 = tpu.dynamic_gather %max3A_954[%gather3A_1045] in [0] : vector<16xf32>, vector<16xi32> -> vector<16xf32>
      %mul3A_1047 = arith.mulf %gather3A_1046, %get3A_77 : vector<16xf32>
      %add3A_1048 = arith.addf %add3A_1036, %mul3A_1047 : vector<16xf32>
      %lt3A_1049 = arith.constant 0 : i32
      %lt3A_1050 = vector.broadcast %lt3A_1049 : i32 to vector<16xi32>
      %lt3A_1051 = arith.cmpi slt, %broadcast_in_dim3A_134, %lt3A_1050 : vector<16xi32>
      %add3A_1052 = arith.constant 16 : i32
      %add3A_1053 = vector.broadcast %add3A_1052 : i32 to vector<16xi32>
      %add3A_1054 = arith.addi %broadcast_in_dim3A_134, %add3A_1053 : vector<16xi32>
      %select_n3A_1055 = arith.select %lt3A_1051, %add3A_1054, %broadcast_in_dim3A_134 : vector<16xi1>, vector<16xi32>
      %broadcast_in_dim3A_1056 = vector.shape_cast %select_n3A_1055 : vector<16xi32> to vector<16x1xi32>
      %gather3A_1057 = vector.shape_cast %broadcast_in_dim3A_1056 : vector<16x1xi32> to vector<16xi32>
      %gather3A_1058 = tpu.dynamic_gather %max3A_954[%gather3A_1057] in [0] : vector<16xf32>, vector<16xi32> -> vector<16xf32>
      %mul3A_1059 = arith.mulf %gather3A_1058, %get3A_82 : vector<16xf32>
      %lt3A_1060 = arith.constant 0 : i32
      %lt3A_1061 = vector.broadcast %lt3A_1060 : i32 to vector<16xi32>
      %lt3A_1062 = arith.cmpi slt, %broadcast_in_dim3A_136, %lt3A_1061 : vector<16xi32>
      %add3A_1063 = arith.constant 16 : i32
      %add3A_1064 = vector.broadcast %add3A_1063 : i32 to vector<16xi32>
      %add3A_1065 = arith.addi %broadcast_in_dim3A_136, %add3A_1064 : vector<16xi32>
      %select_n3A_1066 = arith.select %lt3A_1062, %add3A_1065, %broadcast_in_dim3A_136 : vector<16xi1>, vector<16xi32>
      %broadcast_in_dim3A_1067 = vector.shape_cast %select_n3A_1066 : vector<16xi32> to vector<16x1xi32>
      %gather3A_1068 = vector.shape_cast %broadcast_in_dim3A_1067 : vector<16x1xi32> to vector<16xi32>
      %gather3A_1069 = tpu.dynamic_gather %max3A_954[%gather3A_1068] in [0] : vector<16xf32>, vector<16xi32> -> vector<16xf32>
      %mul3A_1070 = arith.mulf %gather3A_1069, %get3A_87 : vector<16xf32>
      %add3A_1071 = arith.addf %mul3A_1059, %mul3A_1070 : vector<16xf32>
      %lt3A_1072 = arith.constant 0 : i32
      %lt3A_1073 = vector.broadcast %lt3A_1072 : i32 to vector<16xi32>
      %lt3A_1074 = arith.cmpi slt, %broadcast_in_dim3A_138, %lt3A_1073 : vector<16xi32>
      %add3A_1075 = arith.constant 16 : i32
      %add3A_1076 = vector.broadcast %add3A_1075 : i32 to vector<16xi32>
      %add3A_1077 = arith.addi %broadcast_in_dim3A_138, %add3A_1076 : vector<16xi32>
      %select_n3A_1078 = arith.select %lt3A_1074, %add3A_1077, %broadcast_in_dim3A_138 : vector<16xi1>, vector<16xi32>
      %broadcast_in_dim3A_1079 = vector.shape_cast %select_n3A_1078 : vector<16xi32> to vector<16x1xi32>
      %gather3A_1080 = vector.shape_cast %broadcast_in_dim3A_1079 : vector<16x1xi32> to vector<16xi32>
      %gather3A_1081 = tpu.dynamic_gather %max3A_954[%gather3A_1080] in [0] : vector<16xf32>, vector<16xi32> -> vector<16xf32>
      %mul3A_1082 = arith.mulf %gather3A_1081, %get3A_92 : vector<16xf32>
      %add3A_1083 = arith.addf %add3A_1071, %mul3A_1082 : vector<16xf32>
      %lt3A_1084 = arith.constant 0 : i32
      %lt3A_1085 = vector.broadcast %lt3A_1084 : i32 to vector<16xi32>
      %lt3A_1086 = arith.cmpi slt, %broadcast_in_dim3A_140, %lt3A_1085 : vector<16xi32>
      %add3A_1087 = arith.constant 16 : i32
      %add3A_1088 = vector.broadcast %add3A_1087 : i32 to vector<16xi32>
      %add3A_1089 = arith.addi %broadcast_in_dim3A_140, %add3A_1088 : vector<16xi32>
      %select_n3A_1090 = arith.select %lt3A_1086, %add3A_1089, %broadcast_in_dim3A_140 : vector<16xi1>, vector<16xi32>
      %broadcast_in_dim3A_1091 = vector.shape_cast %select_n3A_1090 : vector<16xi32> to vector<16x1xi32>
      %gather3A_1092 = vector.shape_cast %broadcast_in_dim3A_1091 : vector<16x1xi32> to vector<16xi32>
      %gather3A_1093 = tpu.dynamic_gather %max3A_954[%gather3A_1092] in [0] : vector<16xf32>, vector<16xi32> -> vector<16xf32>
      %mul3A_1094 = arith.mulf %gather3A_1093, %get3A_97 : vector<16xf32>
      %add3A_1095 = arith.addf %add3A_1083, %mul3A_1094 : vector<16xf32>
      %lt3A_1096 = arith.constant 0 : i32
      %lt3A_1097 = vector.broadcast %lt3A_1096 : i32 to vector<16xi32>
      %lt3A_1098 = arith.cmpi slt, %broadcast_in_dim3A_142, %lt3A_1097 : vector<16xi32>
      %add3A_1099 = arith.constant 16 : i32
      %add3A_1100 = vector.broadcast %add3A_1099 : i32 to vector<16xi32>
      %add3A_1101 = arith.addi %broadcast_in_dim3A_142, %add3A_1100 : vector<16xi32>
      %select_n3A_1102 = arith.select %lt3A_1098, %add3A_1101, %broadcast_in_dim3A_142 : vector<16xi1>, vector<16xi32>
      %broadcast_in_dim3A_1103 = vector.shape_cast %select_n3A_1102 : vector<16xi32> to vector<16x1xi32>
      %gather3A_1104 = vector.shape_cast %broadcast_in_dim3A_1103 : vector<16x1xi32> to vector<16xi32>
      %gather3A_1105 = tpu.dynamic_gather %max3A_954[%gather3A_1104] in [0] : vector<16xf32>, vector<16xi32> -> vector<16xf32>
      %mul3A_1106 = arith.mulf %gather3A_1105, %get3A_102 : vector<16xf32>
      %lt3A_1107 = arith.constant 0 : i32
      %lt3A_1108 = vector.broadcast %lt3A_1107 : i32 to vector<16xi32>
      %lt3A_1109 = arith.cmpi slt, %broadcast_in_dim3A_144, %lt3A_1108 : vector<16xi32>
      %add3A_1110 = arith.constant 16 : i32
      %add3A_1111 = vector.broadcast %add3A_1110 : i32 to vector<16xi32>
      %add3A_1112 = arith.addi %broadcast_in_dim3A_144, %add3A_1111 : vector<16xi32>
      %select_n3A_1113 = arith.select %lt3A_1109, %add3A_1112, %broadcast_in_dim3A_144 : vector<16xi1>, vector<16xi32>
      %broadcast_in_dim3A_1114 = vector.shape_cast %select_n3A_1113 : vector<16xi32> to vector<16x1xi32>
      %gather3A_1115 = vector.shape_cast %broadcast_in_dim3A_1114 : vector<16x1xi32> to vector<16xi32>
      %gather3A_1116 = tpu.dynamic_gather %max3A_954[%gather3A_1115] in [0] : vector<16xf32>, vector<16xi32> -> vector<16xf32>
      %mul3A_1117 = arith.mulf %gather3A_1116, %get3A_107 : vector<16xf32>
      %add3A_1118 = arith.addf %mul3A_1106, %mul3A_1117 : vector<16xf32>
      %lt3A_1119 = arith.constant 0 : i32
      %lt3A_1120 = vector.broadcast %lt3A_1119 : i32 to vector<16xi32>
      %lt3A_1121 = arith.cmpi slt, %broadcast_in_dim3A_146, %lt3A_1120 : vector<16xi32>
      %add3A_1122 = arith.constant 16 : i32
      %add3A_1123 = vector.broadcast %add3A_1122 : i32 to vector<16xi32>
      %add3A_1124 = arith.addi %broadcast_in_dim3A_146, %add3A_1123 : vector<16xi32>
      %select_n3A_1125 = arith.select %lt3A_1121, %add3A_1124, %broadcast_in_dim3A_146 : vector<16xi1>, vector<16xi32>
      %broadcast_in_dim3A_1126 = vector.shape_cast %select_n3A_1125 : vector<16xi32> to vector<16x1xi32>
      %gather3A_1127 = vector.shape_cast %broadcast_in_dim3A_1126 : vector<16x1xi32> to vector<16xi32>
      %gather3A_1128 = tpu.dynamic_gather %max3A_954[%gather3A_1127] in [0] : vector<16xf32>, vector<16xi32> -> vector<16xf32>
      %mul3A_1129 = arith.mulf %gather3A_1128, %get3A_112 : vector<16xf32>
      %add3A_1130 = arith.addf %add3A_1118, %mul3A_1129 : vector<16xf32>
      %lt3A_1131 = arith.constant 0 : i32
      %lt3A_1132 = vector.broadcast %lt3A_1131 : i32 to vector<16xi32>
      %lt3A_1133 = arith.cmpi slt, %broadcast_in_dim3A_148, %lt3A_1132 : vector<16xi32>
      %add3A_1134 = arith.constant 16 : i32
      %add3A_1135 = vector.broadcast %add3A_1134 : i32 to vector<16xi32>
      %add3A_1136 = arith.addi %broadcast_in_dim3A_148, %add3A_1135 : vector<16xi32>
      %select_n3A_1137 = arith.select %lt3A_1133, %add3A_1136, %broadcast_in_dim3A_148 : vector<16xi1>, vector<16xi32>
      %broadcast_in_dim3A_1138 = vector.shape_cast %select_n3A_1137 : vector<16xi32> to vector<16x1xi32>
      %gather3A_1139 = vector.shape_cast %broadcast_in_dim3A_1138 : vector<16x1xi32> to vector<16xi32>
      %gather3A_1140 = tpu.dynamic_gather %max3A_954[%gather3A_1139] in [0] : vector<16xf32>, vector<16xi32> -> vector<16xf32>
      %mul3A_1141 = arith.mulf %gather3A_1140, %get3A_117 : vector<16xf32>
      %add3A_1142 = arith.addf %add3A_1130, %mul3A_1141 : vector<16xf32>
      %add3A_1143 = arith.addf %add3A_1001, %add3A_1048 : vector<16xf32>
      %add3A_1144 = arith.addf %add3A_1095, %add3A_1142 : vector<16xf32>
      %add3A_1145 = arith.addf %add3A_1143, %add3A_1144 : vector<16xf32>
      %swap3A_1146 = arith.index_cast %add3A_942 : i32 to index
      %swap3A_1147 = arith.constant 0 : index
      %swap3A_1148 = tpu.vector_load %arg24[%swap3A_1146, %swap3A_1147] {strides = array<i32>} : memref<640x16xf32, #tpu.memory_space<vmem>>, vector<1x16xf32>,
      %swap3A_1149 = vector.shape_cast %swap3A_1148 : vector<1x16xf32> to vector<16xf32>
      %swap3A_1150 = vector.shape_cast %add3A_1145 : vector<16xf32> to vector<1x16xf32>
      tpu.vector_store %arg24[%swap3A_1146, %swap3A_1147], %swap3A_1150 {strides = array<i32>} : memref<640x16xf32, #tpu.memory_space<vmem>>, vector<1x16xf32>,
      %scan3A_1151 = arith.constant 0 : i32
      scf.yield %scan3A_1151 : i32
    }
    %scan3A_154 = arith.constant 160 : i32
    %mul3A_155 = arith.constant 640 : i32
    %mul3A_156 = arith.muli %arg1, %mul3A_155 : i32
    "tpu.region"() ({
      %run_scoped3A_306 = tpu.sem_alloc : memref<!tpu.dma_semaphore, #tpu.memory_space<semaphore_mem>>
      %dma_start3A_307 = arith.constant 0 : i32
      %dma_start3A_308 = tpu.memref_slice %arg13[%mul3A_156, %dma_start3A_307] : memref<10240x16xf32, #tpu.memory_space<vmem_shared>> -> memref<640x16xf32, #tpu.memory_space<vmem_shared>>
      %dma_start3A_309 = arith.constant 0 : i32
      %dma_start3A_310 = tpu.memref_slice %arg13[%mul3A_156, %dma_start3A_309] : memref<10240x16xf32, #tpu.memory_space<vmem_shared>> -> memref<640x16xf32, #tpu.memory_space<vmem_shared>>
      tpu.enqueue_dma source(%arg24 : memref<640x16xf32, #tpu.memory_space<vmem>>) target(%dma_start3A_310 : memref<640x16xf32, #tpu.memory_space<vmem_shared>>) target_semaphore(%run_scoped3A_306 : memref<!tpu.dma_semaphore, #tpu.memory_space<semaphore_mem>>)
      %dma_wait3A_311 = arith.constant 0 : i32
      %dma_wait3A_312 = tpu.memref_slice %arg13[%mul3A_156, %dma_wait3A_311] : memref<10240x16xf32, #tpu.memory_space<vmem_shared>> -> memref<640x16xf32, #tpu.memory_space<vmem_shared>>
      %dma_wait3A_313 = arith.constant 0 : i32
      %dma_wait3A_314 = tpu.memref_slice %arg13[%mul3A_156, %dma_wait3A_313] : memref<10240x16xf32, #tpu.memory_space<vmem_shared>> -> memref<640x16xf32, #tpu.memory_space<vmem_shared>>
      tpu.wait_dma2 semaphore(%run_scoped3A_306 : memref<!tpu.dma_semaphore, #tpu.memory_space<semaphore_mem>>) src(%arg24 : memref<640x16xf32, #tpu.memory_space<vmem>>) dst(%dma_wait3A_314 : memref<640x16xf32, #tpu.memory_space<vmem_shared>>)
      tpu.yield
    }) : () -> ()
    %dma_wait3A_157 = arith.constant 0 : i32
    %dma_wait3A_158 = tpu.memref_slice %arg12[%mul3A_15, %dma_wait3A_157] : memref<10240x16xf32, #tpu.memory_space<vmem_shared>> -> memref<640x16xf32, #tpu.memory_space<vmem_shared>>
    tpu.wait_dma2 semaphore(%arg17 : memref<!tpu.dma_semaphore, #tpu.memory_space<semaphore_mem>>) src(%arg6 : memref<640x16xf32, #tpu.memory_space<hbm>>) dst(%dma_wait3A_158 : memref<640x16xf32, #tpu.memory_space<vmem_shared>>)
    %dma_wait3A_159 = arith.constant 0 : i32
    %dma_wait3A_160 = arith.constant 0 : i32
    %dma_wait3A_161 = tpu.memref_slice %arg5[%dma_wait3A_159, %mul3A_2, %dma_wait3A_160] : memref<2x2560x128xi32, #tpu.memory_space<hbm>> -> memref<1x80x128xi32, #tpu.memory_space<hbm>>
    %dma_wait3A_162 = tpu.memref_squeeze %dma_wait3A_161 : memref<1x80x128xi32, #tpu.memory_space<hbm>> -> memref<80x128xi32, #tpu.memory_space<hbm>>
    %dma_wait3A_163 = arith.constant 0 : i32
    %dma_wait3A_164 = tpu.memref_slice %arg5[%dma_wait3A_159, %mul3A_2, %dma_wait3A_163] : memref<2x2560x128xi32, #tpu.memory_space<hbm>> -> memref<1x80x128xi32, #tpu.memory_space<hbm>>
    %dma_wait3A_165 = tpu.memref_squeeze %dma_wait3A_164 : memref<1x80x128xi32, #tpu.memory_space<hbm>> -> memref<80x128xi32, #tpu.memory_space<hbm>>
    tpu.wait_dma2 semaphore(%arg18 : memref<!tpu.dma_semaphore, #tpu.memory_space<semaphore_mem>>) src(%dma_wait3A_165 : memref<80x128xi32, #tpu.memory_space<hbm>>) dst(%arg9 : memref<80x128xi32, #tpu.memory_space<vmem>>)
    %dma_wait3A_166 = arith.constant 1 : i32
    %dma_wait3A_167 = arith.constant 0 : i32
    %dma_wait3A_168 = tpu.memref_slice %arg5[%dma_wait3A_166, %mul3A_2, %dma_wait3A_167] : memref<2x2560x128xi32, #tpu.memory_space<hbm>> -> memref<1x80x128xi32, #tpu.memory_space<hbm>>
    %dma_wait3A_169 = tpu.memref_squeeze %dma_wait3A_168 : memref<1x80x128xi32, #tpu.memory_space<hbm>> -> memref<80x128xi32, #tpu.memory_space<hbm>>
    %dma_wait3A_170 = arith.constant 0 : i32
    %dma_wait3A_171 = tpu.memref_slice %arg5[%dma_wait3A_166, %mul3A_2, %dma_wait3A_170] : memref<2x2560x128xi32, #tpu.memory_space<hbm>> -> memref<1x80x128xi32, #tpu.memory_space<hbm>>
    %dma_wait3A_172 = tpu.memref_squeeze %dma_wait3A_171 : memref<1x80x128xi32, #tpu.memory_space<hbm>> -> memref<80x128xi32, #tpu.memory_space<hbm>>
    tpu.wait_dma2 semaphore(%arg19 : memref<!tpu.dma_semaphore, #tpu.memory_space<semaphore_mem>>) src(%dma_wait3A_172 : memref<80x128xi32, #tpu.memory_space<hbm>>) dst(%arg10 : memref<80x128xi32, #tpu.memory_space<vmem>>)
    %barrier3A = arith.constant 0 : index
    tpu.barrier barrier_id(%barrier3A)
    %dma_start3A_173 = arith.constant 0 : i32
    %dma_start3A_174 = arith.constant 0 : i32
    %dma_start3A_175 = arith.constant 0 : i32
    %dma_start3A_176 = arith.constant 0 : i32
    %dma_start3A_177 = tpu.memref_slice %arg11[%dma_start3A_174, %dma_start3A_175, %dma_start3A_176] : memref<8x128x16xf32, #tpu.memory_space<vmem>> -> memref<1x128x16xf32, #tpu.memory_space<vmem>>
    %dma_start3A_178 = tpu.memref_squeeze %dma_start3A_177 : memref<1x128x16xf32, #tpu.memory_space<vmem>> -> memref<128x16xf32, #tpu.memory_space<vmem>>
    %dma_start3A_179 = arith.constant 0 : i32
    %dma_start3A_180 = tpu.memref_slice %arg9[%dma_start3A_173, %dma_start3A_179] : memref<80x128xi32, #tpu.memory_space<vmem>> -> memref<1x128xi32, #tpu.memory_space<vmem>>
    %dma_start3A_181 = tpu.memref_squeeze %dma_start3A_180 : memref<1x128xi32, #tpu.memory_space<vmem>> -> memref<128xi32, #tpu.memory_space<vmem>>
    %dma_start3A_182 = arith.constant 0 : i32
    %dma_start3A_183 = arith.constant 0 : i32
    %dma_start3A_184 = tpu.memref_slice %arg13[%dma_start3A_182, %dma_start3A_183] : memref<10240x16xf32, #tpu.memory_space<vmem_shared>> -> memref<10240x16xf32, #tpu.memory_space<vmem_shared>>
    tpu.enqueue_indirect_dma source(%dma_start3A_184 : memref<10240x16xf32, #tpu.memory_space<vmem_shared>>) target(%dma_start3A_178 : memref<128x16xf32, #tpu.memory_space<vmem>>) offsets(%dma_start3A_181 : memref<128xi32, #tpu.memory_space<vmem>>) semaphore(%arg14 : memref<!tpu.dma_semaphore, #tpu.memory_space<semaphore_mem>>)
    %dma_start3A_185 = arith.constant 1 : i32
    %dma_start3A_186 = arith.constant 1 : i32
    %dma_start3A_187 = arith.constant 0 : i32
    %dma_start3A_188 = arith.constant 0 : i32
    %dma_start3A_189 = tpu.memref_slice %arg11[%dma_start3A_186, %dma_start3A_187, %dma_start3A_188] : memref<8x128x16xf32, #tpu.memory_space<vmem>> -> memref<1x128x16xf32, #tpu.memory_space<vmem>>
    %dma_start3A_190 = tpu.memref_squeeze %dma_start3A_189 : memref<1x128x16xf32, #tpu.memory_space<vmem>> -> memref<128x16xf32, #tpu.memory_space<vmem>>
    %dma_start3A_191 = arith.constant 0 : i32
    %dma_start3A_192 = tpu.memref_slice %arg9[%dma_start3A_185, %dma_start3A_191] : memref<80x128xi32, #tpu.memory_space<vmem>> -> memref<1x128xi32, #tpu.memory_space<vmem>>
    %dma_start3A_193 = tpu.memref_squeeze %dma_start3A_192 : memref<1x128xi32, #tpu.memory_space<vmem>> -> memref<128xi32, #tpu.memory_space<vmem>>
    %dma_start3A_194 = arith.constant 0 : i32
    %dma_start3A_195 = arith.constant 0 : i32
    %dma_start3A_196 = tpu.memref_slice %arg13[%dma_start3A_194, %dma_start3A_195] : memref<10240x16xf32, #tpu.memory_space<vmem_shared>> -> memref<10240x16xf32, #tpu.memory_space<vmem_shared>>
    tpu.enqueue_indirect_dma source(%dma_start3A_196 : memref<10240x16xf32, #tpu.memory_space<vmem_shared>>) target(%dma_start3A_190 : memref<128x16xf32, #tpu.memory_space<vmem>>) offsets(%dma_start3A_193 : memref<128xi32, #tpu.memory_space<vmem>>) semaphore(%arg15 : memref<!tpu.dma_semaphore, #tpu.memory_space<semaphore_mem>>)
    %dma_start3A_197 = arith.constant 2 : i32
    %dma_start3A_198 = arith.constant 2 : i32
    %dma_start3A_199 = arith.constant 0 : i32
    %dma_start3A_200 = arith.constant 0 : i32
    %dma_start3A_201 = tpu.memref_slice %arg11[%dma_start3A_198, %dma_start3A_199, %dma_start3A_200] : memref<8x128x16xf32, #tpu.memory_space<vmem>> -> memref<1x128x16xf32, #tpu.memory_space<vmem>>
    %dma_start3A_202 = tpu.memref_squeeze %dma_start3A_201 : memref<1x128x16xf32, #tpu.memory_space<vmem>> -> memref<128x16xf32, #tpu.memory_space<vmem>>
    %dma_start3A_203 = arith.constant 0 : i32
    %dma_start3A_204 = tpu.memref_slice %arg9[%dma_start3A_197, %dma_start3A_203] : memref<80x128xi32, #tpu.memory_space<vmem>> -> memref<1x128xi32, #tpu.memory_space<vmem>>
    %dma_start3A_205 = tpu.memref_squeeze %dma_start3A_204 : memref<1x128xi32, #tpu.memory_space<vmem>> -> memref<128xi32, #tpu.memory_space<vmem>>
    %dma_start3A_206 = arith.constant 0 : i32
    %dma_start3A_207 = arith.constant 0 : i32
    %dma_start3A_208 = tpu.memref_slice %arg13[%dma_start3A_206, %dma_start3A_207] : memref<10240x16xf32, #tpu.memory_space<vmem_shared>> -> memref<10240x16xf32, #tpu.memory_space<vmem_shared>>
    tpu.enqueue_indirect_dma source(%dma_start3A_208 : memref<10240x16xf32, #tpu.memory_space<vmem_shared>>) target(%dma_start3A_202 : memref<128x16xf32, #tpu.memory_space<vmem>>) offsets(%dma_start3A_205 : memref<128xi32, #tpu.memory_space<vmem>>) semaphore(%arg16 : memref<!tpu.dma_semaphore, #tpu.memory_space<semaphore_mem>>)
    %dma_start3A_209 = arith.constant 3 : i32
    %dma_start3A_210 = arith.constant 3 : i32
    %dma_start3A_211 = arith.constant 0 : i32
    %dma_start3A_212 = arith.constant 0 : i32
    %dma_start3A_213 = tpu.memref_slice %arg11[%dma_start3A_210, %dma_start3A_211, %dma_start3A_212] : memref<8x128x16xf32, #tpu.memory_space<vmem>> -> memref<1x128x16xf32, #tpu.memory_space<vmem>>
    %dma_start3A_214 = tpu.memref_squeeze %dma_start3A_213 : memref<1x128x16xf32, #tpu.memory_space<vmem>> -> memref<128x16xf32, #tpu.memory_space<vmem>>
    %dma_start3A_215 = arith.constant 0 : i32
    %dma_start3A_216 = tpu.memref_slice %arg9[%dma_start3A_209, %dma_start3A_215] : memref<80x128xi32, #tpu.memory_space<vmem>> -> memref<1x128xi32, #tpu.memory_space<vmem>>
    %dma_start3A_217 = tpu.memref_squeeze %dma_start3A_216 : memref<1x128xi32, #tpu.memory_space<vmem>> -> memref<128xi32, #tpu.memory_space<vmem>>
    %dma_start3A_218 = arith.constant 0 : i32
    %dma_start3A_219 = arith.constant 0 : i32
    %dma_start3A_220 = tpu.memref_slice %arg13[%dma_start3A_218, %dma_start3A_219] : memref<10240x16xf32, #tpu.memory_space<vmem_shared>> -> memref<10240x16xf32, #tpu.memory_space<vmem_shared>>
    tpu.enqueue_indirect_dma source(%dma_start3A_220 : memref<10240x16xf32, #tpu.memory_space<vmem_shared>>) target(%dma_start3A_214 : memref<128x16xf32, #tpu.memory_space<vmem>>) offsets(%dma_start3A_217 : memref<128xi32, #tpu.memory_space<vmem>>) semaphore(%arg17 : memref<!tpu.dma_semaphore, #tpu.memory_space<semaphore_mem>>)
    %dma_start3A_221 = arith.constant 4 : i32
    %dma_start3A_222 = arith.constant 4 : i32
    %dma_start3A_223 = arith.constant 0 : i32
    %dma_start3A_224 = arith.constant 0 : i32
    %dma_start3A_225 = tpu.memref_slice %arg11[%dma_start3A_222, %dma_start3A_223, %dma_start3A_224] : memref<8x128x16xf32, #tpu.memory_space<vmem>> -> memref<1x128x16xf32, #tpu.memory_space<vmem>>
    %dma_start3A_226 = tpu.memref_squeeze %dma_start3A_225 : memref<1x128x16xf32, #tpu.memory_space<vmem>> -> memref<128x16xf32, #tpu.memory_space<vmem>>
    %dma_start3A_227 = arith.constant 0 : i32
    %dma_start3A_228 = tpu.memref_slice %arg9[%dma_start3A_221, %dma_start3A_227] : memref<80x128xi32, #tpu.memory_space<vmem>> -> memref<1x128xi32, #tpu.memory_space<vmem>>
    %dma_start3A_229 = tpu.memref_squeeze %dma_start3A_228 : memref<1x128xi32, #tpu.memory_space<vmem>> -> memref<128xi32, #tpu.memory_space<vmem>>
    %dma_start3A_230 = arith.constant 0 : i32
    %dma_start3A_231 = arith.constant 0 : i32
    %dma_start3A_232 = tpu.memref_slice %arg13[%dma_start3A_230, %dma_start3A_231] : memref<10240x16xf32, #tpu.memory_space<vmem_shared>> -> memref<10240x16xf32, #tpu.memory_space<vmem_shared>>
    tpu.enqueue_indirect_dma source(%dma_start3A_232 : memref<10240x16xf32, #tpu.memory_space<vmem_shared>>) target(%dma_start3A_226 : memref<128x16xf32, #tpu.memory_space<vmem>>) offsets(%dma_start3A_229 : memref<128xi32, #tpu.memory_space<vmem>>) semaphore(%arg18 : memref<!tpu.dma_semaphore, #tpu.memory_space<semaphore_mem>>)
    %dma_start3A_233 = arith.constant 5 : i32
    %dma_start3A_234 = arith.constant 5 : i32
    %dma_start3A_235 = arith.constant 0 : i32
    %dma_start3A_236 = arith.constant 0 : i32
    %dma_start3A_237 = tpu.memref_slice %arg11[%dma_start3A_234, %dma_start3A_235, %dma_start3A_236] : memref<8x128x16xf32, #tpu.memory_space<vmem>> -> memref<1x128x16xf32, #tpu.memory_space<vmem>>
    %dma_start3A_238 = tpu.memref_squeeze %dma_start3A_237 : memref<1x128x16xf32, #tpu.memory_space<vmem>> -> memref<128x16xf32, #tpu.memory_space<vmem>>
    %dma_start3A_239 = arith.constant 0 : i32
    %dma_start3A_240 = tpu.memref_slice %arg9[%dma_start3A_233, %dma_start3A_239] : memref<80x128xi32, #tpu.memory_space<vmem>> -> memref<1x128xi32, #tpu.memory_space<vmem>>
    %dma_start3A_241 = tpu.memref_squeeze %dma_start3A_240 : memref<1x128xi32, #tpu.memory_space<vmem>> -> memref<128xi32, #tpu.memory_space<vmem>>
    %dma_start3A_242 = arith.constant 0 : i32
    %dma_start3A_243 = arith.constant 0 : i32
    %dma_start3A_244 = tpu.memref_slice %arg13[%dma_start3A_242, %dma_start3A_243] : memref<10240x16xf32, #tpu.memory_space<vmem_shared>> -> memref<10240x16xf32, #tpu.memory_space<vmem_shared>>
    tpu.enqueue_indirect_dma source(%dma_start3A_244 : memref<10240x16xf32, #tpu.memory_space<vmem_shared>>) target(%dma_start3A_238 : memref<128x16xf32, #tpu.memory_space<vmem>>) offsets(%dma_start3A_241 : memref<128xi32, #tpu.memory_space<vmem>>) semaphore(%arg19 : memref<!tpu.dma_semaphore, #tpu.memory_space<semaphore_mem>>)
    %dma_start3A_245 = arith.constant 6 : i32
    %dma_start3A_246 = arith.constant 6 : i32
    %dma_start3A_247 = arith.constant 0 : i32
    %dma_start3A_248 = arith.constant 0 : i32
    %dma_start3A_249 = tpu.memref_slice %arg11[%dma_start3A_246, %dma_start3A_247, %dma_start3A_248] : memref<8x128x16xf32, #tpu.memory_space<vmem>> -> memref<1x128x16xf32, #tpu.memory_space<vmem>>
    %dma_start3A_250 = tpu.memref_squeeze %dma_start3A_249 : memref<1x128x16xf32, #tpu.memory_space<vmem>> -> memref<128x16xf32, #tpu.memory_space<vmem>>
    %dma_start3A_251 = arith.constant 0 : i32
    %dma_start3A_252 = tpu.memref_slice %arg9[%dma_start3A_245, %dma_start3A_251] : memref<80x128xi32, #tpu.memory_space<vmem>> -> memref<1x128xi32, #tpu.memory_space<vmem>>
    %dma_start3A_253 = tpu.memref_squeeze %dma_start3A_252 : memref<1x128xi32, #tpu.memory_space<vmem>> -> memref<128xi32, #tpu.memory_space<vmem>>
    %dma_start3A_254 = arith.constant 0 : i32
    %dma_start3A_255 = arith.constant 0 : i32
    %dma_start3A_256 = tpu.memref_slice %arg13[%dma_start3A_254, %dma_start3A_255] : memref<10240x16xf32, #tpu.memory_space<vmem_shared>> -> memref<10240x16xf32, #tpu.memory_space<vmem_shared>>
    tpu.enqueue_indirect_dma source(%dma_start3A_256 : memref<10240x16xf32, #tpu.memory_space<vmem_shared>>) target(%dma_start3A_250 : memref<128x16xf32, #tpu.memory_space<vmem>>) offsets(%dma_start3A_253 : memref<128xi32, #tpu.memory_space<vmem>>) semaphore(%arg20 : memref<!tpu.dma_semaphore, #tpu.memory_space<semaphore_mem>>)
    %dma_start3A_257 = arith.constant 7 : i32
    %dma_start3A_258 = arith.constant 7 : i32
    %dma_start3A_259 = arith.constant 0 : i32
    %dma_start3A_260 = arith.constant 0 : i32
    %dma_start3A_261 = tpu.memref_slice %arg11[%dma_start3A_258, %dma_start3A_259, %dma_start3A_260] : memref<8x128x16xf32, #tpu.memory_space<vmem>> -> memref<1x128x16xf32, #tpu.memory_space<vmem>>
    %dma_start3A_262 = tpu.memref_squeeze %dma_start3A_261 : memref<1x128x16xf32, #tpu.memory_space<vmem>> -> memref<128x16xf32, #tpu.memory_space<vmem>>
    %dma_start3A_263 = arith.constant 0 : i32
    %dma_start3A_264 = tpu.memref_slice %arg9[%dma_start3A_257, %dma_start3A_263] : memref<80x128xi32, #tpu.memory_space<vmem>> -> memref<1x128xi32, #tpu.memory_space<vmem>>
    %dma_start3A_265 = tpu.memref_squeeze %dma_start3A_264 : memref<1x128xi32, #tpu.memory_space<vmem>> -> memref<128xi32, #tpu.memory_space<vmem>>
    %dma_start3A_266 = arith.constant 0 : i32
    %dma_start3A_267 = arith.constant 0 : i32
    %dma_start3A_268 = tpu.memref_slice %arg13[%dma_start3A_266, %dma_start3A_267] : memref<10240x16xf32, #tpu.memory_space<vmem_shared>> -> memref<10240x16xf32, #tpu.memory_space<vmem_shared>>
    tpu.enqueue_indirect_dma source(%dma_start3A_268 : memref<10240x16xf32, #tpu.memory_space<vmem_shared>>) target(%dma_start3A_262 : memref<128x16xf32, #tpu.memory_space<vmem>>) offsets(%dma_start3A_265 : memref<128xi32, #tpu.memory_space<vmem>>) semaphore(%arg21 : memref<!tpu.dma_semaphore, #tpu.memory_space<semaphore_mem>>)
    %scan3A_269 = arith.constant 0 : i32
    %scan3A_270 = arith.constant 0 : i32
    %scan3A_271 = arith.constant 10 : i32
    %scan3A_272 = arith.addi %scan3A_270, %scan3A_271 : i32
    %scan3A_273 = arith.constant 1 : i32
    %scan3A_274 = scf.for %scan3A_306 = %scan3A_270 to %scan3A_272 step %scan3A_273 iter_args(%scan3A_307 = %scan3A_269) -> (i32)  : i32 {
      %mul3A_308 = arith.constant 8 : i32
      %mul3A_309 = arith.muli %scan3A_306, %mul3A_308 : i32
      %add3A_310 = arith.constant 0 : i32
      %add3A_311 = arith.addi %mul3A_309, %add3A_310 : i32
      %dma_wait3A_312 = arith.constant 0 : i32
      %dma_wait3A_313 = arith.constant 0 : i32
      %dma_wait3A_314 = arith.constant 0 : i32
      %dma_wait3A_315 = tpu.memref_slice %arg11[%dma_wait3A_312, %dma_wait3A_313, %dma_wait3A_314] : memref<8x128x16xf32, #tpu.memory_space<vmem>> -> memref<1x128x16xf32, #tpu.memory_space<vmem>>
      %dma_wait3A_316 = tpu.memref_squeeze %dma_wait3A_315 : memref<1x128x16xf32, #tpu.memory_space<vmem>> -> memref<128x16xf32, #tpu.memory_space<vmem>>
      %dma_wait3A_317 = arith.constant 0 : i32
      %dma_wait3A_318 = tpu.memref_slice %arg9[%add3A_311, %dma_wait3A_317] : memref<80x128xi32, #tpu.memory_space<vmem>> -> memref<1x128xi32, #tpu.memory_space<vmem>>
      %dma_wait3A_319 = tpu.memref_squeeze %dma_wait3A_318 : memref<1x128xi32, #tpu.memory_space<vmem>> -> memref<128xi32, #tpu.memory_space<vmem>>
      %dma_wait3A_320 = arith.constant 0 : i32
      %dma_wait3A_321 = arith.constant 0 : i32
      %dma_wait3A_322 = tpu.memref_slice %arg13[%dma_wait3A_320, %dma_wait3A_321] : memref<10240x16xf32, #tpu.memory_space<vmem_shared>> -> memref<10240x16xf32, #tpu.memory_space<vmem_shared>>
      tpu.wait_indirect_dma semaphore(%arg14 : memref<!tpu.dma_semaphore, #tpu.memory_space<semaphore_mem>>) src(%dma_wait3A_322 : memref<10240x16xf32, #tpu.memory_space<vmem_shared>>) dst(%dma_wait3A_316 : memref<128x16xf32, #tpu.memory_space<vmem>>)
      %run_scoped3A_323 = arith.constant 0 : i32
      "tpu.region"() ({
        %run_scoped3A_490 = tpu.sem_alloc : memref<!tpu.dma_semaphore, #tpu.memory_space<semaphore_mem>>
        %dma_start3A_491 = arith.constant 0 : i32
        %dma_start3A_492 = arith.constant 0 : i32
        %dma_start3A_493 = tpu.memref_slice %arg11[%run_scoped3A_323, %dma_start3A_491, %dma_start3A_492] : memref<8x128x16xf32, #tpu.memory_space<vmem>> -> memref<1x128x16xf32, #tpu.memory_space<vmem>>
        %dma_start3A_494 = tpu.memref_squeeze %dma_start3A_493 : memref<1x128x16xf32, #tpu.memory_space<vmem>> -> memref<128x16xf32, #tpu.memory_space<vmem>>
        %dma_start3A_495 = arith.constant 0 : i32
        %dma_start3A_496 = tpu.memref_slice %arg10[%add3A_311, %dma_start3A_495] : memref<80x128xi32, #tpu.memory_space<vmem>> -> memref<1x128xi32, #tpu.memory_space<vmem>>
        %dma_start3A_497 = tpu.memref_squeeze %dma_start3A_496 : memref<1x128xi32, #tpu.memory_space<vmem>> -> memref<128xi32, #tpu.memory_space<vmem>>
        %dma_start3A_498 = arith.constant 0 : i32
        %dma_start3A_499 = arith.constant 0 : i32
        %dma_start3A_500 = tpu.memref_slice %arg12[%dma_start3A_498, %dma_start3A_499] : memref<10240x16xf32, #tpu.memory_space<vmem_shared>> -> memref<10240x16xf32, #tpu.memory_space<vmem_shared>>
        tpu.enqueue_indirect_dma source(%dma_start3A_494 : memref<128x16xf32, #tpu.memory_space<vmem>>) target(%dma_start3A_500 : memref<10240x16xf32, #tpu.memory_space<vmem_shared>>) offsets(%dma_start3A_497 : memref<128xi32, #tpu.memory_space<vmem>>) semaphore(%run_scoped3A_490 : memref<!tpu.dma_semaphore, #tpu.memory_space<semaphore_mem>>) {add = true}
        %dma_wait3A_501 = arith.constant 0 : i32
        %dma_wait3A_502 = arith.constant 0 : i32
        %dma_wait3A_503 = tpu.memref_slice %arg11[%run_scoped3A_323, %dma_wait3A_501, %dma_wait3A_502] : memref<8x128x16xf32, #tpu.memory_space<vmem>> -> memref<1x128x16xf32, #tpu.memory_space<vmem>>
        %dma_wait3A_504 = tpu.memref_squeeze %dma_wait3A_503 : memref<1x128x16xf32, #tpu.memory_space<vmem>> -> memref<128x16xf32, #tpu.memory_space<vmem>>
        %dma_wait3A_505 = arith.constant 0 : i32
        %dma_wait3A_506 = tpu.memref_slice %arg10[%add3A_311, %dma_wait3A_505] : memref<80x128xi32, #tpu.memory_space<vmem>> -> memref<1x128xi32, #tpu.memory_space<vmem>>
        %dma_wait3A_507 = tpu.memref_squeeze %dma_wait3A_506 : memref<1x128xi32, #tpu.memory_space<vmem>> -> memref<128xi32, #tpu.memory_space<vmem>>
        %dma_wait3A_508 = arith.constant 0 : i32
        %dma_wait3A_509 = arith.constant 0 : i32
        %dma_wait3A_510 = tpu.memref_slice %arg12[%dma_wait3A_508, %dma_wait3A_509] : memref<10240x16xf32, #tpu.memory_space<vmem_shared>> -> memref<10240x16xf32, #tpu.memory_space<vmem_shared>>
        tpu.wait_indirect_dma semaphore(%run_scoped3A_490 : memref<!tpu.dma_semaphore, #tpu.memory_space<semaphore_mem>>) src(%dma_wait3A_504 : memref<128x16xf32, #tpu.memory_space<vmem>>) dst(%dma_wait3A_510 : memref<10240x16xf32, #tpu.memory_space<vmem_shared>>)
        tpu.yield
      }) : () -> ()
      %add3A_324 = arith.constant 8 : i32
      %add3A_325 = arith.addi %add3A_311, %add3A_324 : i32
      %lt3A = arith.constant 80 : i32
      %lt3A_326 = arith.cmpi slt, %add3A_325, %lt3A : i32
      %convert_element_type3A = arith.extui %lt3A_326 : i1 to i32
      %cond3A = arith.constant 0 : i32
      %cond3A_327 = arith.cmpi ne, %convert_element_type3A, %cond3A : i32
      scf.if %cond3A_327 {
        %add3A_490 = arith.constant 8 : i32
        %add3A_491 = arith.addi %add3A_311, %add3A_490 : i32
        %dma_start3A_492 = arith.constant 0 : i32
        %dma_start3A_493 = arith.constant 0 : i32
        %dma_start3A_494 = arith.constant 0 : i32
        %dma_start3A_495 = tpu.memref_slice %arg11[%dma_start3A_492, %dma_start3A_493, %dma_start3A_494] : memref<8x128x16xf32, #tpu.memory_space<vmem>> -> memref<1x128x16xf32, #tpu.memory_space<vmem>>
        %dma_start3A_496 = tpu.memref_squeeze %dma_start3A_495 : memref<1x128x16xf32, #tpu.memory_space<vmem>> -> memref<128x16xf32, #tpu.memory_space<vmem>>
        %dma_start3A_497 = arith.constant 0 : i32
        %dma_start3A_498 = tpu.memref_slice %arg9[%add3A_491, %dma_start3A_497] : memref<80x128xi32, #tpu.memory_space<vmem>> -> memref<1x128xi32, #tpu.memory_space<vmem>>
        %dma_start3A_499 = tpu.memref_squeeze %dma_start3A_498 : memref<1x128xi32, #tpu.memory_space<vmem>> -> memref<128xi32, #tpu.memory_space<vmem>>
        %dma_start3A_500 = arith.constant 0 : i32
        %dma_start3A_501 = arith.constant 0 : i32
        %dma_start3A_502 = tpu.memref_slice %arg13[%dma_start3A_500, %dma_start3A_501] : memref<10240x16xf32, #tpu.memory_space<vmem_shared>> -> memref<10240x16xf32, #tpu.memory_space<vmem_shared>>
        tpu.enqueue_indirect_dma source(%dma_start3A_502 : memref<10240x16xf32, #tpu.memory_space<vmem_shared>>) target(%dma_start3A_496 : memref<128x16xf32, #tpu.memory_space<vmem>>) offsets(%dma_start3A_499 : memref<128xi32, #tpu.memory_space<vmem>>) semaphore(%arg14 : memref<!tpu.dma_semaphore, #tpu.memory_space<semaphore_mem>>)
      } else {
      }
      %mul3A_328 = arith.constant 8 : i32
      %mul3A_329 = arith.muli %scan3A_306, %mul3A_328 : i32
      %add3A_330 = arith.constant 1 : i32
      %add3A_331 = arith.addi %mul3A_329, %add3A_330 : i32
      %dma_wait3A_332 = arith.constant 1 : i32
      %dma_wait3A_333 = arith.constant 0 : i32
      %dma_wait3A_334 = arith.constant 0 : i32
      %dma_wait3A_335 = tpu.memref_slice %arg11[%dma_wait3A_332, %dma_wait3A_333, %dma_wait3A_334] : memref<8x128x16xf32, #tpu.memory_space<vmem>> -> memref<1x128x16xf32, #tpu.memory_space<vmem>>
      %dma_wait3A_336 = tpu.memref_squeeze %dma_wait3A_335 : memref<1x128x16xf32, #tpu.memory_space<vmem>> -> memref<128x16xf32, #tpu.memory_space<vmem>>
      %dma_wait3A_337 = arith.constant 0 : i32
      %dma_wait3A_338 = tpu.memref_slice %arg9[%add3A_331, %dma_wait3A_337] : memref<80x128xi32, #tpu.memory_space<vmem>> -> memref<1x128xi32, #tpu.memory_space<vmem>>
      %dma_wait3A_339 = tpu.memref_squeeze %dma_wait3A_338 : memref<1x128xi32, #tpu.memory_space<vmem>> -> memref<128xi32, #tpu.memory_space<vmem>>
      %dma_wait3A_340 = arith.constant 0 : i32
      %dma_wait3A_341 = arith.constant 0 : i32
      %dma_wait3A_342 = tpu.memref_slice %arg13[%dma_wait3A_340, %dma_wait3A_341] : memref<10240x16xf32, #tpu.memory_space<vmem_shared>> -> memref<10240x16xf32, #tpu.memory_space<vmem_shared>>
      tpu.wait_indirect_dma semaphore(%arg15 : memref<!tpu.dma_semaphore, #tpu.memory_space<semaphore_mem>>) src(%dma_wait3A_342 : memref<10240x16xf32, #tpu.memory_space<vmem_shared>>) dst(%dma_wait3A_336 : memref<128x16xf32, #tpu.memory_space<vmem>>)
      %run_scoped3A_343 = arith.constant 1 : i32
      "tpu.region"() ({
        %run_scoped3A_490 = tpu.sem_alloc : memref<!tpu.dma_semaphore, #tpu.memory_space<semaphore_mem>>
        %dma_start3A_491 = arith.constant 0 : i32
        %dma_start3A_492 = arith.constant 0 : i32
        %dma_start3A_493 = tpu.memref_slice %arg11[%run_scoped3A_343, %dma_start3A_491, %dma_start3A_492] : memref<8x128x16xf32, #tpu.memory_space<vmem>> -> memref<1x128x16xf32, #tpu.memory_space<vmem>>
        %dma_start3A_494 = tpu.memref_squeeze %dma_start3A_493 : memref<1x128x16xf32, #tpu.memory_space<vmem>> -> memref<128x16xf32, #tpu.memory_space<vmem>>
        %dma_start3A_495 = arith.constant 0 : i32
        %dma_start3A_496 = tpu.memref_slice %arg10[%add3A_331, %dma_start3A_495] : memref<80x128xi32, #tpu.memory_space<vmem>> -> memref<1x128xi32, #tpu.memory_space<vmem>>
        %dma_start3A_497 = tpu.memref_squeeze %dma_start3A_496 : memref<1x128xi32, #tpu.memory_space<vmem>> -> memref<128xi32, #tpu.memory_space<vmem>>
        %dma_start3A_498 = arith.constant 0 : i32
        %dma_start3A_499 = arith.constant 0 : i32
        %dma_start3A_500 = tpu.memref_slice %arg12[%dma_start3A_498, %dma_start3A_499] : memref<10240x16xf32, #tpu.memory_space<vmem_shared>> -> memref<10240x16xf32, #tpu.memory_space<vmem_shared>>
        tpu.enqueue_indirect_dma source(%dma_start3A_494 : memref<128x16xf32, #tpu.memory_space<vmem>>) target(%dma_start3A_500 : memref<10240x16xf32, #tpu.memory_space<vmem_shared>>) offsets(%dma_start3A_497 : memref<128xi32, #tpu.memory_space<vmem>>) semaphore(%run_scoped3A_490 : memref<!tpu.dma_semaphore, #tpu.memory_space<semaphore_mem>>) {add = true}
        %dma_wait3A_501 = arith.constant 0 : i32
        %dma_wait3A_502 = arith.constant 0 : i32
        %dma_wait3A_503 = tpu.memref_slice %arg11[%run_scoped3A_343, %dma_wait3A_501, %dma_wait3A_502] : memref<8x128x16xf32, #tpu.memory_space<vmem>> -> memref<1x128x16xf32, #tpu.memory_space<vmem>>
        %dma_wait3A_504 = tpu.memref_squeeze %dma_wait3A_503 : memref<1x128x16xf32, #tpu.memory_space<vmem>> -> memref<128x16xf32, #tpu.memory_space<vmem>>
        %dma_wait3A_505 = arith.constant 0 : i32
        %dma_wait3A_506 = tpu.memref_slice %arg10[%add3A_331, %dma_wait3A_505] : memref<80x128xi32, #tpu.memory_space<vmem>> -> memref<1x128xi32, #tpu.memory_space<vmem>>
        %dma_wait3A_507 = tpu.memref_squeeze %dma_wait3A_506 : memref<1x128xi32, #tpu.memory_space<vmem>> -> memref<128xi32, #tpu.memory_space<vmem>>
        %dma_wait3A_508 = arith.constant 0 : i32
        %dma_wait3A_509 = arith.constant 0 : i32
        %dma_wait3A_510 = tpu.memref_slice %arg12[%dma_wait3A_508, %dma_wait3A_509] : memref<10240x16xf32, #tpu.memory_space<vmem_shared>> -> memref<10240x16xf32, #tpu.memory_space<vmem_shared>>
        tpu.wait_indirect_dma semaphore(%run_scoped3A_490 : memref<!tpu.dma_semaphore, #tpu.memory_space<semaphore_mem>>) src(%dma_wait3A_504 : memref<128x16xf32, #tpu.memory_space<vmem>>) dst(%dma_wait3A_510 : memref<10240x16xf32, #tpu.memory_space<vmem_shared>>)
        tpu.yield
      }) : () -> ()
      %add3A_344 = arith.constant 8 : i32
      %add3A_345 = arith.addi %add3A_331, %add3A_344 : i32
      %lt3A_346 = arith.constant 80 : i32
      %lt3A_347 = arith.cmpi slt, %add3A_345, %lt3A_346 : i32
      %convert_element_type3A_348 = arith.extui %lt3A_347 : i1 to i32
      %cond3A_349 = arith.constant 0 : i32
      %cond3A_350 = arith.cmpi ne, %convert_element_type3A_348, %cond3A_349 : i32
      scf.if %cond3A_350 {
        %add3A_490 = arith.constant 8 : i32
        %add3A_491 = arith.addi %add3A_331, %add3A_490 : i32
        %dma_start3A_492 = arith.constant 1 : i32
        %dma_start3A_493 = arith.constant 0 : i32
        %dma_start3A_494 = arith.constant 0 : i32
        %dma_start3A_495 = tpu.memref_slice %arg11[%dma_start3A_492, %dma_start3A_493, %dma_start3A_494] : memref<8x128x16xf32, #tpu.memory_space<vmem>> -> memref<1x128x16xf32, #tpu.memory_space<vmem>>
        %dma_start3A_496 = tpu.memref_squeeze %dma_start3A_495 : memref<1x128x16xf32, #tpu.memory_space<vmem>> -> memref<128x16xf32, #tpu.memory_space<vmem>>
        %dma_start3A_497 = arith.constant 0 : i32
        %dma_start3A_498 = tpu.memref_slice %arg9[%add3A_491, %dma_start3A_497] : memref<80x128xi32, #tpu.memory_space<vmem>> -> memref<1x128xi32, #tpu.memory_space<vmem>>
        %dma_start3A_499 = tpu.memref_squeeze %dma_start3A_498 : memref<1x128xi32, #tpu.memory_space<vmem>> -> memref<128xi32, #tpu.memory_space<vmem>>
        %dma_start3A_500 = arith.constant 0 : i32
        %dma_start3A_501 = arith.constant 0 : i32
        %dma_start3A_502 = tpu.memref_slice %arg13[%dma_start3A_500, %dma_start3A_501] : memref<10240x16xf32, #tpu.memory_space<vmem_shared>> -> memref<10240x16xf32, #tpu.memory_space<vmem_shared>>
        tpu.enqueue_indirect_dma source(%dma_start3A_502 : memref<10240x16xf32, #tpu.memory_space<vmem_shared>>) target(%dma_start3A_496 : memref<128x16xf32, #tpu.memory_space<vmem>>) offsets(%dma_start3A_499 : memref<128xi32, #tpu.memory_space<vmem>>) semaphore(%arg15 : memref<!tpu.dma_semaphore, #tpu.memory_space<semaphore_mem>>)
      } else {
      }
      %mul3A_351 = arith.constant 8 : i32
      %mul3A_352 = arith.muli %scan3A_306, %mul3A_351 : i32
      %add3A_353 = arith.constant 2 : i32
      %add3A_354 = arith.addi %mul3A_352, %add3A_353 : i32
      %dma_wait3A_355 = arith.constant 2 : i32
      %dma_wait3A_356 = arith.constant 0 : i32
      %dma_wait3A_357 = arith.constant 0 : i32
      %dma_wait3A_358 = tpu.memref_slice %arg11[%dma_wait3A_355, %dma_wait3A_356, %dma_wait3A_357] : memref<8x128x16xf32, #tpu.memory_space<vmem>> -> memref<1x128x16xf32, #tpu.memory_space<vmem>>
      %dma_wait3A_359 = tpu.memref_squeeze %dma_wait3A_358 : memref<1x128x16xf32, #tpu.memory_space<vmem>> -> memref<128x16xf32, #tpu.memory_space<vmem>>
      %dma_wait3A_360 = arith.constant 0 : i32
      %dma_wait3A_361 = tpu.memref_slice %arg9[%add3A_354, %dma_wait3A_360] : memref<80x128xi32, #tpu.memory_space<vmem>> -> memref<1x128xi32, #tpu.memory_space<vmem>>
      %dma_wait3A_362 = tpu.memref_squeeze %dma_wait3A_361 : memref<1x128xi32, #tpu.memory_space<vmem>> -> memref<128xi32, #tpu.memory_space<vmem>>
      %dma_wait3A_363 = arith.constant 0 : i32
      %dma_wait3A_364 = arith.constant 0 : i32
      %dma_wait3A_365 = tpu.memref_slice %arg13[%dma_wait3A_363, %dma_wait3A_364] : memref<10240x16xf32, #tpu.memory_space<vmem_shared>> -> memref<10240x16xf32, #tpu.memory_space<vmem_shared>>
      tpu.wait_indirect_dma semaphore(%arg16 : memref<!tpu.dma_semaphore, #tpu.memory_space<semaphore_mem>>) src(%dma_wait3A_365 : memref<10240x16xf32, #tpu.memory_space<vmem_shared>>) dst(%dma_wait3A_359 : memref<128x16xf32, #tpu.memory_space<vmem>>)
      %run_scoped3A_366 = arith.constant 2 : i32
      "tpu.region"() ({
        %run_scoped3A_490 = tpu.sem_alloc : memref<!tpu.dma_semaphore, #tpu.memory_space<semaphore_mem>>
        %dma_start3A_491 = arith.constant 0 : i32
        %dma_start3A_492 = arith.constant 0 : i32
        %dma_start3A_493 = tpu.memref_slice %arg11[%run_scoped3A_366, %dma_start3A_491, %dma_start3A_492] : memref<8x128x16xf32, #tpu.memory_space<vmem>> -> memref<1x128x16xf32, #tpu.memory_space<vmem>>
        %dma_start3A_494 = tpu.memref_squeeze %dma_start3A_493 : memref<1x128x16xf32, #tpu.memory_space<vmem>> -> memref<128x16xf32, #tpu.memory_space<vmem>>
        %dma_start3A_495 = arith.constant 0 : i32
        %dma_start3A_496 = tpu.memref_slice %arg10[%add3A_354, %dma_start3A_495] : memref<80x128xi32, #tpu.memory_space<vmem>> -> memref<1x128xi32, #tpu.memory_space<vmem>>
        %dma_start3A_497 = tpu.memref_squeeze %dma_start3A_496 : memref<1x128xi32, #tpu.memory_space<vmem>> -> memref<128xi32, #tpu.memory_space<vmem>>
        %dma_start3A_498 = arith.constant 0 : i32
        %dma_start3A_499 = arith.constant 0 : i32
        %dma_start3A_500 = tpu.memref_slice %arg12[%dma_start3A_498, %dma_start3A_499] : memref<10240x16xf32, #tpu.memory_space<vmem_shared>> -> memref<10240x16xf32, #tpu.memory_space<vmem_shared>>
        tpu.enqueue_indirect_dma source(%dma_start3A_494 : memref<128x16xf32, #tpu.memory_space<vmem>>) target(%dma_start3A_500 : memref<10240x16xf32, #tpu.memory_space<vmem_shared>>) offsets(%dma_start3A_497 : memref<128xi32, #tpu.memory_space<vmem>>) semaphore(%run_scoped3A_490 : memref<!tpu.dma_semaphore, #tpu.memory_space<semaphore_mem>>) {add = true}
        %dma_wait3A_501 = arith.constant 0 : i32
        %dma_wait3A_502 = arith.constant 0 : i32
        %dma_wait3A_503 = tpu.memref_slice %arg11[%run_scoped3A_366, %dma_wait3A_501, %dma_wait3A_502] : memref<8x128x16xf32, #tpu.memory_space<vmem>> -> memref<1x128x16xf32, #tpu.memory_space<vmem>>
        %dma_wait3A_504 = tpu.memref_squeeze %dma_wait3A_503 : memref<1x128x16xf32, #tpu.memory_space<vmem>> -> memref<128x16xf32, #tpu.memory_space<vmem>>
        %dma_wait3A_505 = arith.constant 0 : i32
        %dma_wait3A_506 = tpu.memref_slice %arg10[%add3A_354, %dma_wait3A_505] : memref<80x128xi32, #tpu.memory_space<vmem>> -> memref<1x128xi32, #tpu.memory_space<vmem>>
        %dma_wait3A_507 = tpu.memref_squeeze %dma_wait3A_506 : memref<1x128xi32, #tpu.memory_space<vmem>> -> memref<128xi32, #tpu.memory_space<vmem>>
        %dma_wait3A_508 = arith.constant 0 : i32
        %dma_wait3A_509 = arith.constant 0 : i32
        %dma_wait3A_510 = tpu.memref_slice %arg12[%dma_wait3A_508, %dma_wait3A_509] : memref<10240x16xf32, #tpu.memory_space<vmem_shared>> -> memref<10240x16xf32, #tpu.memory_space<vmem_shared>>
        tpu.wait_indirect_dma semaphore(%run_scoped3A_490 : memref<!tpu.dma_semaphore, #tpu.memory_space<semaphore_mem>>) src(%dma_wait3A_504 : memref<128x16xf32, #tpu.memory_space<vmem>>) dst(%dma_wait3A_510 : memref<10240x16xf32, #tpu.memory_space<vmem_shared>>)
        tpu.yield
      }) : () -> ()
      %add3A_367 = arith.constant 8 : i32
      %add3A_368 = arith.addi %add3A_354, %add3A_367 : i32
      %lt3A_369 = arith.constant 80 : i32
      %lt3A_370 = arith.cmpi slt, %add3A_368, %lt3A_369 : i32
      %convert_element_type3A_371 = arith.extui %lt3A_370 : i1 to i32
      %cond3A_372 = arith.constant 0 : i32
      %cond3A_373 = arith.cmpi ne, %convert_element_type3A_371, %cond3A_372 : i32
      scf.if %cond3A_373 {
        %add3A_490 = arith.constant 8 : i32
        %add3A_491 = arith.addi %add3A_354, %add3A_490 : i32
        %dma_start3A_492 = arith.constant 2 : i32
        %dma_start3A_493 = arith.constant 0 : i32
        %dma_start3A_494 = arith.constant 0 : i32
        %dma_start3A_495 = tpu.memref_slice %arg11[%dma_start3A_492, %dma_start3A_493, %dma_start3A_494] : memref<8x128x16xf32, #tpu.memory_space<vmem>> -> memref<1x128x16xf32, #tpu.memory_space<vmem>>
        %dma_start3A_496 = tpu.memref_squeeze %dma_start3A_495 : memref<1x128x16xf32, #tpu.memory_space<vmem>> -> memref<128x16xf32, #tpu.memory_space<vmem>>
        %dma_start3A_497 = arith.constant 0 : i32
        %dma_start3A_498 = tpu.memref_slice %arg9[%add3A_491, %dma_start3A_497] : memref<80x128xi32, #tpu.memory_space<vmem>> -> memref<1x128xi32, #tpu.memory_space<vmem>>
        %dma_start3A_499 = tpu.memref_squeeze %dma_start3A_498 : memref<1x128xi32, #tpu.memory_space<vmem>> -> memref<128xi32, #tpu.memory_space<vmem>>
        %dma_start3A_500 = arith.constant 0 : i32
        %dma_start3A_501 = arith.constant 0 : i32
        %dma_start3A_502 = tpu.memref_slice %arg13[%dma_start3A_500, %dma_start3A_501] : memref<10240x16xf32, #tpu.memory_space<vmem_shared>> -> memref<10240x16xf32, #tpu.memory_space<vmem_shared>>
        tpu.enqueue_indirect_dma source(%dma_start3A_502 : memref<10240x16xf32, #tpu.memory_space<vmem_shared>>) target(%dma_start3A_496 : memref<128x16xf32, #tpu.memory_space<vmem>>) offsets(%dma_start3A_499 : memref<128xi32, #tpu.memory_space<vmem>>) semaphore(%arg16 : memref<!tpu.dma_semaphore, #tpu.memory_space<semaphore_mem>>)
      } else {
      }
      %mul3A_374 = arith.constant 8 : i32
      %mul3A_375 = arith.muli %scan3A_306, %mul3A_374 : i32
      %add3A_376 = arith.constant 3 : i32
      %add3A_377 = arith.addi %mul3A_375, %add3A_376 : i32
      %dma_wait3A_378 = arith.constant 3 : i32
      %dma_wait3A_379 = arith.constant 0 : i32
      %dma_wait3A_380 = arith.constant 0 : i32
      %dma_wait3A_381 = tpu.memref_slice %arg11[%dma_wait3A_378, %dma_wait3A_379, %dma_wait3A_380] : memref<8x128x16xf32, #tpu.memory_space<vmem>> -> memref<1x128x16xf32, #tpu.memory_space<vmem>>
      %dma_wait3A_382 = tpu.memref_squeeze %dma_wait3A_381 : memref<1x128x16xf32, #tpu.memory_space<vmem>> -> memref<128x16xf32, #tpu.memory_space<vmem>>
      %dma_wait3A_383 = arith.constant 0 : i32
      %dma_wait3A_384 = tpu.memref_slice %arg9[%add3A_377, %dma_wait3A_383] : memref<80x128xi32, #tpu.memory_space<vmem>> -> memref<1x128xi32, #tpu.memory_space<vmem>>
      %dma_wait3A_385 = tpu.memref_squeeze %dma_wait3A_384 : memref<1x128xi32, #tpu.memory_space<vmem>> -> memref<128xi32, #tpu.memory_space<vmem>>
      %dma_wait3A_386 = arith.constant 0 : i32
      %dma_wait3A_387 = arith.constant 0 : i32
      %dma_wait3A_388 = tpu.memref_slice %arg13[%dma_wait3A_386, %dma_wait3A_387] : memref<10240x16xf32, #tpu.memory_space<vmem_shared>> -> memref<10240x16xf32, #tpu.memory_space<vmem_shared>>
      tpu.wait_indirect_dma semaphore(%arg17 : memref<!tpu.dma_semaphore, #tpu.memory_space<semaphore_mem>>) src(%dma_wait3A_388 : memref<10240x16xf32, #tpu.memory_space<vmem_shared>>) dst(%dma_wait3A_382 : memref<128x16xf32, #tpu.memory_space<vmem>>)
      %run_scoped3A_389 = arith.constant 3 : i32
      "tpu.region"() ({
        %run_scoped3A_490 = tpu.sem_alloc : memref<!tpu.dma_semaphore, #tpu.memory_space<semaphore_mem>>
        %dma_start3A_491 = arith.constant 0 : i32
        %dma_start3A_492 = arith.constant 0 : i32
        %dma_start3A_493 = tpu.memref_slice %arg11[%run_scoped3A_389, %dma_start3A_491, %dma_start3A_492] : memref<8x128x16xf32, #tpu.memory_space<vmem>> -> memref<1x128x16xf32, #tpu.memory_space<vmem>>
        %dma_start3A_494 = tpu.memref_squeeze %dma_start3A_493 : memref<1x128x16xf32, #tpu.memory_space<vmem>> -> memref<128x16xf32, #tpu.memory_space<vmem>>
        %dma_start3A_495 = arith.constant 0 : i32
        %dma_start3A_496 = tpu.memref_slice %arg10[%add3A_377, %dma_start3A_495] : memref<80x128xi32, #tpu.memory_space<vmem>> -> memref<1x128xi32, #tpu.memory_space<vmem>>
        %dma_start3A_497 = tpu.memref_squeeze %dma_start3A_496 : memref<1x128xi32, #tpu.memory_space<vmem>> -> memref<128xi32, #tpu.memory_space<vmem>>
        %dma_start3A_498 = arith.constant 0 : i32
        %dma_start3A_499 = arith.constant 0 : i32
        %dma_start3A_500 = tpu.memref_slice %arg12[%dma_start3A_498, %dma_start3A_499] : memref<10240x16xf32, #tpu.memory_space<vmem_shared>> -> memref<10240x16xf32, #tpu.memory_space<vmem_shared>>
        tpu.enqueue_indirect_dma source(%dma_start3A_494 : memref<128x16xf32, #tpu.memory_space<vmem>>) target(%dma_start3A_500 : memref<10240x16xf32, #tpu.memory_space<vmem_shared>>) offsets(%dma_start3A_497 : memref<128xi32, #tpu.memory_space<vmem>>) semaphore(%run_scoped3A_490 : memref<!tpu.dma_semaphore, #tpu.memory_space<semaphore_mem>>) {add = true}
        %dma_wait3A_501 = arith.constant 0 : i32
        %dma_wait3A_502 = arith.constant 0 : i32
        %dma_wait3A_503 = tpu.memref_slice %arg11[%run_scoped3A_389, %dma_wait3A_501, %dma_wait3A_502] : memref<8x128x16xf32, #tpu.memory_space<vmem>> -> memref<1x128x16xf32, #tpu.memory_space<vmem>>
        %dma_wait3A_504 = tpu.memref_squeeze %dma_wait3A_503 : memref<1x128x16xf32, #tpu.memory_space<vmem>> -> memref<128x16xf32, #tpu.memory_space<vmem>>
        %dma_wait3A_505 = arith.constant 0 : i32
        %dma_wait3A_506 = tpu.memref_slice %arg10[%add3A_377, %dma_wait3A_505] : memref<80x128xi32, #tpu.memory_space<vmem>> -> memref<1x128xi32, #tpu.memory_space<vmem>>
        %dma_wait3A_507 = tpu.memref_squeeze %dma_wait3A_506 : memref<1x128xi32, #tpu.memory_space<vmem>> -> memref<128xi32, #tpu.memory_space<vmem>>
        %dma_wait3A_508 = arith.constant 0 : i32
        %dma_wait3A_509 = arith.constant 0 : i32
        %dma_wait3A_510 = tpu.memref_slice %arg12[%dma_wait3A_508, %dma_wait3A_509] : memref<10240x16xf32, #tpu.memory_space<vmem_shared>> -> memref<10240x16xf32, #tpu.memory_space<vmem_shared>>
        tpu.wait_indirect_dma semaphore(%run_scoped3A_490 : memref<!tpu.dma_semaphore, #tpu.memory_space<semaphore_mem>>) src(%dma_wait3A_504 : memref<128x16xf32, #tpu.memory_space<vmem>>) dst(%dma_wait3A_510 : memref<10240x16xf32, #tpu.memory_space<vmem_shared>>)
        tpu.yield
      }) : () -> ()
      %add3A_390 = arith.constant 8 : i32
      %add3A_391 = arith.addi %add3A_377, %add3A_390 : i32
      %lt3A_392 = arith.constant 80 : i32
      %lt3A_393 = arith.cmpi slt, %add3A_391, %lt3A_392 : i32
      %convert_element_type3A_394 = arith.extui %lt3A_393 : i1 to i32
      %cond3A_395 = arith.constant 0 : i32
      %cond3A_396 = arith.cmpi ne, %convert_element_type3A_394, %cond3A_395 : i32
      scf.if %cond3A_396 {
        %add3A_490 = arith.constant 8 : i32
        %add3A_491 = arith.addi %add3A_377, %add3A_490 : i32
        %dma_start3A_492 = arith.constant 3 : i32
        %dma_start3A_493 = arith.constant 0 : i32
        %dma_start3A_494 = arith.constant 0 : i32
        %dma_start3A_495 = tpu.memref_slice %arg11[%dma_start3A_492, %dma_start3A_493, %dma_start3A_494] : memref<8x128x16xf32, #tpu.memory_space<vmem>> -> memref<1x128x16xf32, #tpu.memory_space<vmem>>
        %dma_start3A_496 = tpu.memref_squeeze %dma_start3A_495 : memref<1x128x16xf32, #tpu.memory_space<vmem>> -> memref<128x16xf32, #tpu.memory_space<vmem>>
        %dma_start3A_497 = arith.constant 0 : i32
        %dma_start3A_498 = tpu.memref_slice %arg9[%add3A_491, %dma_start3A_497] : memref<80x128xi32, #tpu.memory_space<vmem>> -> memref<1x128xi32, #tpu.memory_space<vmem>>
        %dma_start3A_499 = tpu.memref_squeeze %dma_start3A_498 : memref<1x128xi32, #tpu.memory_space<vmem>> -> memref<128xi32, #tpu.memory_space<vmem>>
        %dma_start3A_500 = arith.constant 0 : i32
        %dma_start3A_501 = arith.constant 0 : i32
        %dma_start3A_502 = tpu.memref_slice %arg13[%dma_start3A_500, %dma_start3A_501] : memref<10240x16xf32, #tpu.memory_space<vmem_shared>> -> memref<10240x16xf32, #tpu.memory_space<vmem_shared>>
        tpu.enqueue_indirect_dma source(%dma_start3A_502 : memref<10240x16xf32, #tpu.memory_space<vmem_shared>>) target(%dma_start3A_496 : memref<128x16xf32, #tpu.memory_space<vmem>>) offsets(%dma_start3A_499 : memref<128xi32, #tpu.memory_space<vmem>>) semaphore(%arg17 : memref<!tpu.dma_semaphore, #tpu.memory_space<semaphore_mem>>)
      } else {
      }
      %mul3A_397 = arith.constant 8 : i32
      %mul3A_398 = arith.muli %scan3A_306, %mul3A_397 : i32
      %add3A_399 = arith.constant 4 : i32
      %add3A_400 = arith.addi %mul3A_398, %add3A_399 : i32
      %dma_wait3A_401 = arith.constant 4 : i32
      %dma_wait3A_402 = arith.constant 0 : i32
      %dma_wait3A_403 = arith.constant 0 : i32
      %dma_wait3A_404 = tpu.memref_slice %arg11[%dma_wait3A_401, %dma_wait3A_402, %dma_wait3A_403] : memref<8x128x16xf32, #tpu.memory_space<vmem>> -> memref<1x128x16xf32, #tpu.memory_space<vmem>>
      %dma_wait3A_405 = tpu.memref_squeeze %dma_wait3A_404 : memref<1x128x16xf32, #tpu.memory_space<vmem>> -> memref<128x16xf32, #tpu.memory_space<vmem>>
      %dma_wait3A_406 = arith.constant 0 : i32
      %dma_wait3A_407 = tpu.memref_slice %arg9[%add3A_400, %dma_wait3A_406] : memref<80x128xi32, #tpu.memory_space<vmem>> -> memref<1x128xi32, #tpu.memory_space<vmem>>
      %dma_wait3A_408 = tpu.memref_squeeze %dma_wait3A_407 : memref<1x128xi32, #tpu.memory_space<vmem>> -> memref<128xi32, #tpu.memory_space<vmem>>
      %dma_wait3A_409 = arith.constant 0 : i32
      %dma_wait3A_410 = arith.constant 0 : i32
      %dma_wait3A_411 = tpu.memref_slice %arg13[%dma_wait3A_409, %dma_wait3A_410] : memref<10240x16xf32, #tpu.memory_space<vmem_shared>> -> memref<10240x16xf32, #tpu.memory_space<vmem_shared>>
      tpu.wait_indirect_dma semaphore(%arg18 : memref<!tpu.dma_semaphore, #tpu.memory_space<semaphore_mem>>) src(%dma_wait3A_411 : memref<10240x16xf32, #tpu.memory_space<vmem_shared>>) dst(%dma_wait3A_405 : memref<128x16xf32, #tpu.memory_space<vmem>>)
      %run_scoped3A_412 = arith.constant 4 : i32
      "tpu.region"() ({
        %run_scoped3A_490 = tpu.sem_alloc : memref<!tpu.dma_semaphore, #tpu.memory_space<semaphore_mem>>
        %dma_start3A_491 = arith.constant 0 : i32
        %dma_start3A_492 = arith.constant 0 : i32
        %dma_start3A_493 = tpu.memref_slice %arg11[%run_scoped3A_412, %dma_start3A_491, %dma_start3A_492] : memref<8x128x16xf32, #tpu.memory_space<vmem>> -> memref<1x128x16xf32, #tpu.memory_space<vmem>>
        %dma_start3A_494 = tpu.memref_squeeze %dma_start3A_493 : memref<1x128x16xf32, #tpu.memory_space<vmem>> -> memref<128x16xf32, #tpu.memory_space<vmem>>
        %dma_start3A_495 = arith.constant 0 : i32
        %dma_start3A_496 = tpu.memref_slice %arg10[%add3A_400, %dma_start3A_495] : memref<80x128xi32, #tpu.memory_space<vmem>> -> memref<1x128xi32, #tpu.memory_space<vmem>>
        %dma_start3A_497 = tpu.memref_squeeze %dma_start3A_496 : memref<1x128xi32, #tpu.memory_space<vmem>> -> memref<128xi32, #tpu.memory_space<vmem>>
        %dma_start3A_498 = arith.constant 0 : i32
        %dma_start3A_499 = arith.constant 0 : i32
        %dma_start3A_500 = tpu.memref_slice %arg12[%dma_start3A_498, %dma_start3A_499] : memref<10240x16xf32, #tpu.memory_space<vmem_shared>> -> memref<10240x16xf32, #tpu.memory_space<vmem_shared>>
        tpu.enqueue_indirect_dma source(%dma_start3A_494 : memref<128x16xf32, #tpu.memory_space<vmem>>) target(%dma_start3A_500 : memref<10240x16xf32, #tpu.memory_space<vmem_shared>>) offsets(%dma_start3A_497 : memref<128xi32, #tpu.memory_space<vmem>>) semaphore(%run_scoped3A_490 : memref<!tpu.dma_semaphore, #tpu.memory_space<semaphore_mem>>) {add = true}
        %dma_wait3A_501 = arith.constant 0 : i32
        %dma_wait3A_502 = arith.constant 0 : i32
        %dma_wait3A_503 = tpu.memref_slice %arg11[%run_scoped3A_412, %dma_wait3A_501, %dma_wait3A_502] : memref<8x128x16xf32, #tpu.memory_space<vmem>> -> memref<1x128x16xf32, #tpu.memory_space<vmem>>
        %dma_wait3A_504 = tpu.memref_squeeze %dma_wait3A_503 : memref<1x128x16xf32, #tpu.memory_space<vmem>> -> memref<128x16xf32, #tpu.memory_space<vmem>>
        %dma_wait3A_505 = arith.constant 0 : i32
        %dma_wait3A_506 = tpu.memref_slice %arg10[%add3A_400, %dma_wait3A_505] : memref<80x128xi32, #tpu.memory_space<vmem>> -> memref<1x128xi32, #tpu.memory_space<vmem>>
        %dma_wait3A_507 = tpu.memref_squeeze %dma_wait3A_506 : memref<1x128xi32, #tpu.memory_space<vmem>> -> memref<128xi32, #tpu.memory_space<vmem>>
        %dma_wait3A_508 = arith.constant 0 : i32
        %dma_wait3A_509 = arith.constant 0 : i32
        %dma_wait3A_510 = tpu.memref_slice %arg12[%dma_wait3A_508, %dma_wait3A_509] : memref<10240x16xf32, #tpu.memory_space<vmem_shared>> -> memref<10240x16xf32, #tpu.memory_space<vmem_shared>>
        tpu.wait_indirect_dma semaphore(%run_scoped3A_490 : memref<!tpu.dma_semaphore, #tpu.memory_space<semaphore_mem>>) src(%dma_wait3A_504 : memref<128x16xf32, #tpu.memory_space<vmem>>) dst(%dma_wait3A_510 : memref<10240x16xf32, #tpu.memory_space<vmem_shared>>)
        tpu.yield
      }) : () -> ()
      %add3A_413 = arith.constant 8 : i32
      %add3A_414 = arith.addi %add3A_400, %add3A_413 : i32
      %lt3A_415 = arith.constant 80 : i32
      %lt3A_416 = arith.cmpi slt, %add3A_414, %lt3A_415 : i32
      %convert_element_type3A_417 = arith.extui %lt3A_416 : i1 to i32
      %cond3A_418 = arith.constant 0 : i32
      %cond3A_419 = arith.cmpi ne, %convert_element_type3A_417, %cond3A_418 : i32
      scf.if %cond3A_419 {
        %add3A_490 = arith.constant 8 : i32
        %add3A_491 = arith.addi %add3A_400, %add3A_490 : i32
        %dma_start3A_492 = arith.constant 4 : i32
        %dma_start3A_493 = arith.constant 0 : i32
        %dma_start3A_494 = arith.constant 0 : i32
        %dma_start3A_495 = tpu.memref_slice %arg11[%dma_start3A_492, %dma_start3A_493, %dma_start3A_494] : memref<8x128x16xf32, #tpu.memory_space<vmem>> -> memref<1x128x16xf32, #tpu.memory_space<vmem>>
        %dma_start3A_496 = tpu.memref_squeeze %dma_start3A_495 : memref<1x128x16xf32, #tpu.memory_space<vmem>> -> memref<128x16xf32, #tpu.memory_space<vmem>>
        %dma_start3A_497 = arith.constant 0 : i32
        %dma_start3A_498 = tpu.memref_slice %arg9[%add3A_491, %dma_start3A_497] : memref<80x128xi32, #tpu.memory_space<vmem>> -> memref<1x128xi32, #tpu.memory_space<vmem>>
        %dma_start3A_499 = tpu.memref_squeeze %dma_start3A_498 : memref<1x128xi32, #tpu.memory_space<vmem>> -> memref<128xi32, #tpu.memory_space<vmem>>
        %dma_start3A_500 = arith.constant 0 : i32
        %dma_start3A_501 = arith.constant 0 : i32
        %dma_start3A_502 = tpu.memref_slice %arg13[%dma_start3A_500, %dma_start3A_501] : memref<10240x16xf32, #tpu.memory_space<vmem_shared>> -> memref<10240x16xf32, #tpu.memory_space<vmem_shared>>
        tpu.enqueue_indirect_dma source(%dma_start3A_502 : memref<10240x16xf32, #tpu.memory_space<vmem_shared>>) target(%dma_start3A_496 : memref<128x16xf32, #tpu.memory_space<vmem>>) offsets(%dma_start3A_499 : memref<128xi32, #tpu.memory_space<vmem>>) semaphore(%arg18 : memref<!tpu.dma_semaphore, #tpu.memory_space<semaphore_mem>>)
      } else {
      }
      %mul3A_420 = arith.constant 8 : i32
      %mul3A_421 = arith.muli %scan3A_306, %mul3A_420 : i32
      %add3A_422 = arith.constant 5 : i32
      %add3A_423 = arith.addi %mul3A_421, %add3A_422 : i32
      %dma_wait3A_424 = arith.constant 5 : i32
      %dma_wait3A_425 = arith.constant 0 : i32
      %dma_wait3A_426 = arith.constant 0 : i32
      %dma_wait3A_427 = tpu.memref_slice %arg11[%dma_wait3A_424, %dma_wait3A_425, %dma_wait3A_426] : memref<8x128x16xf32, #tpu.memory_space<vmem>> -> memref<1x128x16xf32, #tpu.memory_space<vmem>>
      %dma_wait3A_428 = tpu.memref_squeeze %dma_wait3A_427 : memref<1x128x16xf32, #tpu.memory_space<vmem>> -> memref<128x16xf32, #tpu.memory_space<vmem>>
      %dma_wait3A_429 = arith.constant 0 : i32
      %dma_wait3A_430 = tpu.memref_slice %arg9[%add3A_423, %dma_wait3A_429] : memref<80x128xi32, #tpu.memory_space<vmem>> -> memref<1x128xi32, #tpu.memory_space<vmem>>
      %dma_wait3A_431 = tpu.memref_squeeze %dma_wait3A_430 : memref<1x128xi32, #tpu.memory_space<vmem>> -> memref<128xi32, #tpu.memory_space<vmem>>
      %dma_wait3A_432 = arith.constant 0 : i32
      %dma_wait3A_433 = arith.constant 0 : i32
      %dma_wait3A_434 = tpu.memref_slice %arg13[%dma_wait3A_432, %dma_wait3A_433] : memref<10240x16xf32, #tpu.memory_space<vmem_shared>> -> memref<10240x16xf32, #tpu.memory_space<vmem_shared>>
      tpu.wait_indirect_dma semaphore(%arg19 : memref<!tpu.dma_semaphore, #tpu.memory_space<semaphore_mem>>) src(%dma_wait3A_434 : memref<10240x16xf32, #tpu.memory_space<vmem_shared>>) dst(%dma_wait3A_428 : memref<128x16xf32, #tpu.memory_space<vmem>>)
      %run_scoped3A_435 = arith.constant 5 : i32
      "tpu.region"() ({
        %run_scoped3A_490 = tpu.sem_alloc : memref<!tpu.dma_semaphore, #tpu.memory_space<semaphore_mem>>
        %dma_start3A_491 = arith.constant 0 : i32
        %dma_start3A_492 = arith.constant 0 : i32
        %dma_start3A_493 = tpu.memref_slice %arg11[%run_scoped3A_435, %dma_start3A_491, %dma_start3A_492] : memref<8x128x16xf32, #tpu.memory_space<vmem>> -> memref<1x128x16xf32, #tpu.memory_space<vmem>>
        %dma_start3A_494 = tpu.memref_squeeze %dma_start3A_493 : memref<1x128x16xf32, #tpu.memory_space<vmem>> -> memref<128x16xf32, #tpu.memory_space<vmem>>
        %dma_start3A_495 = arith.constant 0 : i32
        %dma_start3A_496 = tpu.memref_slice %arg10[%add3A_423, %dma_start3A_495] : memref<80x128xi32, #tpu.memory_space<vmem>> -> memref<1x128xi32, #tpu.memory_space<vmem>>
        %dma_start3A_497 = tpu.memref_squeeze %dma_start3A_496 : memref<1x128xi32, #tpu.memory_space<vmem>> -> memref<128xi32, #tpu.memory_space<vmem>>
        %dma_start3A_498 = arith.constant 0 : i32
        %dma_start3A_499 = arith.constant 0 : i32
        %dma_start3A_500 = tpu.memref_slice %arg12[%dma_start3A_498, %dma_start3A_499] : memref<10240x16xf32, #tpu.memory_space<vmem_shared>> -> memref<10240x16xf32, #tpu.memory_space<vmem_shared>>
        tpu.enqueue_indirect_dma source(%dma_start3A_494 : memref<128x16xf32, #tpu.memory_space<vmem>>) target(%dma_start3A_500 : memref<10240x16xf32, #tpu.memory_space<vmem_shared>>) offsets(%dma_start3A_497 : memref<128xi32, #tpu.memory_space<vmem>>) semaphore(%run_scoped3A_490 : memref<!tpu.dma_semaphore, #tpu.memory_space<semaphore_mem>>) {add = true}
        %dma_wait3A_501 = arith.constant 0 : i32
        %dma_wait3A_502 = arith.constant 0 : i32
        %dma_wait3A_503 = tpu.memref_slice %arg11[%run_scoped3A_435, %dma_wait3A_501, %dma_wait3A_502] : memref<8x128x16xf32, #tpu.memory_space<vmem>> -> memref<1x128x16xf32, #tpu.memory_space<vmem>>
        %dma_wait3A_504 = tpu.memref_squeeze %dma_wait3A_503 : memref<1x128x16xf32, #tpu.memory_space<vmem>> -> memref<128x16xf32, #tpu.memory_space<vmem>>
        %dma_wait3A_505 = arith.constant 0 : i32
        %dma_wait3A_506 = tpu.memref_slice %arg10[%add3A_423, %dma_wait3A_505] : memref<80x128xi32, #tpu.memory_space<vmem>> -> memref<1x128xi32, #tpu.memory_space<vmem>>
        %dma_wait3A_507 = tpu.memref_squeeze %dma_wait3A_506 : memref<1x128xi32, #tpu.memory_space<vmem>> -> memref<128xi32, #tpu.memory_space<vmem>>
        %dma_wait3A_508 = arith.constant 0 : i32
        %dma_wait3A_509 = arith.constant 0 : i32
        %dma_wait3A_510 = tpu.memref_slice %arg12[%dma_wait3A_508, %dma_wait3A_509] : memref<10240x16xf32, #tpu.memory_space<vmem_shared>> -> memref<10240x16xf32, #tpu.memory_space<vmem_shared>>
        tpu.wait_indirect_dma semaphore(%run_scoped3A_490 : memref<!tpu.dma_semaphore, #tpu.memory_space<semaphore_mem>>) src(%dma_wait3A_504 : memref<128x16xf32, #tpu.memory_space<vmem>>) dst(%dma_wait3A_510 : memref<10240x16xf32, #tpu.memory_space<vmem_shared>>)
        tpu.yield
      }) : () -> ()
      %add3A_436 = arith.constant 8 : i32
      %add3A_437 = arith.addi %add3A_423, %add3A_436 : i32
      %lt3A_438 = arith.constant 80 : i32
      %lt3A_439 = arith.cmpi slt, %add3A_437, %lt3A_438 : i32
      %convert_element_type3A_440 = arith.extui %lt3A_439 : i1 to i32
      %cond3A_441 = arith.constant 0 : i32
      %cond3A_442 = arith.cmpi ne, %convert_element_type3A_440, %cond3A_441 : i32
      scf.if %cond3A_442 {
        %add3A_490 = arith.constant 8 : i32
        %add3A_491 = arith.addi %add3A_423, %add3A_490 : i32
        %dma_start3A_492 = arith.constant 5 : i32
        %dma_start3A_493 = arith.constant 0 : i32
        %dma_start3A_494 = arith.constant 0 : i32
        %dma_start3A_495 = tpu.memref_slice %arg11[%dma_start3A_492, %dma_start3A_493, %dma_start3A_494] : memref<8x128x16xf32, #tpu.memory_space<vmem>> -> memref<1x128x16xf32, #tpu.memory_space<vmem>>
        %dma_start3A_496 = tpu.memref_squeeze %dma_start3A_495 : memref<1x128x16xf32, #tpu.memory_space<vmem>> -> memref<128x16xf32, #tpu.memory_space<vmem>>
        %dma_start3A_497 = arith.constant 0 : i32
        %dma_start3A_498 = tpu.memref_slice %arg9[%add3A_491, %dma_start3A_497] : memref<80x128xi32, #tpu.memory_space<vmem>> -> memref<1x128xi32, #tpu.memory_space<vmem>>
        %dma_start3A_499 = tpu.memref_squeeze %dma_start3A_498 : memref<1x128xi32, #tpu.memory_space<vmem>> -> memref<128xi32, #tpu.memory_space<vmem>>
        %dma_start3A_500 = arith.constant 0 : i32
        %dma_start3A_501 = arith.constant 0 : i32
        %dma_start3A_502 = tpu.memref_slice %arg13[%dma_start3A_500, %dma_start3A_501] : memref<10240x16xf32, #tpu.memory_space<vmem_shared>> -> memref<10240x16xf32, #tpu.memory_space<vmem_shared>>
        tpu.enqueue_indirect_dma source(%dma_start3A_502 : memref<10240x16xf32, #tpu.memory_space<vmem_shared>>) target(%dma_start3A_496 : memref<128x16xf32, #tpu.memory_space<vmem>>) offsets(%dma_start3A_499 : memref<128xi32, #tpu.memory_space<vmem>>) semaphore(%arg19 : memref<!tpu.dma_semaphore, #tpu.memory_space<semaphore_mem>>)
      } else {
      }
      %mul3A_443 = arith.constant 8 : i32
      %mul3A_444 = arith.muli %scan3A_306, %mul3A_443 : i32
      %add3A_445 = arith.constant 6 : i32
      %add3A_446 = arith.addi %mul3A_444, %add3A_445 : i32
      %dma_wait3A_447 = arith.constant 6 : i32
      %dma_wait3A_448 = arith.constant 0 : i32
      %dma_wait3A_449 = arith.constant 0 : i32
      %dma_wait3A_450 = tpu.memref_slice %arg11[%dma_wait3A_447, %dma_wait3A_448, %dma_wait3A_449] : memref<8x128x16xf32, #tpu.memory_space<vmem>> -> memref<1x128x16xf32, #tpu.memory_space<vmem>>
      %dma_wait3A_451 = tpu.memref_squeeze %dma_wait3A_450 : memref<1x128x16xf32, #tpu.memory_space<vmem>> -> memref<128x16xf32, #tpu.memory_space<vmem>>
      %dma_wait3A_452 = arith.constant 0 : i32
      %dma_wait3A_453 = tpu.memref_slice %arg9[%add3A_446, %dma_wait3A_452] : memref<80x128xi32, #tpu.memory_space<vmem>> -> memref<1x128xi32, #tpu.memory_space<vmem>>
      %dma_wait3A_454 = tpu.memref_squeeze %dma_wait3A_453 : memref<1x128xi32, #tpu.memory_space<vmem>> -> memref<128xi32, #tpu.memory_space<vmem>>
      %dma_wait3A_455 = arith.constant 0 : i32
      %dma_wait3A_456 = arith.constant 0 : i32
      %dma_wait3A_457 = tpu.memref_slice %arg13[%dma_wait3A_455, %dma_wait3A_456] : memref<10240x16xf32, #tpu.memory_space<vmem_shared>> -> memref<10240x16xf32, #tpu.memory_space<vmem_shared>>
      tpu.wait_indirect_dma semaphore(%arg20 : memref<!tpu.dma_semaphore, #tpu.memory_space<semaphore_mem>>) src(%dma_wait3A_457 : memref<10240x16xf32, #tpu.memory_space<vmem_shared>>) dst(%dma_wait3A_451 : memref<128x16xf32, #tpu.memory_space<vmem>>)
      %run_scoped3A_458 = arith.constant 6 : i32
      "tpu.region"() ({
        %run_scoped3A_490 = tpu.sem_alloc : memref<!tpu.dma_semaphore, #tpu.memory_space<semaphore_mem>>
        %dma_start3A_491 = arith.constant 0 : i32
        %dma_start3A_492 = arith.constant 0 : i32
        %dma_start3A_493 = tpu.memref_slice %arg11[%run_scoped3A_458, %dma_start3A_491, %dma_start3A_492] : memref<8x128x16xf32, #tpu.memory_space<vmem>> -> memref<1x128x16xf32, #tpu.memory_space<vmem>>
        %dma_start3A_494 = tpu.memref_squeeze %dma_start3A_493 : memref<1x128x16xf32, #tpu.memory_space<vmem>> -> memref<128x16xf32, #tpu.memory_space<vmem>>
        %dma_start3A_495 = arith.constant 0 : i32
        %dma_start3A_496 = tpu.memref_slice %arg10[%add3A_446, %dma_start3A_495] : memref<80x128xi32, #tpu.memory_space<vmem>> -> memref<1x128xi32, #tpu.memory_space<vmem>>
        %dma_start3A_497 = tpu.memref_squeeze %dma_start3A_496 : memref<1x128xi32, #tpu.memory_space<vmem>> -> memref<128xi32, #tpu.memory_space<vmem>>
        %dma_start3A_498 = arith.constant 0 : i32
        %dma_start3A_499 = arith.constant 0 : i32
        %dma_start3A_500 = tpu.memref_slice %arg12[%dma_start3A_498, %dma_start3A_499] : memref<10240x16xf32, #tpu.memory_space<vmem_shared>> -> memref<10240x16xf32, #tpu.memory_space<vmem_shared>>
        tpu.enqueue_indirect_dma source(%dma_start3A_494 : memref<128x16xf32, #tpu.memory_space<vmem>>) target(%dma_start3A_500 : memref<10240x16xf32, #tpu.memory_space<vmem_shared>>) offsets(%dma_start3A_497 : memref<128xi32, #tpu.memory_space<vmem>>) semaphore(%run_scoped3A_490 : memref<!tpu.dma_semaphore, #tpu.memory_space<semaphore_mem>>) {add = true}
        %dma_wait3A_501 = arith.constant 0 : i32
        %dma_wait3A_502 = arith.constant 0 : i32
        %dma_wait3A_503 = tpu.memref_slice %arg11[%run_scoped3A_458, %dma_wait3A_501, %dma_wait3A_502] : memref<8x128x16xf32, #tpu.memory_space<vmem>> -> memref<1x128x16xf32, #tpu.memory_space<vmem>>
        %dma_wait3A_504 = tpu.memref_squeeze %dma_wait3A_503 : memref<1x128x16xf32, #tpu.memory_space<vmem>> -> memref<128x16xf32, #tpu.memory_space<vmem>>
        %dma_wait3A_505 = arith.constant 0 : i32
        %dma_wait3A_506 = tpu.memref_slice %arg10[%add3A_446, %dma_wait3A_505] : memref<80x128xi32, #tpu.memory_space<vmem>> -> memref<1x128xi32, #tpu.memory_space<vmem>>
        %dma_wait3A_507 = tpu.memref_squeeze %dma_wait3A_506 : memref<1x128xi32, #tpu.memory_space<vmem>> -> memref<128xi32, #tpu.memory_space<vmem>>
        %dma_wait3A_508 = arith.constant 0 : i32
        %dma_wait3A_509 = arith.constant 0 : i32
        %dma_wait3A_510 = tpu.memref_slice %arg12[%dma_wait3A_508, %dma_wait3A_509] : memref<10240x16xf32, #tpu.memory_space<vmem_shared>> -> memref<10240x16xf32, #tpu.memory_space<vmem_shared>>
        tpu.wait_indirect_dma semaphore(%run_scoped3A_490 : memref<!tpu.dma_semaphore, #tpu.memory_space<semaphore_mem>>) src(%dma_wait3A_504 : memref<128x16xf32, #tpu.memory_space<vmem>>) dst(%dma_wait3A_510 : memref<10240x16xf32, #tpu.memory_space<vmem_shared>>)
        tpu.yield
      }) : () -> ()
      %add3A_459 = arith.constant 8 : i32
      %add3A_460 = arith.addi %add3A_446, %add3A_459 : i32
      %lt3A_461 = arith.constant 80 : i32
      %lt3A_462 = arith.cmpi slt, %add3A_460, %lt3A_461 : i32
      %convert_element_type3A_463 = arith.extui %lt3A_462 : i1 to i32
      %cond3A_464 = arith.constant 0 : i32
      %cond3A_465 = arith.cmpi ne, %convert_element_type3A_463, %cond3A_464 : i32
      scf.if %cond3A_465 {
        %add3A_490 = arith.constant 8 : i32
        %add3A_491 = arith.addi %add3A_446, %add3A_490 : i32
        %dma_start3A_492 = arith.constant 6 : i32
        %dma_start3A_493 = arith.constant 0 : i32
        %dma_start3A_494 = arith.constant 0 : i32
        %dma_start3A_495 = tpu.memref_slice %arg11[%dma_start3A_492, %dma_start3A_493, %dma_start3A_494] : memref<8x128x16xf32, #tpu.memory_space<vmem>> -> memref<1x128x16xf32, #tpu.memory_space<vmem>>
        %dma_start3A_496 = tpu.memref_squeeze %dma_start3A_495 : memref<1x128x16xf32, #tpu.memory_space<vmem>> -> memref<128x16xf32, #tpu.memory_space<vmem>>
        %dma_start3A_497 = arith.constant 0 : i32
        %dma_start3A_498 = tpu.memref_slice %arg9[%add3A_491, %dma_start3A_497] : memref<80x128xi32, #tpu.memory_space<vmem>> -> memref<1x128xi32, #tpu.memory_space<vmem>>
        %dma_start3A_499 = tpu.memref_squeeze %dma_start3A_498 : memref<1x128xi32, #tpu.memory_space<vmem>> -> memref<128xi32, #tpu.memory_space<vmem>>
        %dma_start3A_500 = arith.constant 0 : i32
        %dma_start3A_501 = arith.constant 0 : i32
        %dma_start3A_502 = tpu.memref_slice %arg13[%dma_start3A_500, %dma_start3A_501] : memref<10240x16xf32, #tpu.memory_space<vmem_shared>> -> memref<10240x16xf32, #tpu.memory_space<vmem_shared>>
        tpu.enqueue_indirect_dma source(%dma_start3A_502 : memref<10240x16xf32, #tpu.memory_space<vmem_shared>>) target(%dma_start3A_496 : memref<128x16xf32, #tpu.memory_space<vmem>>) offsets(%dma_start3A_499 : memref<128xi32, #tpu.memory_space<vmem>>) semaphore(%arg20 : memref<!tpu.dma_semaphore, #tpu.memory_space<semaphore_mem>>)
      } else {
      }
      %mul3A_466 = arith.constant 8 : i32
      %mul3A_467 = arith.muli %scan3A_306, %mul3A_466 : i32
      %add3A_468 = arith.constant 7 : i32
      %add3A_469 = arith.addi %mul3A_467, %add3A_468 : i32
      %dma_wait3A_470 = arith.constant 7 : i32
      %dma_wait3A_471 = arith.constant 0 : i32
      %dma_wait3A_472 = arith.constant 0 : i32
      %dma_wait3A_473 = tpu.memref_slice %arg11[%dma_wait3A_470, %dma_wait3A_471, %dma_wait3A_472] : memref<8x128x16xf32, #tpu.memory_space<vmem>> -> memref<1x128x16xf32, #tpu.memory_space<vmem>>
      %dma_wait3A_474 = tpu.memref_squeeze %dma_wait3A_473 : memref<1x128x16xf32, #tpu.memory_space<vmem>> -> memref<128x16xf32, #tpu.memory_space<vmem>>
      %dma_wait3A_475 = arith.constant 0 : i32
      %dma_wait3A_476 = tpu.memref_slice %arg9[%add3A_469, %dma_wait3A_475] : memref<80x128xi32, #tpu.memory_space<vmem>> -> memref<1x128xi32, #tpu.memory_space<vmem>>
      %dma_wait3A_477 = tpu.memref_squeeze %dma_wait3A_476 : memref<1x128xi32, #tpu.memory_space<vmem>> -> memref<128xi32, #tpu.memory_space<vmem>>
      %dma_wait3A_478 = arith.constant 0 : i32
      %dma_wait3A_479 = arith.constant 0 : i32
      %dma_wait3A_480 = tpu.memref_slice %arg13[%dma_wait3A_478, %dma_wait3A_479] : memref<10240x16xf32, #tpu.memory_space<vmem_shared>> -> memref<10240x16xf32, #tpu.memory_space<vmem_shared>>
      tpu.wait_indirect_dma semaphore(%arg21 : memref<!tpu.dma_semaphore, #tpu.memory_space<semaphore_mem>>) src(%dma_wait3A_480 : memref<10240x16xf32, #tpu.memory_space<vmem_shared>>) dst(%dma_wait3A_474 : memref<128x16xf32, #tpu.memory_space<vmem>>)
      %run_scoped3A_481 = arith.constant 7 : i32
      "tpu.region"() ({
        %run_scoped3A_490 = tpu.sem_alloc : memref<!tpu.dma_semaphore, #tpu.memory_space<semaphore_mem>>
        %dma_start3A_491 = arith.constant 0 : i32
        %dma_start3A_492 = arith.constant 0 : i32
        %dma_start3A_493 = tpu.memref_slice %arg11[%run_scoped3A_481, %dma_start3A_491, %dma_start3A_492] : memref<8x128x16xf32, #tpu.memory_space<vmem>> -> memref<1x128x16xf32, #tpu.memory_space<vmem>>
        %dma_start3A_494 = tpu.memref_squeeze %dma_start3A_493 : memref<1x128x16xf32, #tpu.memory_space<vmem>> -> memref<128x16xf32, #tpu.memory_space<vmem>>
        %dma_start3A_495 = arith.constant 0 : i32
        %dma_start3A_496 = tpu.memref_slice %arg10[%add3A_469, %dma_start3A_495] : memref<80x128xi32, #tpu.memory_space<vmem>> -> memref<1x128xi32, #tpu.memory_space<vmem>>
        %dma_start3A_497 = tpu.memref_squeeze %dma_start3A_496 : memref<1x128xi32, #tpu.memory_space<vmem>> -> memref<128xi32, #tpu.memory_space<vmem>>
        %dma_start3A_498 = arith.constant 0 : i32
        %dma_start3A_499 = arith.constant 0 : i32
        %dma_start3A_500 = tpu.memref_slice %arg12[%dma_start3A_498, %dma_start3A_499] : memref<10240x16xf32, #tpu.memory_space<vmem_shared>> -> memref<10240x16xf32, #tpu.memory_space<vmem_shared>>
        tpu.enqueue_indirect_dma source(%dma_start3A_494 : memref<128x16xf32, #tpu.memory_space<vmem>>) target(%dma_start3A_500 : memref<10240x16xf32, #tpu.memory_space<vmem_shared>>) offsets(%dma_start3A_497 : memref<128xi32, #tpu.memory_space<vmem>>) semaphore(%run_scoped3A_490 : memref<!tpu.dma_semaphore, #tpu.memory_space<semaphore_mem>>) {add = true}
        %dma_wait3A_501 = arith.constant 0 : i32
        %dma_wait3A_502 = arith.constant 0 : i32
        %dma_wait3A_503 = tpu.memref_slice %arg11[%run_scoped3A_481, %dma_wait3A_501, %dma_wait3A_502] : memref<8x128x16xf32, #tpu.memory_space<vmem>> -> memref<1x128x16xf32, #tpu.memory_space<vmem>>
        %dma_wait3A_504 = tpu.memref_squeeze %dma_wait3A_503 : memref<1x128x16xf32, #tpu.memory_space<vmem>> -> memref<128x16xf32, #tpu.memory_space<vmem>>
        %dma_wait3A_505 = arith.constant 0 : i32
        %dma_wait3A_506 = tpu.memref_slice %arg10[%add3A_469, %dma_wait3A_505] : memref<80x128xi32, #tpu.memory_space<vmem>> -> memref<1x128xi32, #tpu.memory_space<vmem>>
        %dma_wait3A_507 = tpu.memref_squeeze %dma_wait3A_506 : memref<1x128xi32, #tpu.memory_space<vmem>> -> memref<128xi32, #tpu.memory_space<vmem>>
        %dma_wait3A_508 = arith.constant 0 : i32
        %dma_wait3A_509 = arith.constant 0 : i32
        %dma_wait3A_510 = tpu.memref_slice %arg12[%dma_wait3A_508, %dma_wait3A_509] : memref<10240x16xf32, #tpu.memory_space<vmem_shared>> -> memref<10240x16xf32, #tpu.memory_space<vmem_shared>>
        tpu.wait_indirect_dma semaphore(%run_scoped3A_490 : memref<!tpu.dma_semaphore, #tpu.memory_space<semaphore_mem>>) src(%dma_wait3A_504 : memref<128x16xf32, #tpu.memory_space<vmem>>) dst(%dma_wait3A_510 : memref<10240x16xf32, #tpu.memory_space<vmem_shared>>)
        tpu.yield
      }) : () -> ()
      %add3A_482 = arith.constant 8 : i32
      %add3A_483 = arith.addi %add3A_469, %add3A_482 : i32
      %lt3A_484 = arith.constant 80 : i32
      %lt3A_485 = arith.cmpi slt, %add3A_483, %lt3A_484 : i32
      %convert_element_type3A_486 = arith.extui %lt3A_485 : i1 to i32
      %cond3A_487 = arith.constant 0 : i32
      %cond3A_488 = arith.cmpi ne, %convert_element_type3A_486, %cond3A_487 : i32
      scf.if %cond3A_488 {
        %add3A_490 = arith.constant 8 : i32
        %add3A_491 = arith.addi %add3A_469, %add3A_490 : i32
        %dma_start3A_492 = arith.constant 7 : i32
        %dma_start3A_493 = arith.constant 0 : i32
        %dma_start3A_494 = arith.constant 0 : i32
        %dma_start3A_495 = tpu.memref_slice %arg11[%dma_start3A_492, %dma_start3A_493, %dma_start3A_494] : memref<8x128x16xf32, #tpu.memory_space<vmem>> -> memref<1x128x16xf32, #tpu.memory_space<vmem>>
        %dma_start3A_496 = tpu.memref_squeeze %dma_start3A_495 : memref<1x128x16xf32, #tpu.memory_space<vmem>> -> memref<128x16xf32, #tpu.memory_space<vmem>>
        %dma_start3A_497 = arith.constant 0 : i32
        %dma_start3A_498 = tpu.memref_slice %arg9[%add3A_491, %dma_start3A_497] : memref<80x128xi32, #tpu.memory_space<vmem>> -> memref<1x128xi32, #tpu.memory_space<vmem>>
        %dma_start3A_499 = tpu.memref_squeeze %dma_start3A_498 : memref<1x128xi32, #tpu.memory_space<vmem>> -> memref<128xi32, #tpu.memory_space<vmem>>
        %dma_start3A_500 = arith.constant 0 : i32
        %dma_start3A_501 = arith.constant 0 : i32
        %dma_start3A_502 = tpu.memref_slice %arg13[%dma_start3A_500, %dma_start3A_501] : memref<10240x16xf32, #tpu.memory_space<vmem_shared>> -> memref<10240x16xf32, #tpu.memory_space<vmem_shared>>
        tpu.enqueue_indirect_dma source(%dma_start3A_502 : memref<10240x16xf32, #tpu.memory_space<vmem_shared>>) target(%dma_start3A_496 : memref<128x16xf32, #tpu.memory_space<vmem>>) offsets(%dma_start3A_499 : memref<128xi32, #tpu.memory_space<vmem>>) semaphore(%arg21 : memref<!tpu.dma_semaphore, #tpu.memory_space<semaphore_mem>>)
      } else {
      }
      %scan3A_489 = arith.constant 0 : i32
      scf.yield %scan3A_489 : i32
    }
    %scan3A_275 = arith.constant 10 : i32
    %barrier3A_276 = arith.constant 0 : index
    tpu.barrier barrier_id(%barrier3A_276)
    %mul3A_277 = arith.constant 128 : i32
    %mul3A_278 = arith.muli %arg1, %mul3A_277 : i32
    %run_scoped3A = arith.constant 0 : i32
    "tpu.region"() ({
      %run_scoped3A_306 = tpu.sem_alloc : memref<!tpu.dma_semaphore, #tpu.memory_space<semaphore_mem>>
      %dma_start3A_307 = arith.constant 0 : i32
      %dma_start3A_308 = tpu.memref_slice %arg9[%run_scoped3A, %dma_start3A_307] : memref<80x128xi32, #tpu.memory_space<vmem>> -> memref<1x128xi32, #tpu.memory_space<vmem>>
      %dma_start3A_309 = tpu.memref_squeeze %dma_start3A_308 : memref<1x128xi32, #tpu.memory_space<vmem>> -> memref<128xi32, #tpu.memory_space<vmem>>
      %dma_start3A_310 = tpu.memref_slice %arg7[%mul3A_278] : memref<2048xi32, #tpu.memory_space<hbm>> -> memref<128xi32, #tpu.memory_space<hbm>>
      %dma_start3A_311 = arith.constant 0 : i32
      %dma_start3A_312 = tpu.memref_slice %arg9[%run_scoped3A, %dma_start3A_311] : memref<80x128xi32, #tpu.memory_space<vmem>> -> memref<1x128xi32, #tpu.memory_space<vmem>>
      %dma_start3A_313 = tpu.memref_squeeze %dma_start3A_312 : memref<1x128xi32, #tpu.memory_space<vmem>> -> memref<128xi32, #tpu.memory_space<vmem>>
      %dma_start3A_314 = tpu.memref_slice %arg7[%mul3A_278] : memref<2048xi32, #tpu.memory_space<hbm>> -> memref<128xi32, #tpu.memory_space<hbm>>
      tpu.enqueue_dma source(%dma_start3A_314 : memref<128xi32, #tpu.memory_space<hbm>>) target(%dma_start3A_313 : memref<128xi32, #tpu.memory_space<vmem>>) target_semaphore(%run_scoped3A_306 : memref<!tpu.dma_semaphore, #tpu.memory_space<semaphore_mem>>)
      %dma_wait3A_315 = arith.constant 0 : i32
      %dma_wait3A_316 = tpu.memref_slice %arg9[%run_scoped3A, %dma_wait3A_315] : memref<80x128xi32, #tpu.memory_space<vmem>> -> memref<1x128xi32, #tpu.memory_space<vmem>>
      %dma_wait3A_317 = tpu.memref_squeeze %dma_wait3A_316 : memref<1x128xi32, #tpu.memory_space<vmem>> -> memref<128xi32, #tpu.memory_space<vmem>>
      %dma_wait3A_318 = tpu.memref_slice %arg7[%mul3A_278] : memref<2048xi32, #tpu.memory_space<hbm>> -> memref<128xi32, #tpu.memory_space<hbm>>
      %dma_wait3A_319 = arith.constant 0 : i32
      %dma_wait3A_320 = tpu.memref_slice %arg9[%run_scoped3A, %dma_wait3A_319] : memref<80x128xi32, #tpu.memory_space<vmem>> -> memref<1x128xi32, #tpu.memory_space<vmem>>
      %dma_wait3A_321 = tpu.memref_squeeze %dma_wait3A_320 : memref<1x128xi32, #tpu.memory_space<vmem>> -> memref<128xi32, #tpu.memory_space<vmem>>
      %dma_wait3A_322 = tpu.memref_slice %arg7[%mul3A_278] : memref<2048xi32, #tpu.memory_space<hbm>> -> memref<128xi32, #tpu.memory_space<hbm>>
      tpu.wait_dma2 semaphore(%run_scoped3A_306 : memref<!tpu.dma_semaphore, #tpu.memory_space<semaphore_mem>>) src(%dma_wait3A_322 : memref<128xi32, #tpu.memory_space<hbm>>) dst(%dma_wait3A_321 : memref<128xi32, #tpu.memory_space<vmem>>)
      tpu.yield
    }) : () -> ()
    %dma_start3A_279 = arith.constant 0 : i32
    %dma_start3A_280 = arith.constant 0 : i32
    %dma_start3A_281 = arith.constant 0 : i32
    %dma_start3A_282 = arith.constant 0 : i32
    %dma_start3A_283 = tpu.memref_slice %arg11[%dma_start3A_280, %dma_start3A_281, %dma_start3A_282] : memref<8x128x16xf32, #tpu.memory_space<vmem>> -> memref<1x128x16xf32, #tpu.memory_space<vmem>>
    %dma_start3A_284 = tpu.memref_squeeze %dma_start3A_283 : memref<1x128x16xf32, #tpu.memory_space<vmem>> -> memref<128x16xf32, #tpu.memory_space<vmem>>
    %dma_start3A_285 = arith.constant 0 : i32
    %dma_start3A_286 = tpu.memref_slice %arg9[%dma_start3A_279, %dma_start3A_285] : memref<80x128xi32, #tpu.memory_space<vmem>> -> memref<1x128xi32, #tpu.memory_space<vmem>>
    %dma_start3A_287 = tpu.memref_squeeze %dma_start3A_286 : memref<1x128xi32, #tpu.memory_space<vmem>> -> memref<128xi32, #tpu.memory_space<vmem>>
    %dma_start3A_288 = arith.constant 0 : i32
    %dma_start3A_289 = arith.constant 0 : i32
    %dma_start3A_290 = tpu.memref_slice %arg12[%dma_start3A_288, %dma_start3A_289] : memref<10240x16xf32, #tpu.memory_space<vmem_shared>> -> memref<10240x16xf32, #tpu.memory_space<vmem_shared>>
    tpu.enqueue_indirect_dma source(%dma_start3A_290 : memref<10240x16xf32, #tpu.memory_space<vmem_shared>>) target(%dma_start3A_284 : memref<128x16xf32, #tpu.memory_space<vmem>>) offsets(%dma_start3A_287 : memref<128xi32, #tpu.memory_space<vmem>>) semaphore(%arg14 : memref<!tpu.dma_semaphore, #tpu.memory_space<semaphore_mem>>)
    %dma_wait3A_291 = arith.constant 0 : i32
    %dma_wait3A_292 = arith.constant 0 : i32
    %dma_wait3A_293 = arith.constant 0 : i32
    %dma_wait3A_294 = arith.constant 0 : i32
    %dma_wait3A_295 = tpu.memref_slice %arg11[%dma_wait3A_292, %dma_wait3A_293, %dma_wait3A_294] : memref<8x128x16xf32, #tpu.memory_space<vmem>> -> memref<1x128x16xf32, #tpu.memory_space<vmem>>
    %dma_wait3A_296 = tpu.memref_squeeze %dma_wait3A_295 : memref<1x128x16xf32, #tpu.memory_space<vmem>> -> memref<128x16xf32, #tpu.memory_space<vmem>>
    %dma_wait3A_297 = arith.constant 0 : i32
    %dma_wait3A_298 = tpu.memref_slice %arg9[%dma_wait3A_291, %dma_wait3A_297] : memref<80x128xi32, #tpu.memory_space<vmem>> -> memref<1x128xi32, #tpu.memory_space<vmem>>
    %dma_wait3A_299 = tpu.memref_squeeze %dma_wait3A_298 : memref<1x128xi32, #tpu.memory_space<vmem>> -> memref<128xi32, #tpu.memory_space<vmem>>
    %dma_wait3A_300 = arith.constant 0 : i32
    %dma_wait3A_301 = arith.constant 0 : i32
    %dma_wait3A_302 = tpu.memref_slice %arg12[%dma_wait3A_300, %dma_wait3A_301] : memref<10240x16xf32, #tpu.memory_space<vmem_shared>> -> memref<10240x16xf32, #tpu.memory_space<vmem_shared>>
    tpu.wait_indirect_dma semaphore(%arg14 : memref<!tpu.dma_semaphore, #tpu.memory_space<semaphore_mem>>) src(%dma_wait3A_302 : memref<10240x16xf32, #tpu.memory_space<vmem_shared>>) dst(%dma_wait3A_296 : memref<128x16xf32, #tpu.memory_space<vmem>>)
    %mul3A_303 = arith.constant 128 : i32
    %mul3A_304 = arith.muli %arg1, %mul3A_303 : i32
    %run_scoped3A_305 = arith.constant 0 : i32
    "tpu.region"() ({
      %run_scoped3A_306 = tpu.sem_alloc : memref<!tpu.dma_semaphore, #tpu.memory_space<semaphore_mem>>
      %dma_start3A_307 = arith.constant 0 : i32
      %dma_start3A_308 = arith.constant 0 : i32
      %dma_start3A_309 = tpu.memref_slice %arg11[%run_scoped3A_305, %dma_start3A_307, %dma_start3A_308] : memref<8x128x16xf32, #tpu.memory_space<vmem>> -> memref<1x128x16xf32, #tpu.memory_space<vmem>>
      %dma_start3A_310 = tpu.memref_squeeze %dma_start3A_309 : memref<1x128x16xf32, #tpu.memory_space<vmem>> -> memref<128x16xf32, #tpu.memory_space<vmem>>
      %dma_start3A_311 = arith.constant 0 : i32
      %dma_start3A_312 = tpu.memref_slice %arg8[%arg0, %mul3A_304, %dma_start3A_311] : memref<2x2048x16xf32, #tpu.memory_space<hbm>> -> memref<1x128x16xf32, #tpu.memory_space<hbm>>
      %dma_start3A_313 = tpu.memref_squeeze %dma_start3A_312 : memref<1x128x16xf32, #tpu.memory_space<hbm>> -> memref<128x16xf32, #tpu.memory_space<hbm>>
      %dma_start3A_314 = arith.constant 0 : i32
      %dma_start3A_315 = tpu.memref_slice %arg8[%arg0, %mul3A_304, %dma_start3A_314] : memref<2x2048x16xf32, #tpu.memory_space<hbm>> -> memref<1x128x16xf32, #tpu.memory_space<hbm>>
      %dma_start3A_316 = tpu.memref_squeeze %dma_start3A_315 : memref<1x128x16xf32, #tpu.memory_space<hbm>> -> memref<128x16xf32, #tpu.memory_space<hbm>>
      %dma_start3A_317 = arith.constant 0 : i32
      %dma_start3A_318 = arith.constant 0 : i32
      %dma_start3A_319 = tpu.memref_slice %arg11[%run_scoped3A_305, %dma_start3A_317, %dma_start3A_318] : memref<8x128x16xf32, #tpu.memory_space<vmem>> -> memref<1x128x16xf32, #tpu.memory_space<vmem>>
      %dma_start3A_320 = tpu.memref_squeeze %dma_start3A_319 : memref<1x128x16xf32, #tpu.memory_space<vmem>> -> memref<128x16xf32, #tpu.memory_space<vmem>>
      tpu.enqueue_dma source(%dma_start3A_320 : memref<128x16xf32, #tpu.memory_space<vmem>>) target(%dma_start3A_316 : memref<128x16xf32, #tpu.memory_space<hbm>>) target_semaphore(%run_scoped3A_306 : memref<!tpu.dma_semaphore, #tpu.memory_space<semaphore_mem>>)
      %dma_wait3A_321 = arith.constant 0 : i32
      %dma_wait3A_322 = arith.constant 0 : i32
      %dma_wait3A_323 = tpu.memref_slice %arg11[%run_scoped3A_305, %dma_wait3A_321, %dma_wait3A_322] : memref<8x128x16xf32, #tpu.memory_space<vmem>> -> memref<1x128x16xf32, #tpu.memory_space<vmem>>
      %dma_wait3A_324 = tpu.memref_squeeze %dma_wait3A_323 : memref<1x128x16xf32, #tpu.memory_space<vmem>> -> memref<128x16xf32, #tpu.memory_space<vmem>>
      %dma_wait3A_325 = arith.constant 0 : i32
      %dma_wait3A_326 = tpu.memref_slice %arg8[%arg0, %mul3A_304, %dma_wait3A_325] : memref<2x2048x16xf32, #tpu.memory_space<hbm>> -> memref<1x128x16xf32, #tpu.memory_space<hbm>>
      %dma_wait3A_327 = tpu.memref_squeeze %dma_wait3A_326 : memref<1x128x16xf32, #tpu.memory_space<hbm>> -> memref<128x16xf32, #tpu.memory_space<hbm>>
      %dma_wait3A_328 = arith.constant 0 : i32
      %dma_wait3A_329 = tpu.memref_slice %arg8[%arg0, %mul3A_304, %dma_wait3A_328] : memref<2x2048x16xf32, #tpu.memory_space<hbm>> -> memref<1x128x16xf32, #tpu.memory_space<hbm>>
      %dma_wait3A_330 = tpu.memref_squeeze %dma_wait3A_329 : memref<1x128x16xf32, #tpu.memory_space<hbm>> -> memref<128x16xf32, #tpu.memory_space<hbm>>
      %dma_wait3A_331 = arith.constant 0 : i32
      %dma_wait3A_332 = arith.constant 0 : i32
      %dma_wait3A_333 = tpu.memref_slice %arg11[%run_scoped3A_305, %dma_wait3A_331, %dma_wait3A_332] : memref<8x128x16xf32, #tpu.memory_space<vmem>> -> memref<1x128x16xf32, #tpu.memory_space<vmem>>
      %dma_wait3A_334 = tpu.memref_squeeze %dma_wait3A_333 : memref<1x128x16xf32, #tpu.memory_space<vmem>> -> memref<128x16xf32, #tpu.memory_space<vmem>>
      tpu.wait_dma2 semaphore(%run_scoped3A_306 : memref<!tpu.dma_semaphore, #tpu.memory_space<semaphore_mem>>) src(%dma_wait3A_334 : memref<128x16xf32, #tpu.memory_space<vmem>>) dst(%dma_wait3A_330 : memref<128x16xf32, #tpu.memory_space<hbm>>)
      tpu.yield
    }) : () -> ()
    return
  }
}

module attributes {stable_mosaic.version = 14 : i64} {
  func.func @_mm1_body(%arg0: i32, %arg1: memref<1024x128xf32, #tpu.memory_space<vmem>>, %arg2: memref<128x16xf32, #tpu.memory_space<vmem>>, %arg3: memref<1024x16xf32, #tpu.memory_space<vmem>>) attributes {dimension_semantics = [#tpu.dimension_semantics<arbitrary>], iteration_bounds = array<i64: 10>, scalar_prefetch = 0 : i64, scratch_operands = 0 : i64, tpu.core_type = #tpu.core_type<tc>, window_params = [{transform_indices = @transform_0, window_bounds = array<i64: 1024, 128>}, {pipeline_mode = #tpu.pipeline_mode<synchronous>, transform_indices = @transform_1, window_bounds = array<i64: 128, 16>}, {transform_indices = @transform_2, window_bounds = array<i64: 1024, 16>}]} {
    %get3A = arith.constant 0 : index
    %get3A_0 = arith.constant 0 : index
    %get3A_1 = vector.load %arg1[%get3A, %get3A_0] : memref<1024x128xf32, #tpu.memory_space<vmem>>, vector<1024x128xf32>
    %get3A_2 = arith.constant 0 : index
    %get3A_3 = arith.constant 0 : index
    %get3A_4 = vector.load %arg2[%get3A_2, %get3A_3] : memref<128x16xf32, #tpu.memory_space<vmem>>, vector<128x16xf32>
    %dot_general3A = arith.constant dense<0.000000e+00> : vector<1024x16xf32>
    %dot_general3A_5 = tpu.matmul %get3A_1, %get3A_4, %dot_general3A {dimension_numbers = #tpu.dot_dimension_numbers<[1], [0], [0], [1], [0, 0, 1, 1], [], []>, transpose_lhs_hint = false} : vector<1024x128xf32>, vector<128x16xf32>, vector<1024x16xf32> -> vector<1024x16xf32>
    %mul3A = arith.constant 1024 : i32
    %mul3A_6 = arith.muli %arg0, %mul3A : i32
    %iota3A = tpu.iota {dimensions = array<i32: 0>} : vector<1024x1xi32>
    %add3A = vector.broadcast %mul3A_6 : i32 to vector<1024x1xi32>
    %add3A_7 = arith.addi %add3A, %iota3A : vector<1024x1xi32>
    %lt3A = arith.constant 10000 : i32
    %lt3A_8 = vector.broadcast %lt3A : i32 to vector<1024x1xi32>
    %lt3A_9 = arith.cmpi slt, %add3A_7, %lt3A_8 : vector<1024x1xi32>
    %jit3A = arith.constant 0.000000e+00 : f32
    %broadcast_in_dim3A = vector.shape_cast %lt3A_9 : vector<1024x1xi1> to vector<1024x1xi1>
    %broadcast_in_dim3A_10 = vector.broadcast %broadcast_in_dim3A : vector<1024x1xi1> to vector<1024x16xi1>
    %broadcast_in_dim3A_11 = vector.broadcast %jit3A : f32 to vector<1024x16xf32>
    %select_n3A = arith.select %broadcast_in_dim3A_10, %dot_general3A_5, %broadcast_in_dim3A_11 : vector<1024x16xi1>, vector<1024x16xf32>
    %swap3A = arith.constant 0 : index
    %swap3A_12 = arith.constant 0 : index
    %swap3A_13 = vector.load %arg3[%swap3A, %swap3A_12] : memref<1024x16xf32, #tpu.memory_space<vmem>>, vector<1024x16xf32>
    tpu.vector_store %arg3[%swap3A, %swap3A_12], %select_n3A {strides = array<i32>} : memref<1024x16xf32, #tpu.memory_space<vmem>>, vector<1024x16xf32>,
    return
  }
  func.func @transform_0(%arg0: i32) -> (i32, i32) {
    %c0_i32 = arith.constant 0 : i32
    %c0_i32_0 = arith.constant 0 : i32
    return %arg0, %c0_i32 : i32, i32
  }
  func.func @transform_1(%arg0: i32) -> (i32, i32) {
    %c0_i32 = arith.constant 0 : i32
    %c0_i32_0 = arith.constant 0 : i32
    %c0_i32_1 = arith.constant 0 : i32
    return %c0_i32, %c0_i32_0 : i32, i32
  }
  func.func @transform_2(%arg0: i32) -> (i32, i32) {
    %c0_i32 = arith.constant 0 : i32
    %c0_i32_0 = arith.constant 0 : i32
    return %arg0, %c0_i32 : i32, i32
  }
}

module attributes {stable_mosaic.version = 14 : i64} {
  func.func @_sum2_body(%arg0: memref<2x2048x16xf32, #tpu.memory_space<vmem>>, %arg1: memref<2048x16xf32, #tpu.memory_space<vmem>>) attributes {dimension_semantics = [], scalar_prefetch = 0 : i64, scratch_operands = 0 : i64, tpu.core_type = #tpu.core_type<tc>} {
    %get3A = arith.constant 0 : index
    %get3A_0 = arith.constant 0 : index
    %get3A_1 = arith.constant 0 : index
    %get3A_2 = vector.load %arg0[%get3A, %get3A_0, %get3A_1] : memref<2x2048x16xf32, #tpu.memory_space<vmem>>, vector<1x2048x16xf32>
    %get3A_3 = vector.shape_cast %get3A_2 : vector<1x2048x16xf32> to vector<2048x16xf32>
    %get3A_4 = arith.constant 1 : index
    %get3A_5 = arith.constant 0 : index
    %get3A_6 = arith.constant 0 : index
    %get3A_7 = vector.load %arg0[%get3A_4, %get3A_5, %get3A_6] : memref<2x2048x16xf32, #tpu.memory_space<vmem>>, vector<1x2048x16xf32>
    %get3A_8 = vector.shape_cast %get3A_7 : vector<1x2048x16xf32> to vector<2048x16xf32>
    %add3A = arith.addf %get3A_3, %get3A_8 : vector<2048x16xf32>
    %swap3A = arith.constant 0 : index
    %swap3A_9 = arith.constant 0 : index
    %swap3A_10 = vector.load %arg1[%swap3A, %swap3A_9] : memref<2048x16xf32, #tpu.memory_space<vmem>>, vector<2048x16xf32>
    tpu.vector_store %arg1[%swap3A, %swap3A_9], %add3A {strides = array<i32>} : memref<2048x16xf32, #tpu.memory_space<vmem>>, vector<2048x16xf32>,
    return
  }
}

</mosaic_0001>

<sc_bundles>
// kernel: kernel.6.cloned.1.call-start
scs
__scs_entry_jumppad:
0x0: {  	(pc) =	sbr.rel $0x88, $3  }
0x1: {  	(tag) =	ssettag $0x0;
	lr =	simm.s32 $0x1  }
0x2: {  	[smem:$0x3F9C] =	sst lr;
	_ =	strace $0xD0000000  }
0x3: {  	_ = 	snop  }
0x4: {  	_ = 	snop  }
0x5: {  	_ = 	snop  }
0x6: {  	_ = 	snop  }
0x7: {  	_ = 	snop  }
__scs_overlays_trampoline_lowered:
0x8: {  	[smem:$0x3FAB] =	sst s0  }
0x9: {  	[smem:$0x3FAC] =	sst s1  }
0xa: {  	[smem:$0x3FAD] =	sst s2  }
0xb: {  	[smem:$0x3FAE] =	sst s3  }
0xc: {  	[smem:$0x3FAF] =	sst s4  }
0xd: {  	[smem:$0x3FB0] =	sst s5  }
0xe: {  	[smem:$0x3FB1] =	sst s6  }
0xf: {  	[smem:$0x3FB2] =	sst s7  }
0x10: {  	[smem:$0x3FB3] =	sst s8  }
0x11: {  	[smem:$0x3FB4] =	sst s9;
	s0 =	simm.s32 @!p0 $0x0  }
0x12: {  	s1 =	sld [smem:$0x3F9A];
	s0 =	simm.s32 @p0 $0x1  }
0x13: {  	[smem:$0x3FB5] =	sst s0;
	s0 =	simm.s32 @!p1 $0x0  }
0x14: {  	s2 =	sld [smem:$0x3F99];
	s0 =	simm.s32 @p1 $0x1  }
0x15: {  	[smem:$0x3FB6] =	sst s0;
	s0 =	simm.s32 @!p2 $0x0  }
0x16: {  	s3 =	sld [smem:$0x3FDB];
	s0 =	simm.s32 @p2 $0x1  }
0x17: {  	s4 =	simm.s32 $0x1BF5;
	[smem:$0x3FB8] =	sst s0  }
0x18: {  	s0 =	sld [smem:$0x3F9B];
	_ =	swait.ge [sflag:s4], $0x0  }
0x19: {  	s7 =	sld [smem:$0x3F9C]  }
0x1a: {  	s8 =	sadd.s32 $0xFFFFE003, lr  }
0x1b: {  	s9 =	sadd.s32 $0xFFFFFEF7, lr;
	s5 =	simm.s32 $0xFFFFFFFF;
	p2 =	slt.u32 s8, $0xFFFFF086  }
0x1c: {  	p1 =	slt.u32 s9, $0xF7A;
	s5 =	simm.s32 @!p2 $0x0  }
0x1d: {  	s5 =	simm.s32 @p1 $0x1;
	p0 =	seq.s32 s7, s2  }
0x1e: {  	s7 =	smul.u32 @!p0 $0xF7A, s2;
	p2 =	seq.s32 @!p0 s5, $0x0  }
0x1f: {  	s9 =	smul.u32 $0xF7A, s1;
	s8 =	simm.s32 @!p0 $0x1BF5;
	p2 =	por !p2, p0  }
0x20: {  	[sflag:s8] =	ssyncset.s32 @!p0 $0xFFFFF086;
	s6 =	sadd.s32 @!p0 s3, s7;
	s7 =	simm.s32 @!p0 $0x108  }
0x21: {  	s3 =	sadd.s32 s3, s9;
	s6 =	sadd.s32 @!p0 $0x88, s6;
	s7 =	simm.s32 @p2 $0x1082  }
0x22: {  	[simem:s7], [sflag:s8] =	dma.local @!p0 [hbm:s6], $0xF7A  }
0x23: {  	s9 =	sor.u32 $0xD0000000, s2;
	s6 =	simm.s32 $0x108;
	_ =	swait.ge @!p0 [sflag:s8], $0x0  }
0x24: {  	s3 =	sadd.s32 $0x88, s3;
	s6 =	simm.s32 @!p1 $0x1082;
	[sflag:s4] =	ssyncset.s32 $0xFFFFF086  }
0x25: {  	[simem:s6], [sflag:s4] =	dma.local [hbm:s3], $0xF7A  }
0x26: {  	[smem:$0x3F9C] =	sst s1;
	(tag) =	ssettag s2;
	_ =	strace s9  }
0x27: {  	s1 =	sld [smem:$0x3FAC]  }
0x28: {  	s2 =	sld [smem:$0x3FAD]  }
0x29: {  	s4 =	sld [smem:$0x3FAF]  }
0x2a: {  	p0 =	seq.s32 s5, $0x0;
	s5 =	sld [smem:$0x3FB0]  }
0x2b: {  	s6 =	sld [smem:$0x3FB1]  }
0x2c: {  	s7 =	sld [smem:$0x3FB2]  }
0x2d: {  	s3 =	simm.s32 $0x108;
	s8 =	sld [smem:$0x3FB3]  }
0x2e: {  	s3 =	simm.s32 @!p0 $0x1082;
	s9 =	sld [smem:$0x3FB4]  }
0x2f: {  	lr =	sadd.s32 s0, s3;
	s0 =	sld [smem:$0x3FAB]  }
0x30: {  	s3 =	sld [smem:$0x3FAE]  }
0x31: {  	[smem:$0x3FB7] =	sst s10  }
0x32: {  	s10 =	sld [smem:$0x3FB5];
	_ =	sdelay $0x3  }
0x33: {  	p0 =	seq.s32 s10, $0x1;
	s10 =	sld [smem:$0x3FB7];
	_ =	sdelay $0x3  }
0x34: {  	[smem:$0x3FB7] =	sst s10  }
0x35: {  	s10 =	sld [smem:$0x3FB6];
	_ =	sdelay $0x3  }
0x36: {  	p1 =	seq.s32 s10, $0x1;
	s10 =	sld [smem:$0x3FB7];
	_ =	sdelay $0x3  }
0x37: {  	[smem:$0x3FB7] =	sst s10  }
0x38: {  	s10 =	sld [smem:$0x3FB8]  }
0x39: {  	_ = 	snop;
	(pc) =	sbr.ind lr, $3  }
0x3a: {  	_ = 	snop  }
0x3b: {  	_ = 	snop  }
0x3c: {  	p2 =	seq.s32 s10, $0x1;
	s10 =	sld [smem:$0x3FB7]  }
0x3d: {  	_ =	shalt  }
0x3e: {  	_ =	shalt  }
0x3f: {  	_ =	shalt  }
0x40: {  	_ =	shalt  }
0x41: {  	_ =	shalt  }
0x42: {  	_ =	shalt  }
0x43: {  	_ =	shalt  }
0x44: {  	_ =	shalt  }
0x45: {  	_ =	shalt  }
0x46: {  	_ =	shalt  }
0x47: {  	_ =	shalt  }
0x48: {  	_ =	shalt  }
0x49: {  	_ =	shalt  }
0x4a: {  	_ =	shalt  }
0x4b: {  	_ =	shalt  }
0x4c: {  	_ =	shalt  }
0x4d: {  	_ =	shalt  }
0x4e: {  	_ =	shalt  }
0x4f: {  	_ =	shalt  }
0x50: {  	_ =	shalt  }
0x51: {  	_ =	shalt  }
0x52: {  	_ =	shalt  }
0x53: {  	_ =	shalt  }
0x54: {  	_ =	shalt  }
0x55: {  	_ =	shalt  }
0x56: {  	_ =	shalt  }
0x57: {  	_ =	shalt  }
0x58: {  	_ =	shalt  }
0x59: {  	_ =	shalt  }
0x5a: {  	_ =	shalt  }
0x5b: {  	_ =	shalt  }
0x5c: {  	_ =	shalt  }
0x5d: {  	_ =	shalt  }
0x5e: {  	_ =	shalt  }
0x5f: {  	_ =	shalt  }
0x60: {  	_ =	shalt  }
0x61: {  	_ =	shalt  }
0x62: {  	_ =	shalt  }
0x63: {  	_ =	shalt  }
0x64: {  	_ =	shalt  }
0x65: {  	_ =	shalt  }
0x66: {  	_ =	shalt  }
0x67: {  	_ =	shalt  }
0x68: {  	_ =	shalt  }
0x69: {  	_ =	shalt  }
0x6a: {  	_ =	shalt  }
0x6b: {  	_ =	shalt  }
0x6c: {  	_ =	shalt  }
0x6d: {  	_ =	shalt  }
0x6e: {  	_ =	shalt  }
0x6f: {  	_ =	shalt  }
0x70: {  	_ =	shalt  }
0x71: {  	_ =	shalt  }
0x72: {  	_ =	shalt  }
0x73: {  	_ =	shalt  }
0x74: {  	_ =	shalt  }
0x75: {  	_ =	shalt  }
0x76: {  	_ =	shalt  }
0x77: {  	_ =	shalt  }
0x78: {  	_ =	shalt  }
0x79: {  	_ =	shalt  }
0x7a: {  	_ =	shalt  }
0x7b: {  	_ =	shalt  }
0x7c: {  	_ =	shalt  }
0x7d: {  	_ =	shalt  }
0x7e: {  	_ =	shalt  }
0x7f: {  	_ =	shalt  }
0x80: {  	_ =	shalt  }
0x81: {  	_ =	shalt  }
0x82: {  	_ =	shalt  }
0x83: {  	_ =	shalt  }
0x84: {  	_ =	shalt  }
0x85: {  	_ =	shalt  }
0x86: {  	_ =	shalt  }
0x87: {  	_ =	shalt  }
.Lfunc_end0:
.L_simem_size_0:
called_computation_lowered:
.L_overlay_start_0:
0x88: {  	s2 =	sld [smem:$0x3FD9]  }
0x89: {  	s3 =	sld [smem:$0x3FFE];
	_ =	sdelay $0x1  }
0x8a: {  	s1 =	srdreg.scid  }
0x8b: {  	s0 =	sand.u32 $0x1, s1  }
0x8c: {  	s17 =	sshll.u32 s0, $0xA;
	s2 =	sadd.s32 s3, s2  }
0x8d: {  	s2 =	sadd.s32 s2, s17  }
0x8e: {  	[smem:$0x3FC3] =	sst s2  }
0x8f: {  	_ = 	snop  }
0x90: {  	s2 =	sld [smem:$0x3FD0];
	(tm) =	ssettm $0x1  }
0x91: {  	s18 =	sld [smem:$0x3FFB];
	_ =	sdelay $0x3  }
0x92: {  	_ =	strace s18  }
0x93: {  	s3 =	sld [smem:$0x3FFC];
	_ =	sdelay $0x3  }
0x94: {  	_ =	strace s3  }
0x95: {  	s3 =	sld [smem:$0x3FFD];
	_ =	sdelay $0x3  }
0x96: {  	_ =	strace s3  }
0x97: {  	_ =	strace $0x8FFFFFFF  }
0x98: {  	s19 =	sld [smem:$0x3FDB];
	_ =	sdelay $0x1  }
0x99: {  	s4 =	simm.s32 $_scs_section_size  }
0x9a: {  	s5 =	simm.s32 $_size__tile_overlayer_lowered;
	s6 =	simm.s32 $_tile_overlayer_lowered  }
0x9b: {  	s22 =	simm.s32 $0x1BFF;
	s21 =	sshll.u32 s6, $0x1;
	s3 =	sadd.s32 s4, s19  }
0x9c: {  	s7 =	simm.s32 $0x0;
	s20 =	sshll.u32 s5, $0x1;
	s5 =	sadd.s32 s21, s3  }
0x9d: {  	[timem:s7], [sflag:s22] =	dma.local [hbm:s5], s20  }
0x9e: {  	_ =	swait.ge [sflag:s22], s20  }
0x9f: {  	s4 =	ssub.s32 $0x0, s20;
	[sflag:s22] =	ssyncset.done $0x0  }
0xa0: {  	[sflag:s22] =	ssyncadd.s32 s4;
	_ =	sdelay $0x1  }
0xa1: {  	s23 =	simm.s32 $0x1B8B  }
0xa2: {  	_ =	swait.ge [sflag:s23], $0x1  }
0xa3: {  	[sflag:s23] =	ssyncset.done $0x0  }
0xa4: {  	s25 =	simm.s32 $0x1B8E;
	s24 =	sld [smem:$0x3FFE];
	[sflag:s23] =	ssyncadd.s32 $0xFFFFFFFF  }
0xa5: {  	s26 =	simm.s32 $execute0_lowered;
	[smem:$0x3FD2] =	sst s25  }
0xa6: {  	s5 =	sshll.u32 s26, $0x1;
	_ =	strace $0x80000046;
	[dreg:$0x1] =	wrdreg $0xFFFFFFFF  }
0xa7: {  	s28 =	simm.s32 $_size_execute0_lowered;
	s3 =	sadd.s32 s3, s5;
	[dreg:$0x0] =	wrdreg $0x0  }
0xa8: {  	s5 =	sshll.u32 s28, $0x1;
	[dreg:$0x2] =	wrdreg s3  }
0xa9: {  	[dreg:$0x3] =	wrdreg s5  }
0xaa: {  	[dreg:$0x4] =	wrdreg $0xC0  }
0xab: {  	_ =	task [dreg:s7], $0x5FFFF  }
0xac: {  	[dreg:$0x1] =	wrdreg $0xFFFFFFFF  }
0xad: {  	[dreg:$0x0] =	wrdreg $0x60  }
0xae: {  	[dreg:$0x2] =	wrdreg s24  }
0xaf: {  	[dreg:$0x3] =	wrdreg s2  }
0xb0: {  	[dreg:$0x4] =	wrdreg $0x90000  }
0xb1: {  	[dreg:$0x5] =	wrdreg $0xB8000  }
0xb2: {  	[dreg:$0x6] =	wrdreg $0x9  }
0xb3: {  	_ =	task.clear_ibuf [dreg:s7], $0x7FFFF;
	_ =	strace $0x90000046  }
0xb4: {  	s29 =	simm.s32 $0x9;
	_ =	strace $0x80000048  }
0xb5: {  	_ =	swait.ge [sflag:s29], $0x1  }
0xb6: {  	[sflag:s29] =	ssyncadd.s32 $0xFFFFFFFF  }
0xb7: {  	_ =	strace $0x90000048  }
0xb8: {  	_ =	sfence  }
0xb9: {  	s30 =	sld [smem:$0x0];
	_ =	sdelay $0x2  }
0xba: {  	s31 =	sshll.u32 s1, $0xD;
	s1 =	sshrl.u32 s1, $0x2  }
0xbb: {  	s3 =	sand.u32 $0x4000, s31;
	s1 =	sadd.s32 s1, s30  }
0xbc: {  	s0 =	sor.u32 s3, s0;
	s1 =	sshll.u32 s1, $0x11  }
0xbd: {  	s0 =	sor.u32 s1, s0  }
0xbe: {  	s0 =	sadd.s32 $0x8F2B, s0  }
0xbf: {  	[sflag:s0] =	ssyncadd.remote.s32 $0x1  }
0xc0: {  	_ =	sfence.sel $0xFFFF  }
0xc1: {  	[dreg:$0x0] =	wrdreg $0xFFFFFFFF;
	(pc) =	sbr.abs _section_cstart, $3  }
0xc2: {  	[dreg:$0x1] =	wrdreg $0xFFFFFFFF  }
0xc3: {  	_ =	task.clear_ibuf [dreg:s7], $0x2FFFF;
	_ =	strace $0x9FFFFFFF  }
0xc4: {  	(tm) =	ssettm $0x7FFFFFFF  }
0xc5: {  	_ =	shalt  }
tec
execute0_lowered:
.L_overlay_start_1:
0x0: {  	(tag) =	ssettag $0x1  }
0x1: {  	s0 =	rddreg [dreg:$0x0]  }
0x2: {  	s2 =	rddreg [dreg:$0x2]  }
0x3: {  	s1 =	srdreg.scid;
	s4 =	rddreg [dreg:$0x3]  }
0x4: {  	s10 =	stileid.u32;
	s5 =	simm.s32 $0x0;
	s17 =	simm.s32 $0x1  }
0x5: {  	s18 =	simm.s32 $0x2;
	s30 =	simm.s32 $0x7000;
	s28 =	simm.s32 $0x7  }
0x6: {  	s29 =	simm.s32 $0x8;
	s31 =	simm.s32 $0x0;
	s1 =	sand.u32 $0x1, s1  }
0x7: {  	s7 =	smul.u32 $0x2800, s10;
	[smem:$0x7FF] =	sst s5;
	s3 =	sshll.u32 s1, $0x4  }
0x8: {  	_ =	strace $0x80000047;
	s8 =	ssub.s32 $0x2, s1;
	p0 =	seq.s32 s1, $0x1  }
0x9: {  	s1 =	simm.s32 $0x1F200;
	s3 =	sor.u32 s10, s3;
	s6 =	sshrl.u32 s7, $0x3  }
0xa: {  	s19 =	sshrl.u32 s8, $0x1;
	s21 =	sadd.s32 s7, s2;
	s7 =	sadd.s32 s7, s4  }
0xb: {  	s1 =	simm.s32 @!p0 $0x1A200;
	s3 =	smul.u32 $0x2800, s3;
	s9 =	sadd.s32 s6, s0  }
0xc: {  	s20 =	ssub.s32 s8, s19;
	s6 =	sshll.u32 s10, $0x6;
	s13 =	sshrl.u32 s21, $0x3  }
0xd: {  	s15 =	sshrl.u32 s7, $0x3;
	s19 =	simm.s32 $0x3;
	s10 =	sor.u32 $0x1C01, s6  }
0xe: {  	s21 =	simm.s32 $0x80;
	s22 =	sadd.s32 $0x1200, s9;
	[dreg:$0x5] =	wrdreg s10  }
0xf: {  	s24 =	smax.u32 s20, $0x1;
	s25 =	sadd.s32 s1, s9;
	[dreg:$0x6] =	wrdreg s22  }
0x10: {  	s26 =	sor.u32 $0x1C02, s6;
	s20 =	simm.s32 $0x4;
	[dreg:$0x9] =	wrdreg s24  }
.Ltmp0:
0x11: {  	s3 =	sshrl.u32 s3, $0x3;
	[dreg:$0xa] =	wrdreg s25;
	(pc) =	sbr.rel .LBB2_1-.Ltmp0, $4  }
0x12: {  	s1 =	simm.s32 $0x8000;
	[dreg:$0xb] =	wrdreg s26;
	s0 =	sadd.s32 s3, s0  }
0x13: {  	s22 =	simm.s32 $0x5000;
	s25 =	simm.s32 $0x6000;
	s23 =	sadd.s32 $0x6200, s0  }
0x14: {  	s24 =	simm.s32 $0x9;
	s0 =	sadd.s32 $0x10200, s0;
	[dreg:$0x7] =	wrdreg s23  }
0x15: {  	s26 =	simm.s32 $0x5;
	[dreg:$0x8] =	wrdreg s0;
	s23 =	simm.s32 $0x8800  }
.LBB2_4:
0x16: {  	_ =	swait.ge [sflag:s29], $0x800  }
0x17: {  	[sflag:s29] =	ssyncset.done $0x0  }
0x18: {  	[sflag:s29] =	ssyncadd.s32 $0xFFFFF800  }
0x19: {  	[spmem:s2] =	stream.indirect.scatter.add.f32 [tilespmem:s23], [sflag:$0x9], $0x10, s7, s21, $0xb8;
	[tilespmem:$0xE000] =	vst v63  }
0x1a: {  	_ =	swait.ge [sflag:s24], $0x800  }
0x1b: {  	[sflag:s24] =	ssyncset.done $0x0  }
0x1c: {  	[sflag:s24] =	ssyncadd.s32 $0xFFFFF800  }
0x1d: {  	[bflag:$0x0] =	sbarrier.arrive $0xFFFF  }
0x1e: {  	s0 =	sor.u32 $0x1C09, s6;
	s3 =	rddreg [dreg:$0xa]  }
0x1f: {  	[hbm:s3], [sflag:s0] =	dma.local [spmem:s13], $0x500  }
0x20: {  	_ =	swait.ge [sflag:s24], $0x500  }
0x21: {  	s31 =	sadd.s32 $0x1, s31;
	s16 =	rddreg [dreg:$0x9]  }
0x22: {  	p0 =	sne.s32 s31, s16  }
.Ltmp1:
0x23: {  	_ = 	snop;
	(pc) =	sbr.rel @!p0 .LBB2_5-.Ltmp1, $3  }
0x24: {  	_ =	sdelay $0x1  }
0x25: {  	[sflag:s24] =	ssyncset.done $0x0  }
0x26: {  	[sflag:s24] =	ssyncadd.s32 $0xFFFFFB00  }
.LBB2_1:
0x27: {  	s0 =	rddreg [dreg:$0x1]  }
0x28: {  	s3 =	rddreg [dreg:$0x5]  }
0x29: {  	[spmem:s13], [sflag:s3] =	dma.local [hbm:s0], $0x500  }
0x2a: {  	s0 =	rddreg [dreg:$0x6]  }
0x2b: {  	s3 =	rddreg [dreg:$0xb]  }
0x2c: {  	[spmem:s15], [sflag:s3] =	dma.local [hbm:s0], $0x500  }
0x2d: {  	s0 =	rddreg [dreg:$0x7]  }
0x2e: {  	[tilespmem:s5], [sflag:$0x3] =	stream.linear.gather [hbm4b:s0+s5], $0x2800, $0x38;
	[tilespmem:$0xE000] =	vst v63  }
0x2f: {  	s16 =	simm.s32 $0x2800;
	s14 =	rddreg [dreg:$0x8]  }
0x30: {  	[tilespmem:s16], [sflag:$0x4] =	stream.linear.gather [hbm4b:s14+s5], $0x2800, $0x38;
	[tilespmem:$0xE000] =	vst v63  }
0x31: {  	_ =	swait.ge [sflag:s17], $0x500  }
0x32: {  	[sflag:s17] =	ssyncset.done $0x0  }
0x33: {  	[sflag:s17] =	ssyncadd.s32 $0xFFFFFB00  }
0x34: {  	_ =	swait.ge [sflag:s18], $0x500  }
0x35: {  	[sflag:s18] =	ssyncset.done $0x0  }
0x36: {  	[sflag:s18] =	ssyncadd.s32 $0xFFFFFB00  }
0x37: {  	_ =	swait.ge [sflag:s19], $0x2800  }
0x38: {  	[sflag:s19] =	ssyncset.done $0x0  }
0x39: {  	[sflag:s19] =	ssyncadd.s32 $0xFFFFD800  }
0x3a: {  	_ =	swait.ge [sflag:s20], $0x2800  }
0x3b: {  	[sflag:s20] =	ssyncset.done $0x0  }
0x3c: {  	[sflag:s20] =	ssyncadd.s32 $0xFFFFD800  }
0x3d: {  	[bflag:$0x0] =	sbarrier.arrive $0xFFFF  }
0x3e: {  	[tilespmem:s22], [sflag:$0x1] =	stream.indirect.gather [spmem:s4], $0x10, s5, s21, $0xb8;
	[tilespmem:$0xE000] =	vst v63  }
0x3f: {  	s3 =	simm.s32 $0x5800  }
0x40: {  	[tilespmem:s3], [sflag:$0x2] =	stream.indirect.gather [spmem:s4], $0x10, s21, s21, $0xb8;
	[tilespmem:$0xE000] =	vst v63  }
0x41: {  	s7 =	simm.s32 $0x100  }
0x42: {  	[tilespmem:s25], [sflag:$0x3] =	stream.indirect.gather [spmem:s4], $0x10, s7, s21, $0xb8;
	[tilespmem:$0xE000] =	vst v63  }
0x43: {  	s8 =	simm.s32 $0x180;
	s9 =	simm.s32 $0x6800  }
0x44: {  	[tilespmem:s9], [sflag:$0x4] =	stream.indirect.gather [spmem:s4], $0x10, s8, s21, $0xb8;
	[tilespmem:$0xE000] =	vst v63  }
0x45: {  	s10 =	simm.s32 $0x200  }
0x46: {  	[tilespmem:s30], [sflag:$0x5] =	stream.indirect.gather [spmem:s4], $0x10, s10, s21, $0xb8;
	[tilespmem:$0xE000] =	vst v63  }
0x47: {  	s11 =	simm.s32 $0x280;
	s12 =	simm.s32 $0x7800  }
0x48: {  	[tilespmem:s12], [sflag:$0x6] =	stream.indirect.gather [spmem:s4], $0x10, s11, s21, $0xb8;
	[tilespmem:$0xE000] =	vst v63  }
0x49: {  	s14 =	simm.s32 $0x300  }
0x4a: {  	[tilespmem:s1], [sflag:$0x7] =	stream.indirect.gather [spmem:s4], $0x10, s14, s21, $0xb8;
	[tilespmem:$0xE000] =	vst v63  }
0x4b: {  	s0 =	simm.s32 $0x0;
	s16 =	simm.s32 $0x380  }
0x4c: {  	[tilespmem:s23], [sflag:$0x8] =	stream.indirect.gather [spmem:s4], $0x10, s16, s21, $0xb8;
	[tilespmem:$0xE000] =	vst v63  }
.LBB2_2:
0x4d: {  	_ =	swait.ge [sflag:s17], $0x800  }
0x4e: {  	s3 =	sshra.s32 s0, $0x2;
	[sflag:s17] =	ssyncset.done $0x0  }
0x4f: {  	s7 =	sadd.s32 $0x2800, s3;
	[sflag:s17] =	ssyncadd.s32 $0xFFFFF800  }
0x50: {  	[spmem:s2] =	stream.indirect.scatter.add.f32 [tilespmem:s22], [sflag:$0x9], $0x10, s7, s21, $0xb8;
	[tilespmem:$0xE000] =	vst v63  }
0x51: {  	_ =	swait.ge [sflag:s24], $0x800  }
0x52: {  	p0 =	seq.s32 s0, $0x9000;
	[sflag:s24] =	ssyncset.done $0x0  }
0x53: {  	s7 =	simm.s32 @p0 $0x2;
	[sflag:s24] =	ssyncadd.s32 $0xFFFFF800  }
0x54: {  	_ =	swait.ge @p0 [sflag:s7], $0x800  }
0x55: {  	s8 =	sshra.s32 @p0 s0, $0x2;
	s9 =	simm.s32 @p0 $0x80;
	[sflag:s7] =	ssyncset.done @p0 $0x0  }
0x56: {  	s10 =	simm.s32 @p0 $0x5800;
	[sflag:s7] =	ssyncadd.s32 @p0 $0xFFFFF800;
	s7 =	sadd.s32 @p0 $0x2880, s8  }
0x57: {  	[spmem:s2] =	stream.indirect.scatter.add.f32 @p0 [tilespmem:s10], [sflag:$0x9], $0x10, s7, s9, $0xb8;
	[tilespmem:$0xE000] =	vst v63  }
0x58: {  	s10 =	simm.s32 @p0 $0x9  }
0x59: {  	_ =	swait.ge @p0 [sflag:s10], $0x800  }
0x5a: {  	s16 =	sshra.s32 @!p0 s0, $0x2;
	s12 =	simm.s32 @!p0 $0x5000;
	[sflag:s10] =	ssyncset.done @p0 $0x0  }
0x5b: {  	s11 =	sadd.s32 @!p0 $0x400, s16;
	s7 =	simm.s32 @!p0 $0x80;
	[sflag:s10] =	ssyncadd.s32 @p0 $0xFFFFF800  }
0x5c: {  	[tilespmem:s12], [sflag:$0x1] =	stream.indirect.gather @!p0 [spmem:s4], $0x10, s11, s7, $0xb8;
	[tilespmem:$0xE000] =	vst v63  }
0x5d: {  	s11 =	simm.s32 @!p0 $0x2  }
0x5e: {  	_ =	swait.ge @!p0 [sflag:s11], $0x800  }
0x5f: {  	[sflag:s11] =	ssyncset.done @!p0 $0x0  }
0x60: {  	s12 =	simm.s32 @!p0 $0x5800;
	[sflag:s11] =	ssyncadd.s32 @!p0 $0xFFFFF800;
	s11 =	sadd.s32 @!p0 $0x2880, s16  }
0x61: {  	[spmem:s2] =	stream.indirect.scatter.add.f32 @!p0 [tilespmem:s12], [sflag:$0x9], $0x10, s11, s7, $0xb8;
	[tilespmem:$0xE000] =	vst v63  }
0x62: {  	s11 =	simm.s32 @!p0 $0x9  }
0x63: {  	_ =	swait.ge @!p0 [sflag:s11], $0x800  }
0x64: {  	[sflag:s11] =	ssyncset.done @!p0 $0x0  }
0x65: {  	s14 =	sadd.s32 @!p0 $0x480, s16;
	[sflag:s11] =	ssyncadd.s32 @!p0 $0xFFFFF800  }
0x66: {  	[tilespmem:s12], [sflag:$0x2] =	stream.indirect.gather @!p0 [spmem:s4], $0x10, s14, s7, $0xb8;
	[tilespmem:$0xE000] =	vst v63  }
0x67: {  	_ =	swait.ge [sflag:s19], $0x800  }
0x68: {  	[sflag:s19] =	ssyncset.done $0x0  }
0x69: {  	s14 =	sadd.s32 $0x2900, s3;
	[sflag:s19] =	ssyncadd.s32 $0xFFFFF800  }
0x6a: {  	[spmem:s2] =	stream.indirect.scatter.add.f32 [tilespmem:s25], [sflag:$0x9], $0x10, s14, s21, $0xb8;
	[tilespmem:$0xE000] =	vst v63  }
0x6b: {  	_ =	swait.ge [sflag:s24], $0x800  }
0x6c: {  	[sflag:s24] =	ssyncset.done $0x0  }
0x6d: {  	s12 =	simm.s32 @p0 $0x4;
	[sflag:s24] =	ssyncadd.s32 $0xFFFFF800  }
0x6e: {  	_ =	swait.ge @p0 [sflag:s12], $0x800  }
0x6f: {  	[sflag:s12] =	ssyncset.done @p0 $0x0  }
0x70: {  	s14 =	simm.s32 @p0 $0x6800;
	[sflag:s12] =	ssyncadd.s32 @p0 $0xFFFFF800;
	s12 =	sadd.s32 @p0 $0x2980, s8  }
0x71: {  	[spmem:s2] =	stream.indirect.scatter.add.f32 @p0 [tilespmem:s14], [sflag:$0x9], $0x10, s12, s9, $0xb8;
	[tilespmem:$0xE000] =	vst v63  }
0x72: {  	_ =	swait.ge @p0 [sflag:s10], $0x800  }
0x73: {  	[sflag:s10] =	ssyncset.done @p0 $0x0  }
0x74: {  	s12 =	sadd.s32 @!p0 $0x500, s16;
	s14 =	simm.s32 @!p0 $0x6000;
	[sflag:s10] =	ssyncadd.s32 @p0 $0xFFFFF800  }
0x75: {  	[tilespmem:s14], [sflag:$0x3] =	stream.indirect.gather @!p0 [spmem:s4], $0x10, s12, s7, $0xb8;
	[tilespmem:$0xE000] =	vst v63  }
0x76: {  	s12 =	simm.s32 @!p0 $0x4  }
0x77: {  	_ =	swait.ge @!p0 [sflag:s12], $0x800  }
0x78: {  	[sflag:s12] =	ssyncset.done @!p0 $0x0  }
0x79: {  	s14 =	simm.s32 @!p0 $0x6800;
	[sflag:s12] =	ssyncadd.s32 @!p0 $0xFFFFF800;
	s12 =	sadd.s32 @!p0 $0x2980, s16  }
0x7a: {  	[spmem:s2] =	stream.indirect.scatter.add.f32 @!p0 [tilespmem:s14], [sflag:$0x9], $0x10, s12, s7, $0xb8;
	[tilespmem:$0xE000] =	vst v63  }
0x7b: {  	_ =	swait.ge @!p0 [sflag:s11], $0x800  }
0x7c: {  	[sflag:s11] =	ssyncset.done @!p0 $0x0  }
0x7d: {  	s12 =	sadd.s32 @!p0 $0x580, s16;
	[sflag:s11] =	ssyncadd.s32 @!p0 $0xFFFFF800  }
0x7e: {  	[tilespmem:s14], [sflag:$0x4] =	stream.indirect.gather @!p0 [spmem:s4], $0x10, s12, s7, $0xb8;
	[tilespmem:$0xE000] =	vst v63  }
0x7f: {  	_ =	swait.ge [sflag:s26], $0x800  }
0x80: {  	[sflag:s26] =	ssyncset.done $0x0  }
0x81: {  	s14 =	sadd.s32 $0x2A00, s3;
	[sflag:s26] =	ssyncadd.s32 $0xFFFFF800  }
0x82: {  	[spmem:s2] =	stream.indirect.scatter.add.f32 [tilespmem:s30], [sflag:$0x9], $0x10, s14, s21, $0xb8;
	[tilespmem:$0xE000] =	vst v63  }
0x83: {  	_ =	swait.ge [sflag:s24], $0x800  }
0x84: {  	[sflag:s24] =	ssyncset.done $0x0  }
0x85: {  	s12 =	simm.s32 @p0 $0x6;
	[sflag:s24] =	ssyncadd.s32 $0xFFFFF800  }
0x86: {  	_ =	swait.ge @p0 [sflag:s12], $0x800  }
0x87: {  	[sflag:s12] =	ssyncset.done @p0 $0x0  }
0x88: {  	s8 =	sadd.s32 @p0 $0x2A80, s8;
	[sflag:s12] =	ssyncadd.s32 @p0 $0xFFFFF800;
	s12 =	simm.s32 @p0 $0x7800  }
0x89: {  	[spmem:s2] =	stream.indirect.scatter.add.f32 @p0 [tilespmem:s12], [sflag:$0x9], $0x10, s8, s9, $0xb8;
	[tilespmem:$0xE000] =	vst v63  }
0x8a: {  	_ =	swait.ge @p0 [sflag:s10], $0x800  }
0x8b: {  	[sflag:s10] =	ssyncset.done @p0 $0x0  }
0x8c: {  	s8 =	sadd.s32 @!p0 $0x600, s16;
	s9 =	simm.s32 @!p0 $0x7000;
	[sflag:s10] =	ssyncadd.s32 @p0 $0xFFFFF800  }
0x8d: {  	[tilespmem:s9], [sflag:$0x5] =	stream.indirect.gather @!p0 [spmem:s4], $0x10, s8, s7, $0xb8;
	[tilespmem:$0xE000] =	vst v63  }
0x8e: {  	s8 =	simm.s32 @!p0 $0x6  }
0x8f: {  	_ =	swait.ge @!p0 [sflag:s8], $0x800  }
0x90: {  	[sflag:s8] =	ssyncset.done @!p0 $0x0  }
0x91: {  	s9 =	simm.s32 @!p0 $0x7800;
	[sflag:s8] =	ssyncadd.s32 @!p0 $0xFFFFF800;
	s8 =	sadd.s32 @!p0 $0x2A80, s16  }
0x92: {  	[spmem:s2] =	stream.indirect.scatter.add.f32 @!p0 [tilespmem:s9], [sflag:$0x9], $0x10, s8, s7, $0xb8;
	[tilespmem:$0xE000] =	vst v63  }
0x93: {  	_ =	swait.ge @!p0 [sflag:s11], $0x800  }
0x94: {  	[sflag:s11] =	ssyncset.done @!p0 $0x0  }
0x95: {  	s8 =	sadd.s32 @!p0 $0x680, s16;
	[sflag:s11] =	ssyncadd.s32 @!p0 $0xFFFFF800  }
0x96: {  	[tilespmem:s9], [sflag:$0x6] =	stream.indirect.gather @!p0 [spmem:s4], $0x10, s8, s7, $0xb8;
	[tilespmem:$0xE000] =	vst v63  }
0x97: {  	_ =	swait.ge [sflag:s28], $0x800  }
0x98: {  	[sflag:s28] =	ssyncset.done $0x0  }
.Ltmp2:
0x99: {  	s16 =	sadd.s32 $0x2B00, s3;
	[sflag:s28] =	ssyncadd.s32 $0xFFFFF800;
	(pc) =	sbr.rel @p0 .LBB2_4-.Ltmp2, $4  }
0x9a: {  	[spmem:s2] =	stream.indirect.scatter.add.f32 [tilespmem:s1], [sflag:$0x9], $0x10, s16, s21, $0xb8;
	[tilespmem:$0xE000] =	vst v63  }
0x9b: {  	_ =	swait.ge [sflag:s24], $0x800  }
0x9c: {  	[sflag:s24] =	ssyncset.done $0x0  }
0x9d: {  	s7 =	sadd.s32 $0x2B80, s3;
	[sflag:s24] =	ssyncadd.s32 $0xFFFFF800  }
0x9e: {  	s8 =	sadd.s32 $0x700, s3  }
0x9f: {  	[tilespmem:s1], [sflag:$0x7] =	stream.indirect.gather [spmem:s4], $0x10, s8, s21, $0xb8;
	[tilespmem:$0xE000] =	vst v63  }
0xa0: {  	_ =	swait.ge [sflag:s29], $0x800  }
0xa1: {  	[sflag:s29] =	ssyncset.done $0x0  }
0xa2: {  	[sflag:s29] =	ssyncadd.s32 $0xFFFFF800  }
0xa3: {  	[spmem:s2] =	stream.indirect.scatter.add.f32 [tilespmem:s23], [sflag:$0x9], $0x10, s7, s21, $0xb8;
	[tilespmem:$0xE000] =	vst v63  }
.Ltmp3:
0xa4: {  	_ = 	snop;
	(pc) =	sbr.rel .LBB2_2-.Ltmp3, $4  }
0xa5: {  	_ =	swait.ge [sflag:s24], $0x800  }
0xa6: {  	[sflag:s24] =	ssyncset.done $0x0  }
0xa7: {  	s16 =	sadd.s32 $0x780, s3;
	s0 =	sadd.s32 $0x1000, s0;
	[sflag:s24] =	ssyncadd.s32 $0xFFFFF800  }
0xa8: {  	[tilespmem:s23], [sflag:$0x8] =	stream.indirect.gather [spmem:s4], $0x10, s16, s21, $0xb8;
	[tilespmem:$0xE000] =	vst v63  }
.LBB2_5:
0xa9: {  	_ =	sfence.sel $0x180000  }
0xaa: {  	[bflag:$0x0] =	sbarrier.arrive $0xFFFF  }
0xab: {  	_ =	strace $0x90000047  }
0xac: {  	s0 =	stileid.u32;
	[bflag:$0x2] =	sbarrier.arrive $0xFFFF  }
0xad: {  	p0 =	sne.s32 s0, $0x0;
	s0 =	rddreg [dreg:$0x4]  }
0xae: {  	s0 =	sadd.s32 @!p0 $0x100000, s0  }
0xaf: {  	[sflag:s0] =	ssyncadd.tile.s32 @!p0 $0x1;
	_ =	shalt  }
.Lfunc_end2:
_tile_overlayer_lowered:
.L_overlay_start_2:
0xb0: {  	(tag) =	ssettag $0x2  }
0xb1: {  	s0 =	rddreg [dreg:$0x0];
	s2 =	stileid.u32  }
0xb2: {  	s1 =	rddreg [dreg:$0x1];
	p0 =	sne.s32 s2, $0x0  }
0xb3: {  	s3 =	rddreg [dreg:$0x2];
	[bflag:$0x3] =	sbarrier.arrive $0xFFFF;
	s2 =	simm.s32 @!p0 $0x1C09  }
0xb4: {  	[timem:s3], [sflag:s2] =	dma.local @!p0 [hbm:s0], s1  }
0xb5: {  	s0 =	simm.s32 @!p0 $0x9  }
0xb6: {  	_ =	swait.ge @!p0 [sflag:s0], s1  }
0xb7: {  	s1 =	ssub.s32 @!p0 $0x0, s1;
	[sflag:s0] =	ssyncset.done @!p0 $0x0  }
0xb8: {  	[sflag:s0] =	ssyncadd.s32 @!p0 s1  }
0xb9: {  	[bflag:$0x3] =	sbarrier.arrive $0xFFFF  }
0xba: {  	_ =	shalt  }

// kernel: kernel.9.cloned.1.call-start
scs
__scs_entry_jumppad:
0x0: {  	(pc) =	sbr.rel $0x88, $3  }
0x1: {  	(tag) =	ssettag $0x0;
	lr =	simm.s32 $0x1  }
0x2: {  	[smem:$0x3F9C] =	sst lr;
	_ =	strace $0xD0000000  }
0x3: {  	_ = 	snop  }
0x4: {  	_ = 	snop  }
0x5: {  	_ = 	snop  }
0x6: {  	_ = 	snop  }
0x7: {  	_ = 	snop  }
__scs_overlays_trampoline_lowered:
0x8: {  	[smem:$0x3FAB] =	sst s0  }
0x9: {  	[smem:$0x3FAC] =	sst s1  }
0xa: {  	[smem:$0x3FAD] =	sst s2  }
0xb: {  	[smem:$0x3FAE] =	sst s3  }
0xc: {  	[smem:$0x3FAF] =	sst s4  }
0xd: {  	[smem:$0x3FB0] =	sst s5  }
0xe: {  	[smem:$0x3FB1] =	sst s6  }
0xf: {  	[smem:$0x3FB2] =	sst s7  }
0x10: {  	[smem:$0x3FB3] =	sst s8  }
0x11: {  	[smem:$0x3FB4] =	sst s9;
	s0 =	simm.s32 @!p0 $0x0  }
0x12: {  	s1 =	sld [smem:$0x3F9A];
	s0 =	simm.s32 @p0 $0x1  }
0x13: {  	[smem:$0x3FB5] =	sst s0;
	s0 =	simm.s32 @!p1 $0x0  }
0x14: {  	s2 =	sld [smem:$0x3F99];
	s0 =	simm.s32 @p1 $0x1  }
0x15: {  	[smem:$0x3FB6] =	sst s0;
	s0 =	simm.s32 @!p2 $0x0  }
0x16: {  	s3 =	sld [smem:$0x3FDB];
	s0 =	simm.s32 @p2 $0x1  }
0x17: {  	s4 =	simm.s32 $0x1BF5;
	[smem:$0x3FB8] =	sst s0  }
0x18: {  	s0 =	sld [smem:$0x3F9B];
	_ =	swait.ge [sflag:s4], $0x0  }
0x19: {  	s7 =	sld [smem:$0x3F9C]  }
0x1a: {  	s8 =	sadd.s32 $0xFFFFE003, lr  }
0x1b: {  	s9 =	sadd.s32 $0xFFFFFEF7, lr;
	s5 =	simm.s32 $0xFFFFFFFF;
	p2 =	slt.u32 s8, $0xFFFFF086  }
0x1c: {  	p1 =	slt.u32 s9, $0xF7A;
	s5 =	simm.s32 @!p2 $0x0  }
0x1d: {  	s5 =	simm.s32 @p1 $0x1;
	p0 =	seq.s32 s7, s2  }
0x1e: {  	s7 =	smul.u32 @!p0 $0xF7A, s2;
	p2 =	seq.s32 @!p0 s5, $0x0  }
0x1f: {  	s9 =	smul.u32 $0xF7A, s1;
	s8 =	simm.s32 @!p0 $0x1BF5;
	p2 =	por !p2, p0  }
0x20: {  	[sflag:s8] =	ssyncset.s32 @!p0 $0xFFFFF086;
	s6 =	sadd.s32 @!p0 s3, s7;
	s7 =	simm.s32 @!p0 $0x108  }
0x21: {  	s3 =	sadd.s32 s3, s9;
	s6 =	sadd.s32 @!p0 $0x88, s6;
	s7 =	simm.s32 @p2 $0x1082  }
0x22: {  	[simem:s7], [sflag:s8] =	dma.local @!p0 [hbm:s6], $0xF7A  }
0x23: {  	s9 =	sor.u32 $0xD0000000, s2;
	s6 =	simm.s32 $0x108;
	_ =	swait.ge @!p0 [sflag:s8], $0x0  }
0x24: {  	s3 =	sadd.s32 $0x88, s3;
	s6 =	simm.s32 @!p1 $0x1082;
	[sflag:s4] =	ssyncset.s32 $0xFFFFF086  }
0x25: {  	[simem:s6], [sflag:s4] =	dma.local [hbm:s3], $0xF7A  }
0x26: {  	[smem:$0x3F9C] =	sst s1;
	(tag) =	ssettag s2;
	_ =	strace s9  }
0x27: {  	s1 =	sld [smem:$0x3FAC]  }
0x28: {  	s2 =	sld [smem:$0x3FAD]  }
0x29: {  	s4 =	sld [smem:$0x3FAF]  }
0x2a: {  	p0 =	seq.s32 s5, $0x0;
	s5 =	sld [smem:$0x3FB0]  }
0x2b: {  	s6 =	sld [smem:$0x3FB1]  }
0x2c: {  	s7 =	sld [smem:$0x3FB2]  }
0x2d: {  	s3 =	simm.s32 $0x108;
	s8 =	sld [smem:$0x3FB3]  }
0x2e: {  	s3 =	simm.s32 @!p0 $0x1082;
	s9 =	sld [smem:$0x3FB4]  }
0x2f: {  	lr =	sadd.s32 s0, s3;
	s0 =	sld [smem:$0x3FAB]  }
0x30: {  	s3 =	sld [smem:$0x3FAE]  }
0x31: {  	[smem:$0x3FB7] =	sst s10  }
0x32: {  	s10 =	sld [smem:$0x3FB5];
	_ =	sdelay $0x3  }
0x33: {  	p0 =	seq.s32 s10, $0x1;
	s10 =	sld [smem:$0x3FB7];
	_ =	sdelay $0x3  }
0x34: {  	[smem:$0x3FB7] =	sst s10  }
0x35: {  	s10 =	sld [smem:$0x3FB6];
	_ =	sdelay $0x3  }
0x36: {  	p1 =	seq.s32 s10, $0x1;
	s10 =	sld [smem:$0x3FB7];
	_ =	sdelay $0x3  }
0x37: {  	[smem:$0x3FB7] =	sst s10  }
0x38: {  	s10 =	sld [smem:$0x3FB8]  }
0x39: {  	_ = 	snop;
	(pc) =	sbr.ind lr, $3  }
0x3a: {  	_ = 	snop  }
0x3b: {  	_ = 	snop  }
0x3c: {  	p2 =	seq.s32 s10, $0x1;
	s10 =	sld [smem:$0x3FB7]  }
0x3d: {  	_ =	shalt  }
0x3e: {  	_ =	shalt  }
0x3f: {  	_ =	shalt  }
0x40: {  	_ =	shalt  }
0x41: {  	_ =	shalt  }
0x42: {  	_ =	shalt  }
0x43: {  	_ =	shalt  }
0x44: {  	_ =	shalt  }
0x45: {  	_ =	shalt  }
0x46: {  	_ =	shalt  }
0x47: {  	_ =	shalt  }
0x48: {  	_ =	shalt  }
0x49: {  	_ =	shalt  }
0x4a: {  	_ =	shalt  }
0x4b: {  	_ =	shalt  }
0x4c: {  	_ =	shalt  }
0x4d: {  	_ =	shalt  }
0x4e: {  	_ =	shalt  }
0x4f: {  	_ =	shalt  }
0x50: {  	_ =	shalt  }
0x51: {  	_ =	shalt  }
0x52: {  	_ =	shalt  }
0x53: {  	_ =	shalt  }
0x54: {  	_ =	shalt  }
0x55: {  	_ =	shalt  }
0x56: {  	_ =	shalt  }
0x57: {  	_ =	shalt  }
0x58: {  	_ =	shalt  }
0x59: {  	_ =	shalt  }
0x5a: {  	_ =	shalt  }
0x5b: {  	_ =	shalt  }
0x5c: {  	_ =	shalt  }
0x5d: {  	_ =	shalt  }
0x5e: {  	_ =	shalt  }
0x5f: {  	_ =	shalt  }
0x60: {  	_ =	shalt  }
0x61: {  	_ =	shalt  }
0x62: {  	_ =	shalt  }
0x63: {  	_ =	shalt  }
0x64: {  	_ =	shalt  }
0x65: {  	_ =	shalt  }
0x66: {  	_ =	shalt  }
0x67: {  	_ =	shalt  }
0x68: {  	_ =	shalt  }
0x69: {  	_ =	shalt  }
0x6a: {  	_ =	shalt  }
0x6b: {  	_ =	shalt  }
0x6c: {  	_ =	shalt  }
0x6d: {  	_ =	shalt  }
0x6e: {  	_ =	shalt  }
0x6f: {  	_ =	shalt  }
0x70: {  	_ =	shalt  }
0x71: {  	_ =	shalt  }
0x72: {  	_ =	shalt  }
0x73: {  	_ =	shalt  }
0x74: {  	_ =	shalt  }
0x75: {  	_ =	shalt  }
0x76: {  	_ =	shalt  }
0x77: {  	_ =	shalt  }
0x78: {  	_ =	shalt  }
0x79: {  	_ =	shalt  }
0x7a: {  	_ =	shalt  }
0x7b: {  	_ =	shalt  }
0x7c: {  	_ =	shalt  }
0x7d: {  	_ =	shalt  }
0x7e: {  	_ =	shalt  }
0x7f: {  	_ =	shalt  }
0x80: {  	_ =	shalt  }
0x81: {  	_ =	shalt  }
0x82: {  	_ =	shalt  }
0x83: {  	_ =	shalt  }
0x84: {  	_ =	shalt  }
0x85: {  	_ =	shalt  }
0x86: {  	_ =	shalt  }
0x87: {  	_ =	shalt  }
.Lfunc_end0:
.L_simem_size_0:
called_computation.1_lowered:
.L_overlay_start_0:
0x88: {  	s2 =	sld [smem:$0x3FD9]  }
0x89: {  	s3 =	sld [smem:$0x3FFE];
	_ =	sdelay $0x1  }
0x8a: {  	s1 =	srdreg.scid  }
0x8b: {  	s0 =	sand.u32 $0x1, s1  }
0x8c: {  	s17 =	sshll.u32 s0, $0xA;
	s2 =	sadd.s32 s3, s2  }
0x8d: {  	s2 =	sadd.s32 s2, s17  }
0x8e: {  	[smem:$0x3FC3] =	sst s2  }
0x8f: {  	_ = 	snop  }
0x90: {  	s2 =	sld [smem:$0x3FC7]  }
0x91: {  	s18 =	sld [smem:$0x3FD0];
	(tm) =	ssettm $0x1  }
0x92: {  	s4 =	sld [smem:$0x3FFB];
	_ =	sdelay $0x3  }
0x93: {  	_ =	strace s4  }
0x94: {  	s4 =	sld [smem:$0x3FFC];
	_ =	sdelay $0x3  }
0x95: {  	_ =	strace s4  }
0x96: {  	s4 =	sld [smem:$0x3FFD];
	_ =	sdelay $0x3  }
0x97: {  	_ =	strace s4  }
0x98: {  	_ =	strace $0x8FFFFFFF  }
0x99: {  	s19 =	sld [smem:$0x3FDB];
	_ =	sdelay $0x1  }
0x9a: {  	s5 =	simm.s32 $_scs_section_size  }
0x9b: {  	s6 =	simm.s32 $_size__tile_overlayer_lowered;
	s7 =	simm.s32 $_tile_overlayer_lowered  }
0x9c: {  	s22 =	simm.s32 $0x1BFF;
	s21 =	sshll.u32 s7, $0x1;
	s4 =	sadd.s32 s5, s19  }
0x9d: {  	s8 =	simm.s32 $0x0;
	s20 =	sshll.u32 s6, $0x1;
	s6 =	sadd.s32 s21, s4  }
0x9e: {  	[timem:s8], [sflag:s22] =	dma.local [hbm:s6], s20  }
0x9f: {  	_ =	swait.ge [sflag:s22], s20  }
0xa0: {  	s5 =	ssub.s32 $0x0, s20;
	[sflag:s22] =	ssyncset.done $0x0  }
0xa1: {  	[sflag:s22] =	ssyncadd.s32 s5;
	_ =	sdelay $0x1  }
0xa2: {  	s23 =	simm.s32 $0x1B8B  }
0xa3: {  	_ =	swait.ge [sflag:s23], $0x1  }
0xa4: {  	[sflag:s23] =	ssyncset.done $0x0  }
0xa5: {  	s25 =	simm.s32 $0x1B8E;
	s24 =	sld [smem:$0x3FFE];
	[sflag:s23] =	ssyncadd.s32 $0xFFFFFFFF  }
0xa6: {  	s26 =	simm.s32 $execute0_lowered;
	[smem:$0x3FD2] =	sst s25  }
0xa7: {  	s6 =	sshll.u32 s26, $0x1;
	_ =	strace $0x80000049;
	[dreg:$0x1] =	wrdreg $0xFFFFFFFF  }
0xa8: {  	s28 =	simm.s32 $_size_execute0_lowered;
	s4 =	sadd.s32 s4, s6;
	[dreg:$0x0] =	wrdreg $0x0  }
0xa9: {  	s6 =	sshll.u32 s28, $0x1;
	[dreg:$0x2] =	wrdreg s4  }
0xaa: {  	[dreg:$0x3] =	wrdreg s6  }
0xab: {  	[dreg:$0x4] =	wrdreg $0xC0  }
0xac: {  	_ =	task [dreg:s8], $0x5FFFF  }
0xad: {  	[dreg:$0x1] =	wrdreg $0xFFFFFFFF  }
0xae: {  	[dreg:$0x0] =	wrdreg $0x60  }
0xaf: {  	[dreg:$0x2] =	wrdreg s24  }
0xb0: {  	[dreg:$0x3] =	wrdreg s18  }
0xb1: {  	[dreg:$0x4] =	wrdreg s2  }
0xb2: {  	[dreg:$0x5] =	wrdreg $0x90000  }
0xb3: {  	[dreg:$0x6] =	wrdreg $0xB8000  }
0xb4: {  	[dreg:$0x7] =	wrdreg $0x9  }
0xb5: {  	_ =	task.clear_ibuf [dreg:s8], $0x8FFFF;
	_ =	strace $0x90000049  }
0xb6: {  	s29 =	simm.s32 $0x9;
	_ =	strace $0x8000004B  }
0xb7: {  	_ =	swait.ge [sflag:s29], $0x1  }
0xb8: {  	[sflag:s29] =	ssyncadd.s32 $0xFFFFFFFF  }
0xb9: {  	_ =	strace $0x9000004B  }
0xba: {  	_ =	sfence  }
0xbb: {  	s30 =	sld [smem:$0x0];
	_ =	sdelay $0x2  }
0xbc: {  	s31 =	sshll.u32 s1, $0xD;
	s1 =	sshrl.u32 s1, $0x2  }
0xbd: {  	s3 =	sand.u32 $0x4000, s31;
	s1 =	sadd.s32 s1, s30  }
0xbe: {  	s0 =	sor.u32 s3, s0;
	s1 =	sshll.u32 s1, $0x11  }
0xbf: {  	s0 =	sor.u32 s1, s0  }
0xc0: {  	s0 =	sadd.s32 $0x8F2B, s0  }
0xc1: {  	[sflag:s0] =	ssyncadd.remote.s32 $0x1  }
0xc2: {  	_ =	sfence.sel $0xFFFF  }
0xc3: {  	[dreg:$0x0] =	wrdreg $0xFFFFFFFF;
	(pc) =	sbr.abs _section_cstart, $3  }
0xc4: {  	[dreg:$0x1] =	wrdreg $0xFFFFFFFF  }
0xc5: {  	_ =	task.clear_ibuf [dreg:s8], $0x2FFFF;
	_ =	strace $0x9FFFFFFF  }
0xc6: {  	(tm) =	ssettm $0x7FFFFFFF  }
0xc7: {  	_ =	shalt  }
tec
execute0_lowered:
.L_overlay_start_1:
0x0: {  	(tag) =	ssettag $0x1  }
0x1: {  	s0 =	rddreg [dreg:$0x0]  }
0x2: {  	s1 =	rddreg [dreg:$0x2]  }
0x3: {  	s2 =	srdreg.scid;
	s3 =	rddreg [dreg:$0x3]  }
0x4: {  	s11 =	stileid.u32;
	s4 =	rddreg [dreg:$0x4]  }
0x5: {  	s5 =	simm.s32 $0x0;
	s28 =	simm.s32 $0x6;
	s29 =	simm.s32 $0x80  }
0x6: {  	s30 =	simm.s32 $0x5000;
	s17 =	simm.s32 $0x8000;
	s31 =	simm.s32 $0x8800  }
0x7: {  	s18 =	simm.s32 $0x0;
	s2 =	sand.u32 $0x1, s2;
	s6 =	smul.u32 $0x2800, s11  }
0x8: {  	[smem:$0x7FF] =	sst s5;
	s9 =	sadd.s32 $0x24200, s0;
	s20 =	sshll.u32 s11, $0x8  }
0x9: {  	s23 =	sshll.u32 s11, $0x6;
	s26 =	sshll.u32 s11, $0x4;
	s7 =	sshll.u32 s2, $0x4  }
0xa: {  	_ =	strace $0x8000004A;
	[dreg:$0x6] =	wrdreg s9;
	s10 =	ssub.s32 $0x2, s2  }
0xb: {  	s2 =	sshll.u32 s2, $0xC;
	s1 =	sadd.s32 s1, s26;
	s26 =	simm.s32 $0x5  }
0xc: {  	s7 =	sor.u32 s11, s7;
	s8 =	sshrl.u32 s6, $0x3;
	s21 =	sshrl.u32 s10, $0x1  }
0xd: {  	s24 =	sadd.s32 s6, s3;
	s6 =	sadd.s32 s6, s4;
	[dreg:$0xd] =	wrdreg s1  }
0xe: {  	s1 =	simm.s32 $0x8;
	s7 =	smul.u32 $0x2800, s7;
	s8 =	sadd.s32 s8, s0  }
0xf: {  	s9 =	ssub.s32 s10, s21;
	s10 =	sor.u32 $0x1C04, s23;
	[dreg:$0xc] =	wrdreg s6  }
0x10: {  	s19 =	sshrl.u32 s24, $0x3;
	s21 =	simm.s32 $0x1;
	s23 =	simm.s32 $0x3  }
0x11: {  	s24 =	simm.s32 $0x9;
	s22 =	sadd.s32 $0x1A200, s8;
	[dreg:$0x9] =	wrdreg s10  }
0x12: {  	s8 =	sadd.s32 $0x1F200, s8;
	s15 =	smax.u32 s9, $0x1;
	[dreg:$0x7] =	wrdreg s22  }
0x13: {  	v0 =	vimm.s32 $0x0;
	s9 =	simm.s32 $0xE000;
	s7 =	sshrl.u32 s7, $0x3;
	[dreg:$0x8] =	wrdreg s8  }
.Ltmp0:
0x14: {  	v1 =	vimm.s32 $0x1;
	v2 =	vimm.s32 $0x2;
	v3 =	vimm.s32 $0x3;
	s22 =	simm.s32 $0x2;
	s7 =	sadd.s32 s7, s0;
	(pc) =	sbr.rel .LBB2_1-.Ltmp0, $4  }
0x15: {  	v4 =	vimm.s32 $0x4;
	v5 =	vimm.s32 $0x5;
	v6 =	vimm.s32 $0x6;
	s0 =	sadd.s32 s20, s0;
	s20 =	simm.s32 $0x7000;
	s25 =	sadd.s32 $0x6200, s7  }
0x16: {  	v7 =	vimm.s32 $0x7;
	v8 =	vimm.s32 $0x8;
	v9 =	vimm.s32 $0x9;
	s7 =	sadd.s32 $0x10200, s7;
	s0 =	sadd.s32 s2, s0;
	[dreg:$0xa] =	wrdreg s25  }
0x17: {  	v10 =	vimm.s32 $0xA;
	v11 =	vimm.s32 $0xB;
	v12 =	vimm.s32 $0xC;
	s2 =	simm.s32 $0x7;
	[dreg:$0xb] =	wrdreg s7;
	s0 =	sadd.s32 $0x1200, s0  }
0x18: {  	v13 =	vimm.s32 $0xD;
	v14 =	vimm.s32 $0xE;
	v15 =	vimm.s32 $0xF;
	s25 =	simm.s32 $0x4;
	[dreg:$0xe] =	wrdreg s0;
	s0 =	simm.s32 $0x6000  }
.LBB2_6:
0x19: {  	_ =	swait.ge [sflag:s1], $0x800  }
0x1a: {  	[sflag:s1] =	ssyncset.done $0x0  }
0x1b: {  	[sflag:s1] =	ssyncadd.s32 $0xFFFFF800  }
0x1c: {  	[spmem:s3] =	stream.indirect.scatter.add.f32 [tilespmem:s31], [sflag:$0x9], $0x10, s8, s29, $0xb8;
	[tilespmem:$0x13100] =	vst v63  }
0x1d: {  	_ =	swait.ge [sflag:s24], $0x800  }
0x1e: {  	[sflag:s24] =	ssyncset.done $0x0  }
0x1f: {  	[sflag:s24] =	ssyncadd.s32 $0xFFFFF800  }
0x20: {  	[bflag:$0x0] =	sbarrier.arrive $0xFFFF  }
0x21: {  	s6 =	rddreg [dreg:$0xd]  }
0x22: {  	[tilespmem:s5], [sflag:$0x9] =	stream.linear.gather [hbm4b:s6+s5], $0x80, $0x38;
	[tilespmem:$0x13100] =	vst v63  }
0x23: {  	_ =	swait.ge [sflag:s24], $0x80  }
0x24: {  	[sflag:s24] =	ssyncset.done $0x0  }
0x25: {  	[sflag:s24] =	ssyncadd.s32 $0xFFFFFF80  }
0x26: {  	[tilespmem:s30], [sflag:$0x1] =	stream.indirect.gather [spmem:s3], $0x10, s5, s29, $0xb8;
	[tilespmem:$0x13100] =	vst v63  }
0x27: {  	s18 =	sadd.s32 $0x1, s18;
	_ =	swait.ge [sflag:s21], $0x800  }
0x28: {  	p0 =	sne.s32 s18, s15;
	[sflag:s21] =	ssyncset.done $0x0  }
.Ltmp1:
0x29: {  	s16 =	rddreg [dreg:$0xe];
	[sflag:s21] =	ssyncadd.s32 $0xFFFFF800;
	(pc) =	sbr.rel @!p0 .LBB2_7-.Ltmp1, $4  }
0x2a: {  	[hbm4b:s16+s5] =	stream.linear.scatter [tilespmem:s30], [sflag:$0x9], $0x800, $0x38;
	[tilespmem:$0x13100] =	vst v63  }
0x2b: {  	_ =	swait.ge [sflag:s24], $0x800  }
0x2c: {  	[sflag:s24] =	ssyncset.done $0x0  }
0x2d: {  	s9 =	simm.s32 $0xE000;
	[sflag:s24] =	ssyncadd.s32 $0xFFFFF800  }
.LBB2_1:
0x2e: {  	s6 =	rddreg [dreg:$0x7]  }
0x2f: {  	s8 =	rddreg [dreg:$0x8]  }
0x30: {  	s10 =	rddreg [dreg:$0x6]  }
0x31: {  	[tilespmem:s9], [sflag:$0x1] =	stream.linear.gather [hbm4b:s6+s5], $0x2800, $0x38;
	[tilespmem:$0x13100] =	vst v63  }
0x32: {  	s7 =	simm.s32 $0x10800;
	s12 =	rddreg [dreg:$0x1]  }
0x33: {  	[tilespmem:s7], [sflag:$0x2] =	stream.linear.gather [hbm4b:s8+s5], $0x2800, $0x38;
	[tilespmem:$0x13100] =	vst v63  }
0x34: {  	s11 =	simm.s32 $0x13000;
	s13 =	rddreg [dreg:$0x9]  }
0x35: {  	[tilespmem:s11], [sflag:$0x3] =	stream.linear.gather [hbm4b:s10+s5], $0x100, $0x38;
	[tilespmem:$0x13100] =	vst v63  }
0x36: {  	[spmem:s19], [sflag:s13] =	dma.local [hbm:s12], $0x500  }
0x37: {  	s6 =	rddreg [dreg:$0xa]  }
0x38: {  	[tilespmem:s5], [sflag:$0x5] =	stream.linear.gather [hbm4b:s6+s5], $0x2800, $0x38;
	[tilespmem:$0x13100] =	vst v63  }
0x39: {  	s16 =	simm.s32 $0x2800;
	s14 =	rddreg [dreg:$0xb]  }
0x3a: {  	[tilespmem:s16], [sflag:$0x6] =	stream.linear.gather [hbm4b:s14+s5], $0x2800, $0x38;
	[tilespmem:$0x13100] =	vst v63  }
0x3b: {  	_ =	swait.ge [sflag:s21], $0x2800  }
0x3c: {  	[sflag:s21] =	ssyncset.done $0x0  }
0x3d: {  	[sflag:s21] =	ssyncadd.s32 $0xFFFFD800  }
0x3e: {  	_ =	swait.ge [sflag:s22], $0x2800  }
0x3f: {  	[sflag:s22] =	ssyncset.done $0x0  }
0x40: {  	[sflag:s22] =	ssyncadd.s32 $0xFFFFD800  }
0x41: {  	_ =	swait.ge [sflag:s23], $0x100  }
0x42: {  	[sflag:s23] =	ssyncset.done $0x0  }
0x43: {  	s6 =	simm.s32 $0x0;
	[sflag:s23] =	ssyncadd.s32 $0xFFFFFF00  }
0x44: {  	v16 =	vld [tilespmem:s6+$0x10800]  }
0x45: {  	v17 =	vld [tilespmem:s6+$0xE000];
	_ =	sdelay $0x4  }
0x46: {  	v16 =	vadd.f32 v16, v17;
	_ =	sdelay $0x1  }
0x47: {  	v47 =	vld [tilespmem:s6+$0x10810];
	v30 =	vmax.f32 v16, $0.0e+00  }
0x48: {  	v49 =	vld [tilespmem:s6+$0xE010];
	v31 =	vperm.xlane v30, v3;
	v32 =	vperm.xlane v30, v7  }
0x49: {  	v33 =	vperm.xlane v30, v11;
	v34 =	vperm.xlane v30, v15  }
0x4a: {  	v18 =	vld [tilespmem:$0x13000];
	v35 =	vperm.xlane v30, v2;
	v36 =	vperm.xlane v30, v6  }
0x4b: {  	v19 =	vld [tilespmem:$0x13010];
	v37 =	vperm.xlane v30, v10;
	v38 =	vperm.xlane v30, v14  }
0x4c: {  	v22 =	vld [tilespmem:$0x13020];
	v39 =	vperm.xlane v30, v0;
	v40 =	vperm.xlane v30, v1  }
0x4d: {  	v25 =	vld [tilespmem:$0x13030];
	v47 =	vadd.f32 v47, v49;
	v41 =	vperm.xlane v30, v4;
	v42 =	vperm.xlane v30, v5  }
0x4e: {  	v20 =	vld [tilespmem:$0x13040];
	v43 =	vperm.xlane v30, v8;
	v44 =	vperm.xlane v30, v9  }
0x4f: {  	v26 =	vld [tilespmem:$0x13060];
	v47 =	vmax.f32 v47, $0.0e+00;
	v45 =	vperm.xlane v30, v12;
	v46 =	vperm.xlane v30, v13  }
0x50: {  	v29 =	vld [tilespmem:$0x13070];
	v62 =	vperm.xlane v47, v7;
	v50 =	vperm.xlane v47, v15  }
0x51: {  	v17 =	vld [tilespmem:$0x130F0];
	v51 =	vperm.xlane v47, v6;
	v63 =	vperm.xlane v47, v10  }
0x52: {  	v27 =	vld [tilespmem:$0x130A0];
	v52 =	vperm.xlane v47, v14;
	v53 =	vperm.xlane v47, v1  }
0x53: {  	v28 =	vld [tilespmem:$0x130E0];
	v60 =	vperm.xlane v47, v4;
	v54 =	vperm.xlane v47, v5  }
0x54: {  	v21 =	vld [tilespmem:$0x13050];
	v61 =	vperm.xlane v47, v8;
	v55 =	vperm.xlane v47, v9  }
0x55: {  	v23 =	vld [tilespmem:$0x13080];
	v48 =	vmul.f32 v31, v25;
	v32 =	vmul.f32 v32, v29  }
0x56: {  	v24 =	vld [tilespmem:$0x13090];
	v34 =	vmul.f32 v34, v17;
	v35 =	vmul.f32 v35, v22  }
0x57: {  	v36 =	vmul.f32 v36, v26;
	v37 =	vmul.f32 v37, v27  }
0x58: {  	v16 =	vld [tilespmem:$0x130B0];
	v38 =	vmul.f32 v38, v28;
	v39 =	vmul.f32 v39, v18  }
0x59: {  	v40 =	vmul.f32 v40, v19;
	v41 =	vmul.f32 v41, v20  }
0x5a: {  	v42 =	vmul.f32 v42, v21;
	v43 =	vmul.f32 v43, v23  }
0x5b: {  	v30 =	vld [tilespmem:$0x130C0];
	v44 =	vmul.f32 v44, v24;
	v50 =	vmul.f32 v50, v17  }
0x5c: {  	v63 =	vmul.f32 v63, v27;
	v59 =	vmul.f32 v53, v19  }
0x5d: {  	v31 =	vld [tilespmem:$0x130D0];
	v61 =	vmul.f32 v61, v23;
	v33 =	vmul.f32 v33, v16  }
0x5e: {  	v39 =	vadd.f32 v40, v39;
	v40 =	vperm.xlane v47, v3;
	v41 =	vadd.f32 v42, v41  }
0x5f: {  	v42 =	vperm.xlane v47, v11;
	v43 =	vadd.f32 v44, v43;
	v44 =	vperm.xlane v47, v2  }
0x60: {  	v45 =	vmul.f32 v45, v30;
	v35 =	vadd.f32 v35, v39;
	v39 =	vperm.xlane v47, v0  }
0x61: {  	v56 =	vld [tilespmem:s6+$0x10820];
	v36 =	vadd.f32 v36, v41;
	v40 =	vmul.f32 v40, v25;
	v42 =	vmul.f32 v42, v16  }
0x62: {  	v46 =	vmul.f32 v46, v31;
	v35 =	vadd.f32 v48, v35;
	v48 =	vmul.f32 v62, v29;
	v62 =	vld [tilespmem:s6+$0xE020]  }
0x63: {  	v37 =	vadd.f32 v37, v43;
	v57 =	vmul.f32 v44, v22;
	v44 =	vmul.f32 v52, v28  }
0x64: {  	v41 =	vmul.f32 v60, v20;
	v60 =	vmul.f32 v54, v21;
	v45 =	vadd.f32 v46, v45  }
0x65: {  	v32 =	vadd.f32 v32, v36;
	v33 =	vadd.f32 v33, v37;
	v37 =	vmul.f32 v51, v26  }
0x66: {  	v58 =	vmul.f32 v39, v18;
	v41 =	vadd.f32 v60, v41;
	v38 =	vadd.f32 v38, v45  }
0x67: {  	v45 =	vperm.xlane v47, v12;
	v47 =	vperm.xlane v47, v13;
	v49 =	vadd.f32 v56, v62  }
0x68: {  	v32 =	vadd.f32 v32, v35;
	v35 =	vadd.f32 v59, v58;
	v62 =	vmul.f32 v55, v24  }
0x69: {  	v45 =	vmul.f32 v45, v30;
	v47 =	vmul.f32 v47, v31;
	v49 =	vmax.f32 v49, $0.0e+00  }
0x6a: {  	v34 =	vadd.f32 v34, v38;
	v39 =	vperm.xlane v49, v3;
	v51 =	vperm.xlane v49, v7  }
0x6b: {  	v36 =	vadd.f32 v37, v41;
	v46 =	vperm.xlane v49, v11;
	v52 =	vperm.xlane v49, v15  }
0x6c: {  	v33 =	vadd.f32 v34, v33;
	v43 =	vperm.xlane v49, v2;
	v53 =	vperm.xlane v49, v6  }
0x6d: {  	v45 =	vadd.f32 v47, v45;
	v47 =	vperm.xlane v49, v10;
	v54 =	vperm.xlane v49, v14  }
0x6e: {  	v34 =	vadd.f32 v62, v61;
	v55 =	vperm.xlane v49, v0;
	v56 =	vperm.xlane v49, v1  }
0x6f: {  	v35 =	vadd.f32 v57, v35;
	v57 =	vperm.xlane v49, v4;
	v58 =	vperm.xlane v49, v5  }
0x70: {  	v59 =	vperm.xlane v49, v8;
	v60 =	vperm.xlane v49, v9;
	v38 =	vadd.f32 v63, v34  }
0x71: {  	v41 =	vadd.f32 v44, v45;
	v44 =	vperm.xlane v49, v12;
	v45 =	vperm.xlane v49, v13  }
0x72: {  	v61 =	vld [tilespmem:s6+$0x10830];
	v63 =	vadd.f32 v40, v35;
	v37 =	vmul.f32 v39, v25;
	v35 =	vmul.f32 v51, v29  }
0x73: {  	v48 =	vadd.f32 v48, v36;
	v39 =	vld [tilespmem:s6+$0xE030];
	v36 =	vmul.f32 v46, v16;
	v34 =	vmul.f32 v52, v17  }
0x74: {  	v43 =	vmul.f32 v43, v22;
	v40 =	vmul.f32 v54, v28  }
0x75: {  	v62 =	vmul.f32 v55, v18;
	v49 =	vmul.f32 v57, v20  }
0x76: {  	v51 =	vmul.f32 v58, v21;
	v52 =	vmul.f32 v59, v23  }
0x77: {  	v54 =	vmul.f32 v60, v24;
	v38 =	vadd.f32 v42, v38;
	v42 =	vmul.f32 v53, v26  }
0x78: {  	v46 =	vadd.f32 v50, v41;
	v41 =	vmul.f32 v47, v27;
	v39 =	vadd.f32 v61, v39  }
0x79: {  	v47 =	vadd.f32 v48, v63;
	v63 =	vmul.f32 v56, v19;
	v50 =	vmul.f32 v44, v30  }
0x7a: {  	v53 =	vmul.f32 v45, v31;
	v38 =	vadd.f32 v46, v38;
	v44 =	vmax.f32 v39, $0.0e+00  }
0x7b: {  	v32 =	vadd.f32 v33, v32;
	v45 =	vperm.xlane v44, v3;
	v46 =	vperm.xlane v44, v7  }
0x7c: {  	v33 =	vadd.f32 v38, v47;
	v39 =	vperm.xlane v44, v11;
	v38 =	vperm.xlane v44, v15  }
0x7d: {  	s7 =	simm.s32 $0x100;
	v55 =	vadd.f32 v63, v62;
	v47 =	vperm.xlane v44, v2;
	v48 =	vperm.xlane v44, v6  }
.LBB2_2:
0x7e: {  	p0 =	sne.s32 s7, $0x9F00;
	v49 =	vadd.f32 v51, v49;
	v51 =	vperm.xlane v44, v10;
	v56 =	vperm.xlane v44, v14  }
0x7f: {  	v52 =	vadd.f32 v54, v52;
	v54 =	vperm.xlane v44, v0;
	v57 =	vperm.xlane v44, v1  }
0x80: {  	v50 =	vadd.f32 v53, v50;
	v53 =	vperm.xlane v44, v4;
	v58 =	vperm.xlane v44, v5  }
0x81: {  	v59 =	vperm.xlane v44, v9;
	v43 =	vadd.f32 v43, v55;
	v55 =	vperm.xlane v44, v8  }
0x82: {  	v42 =	vadd.f32 v42, v49;
	v49 =	vperm.xlane v44, v12;
	v44 =	vperm.xlane v44, v13  }
0x83: {  	v45 =	vmul.f32 v45, v25;
	v46 =	vmul.f32 v46, v29;
	v41 =	vadd.f32 v41, v52  }
0x84: {  	v47 =	vmul.f32 v47, v22;
	v48 =	vmul.f32 v48, v26;
	v40 =	vadd.f32 v40, v50  }
0x85: {  	v50 =	vmul.f32 v57, v19;
	v37 =	vadd.f32 v37, v43;
	v43 =	vmul.f32 v54, v18  }
0x86: {  	v52 =	vmul.f32 v58, v21;
	v35 =	vadd.f32 v35, v42;
	v42 =	vmul.f32 v53, v20  }
0x87: {  	v36 =	vadd.f32 v36, v41;
	v41 =	vmul.f32 v55, v23;
	v53 =	vmul.f32 v59, v24  }
0x88: {  	v34 =	vadd.f32 v34, v40;
	v40 =	vmul.f32 v49, v30;
	v44 =	vmul.f32 v44, v31  }
0x89: {  	v49 =	vmul.f32 v51, v27;
	v43 =	vadd.f32 v50, v43;
	v42 =	vadd.f32 v52, v42  }
0x8a: {  	v41 =	vadd.f32 v53, v41;
	v40 =	vadd.f32 v44, v40;
	v44 =	vmul.f32 v56, v28  }
0x8b: {  	v39 =	vmul.f32 v39, v16;
	v43 =	vadd.f32 v47, v43;
	v42 =	vadd.f32 v48, v42  }
0x8c: {  	v38 =	vmul.f32 v38, v17;
	v41 =	vadd.f32 v49, v41;
	v40 =	vadd.f32 v44, v40  }
0x8d: {  	v43 =	vadd.f32 v45, v43;
	v42 =	vadd.f32 v46, v42  }
0x8e: {  	v39 =	vadd.f32 v39, v41;
	v38 =	vadd.f32 v38, v40  }
0x8f: {  	v35 =	vadd.f32 v35, v37;
	v34 =	vadd.f32 v34, v36  }
0x90: {  	s8 =	sshra.s32 s7, $0x2;
	v36 =	vadd.f32 v42, v43;
	v37 =	vadd.f32 v38, v39  }
0x91: {  	v38 =	vld [tilespmem:s8+$0x10800];
	[tilespmem:s6+$0xE000] =	vst v32;
	v32 =	vadd.f32 v34, v35  }
0x92: {  	v34 =	vld [tilespmem:s8+$0xE000];
	[tilespmem:s6+$0xE010] =	vst v33;
	v33 =	vadd.f32 v37, v36  }
0x93: {  	[tilespmem:s6+$0xE020] =	vst v32  }
0x94: {  	[tilespmem:s6+$0xE030] =	vst v33;
	s6 =	smov.u32 s8;
	_ =	sdelay $0x2  }
0x95: {  	v32 =	vadd.f32 v38, v34;
	_ =	sdelay $0x1  }
0x96: {  	v32 =	vmax.f32 v32, $0.0e+00  }
0x97: {  	v33 =	vperm.xlane v32, v3;
	v34 =	vperm.xlane v32, v7  }
0x98: {  	v35 =	vperm.xlane v32, v11;
	v36 =	vperm.xlane v32, v15  }
0x99: {  	v37 =	vperm.xlane v32, v2;
	v38 =	vperm.xlane v32, v6  }
0x9a: {  	v39 =	vperm.xlane v32, v10;
	v40 =	vperm.xlane v32, v14  }
0x9b: {  	v41 =	vperm.xlane v32, v0;
	v42 =	vperm.xlane v32, v1  }
0x9c: {  	v43 =	vperm.xlane v32, v4;
	v44 =	vperm.xlane v32, v5  }
0x9d: {  	v45 =	vperm.xlane v32, v8;
	v46 =	vperm.xlane v32, v9  }
0x9e: {  	v47 =	vperm.xlane v32, v12;
	v32 =	vperm.xlane v32, v13;
	v48 =	vld [tilespmem:s6+$0x10810]  }
0x9f: {  	v33 =	vmul.f32 v33, v25;
	v34 =	vmul.f32 v34, v29;
	v49 =	vld [tilespmem:s6+$0xE010]  }
0xa0: {  	v35 =	vmul.f32 v35, v16;
	v36 =	vmul.f32 v36, v17  }
0xa1: {  	v37 =	vmul.f32 v37, v22;
	v38 =	vmul.f32 v38, v26  }
0xa2: {  	v39 =	vmul.f32 v39, v27;
	v40 =	vmul.f32 v40, v28  }
0xa3: {  	v41 =	vmul.f32 v41, v18;
	v42 =	vmul.f32 v42, v19  }
0xa4: {  	v43 =	vmul.f32 v43, v20;
	v44 =	vmul.f32 v44, v21;
	v48 =	vadd.f32 v48, v49  }
0xa5: {  	v45 =	vmul.f32 v45, v23;
	v46 =	vmul.f32 v46, v24  }
0xa6: {  	v47 =	vmul.f32 v47, v30;
	v32 =	vmul.f32 v32, v31;
	v48 =	vmax.f32 v48, $0.0e+00  }
0xa7: {  	v41 =	vadd.f32 v42, v41;
	v42 =	vperm.xlane v48, v3;
	v49 =	vperm.xlane v48, v7  }
0xa8: {  	v43 =	vadd.f32 v44, v43;
	v44 =	vperm.xlane v48, v11;
	v50 =	vperm.xlane v48, v15  }
0xa9: {  	v45 =	vadd.f32 v46, v45;
	v46 =	vperm.xlane v48, v2;
	v51 =	vperm.xlane v48, v6  }
0xaa: {  	v32 =	vadd.f32 v32, v47;
	v47 =	vperm.xlane v48, v10;
	v52 =	vperm.xlane v48, v14  }
0xab: {  	v37 =	vadd.f32 v37, v41;
	v41 =	vperm.xlane v48, v0;
	v53 =	vperm.xlane v48, v1  }
0xac: {  	v38 =	vadd.f32 v38, v43;
	v43 =	vperm.xlane v48, v4;
	v54 =	vperm.xlane v48, v5  }
0xad: {  	v39 =	vadd.f32 v39, v45;
	v45 =	vperm.xlane v48, v8;
	v55 =	vperm.xlane v48, v9  }
0xae: {  	v32 =	vadd.f32 v40, v32;
	v40 =	vperm.xlane v48, v12;
	v48 =	vperm.xlane v48, v13;
	v56 =	vld [tilespmem:s6+$0x10820]  }
0xaf: {  	v33 =	vadd.f32 v33, v37;
	v37 =	vmul.f32 v42, v25;
	v42 =	vmul.f32 v49, v29;
	v49 =	vld [tilespmem:s6+$0xE020]  }
0xb0: {  	v34 =	vadd.f32 v34, v38;
	v38 =	vmul.f32 v44, v16;
	v44 =	vmul.f32 v50, v17  }
0xb1: {  	v35 =	vadd.f32 v35, v39;
	v39 =	vmul.f32 v46, v22;
	v46 =	vmul.f32 v51, v26  }
0xb2: {  	v32 =	vadd.f32 v36, v32;
	v36 =	vmul.f32 v47, v27;
	v47 =	vmul.f32 v52, v28  }
0xb3: {  	v33 =	vadd.f32 v34, v33;
	v34 =	vmul.f32 v41, v18;
	v41 =	vmul.f32 v53, v19  }
0xb4: {  	v43 =	vmul.f32 v43, v20;
	v50 =	vmul.f32 v54, v21;
	v49 =	vadd.f32 v56, v49  }
0xb5: {  	v32 =	vadd.f32 v32, v35;
	v35 =	vmul.f32 v45, v23;
	v45 =	vmul.f32 v55, v24  }
0xb6: {  	v40 =	vmul.f32 v40, v30;
	v48 =	vmul.f32 v48, v31;
	v49 =	vmax.f32 v49, $0.0e+00  }
0xb7: {  	v34 =	vadd.f32 v41, v34;
	v41 =	vperm.xlane v49, v3;
	v51 =	vperm.xlane v49, v7  }
0xb8: {  	v43 =	vadd.f32 v50, v43;
	v50 =	vperm.xlane v49, v11;
	v52 =	vperm.xlane v49, v15  }
0xb9: {  	v35 =	vadd.f32 v45, v35;
	v45 =	vperm.xlane v49, v2;
	v53 =	vperm.xlane v49, v6  }
0xba: {  	v40 =	vadd.f32 v48, v40;
	v48 =	vperm.xlane v49, v10;
	v54 =	vperm.xlane v49, v14  }
0xbb: {  	v34 =	vadd.f32 v39, v34;
	v39 =	vperm.xlane v49, v0;
	v55 =	vperm.xlane v49, v1  }
0xbc: {  	v43 =	vadd.f32 v46, v43;
	v46 =	vperm.xlane v49, v4;
	v56 =	vperm.xlane v49, v5  }
0xbd: {  	v57 =	vadd.f32 v36, v35;
	v58 =	vperm.xlane v49, v8;
	v59 =	vperm.xlane v49, v9  }
0xbe: {  	v40 =	vadd.f32 v47, v40;
	v47 =	vperm.xlane v49, v12;
	v60 =	vperm.xlane v49, v13;
	v61 =	vld [tilespmem:s6+$0x10830]  }
0xbf: {  	v49 =	vadd.f32 v37, v34;
	v37 =	vmul.f32 v41, v25;
	v35 =	vmul.f32 v51, v29;
	v62 =	vld [tilespmem:s6+$0xE030]  }
0xc0: {  	v51 =	vadd.f32 v42, v43;
	v36 =	vmul.f32 v50, v16;
	v34 =	vmul.f32 v52, v17  }
0xc1: {  	v38 =	vadd.f32 v38, v57;
	v43 =	vmul.f32 v45, v22;
	v42 =	vmul.f32 v53, v26  }
0xc2: {  	v44 =	vadd.f32 v44, v40;
	v41 =	vmul.f32 v48, v27;
	v40 =	vmul.f32 v54, v28  }
0xc3: {  	v57 =	vmul.f32 v39, v18;
	v55 =	vmul.f32 v55, v19;
	v48 =	vadd.f32 v51, v49  }
0xc4: {  	v49 =	vmul.f32 v46, v20;
	v51 =	vmul.f32 v56, v21;
	v39 =	vadd.f32 v61, v62  }
.Ltmp2:
0xc5: {  	v38 =	vadd.f32 v44, v38;
	v52 =	vmul.f32 v58, v23;
	v54 =	vmul.f32 v59, v24;
	(pc) =	sbr.rel @p0 .LBB2_2-.Ltmp2, $4  }
0xc6: {  	v50 =	vmul.f32 v47, v30;
	v53 =	vmul.f32 v60, v31;
	v44 =	vmax.f32 v39, $0.0e+00  }
0xc7: {  	v32 =	vadd.f32 v32, v33;
	v45 =	vperm.xlane v44, v3;
	v46 =	vperm.xlane v44, v7  }
0xc8: {  	v33 =	vadd.f32 v38, v48;
	v39 =	vperm.xlane v44, v11;
	v38 =	vperm.xlane v44, v15  }
0xc9: {  	s7 =	sadd.s32 $0x100, s7;
	v55 =	vadd.f32 v55, v57;
	v47 =	vperm.xlane v44, v2;
	v48 =	vperm.xlane v44, v6  }
0xca: {  	v49 =	vadd.f32 v51, v49;
	v51 =	vperm.xlane v44, v10;
	v56 =	vperm.xlane v44, v14  }
0xcb: {  	v52 =	vadd.f32 v54, v52;
	v54 =	vperm.xlane v44, v0;
	v57 =	vperm.xlane v44, v1  }
0xcc: {  	v60 =	vperm.xlane v44, v4;
	v58 =	vperm.xlane v44, v5  }
0xcd: {  	v61 =	vperm.xlane v44, v8;
	v59 =	vperm.xlane v44, v9  }
0xce: {  	v62 =	vperm.xlane v44, v12;
	v63 =	vperm.xlane v44, v13  }
0xcf: {  	v50 =	vadd.f32 v53, v50;
	v25 =	vmul.f32 v45, v25;
	v29 =	vmul.f32 v46, v29  }
0xd0: {  	v43 =	vadd.f32 v43, v55;
	v22 =	vmul.f32 v47, v22;
	v26 =	vmul.f32 v48, v26  }
0xd1: {  	v42 =	vadd.f32 v42, v49;
	v18 =	vmul.f32 v54, v18;
	v19 =	vmul.f32 v57, v19  }
0xd2: {  	v41 =	vadd.f32 v41, v52;
	v20 =	vmul.f32 v60, v20;
	v21 =	vmul.f32 v58, v21  }
0xd3: {  	v40 =	vadd.f32 v40, v50;
	v23 =	vmul.f32 v61, v23;
	v24 =	vmul.f32 v59, v24  }
0xd4: {  	v30 =	vmul.f32 v62, v30;
	v37 =	vadd.f32 v37, v43;
	v35 =	vadd.f32 v35, v42  }
0xd5: {  	v31 =	vmul.f32 v63, v31;
	v36 =	vadd.f32 v36, v41;
	v34 =	vadd.f32 v34, v40  }
0xd6: {  	v57 =	vmul.f32 v51, v27;
	v18 =	vadd.f32 v19, v18;
	v55 =	vadd.f32 v21, v20  }
0xd7: {  	v60 =	vmul.f32 v56, v28;
	v58 =	vadd.f32 v24, v23;
	v59 =	vadd.f32 v31, v30  }
0xd8: {  	v16 =	vmul.f32 v39, v16;
	v18 =	vadd.f32 v22, v18;
	v19 =	vadd.f32 v26, v55  }
0xd9: {  	v17 =	vmul.f32 v38, v17;
	v20 =	vadd.f32 v57, v58;
	v61 =	vadd.f32 v60, v59  }
0xda: {  	v18 =	vadd.f32 v25, v18;
	v19 =	vadd.f32 v29, v19  }
0xdb: {  	v16 =	vadd.f32 v16, v20;
	v17 =	vadd.f32 v17, v61  }
0xdc: {  	v62 =	vadd.f32 v35, v37;
	v63 =	vadd.f32 v34, v36  }
0xdd: {  	v18 =	vadd.f32 v19, v18;
	v16 =	vadd.f32 v17, v16  }
0xde: {  	[tilespmem:s6+$0xE000] =	vst v32;
	v17 =	vadd.f32 v63, v62  }
0xdf: {  	[tilespmem:s6+$0xE010] =	vst v33;
	v16 =	vadd.f32 v16, v18  }
0xe0: {  	[tilespmem:s6+$0xE020] =	vst v17  }
0xe1: {  	s8 =	rddreg [dreg:$0xc];
	[tilespmem:s6+$0xE030] =	vst v16  }
0xe2: {  	[spmem:s8] =	stream.linear.scatter [tilespmem:s9], [sflag:$0x9], $0x2800, $0x38;
	[tilespmem:$0x13100] =	vst v63  }
0xe3: {  	_ =	swait.ge [sflag:s24], $0x2800  }
0xe4: {  	[sflag:s24] =	ssyncset.done $0x0  }
0xe5: {  	[sflag:s24] =	ssyncadd.s32 $0xFFFFD800  }
0xe6: {  	_ =	swait.ge [sflag:s25], $0x500  }
0xe7: {  	[sflag:s25] =	ssyncset.done $0x0  }
0xe8: {  	[sflag:s25] =	ssyncadd.s32 $0xFFFFFB00  }
0xe9: {  	_ =	swait.ge [sflag:s26], $0x2800  }
0xea: {  	[sflag:s26] =	ssyncset.done $0x0  }
0xeb: {  	[sflag:s26] =	ssyncadd.s32 $0xFFFFD800  }
0xec: {  	_ =	swait.ge [sflag:s28], $0x2800  }
0xed: {  	[sflag:s28] =	ssyncset.done $0x0  }
0xee: {  	[sflag:s28] =	ssyncadd.s32 $0xFFFFD800  }
0xef: {  	s6 =	simm.s32 $0x0;
	[bflag:$0x0] =	sbarrier.arrive $0xFFFF  }
0xf0: {  	[tilespmem:s30], [sflag:$0x1] =	stream.indirect.gather [spmem:s4], $0x10, s6, s29, $0xb8;
	[tilespmem:$0x13100] =	vst v63  }
0xf1: {  	s7 =	simm.s32 $0x5800  }
0xf2: {  	[tilespmem:s7], [sflag:$0x2] =	stream.indirect.gather [spmem:s4], $0x10, s29, s29, $0xb8;
	[tilespmem:$0x13100] =	vst v63  }
0xf3: {  	s9 =	simm.s32 $0x100  }
0xf4: {  	[tilespmem:s0], [sflag:$0x3] =	stream.indirect.gather [spmem:s4], $0x10, s9, s29, $0xb8;
	[tilespmem:$0x13100] =	vst v63  }
0xf5: {  	s10 =	simm.s32 $0x180;
	s8 =	simm.s32 $0x6800  }
0xf6: {  	[tilespmem:s8], [sflag:$0x4] =	stream.indirect.gather [spmem:s4], $0x10, s10, s29, $0xb8;
	[tilespmem:$0x13100] =	vst v63  }
0xf7: {  	s11 =	simm.s32 $0x200  }
0xf8: {  	[tilespmem:s20], [sflag:$0x5] =	stream.indirect.gather [spmem:s4], $0x10, s11, s29, $0xb8;
	[tilespmem:$0x13100] =	vst v63  }
0xf9: {  	s12 =	simm.s32 $0x280;
	s13 =	simm.s32 $0x7800  }
0xfa: {  	[tilespmem:s13], [sflag:$0x6] =	stream.indirect.gather [spmem:s4], $0x10, s12, s29, $0xb8;
	[tilespmem:$0x13100] =	vst v63  }
0xfb: {  	s14 =	simm.s32 $0x300  }
0xfc: {  	[tilespmem:s17], [sflag:$0x7] =	stream.indirect.gather [spmem:s4], $0x10, s14, s29, $0xb8;
	[tilespmem:$0x13100] =	vst v63  }
0xfd: {  	s16 =	simm.s32 $0x380  }
0xfe: {  	[tilespmem:s31], [sflag:$0x8] =	stream.indirect.gather [spmem:s4], $0x10, s16, s29, $0xb8;
	[tilespmem:$0x13100] =	vst v63  }
.LBB2_4:
0xff: {  	_ =	swait.ge [sflag:s21], $0x800  }
0x100: {  	s7 =	sshra.s32 s6, $0x2;
	[sflag:s21] =	ssyncset.done $0x0  }
0x101: {  	s8 =	sadd.s32 $0x2800, s7;
	[sflag:s21] =	ssyncadd.s32 $0xFFFFF800  }
0x102: {  	[spmem:s3] =	stream.indirect.scatter.add.f32 [tilespmem:s30], [sflag:$0x9], $0x10, s8, s29, $0xb8;
	[tilespmem:$0x13100] =	vst v63  }
0x103: {  	_ =	swait.ge [sflag:s24], $0x800  }
0x104: {  	p0 =	seq.s32 s6, $0x9000;
	[sflag:s24] =	ssyncset.done $0x0  }
0x105: {  	s8 =	simm.s32 @p0 $0x2;
	[sflag:s24] =	ssyncadd.s32 $0xFFFFF800  }
0x106: {  	_ =	swait.ge @p0 [sflag:s8], $0x800  }
0x107: {  	s9 =	sshra.s32 @p0 s6, $0x2;
	s10 =	simm.s32 @p0 $0x80;
	[sflag:s8] =	ssyncset.done @p0 $0x0  }
0x108: {  	s11 =	simm.s32 @p0 $0x5800;
	[sflag:s8] =	ssyncadd.s32 @p0 $0xFFFFF800;
	s8 =	sadd.s32 @p0 $0x2880, s9  }
0x109: {  	[spmem:s3] =	stream.indirect.scatter.add.f32 @p0 [tilespmem:s11], [sflag:$0x9], $0x10, s8, s10, $0xb8;
	[tilespmem:$0x13100] =	vst v63  }
0x10a: {  	s11 =	simm.s32 @p0 $0x9  }
0x10b: {  	_ =	swait.ge @p0 [sflag:s11], $0x800  }
0x10c: {  	s16 =	sshra.s32 @!p0 s6, $0x2;
	s13 =	simm.s32 @!p0 $0x5000;
	[sflag:s11] =	ssyncset.done @p0 $0x0  }
0x10d: {  	s12 =	sadd.s32 @!p0 $0x400, s16;
	s8 =	simm.s32 @!p0 $0x80;
	[sflag:s11] =	ssyncadd.s32 @p0 $0xFFFFF800  }
0x10e: {  	[tilespmem:s13], [sflag:$0x1] =	stream.indirect.gather @!p0 [spmem:s4], $0x10, s12, s8, $0xb8;
	[tilespmem:$0x13100] =	vst v63  }
0x10f: {  	s12 =	simm.s32 @!p0 $0x2  }
0x110: {  	_ =	swait.ge @!p0 [sflag:s12], $0x800  }
0x111: {  	[sflag:s12] =	ssyncset.done @!p0 $0x0  }
0x112: {  	s13 =	simm.s32 @!p0 $0x5800;
	[sflag:s12] =	ssyncadd.s32 @!p0 $0xFFFFF800;
	s12 =	sadd.s32 @!p0 $0x2880, s16  }
0x113: {  	[spmem:s3] =	stream.indirect.scatter.add.f32 @!p0 [tilespmem:s13], [sflag:$0x9], $0x10, s12, s8, $0xb8;
	[tilespmem:$0x13100] =	vst v63  }
0x114: {  	s12 =	simm.s32 @!p0 $0x9  }
0x115: {  	_ =	swait.ge @!p0 [sflag:s12], $0x800  }
0x116: {  	[sflag:s12] =	ssyncset.done @!p0 $0x0  }
0x117: {  	s14 =	sadd.s32 @!p0 $0x480, s16;
	[sflag:s12] =	ssyncadd.s32 @!p0 $0xFFFFF800  }
0x118: {  	[tilespmem:s13], [sflag:$0x2] =	stream.indirect.gather @!p0 [spmem:s4], $0x10, s14, s8, $0xb8;
	[tilespmem:$0x13100] =	vst v63  }
0x119: {  	_ =	swait.ge [sflag:s23], $0x800  }
0x11a: {  	[sflag:s23] =	ssyncset.done $0x0  }
0x11b: {  	s14 =	sadd.s32 $0x2900, s7;
	[sflag:s23] =	ssyncadd.s32 $0xFFFFF800  }
0x11c: {  	[spmem:s3] =	stream.indirect.scatter.add.f32 [tilespmem:s0], [sflag:$0x9], $0x10, s14, s29, $0xb8;
	[tilespmem:$0x13100] =	vst v63  }
0x11d: {  	_ =	swait.ge [sflag:s24], $0x800  }
0x11e: {  	[sflag:s24] =	ssyncset.done $0x0  }
0x11f: {  	s13 =	simm.s32 @p0 $0x4;
	[sflag:s24] =	ssyncadd.s32 $0xFFFFF800  }
0x120: {  	_ =	swait.ge @p0 [sflag:s13], $0x800  }
0x121: {  	[sflag:s13] =	ssyncset.done @p0 $0x0  }
0x122: {  	s14 =	simm.s32 @p0 $0x6800;
	[sflag:s13] =	ssyncadd.s32 @p0 $0xFFFFF800;
	s13 =	sadd.s32 @p0 $0x2980, s9  }
0x123: {  	[spmem:s3] =	stream.indirect.scatter.add.f32 @p0 [tilespmem:s14], [sflag:$0x9], $0x10, s13, s10, $0xb8;
	[tilespmem:$0x13100] =	vst v63  }
0x124: {  	_ =	swait.ge @p0 [sflag:s11], $0x800  }
0x125: {  	[sflag:s11] =	ssyncset.done @p0 $0x0  }
0x126: {  	s13 =	sadd.s32 @!p0 $0x500, s16;
	s14 =	simm.s32 @!p0 $0x6000;
	[sflag:s11] =	ssyncadd.s32 @p0 $0xFFFFF800  }
0x127: {  	[tilespmem:s14], [sflag:$0x3] =	stream.indirect.gather @!p0 [spmem:s4], $0x10, s13, s8, $0xb8;
	[tilespmem:$0x13100] =	vst v63  }
0x128: {  	s13 =	simm.s32 @!p0 $0x4  }
0x129: {  	_ =	swait.ge @!p0 [sflag:s13], $0x800  }
0x12a: {  	[sflag:s13] =	ssyncset.done @!p0 $0x0  }
0x12b: {  	s14 =	simm.s32 @!p0 $0x6800;
	[sflag:s13] =	ssyncadd.s32 @!p0 $0xFFFFF800;
	s13 =	sadd.s32 @!p0 $0x2980, s16  }
0x12c: {  	[spmem:s3] =	stream.indirect.scatter.add.f32 @!p0 [tilespmem:s14], [sflag:$0x9], $0x10, s13, s8, $0xb8;
	[tilespmem:$0x13100] =	vst v63  }
0x12d: {  	_ =	swait.ge @!p0 [sflag:s12], $0x800  }
0x12e: {  	[sflag:s12] =	ssyncset.done @!p0 $0x0  }
0x12f: {  	s13 =	sadd.s32 @!p0 $0x580, s16;
	[sflag:s12] =	ssyncadd.s32 @!p0 $0xFFFFF800  }
0x130: {  	[tilespmem:s14], [sflag:$0x4] =	stream.indirect.gather @!p0 [spmem:s4], $0x10, s13, s8, $0xb8;
	[tilespmem:$0x13100] =	vst v63  }
0x131: {  	_ =	swait.ge [sflag:s26], $0x800  }
0x132: {  	[sflag:s26] =	ssyncset.done $0x0  }
0x133: {  	s14 =	sadd.s32 $0x2A00, s7;
	[sflag:s26] =	ssyncadd.s32 $0xFFFFF800  }
0x134: {  	[spmem:s3] =	stream.indirect.scatter.add.f32 [tilespmem:s20], [sflag:$0x9], $0x10, s14, s29, $0xb8;
	[tilespmem:$0x13100] =	vst v63  }
0x135: {  	_ =	swait.ge [sflag:s24], $0x800  }
0x136: {  	[sflag:s24] =	ssyncset.done $0x0  }
0x137: {  	s13 =	simm.s32 @p0 $0x6;
	[sflag:s24] =	ssyncadd.s32 $0xFFFFF800  }
0x138: {  	_ =	swait.ge @p0 [sflag:s13], $0x800  }
0x139: {  	[sflag:s13] =	ssyncset.done @p0 $0x0  }
0x13a: {  	s9 =	sadd.s32 @p0 $0x2A80, s9;
	[sflag:s13] =	ssyncadd.s32 @p0 $0xFFFFF800;
	s13 =	simm.s32 @p0 $0x7800  }
0x13b: {  	[spmem:s3] =	stream.indirect.scatter.add.f32 @p0 [tilespmem:s13], [sflag:$0x9], $0x10, s9, s10, $0xb8;
	[tilespmem:$0x13100] =	vst v63  }
0x13c: {  	_ =	swait.ge @p0 [sflag:s11], $0x800  }
0x13d: {  	[sflag:s11] =	ssyncset.done @p0 $0x0  }
0x13e: {  	s9 =	sadd.s32 @!p0 $0x600, s16;
	s10 =	simm.s32 @!p0 $0x7000;
	[sflag:s11] =	ssyncadd.s32 @p0 $0xFFFFF800  }
0x13f: {  	[tilespmem:s10], [sflag:$0x5] =	stream.indirect.gather @!p0 [spmem:s4], $0x10, s9, s8, $0xb8;
	[tilespmem:$0x13100] =	vst v63  }
0x140: {  	s9 =	simm.s32 @!p0 $0x6  }
0x141: {  	_ =	swait.ge @!p0 [sflag:s9], $0x800  }
0x142: {  	[sflag:s9] =	ssyncset.done @!p0 $0x0  }
0x143: {  	s10 =	simm.s32 @!p0 $0x7800;
	[sflag:s9] =	ssyncadd.s32 @!p0 $0xFFFFF800;
	s9 =	sadd.s32 @!p0 $0x2A80, s16  }
0x144: {  	[spmem:s3] =	stream.indirect.scatter.add.f32 @!p0 [tilespmem:s10], [sflag:$0x9], $0x10, s9, s8, $0xb8;
	[tilespmem:$0x13100] =	vst v63  }
0x145: {  	_ =	swait.ge @!p0 [sflag:s12], $0x800  }
0x146: {  	[sflag:s12] =	ssyncset.done @!p0 $0x0  }
0x147: {  	s9 =	sadd.s32 @!p0 $0x680, s16;
	[sflag:s12] =	ssyncadd.s32 @!p0 $0xFFFFF800  }
0x148: {  	[tilespmem:s10], [sflag:$0x6] =	stream.indirect.gather @!p0 [spmem:s4], $0x10, s9, s8, $0xb8;
	[tilespmem:$0x13100] =	vst v63  }
0x149: {  	_ =	swait.ge [sflag:s2], $0x800  }
0x14a: {  	[sflag:s2] =	ssyncset.done $0x0  }
.Ltmp3:
0x14b: {  	s16 =	sadd.s32 $0x2B00, s7;
	[sflag:s2] =	ssyncadd.s32 $0xFFFFF800;
	(pc) =	sbr.rel @p0 .LBB2_6-.Ltmp3, $4  }
0x14c: {  	[spmem:s3] =	stream.indirect.scatter.add.f32 [tilespmem:s17], [sflag:$0x9], $0x10, s16, s29, $0xb8;
	[tilespmem:$0x13100] =	vst v63  }
0x14d: {  	_ =	swait.ge [sflag:s24], $0x800  }
0x14e: {  	[sflag:s24] =	ssyncset.done $0x0  }
0x14f: {  	s8 =	sadd.s32 $0x2B80, s7;
	[sflag:s24] =	ssyncadd.s32 $0xFFFFF800  }
0x150: {  	s9 =	sadd.s32 $0x700, s7  }
0x151: {  	[tilespmem:s17], [sflag:$0x7] =	stream.indirect.gather [spmem:s4], $0x10, s9, s29, $0xb8;
	[tilespmem:$0x13100] =	vst v63  }
0x152: {  	_ =	swait.ge [sflag:s1], $0x800  }
0x153: {  	[sflag:s1] =	ssyncset.done $0x0  }
0x154: {  	[sflag:s1] =	ssyncadd.s32 $0xFFFFF800  }
0x155: {  	[spmem:s3] =	stream.indirect.scatter.add.f32 [tilespmem:s31], [sflag:$0x9], $0x10, s8, s29, $0xb8;
	[tilespmem:$0x13100] =	vst v63  }
.Ltmp4:
0x156: {  	_ = 	snop;
	(pc) =	sbr.rel .LBB2_4-.Ltmp4, $4  }
0x157: {  	_ =	swait.ge [sflag:s24], $0x800  }
0x158: {  	[sflag:s24] =	ssyncset.done $0x0  }
0x159: {  	s16 =	sadd.s32 $0x780, s7;
	s6 =	sadd.s32 $0x1000, s6;
	[sflag:s24] =	ssyncadd.s32 $0xFFFFF800  }
0x15a: {  	[tilespmem:s31], [sflag:$0x8] =	stream.indirect.gather [spmem:s4], $0x10, s16, s29, $0xb8;
	[tilespmem:$0x13100] =	vst v63  }
.LBB2_7:
0x15b: {  	_ =	sfence.sel $0x180000  }
0x15c: {  	[bflag:$0x0] =	sbarrier.arrive $0xFFFF  }
0x15d: {  	_ =	strace $0x9000004A  }
0x15e: {  	s0 =	stileid.u32;
	[bflag:$0x2] =	sbarrier.arrive $0xFFFF  }
0x15f: {  	p0 =	sne.s32 s0, $0x0;
	s0 =	rddreg [dreg:$0x5]  }
0x160: {  	s0 =	sadd.s32 @!p0 $0x100000, s0  }
0x161: {  	[sflag:s0] =	ssyncadd.tile.s32 @!p0 $0x1;
	_ =	shalt  }
.Lfunc_end2:
_tile_overlayer_lowered:
.L_overlay_start_2:
0x162: {  	(tag) =	ssettag $0x2  }
0x163: {  	s0 =	rddreg [dreg:$0x0];
	s2 =	stileid.u32  }
0x164: {  	s1 =	rddreg [dreg:$0x1];
	p0 =	sne.s32 s2, $0x0  }
0x165: {  	s3 =	rddreg [dreg:$0x2];
	[bflag:$0x3] =	sbarrier.arrive $0xFFFF;
	s2 =	simm.s32 @!p0 $0x1C09  }
0x166: {  	[timem:s3], [sflag:s2] =	dma.local @!p0 [hbm:s0], s1  }
0x167: {  	s0 =	simm.s32 @!p0 $0x9  }
0x168: {  	_ =	swait.ge @!p0 [sflag:s0], s1  }
0x169: {  	s1 =	ssub.s32 @!p0 $0x0, s1;
	[sflag:s0] =	ssyncset.done @!p0 $0x0  }
0x16a: {  	[sflag:s0] =	ssyncadd.s32 @!p0 s1  }
0x16b: {  	[bflag:$0x3] =	sbarrier.arrive $0xFFFF  }
0x16c: {  	_ =	shalt  }

</sc_bundles>
